<compile_context>
chip_gen: v7x
topology: tpu7x:2x2x1
jax: 0.10.2.dev20260603
libtpu: 0.0.44.dev20260713+nightly
codegen_flags: <defaults>
</compile_context>

<pallas_src>
import functools

import jax
import jax.numpy as jnp
from jax import lax
from jax.experimental import pallas as pl
from jax.experimental.pallas import tpu as pltpu
from jax.experimental.pallas import tpu_sc as plsc

E = 64
D = 768
FF = 1536
N = 32768
CAP = 512
EC = E * CAP
ZROW = EC
D2 = D // 2

NB = 32
BN = N // NB

NC = 2
NS = 16
NW = NC * NS
TPW = N // NW
CHD = 128
CHC = 64



def _gating_body(x_ref, wg_ref, xs_ref, idx_ref, laux_ref, cnt_ref, me_ref,
                 tri_ref, triu_ref):
    i = pl.program_id(0)

    @pl.when(i == 0)
    def _():
        cnt_ref[...] = jnp.zeros_like(cnt_ref)
        me_ref[...] = jnp.zeros_like(me_ref)
        rr = lax.broadcasted_iota(jnp.int32, (BN, BN), 0)
        cc = lax.broadcasted_iota(jnp.int32, (BN, BN), 1)
        tri_ref[...] = (cc < rr).astype(jnp.bfloat16)
        ur = lax.broadcasted_iota(jnp.int32, (E, E), 0)
        uc = lax.broadcasted_iota(jnp.int32, (E, E), 1)
        triu_ref[...] = (ur < uc).astype(jnp.bfloat16)

    xb = x_ref[...]
    logits = jnp.dot(xb, wg_ref[...], preferred_element_type=jnp.float32)
    rowmax = jnp.max(logits, axis=1, keepdims=True)
    ex = jnp.exp(logits - rowmax)
    sumex = jnp.sum(ex, axis=1, keepdims=True)
    gate = 1.0 / sumex
    multi = (logits == rowmax).astype(jnp.bfloat16)
    excl = jnp.dot(multi, triu_ref[...], preferred_element_type=jnp.float32)
    mask = jnp.where(excl == 0.0, multi.astype(jnp.float32), 0.0)
    lanecol = lax.broadcasted_iota(jnp.int32, (E, 1), 0).astype(jnp.bfloat16)
    am = jnp.dot(mask.astype(jnp.bfloat16), lanecol,
                 preferred_element_type=jnp.float32).astype(jnp.int32)

    loc = jnp.dot(tri_ref[...], mask.astype(jnp.bfloat16),
                  preferred_element_type=jnp.float32) + cnt_ref[...]
    loc_s = jnp.sum(loc * mask, axis=1, keepdims=True)

    me_ref[...] += jnp.sum(ex / sumex, axis=0, keepdims=True)
    cnt_ref[...] += jnp.sum(mask, axis=0, keepdims=True)

    valid = loc_s < CAP
    slot = am * CAP + jnp.minimum(loc_s.astype(jnp.int32), CAP - 1)
    row = lax.broadcasted_iota(jnp.int32, (BN, 1), 0)
    idx_ref[0, :, :] = jnp.where(valid, slot, ZROW + (row & (CAP - 1)))
    xsf = xb * (gate * valid.astype(jnp.float32))
    v = lax.bitcast_convert_type(xsf, jnp.uint32) + jnp.uint32(0x8000)
    packed = (v[:, D2:] & jnp.uint32(0xFFFF0000)) | (v[:, :D2] >> 16)
    xs_ref[...] = lax.bitcast_convert_type(packed, jnp.int32)

    @pl.when(i == NB - 1)
    def _():
        laux_ref[...] = jnp.full((1, 1), E / (N * N)) * jnp.sum(
            me_ref[...] * cnt_ref[...])


_gating = pl.pallas_call(
    _gating_body,
    grid=(NB,),
    in_specs=[
        pl.BlockSpec((BN, D), lambda i: (i, 0)),
        pl.BlockSpec((D, E), lambda i: (0, 0)),
    ],
    out_specs=[
        pl.BlockSpec((BN, D2), lambda i: (i, 0)),
        pl.BlockSpec((1, BN, 1), lambda i: (i, 0, 0)),
        pl.BlockSpec((1, 1), lambda i: (0, 0)),
    ],
    out_shape=[
        jax.ShapeDtypeStruct((N, D2), jnp.int32),
        jax.ShapeDtypeStruct((NB, BN, 1), jnp.int32),
        jax.ShapeDtypeStruct((1, 1), jnp.float32),
    ],
    scratch_shapes=[
        pltpu.VMEM((1, E), jnp.float32),
        pltpu.VMEM((1, E), jnp.float32),
        pltpu.VMEM((BN, BN), jnp.bfloat16),
        pltpu.VMEM((E, E), jnp.bfloat16),
    ],
    compiler_params=pltpu.CompilerParams(
        dimension_semantics=("arbitrary",),
    ),
)



def _ffn_body(disp_ref, w1_ref, w2_ref, out_ref):
    e = pl.program_id(0)

    @pl.when(e < E)
    def _():
        a32 = lax.bitcast_convert_type(disp_ref[...], jnp.uint32)
        lo = lax.bitcast_convert_type(a32 << 16, jnp.float32)
        hi = lax.bitcast_convert_type(a32 & jnp.uint32(0xFFFF0000), jnp.float32)
        a = jnp.concatenate([lo, hi], axis=1).astype(jnp.bfloat16)
        h = jnp.maximum(
            jnp.dot(a, w1_ref[0].astype(jnp.bfloat16),
                    preferred_element_type=jnp.float32),
            0.0).astype(jnp.bfloat16)
        out_ref[...] = jnp.dot(h, w2_ref[0].astype(jnp.bfloat16),
                               preferred_element_type=jnp.float32)

    @pl.when(e == E)
    def _():
        out_ref[...] = jnp.zeros_like(out_ref)


_ffn = pl.pallas_call(
    _ffn_body,
    grid=(E + 1,),
    in_specs=[
        pl.BlockSpec((CAP, D2), lambda e: (e, 0)),
        pl.BlockSpec((1, D, FF), lambda e: (jnp.minimum(e, E - 1), 0, 0)),
        pl.BlockSpec((1, FF, D), lambda e: (jnp.minimum(e, E - 1), 0, 0)),
    ],
    out_specs=pl.BlockSpec((CAP, D), lambda e: (e, 0)),
    out_shape=jax.ShapeDtypeStruct((EC + CAP, D), jnp.float32),
    compiler_params=pltpu.CompilerParams(
        dimension_semantics=("arbitrary",),
        vmem_limit_bytes=100 * 1024 * 1024,
    ),
)



def _pipeline(nch, mk_in, mk_out):
    in_d = [None] * nch
    out_d = [None] * nch
    in_d[0] = mk_in(0)
    for j in range(nch):
        in_d[j].wait()
        out_d[j] = mk_out(j)
        if j + 1 < nch:
            if j >= 1:
                out_d[j - 1].wait()
            in_d[j + 1] = mk_in(j + 1)
    if nch >= 2:
        out_d[nch - 2].wait()
    out_d[nch - 1].wait()


@functools.lru_cache(maxsize=None)
def _sc_kernels():
    mesh = plsc.VectorSubcoreMesh(core_axis_name="c", subcore_axis_name="s")

    def _scratch(ch, width, dtype):
        return [
            pltpu.VMEM((TPW // ch, ch), jnp.int32),
            pltpu.VMEM((2, ch, width), dtype),
            pltpu.SemaphoreType.DMA,
            pltpu.SemaphoreType.DMA,
            pltpu.SemaphoreType.DMA,
        ]

    @functools.partial(
        pl.kernel,
        out_type=jax.ShapeDtypeStruct((EC + CAP, D2), jnp.int32),
        mesh=mesh,
        scratch_types=_scratch(CHD, D2, jnp.int32),
    )
    def dispatch(xs_hbm, idx_hbm, disp_hbm, idx_v, buf, in_sem, os0, os1):
        wid = lax.axis_index("s") * NC + lax.axis_index("c")
        pltpu.sync_copy(idx_hbm.at[wid], idx_v)
        out_sems = (os0, os1)

        def mk_in(j):
            return pltpu.async_copy(
                xs_hbm.at[pl.ds(wid * TPW + j * CHD, CHD)], buf.at[j % 2],
                in_sem)

        def mk_out(j):
            return pltpu.async_copy(
                buf.at[j % 2], disp_hbm.at[idx_v.at[j]], out_sems[j % 2])

        _pipeline(TPW // CHD, mk_in, mk_out)

    @functools.partial(
        pl.kernel,
        out_type=jax.ShapeDtypeStruct((N, D), jnp.float32),
        mesh=mesh,
        scratch_types=_scratch(CHC, D, jnp.float32),
    )
    def combine(eo_hbm, idx_hbm, y_hbm, idx_v, buf, in_sem, os0, os1):
        wid = lax.axis_index("s") * NC + lax.axis_index("c")
        pltpu.sync_copy(idx_hbm.at[wid], idx_v)
        out_sems = (os0, os1)

        def mk_in(j):
            return pltpu.async_copy(
                eo_hbm.at[idx_v.at[j]], buf.at[j % 2], in_sem)

        def mk_out(j):
            return pltpu.async_copy(
                buf.at[j % 2], y_hbm.at[pl.ds(wid * TPW + j * CHC, CHC)],
                out_sems[j % 2])

        _pipeline(TPW // CHC, mk_in, mk_out)

    return dispatch, combine



def kernel(x, wg, w1, w2):
    dispatch, combine = _sc_kernels()
    xs, idx3, laux = _gating(x, wg)
    disp = dispatch(xs, idx3.reshape(NW, TPW // CHD, CHD))
    eo = _ffn(disp, w1, w2)
    y = combine(eo, idx3.reshape(NW, TPW // CHC, CHC))
    return y, laux[0, 0]

# --- scband reference (transcript-rebuilt; emitter-appended) ---
"""Pipeline reference for scband-moelayer-23304492548266 (READ-ONLY COPY).

The authoritative reference and input builder live on the scoring server;
editing this copy changes nothing except your own understanding.
"""

import jax, jax.numpy as jnp
import numpy as np

E = 64          # num_experts
D = 768         # model_dim
FF = 1536       # d_ff per expert
N = 32768       # tokens = batch(4) * seq_len(8192)
CAPF = 1.0      # capacity_factor


def setup_inputs(seed: int = 0) -> dict:
    key = jax.random.key(seed)
    k1, k2, k3, k4 = jax.random.split(key, 4)
    x = jax.random.normal(k1, (N, D), dtype=jnp.float32)
    # gate projection (Top1Gate.wg, Linear without bias): stored as [D, E] for x @ wg
    wg = jax.random.normal(k2, (D, E), dtype=jnp.float32) * 0.02
    # per-expert FFN weights (ExpertsGemm batched weights)
    w1 = jax.random.normal(k3, (E, D, FF), dtype=jnp.float32) * 0.02
    w2 = jax.random.normal(k4, (E, FF, D), dtype=jnp.float32) * 0.02
    return {"x": x, "wg": wg, "w1": w1, "w2": w2}


def reference(x, wg, w1, w2):
    n, d = x.shape
    cap = int(CAPF * ((n + E - 1) // E))  # Top1Gate.capacity

    # ---- Top1Gate ----
    logits = x @ wg                                      # [N, E]
    indices1_s = jnp.argmax(logits, axis=1)              # [N]
    mask1 = jax.nn.one_hot(indices1_s, E, dtype=logits.dtype)  # [N, E]
    gates = jax.nn.softmax(logits, axis=1)               # [N, E]
    gates1_s = jnp.sum(gates * mask1, axis=1)            # [N]
    # locations: position of each token within its chosen expert (gating kernel)
    locations1 = jnp.cumsum(mask1, axis=0) - mask1       # [N, E]
    locations1_s = jnp.sum(locations1 * mask1, axis=1).astype(jnp.int32)  # [N]
    # load-balancing auxiliary loss (fp32 branch)
    me = jnp.sum(gates.astype(jnp.float32), axis=0)
    ce = jnp.sum(mask1.astype(jnp.float32), axis=0)
    l_aux = jnp.sum(me * ce) * (E / (n * n))

    # ---- GatingEncoder: scatter tokens into [E*cap, D] (capacity drop) ----
    valid = (locations1_s < cap).astype(x.dtype)         # [N]
    slot = indices1_s.astype(jnp.int32) * cap + jnp.minimum(locations1_s, cap - 1)
    dispatched = jnp.zeros((E * cap, d), dtype=x.dtype).at[slot].add(x * valid[:, None])

    # ---- ExpertsGemm: per-expert FFN (W1 -> relu -> W2) ----
    disp = dispatched.reshape(E, cap, d)
    h = jax.nn.relu(jnp.einsum('ecd,edf->ecf', disp, w1))
    expert_out = jnp.einsum('ecf,efd->ecd', h, w2).reshape(E * cap, d)

    # ---- GatingDecoder: gather back and scale by gate values ----
    y = (gates1_s * valid)[:, None] * expert_out[slot]   # [N, D]
    return (y, l_aux)

if __name__ == "__main__":
    import jax
    _d = setup_inputs()
    print(jax.jit(kernel)(*tuple(_d.values())))

</pallas_src>

<mosaic_0001>
#map = affine_map<(d0, d1) -> (0, 0)>
#map1 = affine_map<(d0, d1) -> (0, 0, 0)>
module attributes {stable_mosaic.version = 14 : i64} {
  func.func @dispatch(%arg0: i32, %arg1: i32, %arg2: memref<32768x384xi32, #tpu.memory_space<hbm>>, %arg3: memref<32x8x128xi32, #tpu.memory_space<hbm>>, %arg4: memref<33280x384xi32, #tpu.memory_space<hbm>>, %arg5: memref<8x128xi32, #tpu.memory_space<vmem>>, %arg6: memref<2x128x384xi32, #tpu.memory_space<vmem>>, %arg7: memref<!tpu.dma_semaphore, #tpu.memory_space<semaphore_mem>>, %arg8: memref<!tpu.dma_semaphore, #tpu.memory_space<semaphore_mem>>, %arg9: memref<!tpu.dma_semaphore, #tpu.memory_space<semaphore_mem>>) attributes {dimension_semantics = [#tpu.dimension_semantics<core_parallel>, #tpu.dimension_semantics<subcore_parallel>], iteration_bounds = array<i64: 2, 16>, scalar_prefetch = 0 : i64, scratch_operands = 5 : i64, tpu.core_type = #tpu.core_type<sc_vector_subcore>, window_params = [{transform_indices = #map}, {transform_indices = #map1}, {transform_indices = #map}]} {
    %mul3A = arith.constant 2 : i32
    %mul3A_0 = arith.muli %arg1, %mul3A : i32
    %add3A = arith.addi %mul3A_0, %arg0 : i32
    "tpu.region"() ({
      %run_scoped3A = tpu.sem_alloc : memref<!tpu.dma_semaphore, #tpu.memory_space<semaphore_mem>>
      %dma_start3A_431 = arith.constant 0 : i32
      %dma_start3A_432 = arith.constant 0 : i32
      %dma_start3A_433 = tpu.memref_slice %arg3[%add3A, %dma_start3A_431, %dma_start3A_432] : memref<32x8x128xi32, #tpu.memory_space<hbm>> -> memref<1x8x128xi32, #tpu.memory_space<hbm>>
      %dma_start3A_434 = tpu.memref_squeeze %dma_start3A_433 : memref<1x8x128xi32, #tpu.memory_space<hbm>> -> memref<8x128xi32, #tpu.memory_space<hbm>>
      %dma_start3A_435 = arith.constant 0 : i32
      %dma_start3A_436 = arith.constant 0 : i32
      %dma_start3A_437 = tpu.memref_slice %arg3[%add3A, %dma_start3A_435, %dma_start3A_436] : memref<32x8x128xi32, #tpu.memory_space<hbm>> -> memref<1x8x128xi32, #tpu.memory_space<hbm>>
      %dma_start3A_438 = tpu.memref_squeeze %dma_start3A_437 : memref<1x8x128xi32, #tpu.memory_space<hbm>> -> memref<8x128xi32, #tpu.memory_space<hbm>>
      tpu.enqueue_dma source(%dma_start3A_438 : memref<8x128xi32, #tpu.memory_space<hbm>>) target(%arg5 : memref<8x128xi32, #tpu.memory_space<vmem>>) target_semaphore(%run_scoped3A : memref<!tpu.dma_semaphore, #tpu.memory_space<semaphore_mem>>)
      %dma_wait3A_439 = arith.constant 0 : i32
      %dma_wait3A_440 = arith.constant 0 : i32
      %dma_wait3A_441 = tpu.memref_slice %arg3[%add3A, %dma_wait3A_439, %dma_wait3A_440] : memref<32x8x128xi32, #tpu.memory_space<hbm>> -> memref<1x8x128xi32, #tpu.memory_space<hbm>>
      %dma_wait3A_442 = tpu.memref_squeeze %dma_wait3A_441 : memref<1x8x128xi32, #tpu.memory_space<hbm>> -> memref<8x128xi32, #tpu.memory_space<hbm>>
      %dma_wait3A_443 = arith.constant 0 : i32
      %dma_wait3A_444 = arith.constant 0 : i32
      %dma_wait3A_445 = tpu.memref_slice %arg3[%add3A, %dma_wait3A_443, %dma_wait3A_444] : memref<32x8x128xi32, #tpu.memory_space<hbm>> -> memref<1x8x128xi32, #tpu.memory_space<hbm>>
      %dma_wait3A_446 = tpu.memref_squeeze %dma_wait3A_445 : memref<1x8x128xi32, #tpu.memory_space<hbm>> -> memref<8x128xi32, #tpu.memory_space<hbm>>
      tpu.wait_dma2 semaphore(%run_scoped3A : memref<!tpu.dma_semaphore, #tpu.memory_space<semaphore_mem>>) src(%dma_wait3A_446 : memref<8x128xi32, #tpu.memory_space<hbm>>) dst(%arg5 : memref<8x128xi32, #tpu.memory_space<vmem>>)
      tpu.yield
    }) : () -> ()
    %mul3A_1 = arith.constant 1024 : i32
    %mul3A_2 = arith.muli %add3A, %mul3A_1 : i32
    %add3A_3 = arith.constant 0 : i32
    %add3A_4 = arith.addi %mul3A_2, %add3A_3 : i32
    %dma_start3A = arith.constant 0 : i32
    %dma_start3A_5 = arith.constant 0 : i32
    %dma_start3A_6 = arith.constant 0 : i32
    %dma_start3A_7 = tpu.memref_slice %arg6[%dma_start3A, %dma_start3A_5, %dma_start3A_6] : memref<2x128x384xi32, #tpu.memory_space<vmem>> -> memref<1x128x384xi32, #tpu.memory_space<vmem>>
    %dma_start3A_8 = tpu.memref_squeeze %dma_start3A_7 : memref<1x128x384xi32, #tpu.memory_space<vmem>> -> memref<128x384xi32, #tpu.memory_space<vmem>>
    %dma_start3A_9 = arith.constant 0 : i32
    %dma_start3A_10 = tpu.memref_slice %arg2[%add3A_4, %dma_start3A_9] : memref<32768x384xi32, #tpu.memory_space<hbm>> -> memref<128x384xi32, #tpu.memory_space<hbm>>
    %dma_start3A_11 = arith.constant 0 : i32
    %dma_start3A_12 = arith.constant 0 : i32
    %dma_start3A_13 = tpu.memref_slice %arg6[%dma_start3A, %dma_start3A_11, %dma_start3A_12] : memref<2x128x384xi32, #tpu.memory_space<vmem>> -> memref<1x128x384xi32, #tpu.memory_space<vmem>>
    %dma_start3A_14 = tpu.memref_squeeze %dma_start3A_13 : memref<1x128x384xi32, #tpu.memory_space<vmem>> -> memref<128x384xi32, #tpu.memory_space<vmem>>
    %dma_start3A_15 = arith.constant 0 : i32
    %dma_start3A_16 = tpu.memref_slice %arg2[%add3A_4, %dma_start3A_15] : memref<32768x384xi32, #tpu.memory_space<hbm>> -> memref<128x384xi32, #tpu.memory_space<hbm>>
    tpu.enqueue_dma source(%dma_start3A_16 : memref<128x384xi32, #tpu.memory_space<hbm>>) target(%dma_start3A_14 : memref<128x384xi32, #tpu.memory_space<vmem>>) target_semaphore(%arg7 : memref<!tpu.dma_semaphore, #tpu.memory_space<semaphore_mem>>)
    %dma_wait3A = arith.constant 0 : i32
    %dma_wait3A_17 = arith.constant 0 : i32
    %dma_wait3A_18 = arith.constant 0 : i32
    %dma_wait3A_19 = tpu.memref_slice %arg6[%dma_wait3A, %dma_wait3A_17, %dma_wait3A_18] : memref<2x128x384xi32, #tpu.memory_space<vmem>> -> memref<1x128x384xi32, #tpu.memory_space<vmem>>
    %dma_wait3A_20 = tpu.memref_squeeze %dma_wait3A_19 : memref<1x128x384xi32, #tpu.memory_space<vmem>> -> memref<128x384xi32, #tpu.memory_space<vmem>>
    %dma_wait3A_21 = arith.constant 0 : i32
    %dma_wait3A_22 = tpu.memref_slice %arg2[%add3A_4, %dma_wait3A_21] : memref<32768x384xi32, #tpu.memory_space<hbm>> -> memref<128x384xi32, #tpu.memory_space<hbm>>
    %dma_wait3A_23 = arith.constant 0 : i32
    %dma_wait3A_24 = arith.constant 0 : i32
    %dma_wait3A_25 = tpu.memref_slice %arg6[%dma_wait3A, %dma_wait3A_23, %dma_wait3A_24] : memref<2x128x384xi32, #tpu.memory_space<vmem>> -> memref<1x128x384xi32, #tpu.memory_space<vmem>>
    %dma_wait3A_26 = tpu.memref_squeeze %dma_wait3A_25 : memref<1x128x384xi32, #tpu.memory_space<vmem>> -> memref<128x384xi32, #tpu.memory_space<vmem>>
    %dma_wait3A_27 = arith.constant 0 : i32
    %dma_wait3A_28 = tpu.memref_slice %arg2[%add3A_4, %dma_wait3A_27] : memref<32768x384xi32, #tpu.memory_space<hbm>> -> memref<128x384xi32, #tpu.memory_space<hbm>>
    tpu.wait_dma2 semaphore(%arg7 : memref<!tpu.dma_semaphore, #tpu.memory_space<semaphore_mem>>) src(%dma_wait3A_28 : memref<128x384xi32, #tpu.memory_space<hbm>>) dst(%dma_wait3A_26 : memref<128x384xi32, #tpu.memory_space<vmem>>)
    %dma_start3A_29 = arith.constant 0 : i32
    %dma_start3A_30 = arith.constant 0 : i32
    %dma_start3A_31 = arith.constant 0 : i32
    %dma_start3A_32 = arith.constant 0 : i32
    %dma_start3A_33 = tpu.memref_slice %arg6[%dma_start3A_29, %dma_start3A_31, %dma_start3A_32] : memref<2x128x384xi32, #tpu.memory_space<vmem>> -> memref<1x128x384xi32, #tpu.memory_space<vmem>>
    %dma_start3A_34 = tpu.memref_squeeze %dma_start3A_33 : memref<1x128x384xi32, #tpu.memory_space<vmem>> -> memref<128x384xi32, #tpu.memory_space<vmem>>
    %dma_start3A_35 = arith.constant 0 : i32
    %dma_start3A_36 = tpu.memref_slice %arg5[%dma_start3A_30, %dma_start3A_35] : memref<8x128xi32, #tpu.memory_space<vmem>> -> memref<1x128xi32, #tpu.memory_space<vmem>>
    %dma_start3A_37 = tpu.memref_squeeze %dma_start3A_36 : memref<1x128xi32, #tpu.memory_space<vmem>> -> memref<128xi32, #tpu.memory_space<vmem>>
    %dma_start3A_38 = arith.constant 0 : i32
    %dma_start3A_39 = arith.constant 0 : i32
    %dma_start3A_40 = tpu.memref_slice %arg4[%dma_start3A_38, %dma_start3A_39] : memref<33280x384xi32, #tpu.memory_space<hbm>> -> memref<33280x384xi32, #tpu.memory_space<hbm>>
    tpu.enqueue_indirect_dma source(%dma_start3A_34 : memref<128x384xi32, #tpu.memory_space<vmem>>) target(%dma_start3A_40 : memref<33280x384xi32, #tpu.memory_space<hbm>>) offsets(%dma_start3A_37 : memref<128xi32, #tpu.memory_space<vmem>>) semaphore(%arg8 : memref<!tpu.dma_semaphore, #tpu.memory_space<semaphore_mem>>)
    %mul3A_41 = arith.constant 1024 : i32
    %mul3A_42 = arith.muli %add3A, %mul3A_41 : i32
    %add3A_43 = arith.constant 128 : i32
    %add3A_44 = arith.addi %mul3A_42, %add3A_43 : i32
    %dma_start3A_45 = arith.constant 1 : i32
    %dma_start3A_46 = arith.constant 0 : i32
    %dma_start3A_47 = arith.constant 0 : i32
    %dma_start3A_48 = tpu.memref_slice %arg6[%dma_start3A_45, %dma_start3A_46, %dma_start3A_47] : memref<2x128x384xi32, #tpu.memory_space<vmem>> -> memref<1x128x384xi32, #tpu.memory_space<vmem>>
    %dma_start3A_49 = tpu.memref_squeeze %dma_start3A_48 : memref<1x128x384xi32, #tpu.memory_space<vmem>> -> memref<128x384xi32, #tpu.memory_space<vmem>>
    %dma_start3A_50 = arith.constant 0 : i32
    %dma_start3A_51 = tpu.memref_slice %arg2[%add3A_44, %dma_start3A_50] : memref<32768x384xi32, #tpu.memory_space<hbm>> -> memref<128x384xi32, #tpu.memory_space<hbm>>
    %dma_start3A_52 = arith.constant 0 : i32
    %dma_start3A_53 = arith.constant 0 : i32
    %dma_start3A_54 = tpu.memref_slice %arg6[%dma_start3A_45, %dma_start3A_52, %dma_start3A_53] : memref<2x128x384xi32, #tpu.memory_space<vmem>> -> memref<1x128x384xi32, #tpu.memory_space<vmem>>
    %dma_start3A_55 = tpu.memref_squeeze %dma_start3A_54 : memref<1x128x384xi32, #tpu.memory_space<vmem>> -> memref<128x384xi32, #tpu.memory_space<vmem>>
    %dma_start3A_56 = arith.constant 0 : i32
    %dma_start3A_57 = tpu.memref_slice %arg2[%add3A_44, %dma_start3A_56] : memref<32768x384xi32, #tpu.memory_space<hbm>> -> memref<128x384xi32, #tpu.memory_space<hbm>>
    tpu.enqueue_dma source(%dma_start3A_57 : memref<128x384xi32, #tpu.memory_space<hbm>>) target(%dma_start3A_55 : memref<128x384xi32, #tpu.memory_space<vmem>>) target_semaphore(%arg7 : memref<!tpu.dma_semaphore, #tpu.memory_space<semaphore_mem>>)
    %dma_wait3A_58 = arith.constant 1 : i32
    %dma_wait3A_59 = arith.constant 0 : i32
    %dma_wait3A_60 = arith.constant 0 : i32
    %dma_wait3A_61 = tpu.memref_slice %arg6[%dma_wait3A_58, %dma_wait3A_59, %dma_wait3A_60] : memref<2x128x384xi32, #tpu.memory_space<vmem>> -> memref<1x128x384xi32, #tpu.memory_space<vmem>>
    %dma_wait3A_62 = tpu.memref_squeeze %dma_wait3A_61 : memref<1x128x384xi32, #tpu.memory_space<vmem>> -> memref<128x384xi32, #tpu.memory_space<vmem>>
    %dma_wait3A_63 = arith.constant 0 : i32
    %dma_wait3A_64 = tpu.memref_slice %arg2[%add3A_44, %dma_wait3A_63] : memref<32768x384xi32, #tpu.memory_space<hbm>> -> memref<128x384xi32, #tpu.memory_space<hbm>>
    %dma_wait3A_65 = arith.constant 0 : i32
    %dma_wait3A_66 = arith.constant 0 : i32
    %dma_wait3A_67 = tpu.memref_slice %arg6[%dma_wait3A_58, %dma_wait3A_65, %dma_wait3A_66] : memref<2x128x384xi32, #tpu.memory_space<vmem>> -> memref<1x128x384xi32, #tpu.memory_space<vmem>>
    %dma_wait3A_68 = tpu.memref_squeeze %dma_wait3A_67 : memref<1x128x384xi32, #tpu.memory_space<vmem>> -> memref<128x384xi32, #tpu.memory_space<vmem>>
    %dma_wait3A_69 = arith.constant 0 : i32
    %dma_wait3A_70 = tpu.memref_slice %arg2[%add3A_44, %dma_wait3A_69] : memref<32768x384xi32, #tpu.memory_space<hbm>> -> memref<128x384xi32, #tpu.memory_space<hbm>>
    tpu.wait_dma2 semaphore(%arg7 : memref<!tpu.dma_semaphore, #tpu.memory_space<semaphore_mem>>) src(%dma_wait3A_70 : memref<128x384xi32, #tpu.memory_space<hbm>>) dst(%dma_wait3A_68 : memref<128x384xi32, #tpu.memory_space<vmem>>)
    %dma_start3A_71 = arith.constant 1 : i32
    %dma_start3A_72 = arith.constant 1 : i32
    %dma_start3A_73 = arith.constant 0 : i32
    %dma_start3A_74 = arith.constant 0 : i32
    %dma_start3A_75 = tpu.memref_slice %arg6[%dma_start3A_71, %dma_start3A_73, %dma_start3A_74] : memref<2x128x384xi32, #tpu.memory_space<vmem>> -> memref<1x128x384xi32, #tpu.memory_space<vmem>>
    %dma_start3A_76 = tpu.memref_squeeze %dma_start3A_75 : memref<1x128x384xi32, #tpu.memory_space<vmem>> -> memref<128x384xi32, #tpu.memory_space<vmem>>
    %dma_start3A_77 = arith.constant 0 : i32
    %dma_start3A_78 = tpu.memref_slice %arg5[%dma_start3A_72, %dma_start3A_77] : memref<8x128xi32, #tpu.memory_space<vmem>> -> memref<1x128xi32, #tpu.memory_space<vmem>>
    %dma_start3A_79 = tpu.memref_squeeze %dma_start3A_78 : memref<1x128xi32, #tpu.memory_space<vmem>> -> memref<128xi32, #tpu.memory_space<vmem>>
    %dma_start3A_80 = arith.constant 0 : i32
    %dma_start3A_81 = arith.constant 0 : i32
    %dma_start3A_82 = tpu.memref_slice %arg4[%dma_start3A_80, %dma_start3A_81] : memref<33280x384xi32, #tpu.memory_space<hbm>> -> memref<33280x384xi32, #tpu.memory_space<hbm>>
    tpu.enqueue_indirect_dma source(%dma_start3A_76 : memref<128x384xi32, #tpu.memory_space<vmem>>) target(%dma_start3A_82 : memref<33280x384xi32, #tpu.memory_space<hbm>>) offsets(%dma_start3A_79 : memref<128xi32, #tpu.memory_space<vmem>>) semaphore(%arg9 : memref<!tpu.dma_semaphore, #tpu.memory_space<semaphore_mem>>)
    %dma_wait3A_83 = arith.constant 0 : i32
    %dma_wait3A_84 = arith.constant 0 : i32
    %dma_wait3A_85 = arith.constant 0 : i32
    %dma_wait3A_86 = arith.constant 0 : i32
    %dma_wait3A_87 = tpu.memref_slice %arg6[%dma_wait3A_83, %dma_wait3A_85, %dma_wait3A_86] : memref<2x128x384xi32, #tpu.memory_space<vmem>> -> memref<1x128x384xi32, #tpu.memory_space<vmem>>
    %dma_wait3A_88 = tpu.memref_squeeze %dma_wait3A_87 : memref<1x128x384xi32, #tpu.memory_space<vmem>> -> memref<128x384xi32, #tpu.memory_space<vmem>>
    %dma_wait3A_89 = arith.constant 0 : i32
    %dma_wait3A_90 = tpu.memref_slice %arg5[%dma_wait3A_84, %dma_wait3A_89] : memref<8x128xi32, #tpu.memory_space<vmem>> -> memref<1x128xi32, #tpu.memory_space<vmem>>
    %dma_wait3A_91 = tpu.memref_squeeze %dma_wait3A_90 : memref<1x128xi32, #tpu.memory_space<vmem>> -> memref<128xi32, #tpu.memory_space<vmem>>
    %dma_wait3A_92 = arith.constant 0 : i32
    %dma_wait3A_93 = arith.constant 0 : i32
    %dma_wait3A_94 = tpu.memref_slice %arg4[%dma_wait3A_92, %dma_wait3A_93] : memref<33280x384xi32, #tpu.memory_space<hbm>> -> memref<33280x384xi32, #tpu.memory_space<hbm>>
    tpu.wait_indirect_dma semaphore(%arg8 : memref<!tpu.dma_semaphore, #tpu.memory_space<semaphore_mem>>) src(%dma_wait3A_88 : memref<128x384xi32, #tpu.memory_space<vmem>>) dst(%dma_wait3A_94 : memref<33280x384xi32, #tpu.memory_space<hbm>>)
    %mul3A_95 = arith.constant 1024 : i32
    %mul3A_96 = arith.muli %add3A, %mul3A_95 : i32
    %add3A_97 = arith.constant 256 : i32
    %add3A_98 = arith.addi %mul3A_96, %add3A_97 : i32
    %dma_start3A_99 = arith.constant 0 : i32
    %dma_start3A_100 = arith.constant 0 : i32
    %dma_start3A_101 = arith.constant 0 : i32
    %dma_start3A_102 = tpu.memref_slice %arg6[%dma_start3A_99, %dma_start3A_100, %dma_start3A_101] : memref<2x128x384xi32, #tpu.memory_space<vmem>> -> memref<1x128x384xi32, #tpu.memory_space<vmem>>
    %dma_start3A_103 = tpu.memref_squeeze %dma_start3A_102 : memref<1x128x384xi32, #tpu.memory_space<vmem>> -> memref<128x384xi32, #tpu.memory_space<vmem>>
    %dma_start3A_104 = arith.constant 0 : i32
    %dma_start3A_105 = tpu.memref_slice %arg2[%add3A_98, %dma_start3A_104] : memref<32768x384xi32, #tpu.memory_space<hbm>> -> memref<128x384xi32, #tpu.memory_space<hbm>>
    %dma_start3A_106 = arith.constant 0 : i32
    %dma_start3A_107 = arith.constant 0 : i32
    %dma_start3A_108 = tpu.memref_slice %arg6[%dma_start3A_99, %dma_start3A_106, %dma_start3A_107] : memref<2x128x384xi32, #tpu.memory_space<vmem>> -> memref<1x128x384xi32, #tpu.memory_space<vmem>>
    %dma_start3A_109 = tpu.memref_squeeze %dma_start3A_108 : memref<1x128x384xi32, #tpu.memory_space<vmem>> -> memref<128x384xi32, #tpu.memory_space<vmem>>
    %dma_start3A_110 = arith.constant 0 : i32
    %dma_start3A_111 = tpu.memref_slice %arg2[%add3A_98, %dma_start3A_110] : memref<32768x384xi32, #tpu.memory_space<hbm>> -> memref<128x384xi32, #tpu.memory_space<hbm>>
    tpu.enqueue_dma source(%dma_start3A_111 : memref<128x384xi32, #tpu.memory_space<hbm>>) target(%dma_start3A_109 : memref<128x384xi32, #tpu.memory_space<vmem>>) target_semaphore(%arg7 : memref<!tpu.dma_semaphore, #tpu.memory_space<semaphore_mem>>)
    %dma_wait3A_112 = arith.constant 0 : i32
    %dma_wait3A_113 = arith.constant 0 : i32
    %dma_wait3A_114 = arith.constant 0 : i32
    %dma_wait3A_115 = tpu.memref_slice %arg6[%dma_wait3A_112, %dma_wait3A_113, %dma_wait3A_114] : memref<2x128x384xi32, #tpu.memory_space<vmem>> -> memref<1x128x384xi32, #tpu.memory_space<vmem>>
    %dma_wait3A_116 = tpu.memref_squeeze %dma_wait3A_115 : memref<1x128x384xi32, #tpu.memory_space<vmem>> -> memref<128x384xi32, #tpu.memory_space<vmem>>
    %dma_wait3A_117 = arith.constant 0 : i32
    %dma_wait3A_118 = tpu.memref_slice %arg2[%add3A_98, %dma_wait3A_117] : memref<32768x384xi32, #tpu.memory_space<hbm>> -> memref<128x384xi32, #tpu.memory_space<hbm>>
    %dma_wait3A_119 = arith.constant 0 : i32
    %dma_wait3A_120 = arith.constant 0 : i32
    %dma_wait3A_121 = tpu.memref_slice %arg6[%dma_wait3A_112, %dma_wait3A_119, %dma_wait3A_120] : memref<2x128x384xi32, #tpu.memory_space<vmem>> -> memref<1x128x384xi32, #tpu.memory_space<vmem>>
    %dma_wait3A_122 = tpu.memref_squeeze %dma_wait3A_121 : memref<1x128x384xi32, #tpu.memory_space<vmem>> -> memref<128x384xi32, #tpu.memory_space<vmem>>
    %dma_wait3A_123 = arith.constant 0 : i32
    %dma_wait3A_124 = tpu.memref_slice %arg2[%add3A_98, %dma_wait3A_123] : memref<32768x384xi32, #tpu.memory_space<hbm>> -> memref<128x384xi32, #tpu.memory_space<hbm>>
    tpu.wait_dma2 semaphore(%arg7 : memref<!tpu.dma_semaphore, #tpu.memory_space<semaphore_mem>>) src(%dma_wait3A_124 : memref<128x384xi32, #tpu.memory_space<hbm>>) dst(%dma_wait3A_122 : memref<128x384xi32, #tpu.memory_space<vmem>>)
    %dma_start3A_125 = arith.constant 0 : i32
    %dma_start3A_126 = arith.constant 2 : i32
    %dma_start3A_127 = arith.constant 0 : i32
    %dma_start3A_128 = arith.constant 0 : i32
    %dma_start3A_129 = tpu.memref_slice %arg6[%dma_start3A_125, %dma_start3A_127, %dma_start3A_128] : memref<2x128x384xi32, #tpu.memory_space<vmem>> -> memref<1x128x384xi32, #tpu.memory_space<vmem>>
    %dma_start3A_130 = tpu.memref_squeeze %dma_start3A_129 : memref<1x128x384xi32, #tpu.memory_space<vmem>> -> memref<128x384xi32, #tpu.memory_space<vmem>>
    %dma_start3A_131 = arith.constant 0 : i32
    %dma_start3A_132 = tpu.memref_slice %arg5[%dma_start3A_126, %dma_start3A_131] : memref<8x128xi32, #tpu.memory_space<vmem>> -> memref<1x128xi32, #tpu.memory_space<vmem>>
    %dma_start3A_133 = tpu.memref_squeeze %dma_start3A_132 : memref<1x128xi32, #tpu.memory_space<vmem>> -> memref<128xi32, #tpu.memory_space<vmem>>
    %dma_start3A_134 = arith.constant 0 : i32
    %dma_start3A_135 = arith.constant 0 : i32
    %dma_start3A_136 = tpu.memref_slice %arg4[%dma_start3A_134, %dma_start3A_135] : memref<33280x384xi32, #tpu.memory_space<hbm>> -> memref<33280x384xi32, #tpu.memory_space<hbm>>
    tpu.enqueue_indirect_dma source(%dma_start3A_130 : memref<128x384xi32, #tpu.memory_space<vmem>>) target(%dma_start3A_136 : memref<33280x384xi32, #tpu.memory_space<hbm>>) offsets(%dma_start3A_133 : memref<128xi32, #tpu.memory_space<vmem>>) semaphore(%arg8 : memref<!tpu.dma_semaphore, #tpu.memory_space<semaphore_mem>>)
    %dma_wait3A_137 = arith.constant 1 : i32
    %dma_wait3A_138 = arith.constant 1 : i32
    %dma_wait3A_139 = arith.constant 0 : i32
    %dma_wait3A_140 = arith.constant 0 : i32
    %dma_wait3A_141 = tpu.memref_slice %arg6[%dma_wait3A_137, %dma_wait3A_139, %dma_wait3A_140] : memref<2x128x384xi32, #tpu.memory_space<vmem>> -> memref<1x128x384xi32, #tpu.memory_space<vmem>>
    %dma_wait3A_142 = tpu.memref_squeeze %dma_wait3A_141 : memref<1x128x384xi32, #tpu.memory_space<vmem>> -> memref<128x384xi32, #tpu.memory_space<vmem>>
    %dma_wait3A_143 = arith.constant 0 : i32
    %dma_wait3A_144 = tpu.memref_slice %arg5[%dma_wait3A_138, %dma_wait3A_143] : memref<8x128xi32, #tpu.memory_space<vmem>> -> memref<1x128xi32, #tpu.memory_space<vmem>>
    %dma_wait3A_145 = tpu.memref_squeeze %dma_wait3A_144 : memref<1x128xi32, #tpu.memory_space<vmem>> -> memref<128xi32, #tpu.memory_space<vmem>>
    %dma_wait3A_146 = arith.constant 0 : i32
    %dma_wait3A_147 = arith.constant 0 : i32
    %dma_wait3A_148 = tpu.memref_slice %arg4[%dma_wait3A_146, %dma_wait3A_147] : memref<33280x384xi32, #tpu.memory_space<hbm>> -> memref<33280x384xi32, #tpu.memory_space<hbm>>
    tpu.wait_indirect_dma semaphore(%arg9 : memref<!tpu.dma_semaphore, #tpu.memory_space<semaphore_mem>>) src(%dma_wait3A_142 : memref<128x384xi32, #tpu.memory_space<vmem>>) dst(%dma_wait3A_148 : memref<33280x384xi32, #tpu.memory_space<hbm>>)
    %mul3A_149 = arith.constant 1024 : i32
    %mul3A_150 = arith.muli %add3A, %mul3A_149 : i32
    %add3A_151 = arith.constant 384 : i32
    %add3A_152 = arith.addi %mul3A_150, %add3A_151 : i32
    %dma_start3A_153 = arith.constant 1 : i32
    %dma_start3A_154 = arith.constant 0 : i32
    %dma_start3A_155 = arith.constant 0 : i32
    %dma_start3A_156 = tpu.memref_slice %arg6[%dma_start3A_153, %dma_start3A_154, %dma_start3A_155] : memref<2x128x384xi32, #tpu.memory_space<vmem>> -> memref<1x128x384xi32, #tpu.memory_space<vmem>>
    %dma_start3A_157 = tpu.memref_squeeze %dma_start3A_156 : memref<1x128x384xi32, #tpu.memory_space<vmem>> -> memref<128x384xi32, #tpu.memory_space<vmem>>
    %dma_start3A_158 = arith.constant 0 : i32
    %dma_start3A_159 = tpu.memref_slice %arg2[%add3A_152, %dma_start3A_158] : memref<32768x384xi32, #tpu.memory_space<hbm>> -> memref<128x384xi32, #tpu.memory_space<hbm>>
    %dma_start3A_160 = arith.constant 0 : i32
    %dma_start3A_161 = arith.constant 0 : i32
    %dma_start3A_162 = tpu.memref_slice %arg6[%dma_start3A_153, %dma_start3A_160, %dma_start3A_161] : memref<2x128x384xi32, #tpu.memory_space<vmem>> -> memref<1x128x384xi32, #tpu.memory_space<vmem>>
    %dma_start3A_163 = tpu.memref_squeeze %dma_start3A_162 : memref<1x128x384xi32, #tpu.memory_space<vmem>> -> memref<128x384xi32, #tpu.memory_space<vmem>>
    %dma_start3A_164 = arith.constant 0 : i32
    %dma_start3A_165 = tpu.memref_slice %arg2[%add3A_152, %dma_start3A_164] : memref<32768x384xi32, #tpu.memory_space<hbm>> -> memref<128x384xi32, #tpu.memory_space<hbm>>
    tpu.enqueue_dma source(%dma_start3A_165 : memref<128x384xi32, #tpu.memory_space<hbm>>) target(%dma_start3A_163 : memref<128x384xi32, #tpu.memory_space<vmem>>) target_semaphore(%arg7 : memref<!tpu.dma_semaphore, #tpu.memory_space<semaphore_mem>>)
    %dma_wait3A_166 = arith.constant 1 : i32
    %dma_wait3A_167 = arith.constant 0 : i32
    %dma_wait3A_168 = arith.constant 0 : i32
    %dma_wait3A_169 = tpu.memref_slice %arg6[%dma_wait3A_166, %dma_wait3A_167, %dma_wait3A_168] : memref<2x128x384xi32, #tpu.memory_space<vmem>> -> memref<1x128x384xi32, #tpu.memory_space<vmem>>
    %dma_wait3A_170 = tpu.memref_squeeze %dma_wait3A_169 : memref<1x128x384xi32, #tpu.memory_space<vmem>> -> memref<128x384xi32, #tpu.memory_space<vmem>>
    %dma_wait3A_171 = arith.constant 0 : i32
    %dma_wait3A_172 = tpu.memref_slice %arg2[%add3A_152, %dma_wait3A_171] : memref<32768x384xi32, #tpu.memory_space<hbm>> -> memref<128x384xi32, #tpu.memory_space<hbm>>
    %dma_wait3A_173 = arith.constant 0 : i32
    %dma_wait3A_174 = arith.constant 0 : i32
    %dma_wait3A_175 = tpu.memref_slice %arg6[%dma_wait3A_166, %dma_wait3A_173, %dma_wait3A_174] : memref<2x128x384xi32, #tpu.memory_space<vmem>> -> memref<1x128x384xi32, #tpu.memory_space<vmem>>
    %dma_wait3A_176 = tpu.memref_squeeze %dma_wait3A_175 : memref<1x128x384xi32, #tpu.memory_space<vmem>> -> memref<128x384xi32, #tpu.memory_space<vmem>>
    %dma_wait3A_177 = arith.constant 0 : i32
    %dma_wait3A_178 = tpu.memref_slice %arg2[%add3A_152, %dma_wait3A_177] : memref<32768x384xi32, #tpu.memory_space<hbm>> -> memref<128x384xi32, #tpu.memory_space<hbm>>
    tpu.wait_dma2 semaphore(%arg7 : memref<!tpu.dma_semaphore, #tpu.memory_space<semaphore_mem>>) src(%dma_wait3A_178 : memref<128x384xi32, #tpu.memory_space<hbm>>) dst(%dma_wait3A_176 : memref<128x384xi32, #tpu.memory_space<vmem>>)
    %dma_start3A_179 = arith.constant 1 : i32
    %dma_start3A_180 = arith.constant 3 : i32
    %dma_start3A_181 = arith.constant 0 : i32
    %dma_start3A_182 = arith.constant 0 : i32
    %dma_start3A_183 = tpu.memref_slice %arg6[%dma_start3A_179, %dma_start3A_181, %dma_start3A_182] : memref<2x128x384xi32, #tpu.memory_space<vmem>> -> memref<1x128x384xi32, #tpu.memory_space<vmem>>
    %dma_start3A_184 = tpu.memref_squeeze %dma_start3A_183 : memref<1x128x384xi32, #tpu.memory_space<vmem>> -> memref<128x384xi32, #tpu.memory_space<vmem>>
    %dma_start3A_185 = arith.constant 0 : i32
    %dma_start3A_186 = tpu.memref_slice %arg5[%dma_start3A_180, %dma_start3A_185] : memref<8x128xi32, #tpu.memory_space<vmem>> -> memref<1x128xi32, #tpu.memory_space<vmem>>
    %dma_start3A_187 = tpu.memref_squeeze %dma_start3A_186 : memref<1x128xi32, #tpu.memory_space<vmem>> -> memref<128xi32, #tpu.memory_space<vmem>>
    %dma_start3A_188 = arith.constant 0 : i32
    %dma_start3A_189 = arith.constant 0 : i32
    %dma_start3A_190 = tpu.memref_slice %arg4[%dma_start3A_188, %dma_start3A_189] : memref<33280x384xi32, #tpu.memory_space<hbm>> -> memref<33280x384xi32, #tpu.memory_space<hbm>>
    tpu.enqueue_indirect_dma source(%dma_start3A_184 : memref<128x384xi32, #tpu.memory_space<vmem>>) target(%dma_start3A_190 : memref<33280x384xi32, #tpu.memory_space<hbm>>) offsets(%dma_start3A_187 : memref<128xi32, #tpu.memory_space<vmem>>) semaphore(%arg9 : memref<!tpu.dma_semaphore, #tpu.memory_space<semaphore_mem>>)
    %dma_wait3A_191 = arith.constant 0 : i32
    %dma_wait3A_192 = arith.constant 2 : i32
    %dma_wait3A_193 = arith.constant 0 : i32
    %dma_wait3A_194 = arith.constant 0 : i32
    %dma_wait3A_195 = tpu.memref_slice %arg6[%dma_wait3A_191, %dma_wait3A_193, %dma_wait3A_194] : memref<2x128x384xi32, #tpu.memory_space<vmem>> -> memref<1x128x384xi32, #tpu.memory_space<vmem>>
    %dma_wait3A_196 = tpu.memref_squeeze %dma_wait3A_195 : memref<1x128x384xi32, #tpu.memory_space<vmem>> -> memref<128x384xi32, #tpu.memory_space<vmem>>
    %dma_wait3A_197 = arith.constant 0 : i32
    %dma_wait3A_198 = tpu.memref_slice %arg5[%dma_wait3A_192, %dma_wait3A_197] : memref<8x128xi32, #tpu.memory_space<vmem>> -> memref<1x128xi32, #tpu.memory_space<vmem>>
    %dma_wait3A_199 = tpu.memref_squeeze %dma_wait3A_198 : memref<1x128xi32, #tpu.memory_space<vmem>> -> memref<128xi32, #tpu.memory_space<vmem>>
    %dma_wait3A_200 = arith.constant 0 : i32
    %dma_wait3A_201 = arith.constant 0 : i32
    %dma_wait3A_202 = tpu.memref_slice %arg4[%dma_wait3A_200, %dma_wait3A_201] : memref<33280x384xi32, #tpu.memory_space<hbm>> -> memref<33280x384xi32, #tpu.memory_space<hbm>>
    tpu.wait_indirect_dma semaphore(%arg8 : memref<!tpu.dma_semaphore, #tpu.memory_space<semaphore_mem>>) src(%dma_wait3A_196 : memref<128x384xi32, #tpu.memory_space<vmem>>) dst(%dma_wait3A_202 : memref<33280x384xi32, #tpu.memory_space<hbm>>)
    %mul3A_203 = arith.constant 1024 : i32
    %mul3A_204 = arith.muli %add3A, %mul3A_203 : i32
    %add3A_205 = arith.constant 512 : i32
    %add3A_206 = arith.addi %mul3A_204, %add3A_205 : i32
    %dma_start3A_207 = arith.constant 0 : i32
    %dma_start3A_208 = arith.constant 0 : i32
    %dma_start3A_209 = arith.constant 0 : i32
    %dma_start3A_210 = tpu.memref_slice %arg6[%dma_start3A_207, %dma_start3A_208, %dma_start3A_209] : memref<2x128x384xi32, #tpu.memory_space<vmem>> -> memref<1x128x384xi32, #tpu.memory_space<vmem>>
    %dma_start3A_211 = tpu.memref_squeeze %dma_start3A_210 : memref<1x128x384xi32, #tpu.memory_space<vmem>> -> memref<128x384xi32, #tpu.memory_space<vmem>>
    %dma_start3A_212 = arith.constant 0 : i32
    %dma_start3A_213 = tpu.memref_slice %arg2[%add3A_206, %dma_start3A_212] : memref<32768x384xi32, #tpu.memory_space<hbm>> -> memref<128x384xi32, #tpu.memory_space<hbm>>
    %dma_start3A_214 = arith.constant 0 : i32
    %dma_start3A_215 = arith.constant 0 : i32
    %dma_start3A_216 = tpu.memref_slice %arg6[%dma_start3A_207, %dma_start3A_214, %dma_start3A_215] : memref<2x128x384xi32, #tpu.memory_space<vmem>> -> memref<1x128x384xi32, #tpu.memory_space<vmem>>
    %dma_start3A_217 = tpu.memref_squeeze %dma_start3A_216 : memref<1x128x384xi32, #tpu.memory_space<vmem>> -> memref<128x384xi32, #tpu.memory_space<vmem>>
    %dma_start3A_218 = arith.constant 0 : i32
    %dma_start3A_219 = tpu.memref_slice %arg2[%add3A_206, %dma_start3A_218] : memref<32768x384xi32, #tpu.memory_space<hbm>> -> memref<128x384xi32, #tpu.memory_space<hbm>>
    tpu.enqueue_dma source(%dma_start3A_219 : memref<128x384xi32, #tpu.memory_space<hbm>>) target(%dma_start3A_217 : memref<128x384xi32, #tpu.memory_space<vmem>>) target_semaphore(%arg7 : memref<!tpu.dma_semaphore, #tpu.memory_space<semaphore_mem>>)
    %dma_wait3A_220 = arith.constant 0 : i32
    %dma_wait3A_221 = arith.constant 0 : i32
    %dma_wait3A_222 = arith.constant 0 : i32
    %dma_wait3A_223 = tpu.memref_slice %arg6[%dma_wait3A_220, %dma_wait3A_221, %dma_wait3A_222] : memref<2x128x384xi32, #tpu.memory_space<vmem>> -> memref<1x128x384xi32, #tpu.memory_space<vmem>>
    %dma_wait3A_224 = tpu.memref_squeeze %dma_wait3A_223 : memref<1x128x384xi32, #tpu.memory_space<vmem>> -> memref<128x384xi32, #tpu.memory_space<vmem>>
    %dma_wait3A_225 = arith.constant 0 : i32
    %dma_wait3A_226 = tpu.memref_slice %arg2[%add3A_206, %dma_wait3A_225] : memref<32768x384xi32, #tpu.memory_space<hbm>> -> memref<128x384xi32, #tpu.memory_space<hbm>>
    %dma_wait3A_227 = arith.constant 0 : i32
    %dma_wait3A_228 = arith.constant 0 : i32
    %dma_wait3A_229 = tpu.memref_slice %arg6[%dma_wait3A_220, %dma_wait3A_227, %dma_wait3A_228] : memref<2x128x384xi32, #tpu.memory_space<vmem>> -> memref<1x128x384xi32, #tpu.memory_space<vmem>>
    %dma_wait3A_230 = tpu.memref_squeeze %dma_wait3A_229 : memref<1x128x384xi32, #tpu.memory_space<vmem>> -> memref<128x384xi32, #tpu.memory_space<vmem>>
    %dma_wait3A_231 = arith.constant 0 : i32
    %dma_wait3A_232 = tpu.memref_slice %arg2[%add3A_206, %dma_wait3A_231] : memref<32768x384xi32, #tpu.memory_space<hbm>> -> memref<128x384xi32, #tpu.memory_space<hbm>>
    tpu.wait_dma2 semaphore(%arg7 : memref<!tpu.dma_semaphore, #tpu.memory_space<semaphore_mem>>) src(%dma_wait3A_232 : memref<128x384xi32, #tpu.memory_space<hbm>>) dst(%dma_wait3A_230 : memref<128x384xi32, #tpu.memory_space<vmem>>)
    %dma_start3A_233 = arith.constant 0 : i32
    %dma_start3A_234 = arith.constant 4 : i32
    %dma_start3A_235 = arith.constant 0 : i32
    %dma_start3A_236 = arith.constant 0 : i32
    %dma_start3A_237 = tpu.memref_slice %arg6[%dma_start3A_233, %dma_start3A_235, %dma_start3A_236] : memref<2x128x384xi32, #tpu.memory_space<vmem>> -> memref<1x128x384xi32, #tpu.memory_space<vmem>>
    %dma_start3A_238 = tpu.memref_squeeze %dma_start3A_237 : memref<1x128x384xi32, #tpu.memory_space<vmem>> -> memref<128x384xi32, #tpu.memory_space<vmem>>
    %dma_start3A_239 = arith.constant 0 : i32
    %dma_start3A_240 = tpu.memref_slice %arg5[%dma_start3A_234, %dma_start3A_239] : memref<8x128xi32, #tpu.memory_space<vmem>> -> memref<1x128xi32, #tpu.memory_space<vmem>>
    %dma_start3A_241 = tpu.memref_squeeze %dma_start3A_240 : memref<1x128xi32, #tpu.memory_space<vmem>> -> memref<128xi32, #tpu.memory_space<vmem>>
    %dma_start3A_242 = arith.constant 0 : i32
    %dma_start3A_243 = arith.constant 0 : i32
    %dma_start3A_244 = tpu.memref_slice %arg4[%dma_start3A_242, %dma_start3A_243] : memref<33280x384xi32, #tpu.memory_space<hbm>> -> memref<33280x384xi32, #tpu.memory_space<hbm>>
    tpu.enqueue_indirect_dma source(%dma_start3A_238 : memref<128x384xi32, #tpu.memory_space<vmem>>) target(%dma_start3A_244 : memref<33280x384xi32, #tpu.memory_space<hbm>>) offsets(%dma_start3A_241 : memref<128xi32, #tpu.memory_space<vmem>>) semaphore(%arg8 : memref<!tpu.dma_semaphore, #tpu.memory_space<semaphore_mem>>)
    %dma_wait3A_245 = arith.constant 1 : i32
    %dma_wait3A_246 = arith.constant 3 : i32
    %dma_wait3A_247 = arith.constant 0 : i32
    %dma_wait3A_248 = arith.constant 0 : i32
    %dma_wait3A_249 = tpu.memref_slice %arg6[%dma_wait3A_245, %dma_wait3A_247, %dma_wait3A_248] : memref<2x128x384xi32, #tpu.memory_space<vmem>> -> memref<1x128x384xi32, #tpu.memory_space<vmem>>
    %dma_wait3A_250 = tpu.memref_squeeze %dma_wait3A_249 : memref<1x128x384xi32, #tpu.memory_space<vmem>> -> memref<128x384xi32, #tpu.memory_space<vmem>>
    %dma_wait3A_251 = arith.constant 0 : i32
    %dma_wait3A_252 = tpu.memref_slice %arg5[%dma_wait3A_246, %dma_wait3A_251] : memref<8x128xi32, #tpu.memory_space<vmem>> -> memref<1x128xi32, #tpu.memory_space<vmem>>
    %dma_wait3A_253 = tpu.memref_squeeze %dma_wait3A_252 : memref<1x128xi32, #tpu.memory_space<vmem>> -> memref<128xi32, #tpu.memory_space<vmem>>
    %dma_wait3A_254 = arith.constant 0 : i32
    %dma_wait3A_255 = arith.constant 0 : i32
    %dma_wait3A_256 = tpu.memref_slice %arg4[%dma_wait3A_254, %dma_wait3A_255] : memref<33280x384xi32, #tpu.memory_space<hbm>> -> memref<33280x384xi32, #tpu.memory_space<hbm>>
    tpu.wait_indirect_dma semaphore(%arg9 : memref<!tpu.dma_semaphore, #tpu.memory_space<semaphore_mem>>) src(%dma_wait3A_250 : memref<128x384xi32, #tpu.memory_space<vmem>>) dst(%dma_wait3A_256 : memref<33280x384xi32, #tpu.memory_space<hbm>>)
    %mul3A_257 = arith.constant 1024 : i32
    %mul3A_258 = arith.muli %add3A, %mul3A_257 : i32
    %add3A_259 = arith.constant 640 : i32
    %add3A_260 = arith.addi %mul3A_258, %add3A_259 : i32
    %dma_start3A_261 = arith.constant 1 : i32
    %dma_start3A_262 = arith.constant 0 : i32
    %dma_start3A_263 = arith.constant 0 : i32
    %dma_start3A_264 = tpu.memref_slice %arg6[%dma_start3A_261, %dma_start3A_262, %dma_start3A_263] : memref<2x128x384xi32, #tpu.memory_space<vmem>> -> memref<1x128x384xi32, #tpu.memory_space<vmem>>
    %dma_start3A_265 = tpu.memref_squeeze %dma_start3A_264 : memref<1x128x384xi32, #tpu.memory_space<vmem>> -> memref<128x384xi32, #tpu.memory_space<vmem>>
    %dma_start3A_266 = arith.constant 0 : i32
    %dma_start3A_267 = tpu.memref_slice %arg2[%add3A_260, %dma_start3A_266] : memref<32768x384xi32, #tpu.memory_space<hbm>> -> memref<128x384xi32, #tpu.memory_space<hbm>>
    %dma_start3A_268 = arith.constant 0 : i32
    %dma_start3A_269 = arith.constant 0 : i32
    %dma_start3A_270 = tpu.memref_slice %arg6[%dma_start3A_261, %dma_start3A_268, %dma_start3A_269] : memref<2x128x384xi32, #tpu.memory_space<vmem>> -> memref<1x128x384xi32, #tpu.memory_space<vmem>>
    %dma_start3A_271 = tpu.memref_squeeze %dma_start3A_270 : memref<1x128x384xi32, #tpu.memory_space<vmem>> -> memref<128x384xi32, #tpu.memory_space<vmem>>
    %dma_start3A_272 = arith.constant 0 : i32
    %dma_start3A_273 = tpu.memref_slice %arg2[%add3A_260, %dma_start3A_272] : memref<32768x384xi32, #tpu.memory_space<hbm>> -> memref<128x384xi32, #tpu.memory_space<hbm>>
    tpu.enqueue_dma source(%dma_start3A_273 : memref<128x384xi32, #tpu.memory_space<hbm>>) target(%dma_start3A_271 : memref<128x384xi32, #tpu.memory_space<vmem>>) target_semaphore(%arg7 : memref<!tpu.dma_semaphore, #tpu.memory_space<semaphore_mem>>)
    %dma_wait3A_274 = arith.constant 1 : i32
    %dma_wait3A_275 = arith.constant 0 : i32
    %dma_wait3A_276 = arith.constant 0 : i32
    %dma_wait3A_277 = tpu.memref_slice %arg6[%dma_wait3A_274, %dma_wait3A_275, %dma_wait3A_276] : memref<2x128x384xi32, #tpu.memory_space<vmem>> -> memref<1x128x384xi32, #tpu.memory_space<vmem>>
    %dma_wait3A_278 = tpu.memref_squeeze %dma_wait3A_277 : memref<1x128x384xi32, #tpu.memory_space<vmem>> -> memref<128x384xi32, #tpu.memory_space<vmem>>
    %dma_wait3A_279 = arith.constant 0 : i32
    %dma_wait3A_280 = tpu.memref_slice %arg2[%add3A_260, %dma_wait3A_279] : memref<32768x384xi32, #tpu.memory_space<hbm>> -> memref<128x384xi32, #tpu.memory_space<hbm>>
    %dma_wait3A_281 = arith.constant 0 : i32
    %dma_wait3A_282 = arith.constant 0 : i32
    %dma_wait3A_283 = tpu.memref_slice %arg6[%dma_wait3A_274, %dma_wait3A_281, %dma_wait3A_282] : memref<2x128x384xi32, #tpu.memory_space<vmem>> -> memref<1x128x384xi32, #tpu.memory_space<vmem>>
    %dma_wait3A_284 = tpu.memref_squeeze %dma_wait3A_283 : memref<1x128x384xi32, #tpu.memory_space<vmem>> -> memref<128x384xi32, #tpu.memory_space<vmem>>
    %dma_wait3A_285 = arith.constant 0 : i32
    %dma_wait3A_286 = tpu.memref_slice %arg2[%add3A_260, %dma_wait3A_285] : memref<32768x384xi32, #tpu.memory_space<hbm>> -> memref<128x384xi32, #tpu.memory_space<hbm>>
    tpu.wait_dma2 semaphore(%arg7 : memref<!tpu.dma_semaphore, #tpu.memory_space<semaphore_mem>>) src(%dma_wait3A_286 : memref<128x384xi32, #tpu.memory_space<hbm>>) dst(%dma_wait3A_284 : memref<128x384xi32, #tpu.memory_space<vmem>>)
    %dma_start3A_287 = arith.constant 1 : i32
    %dma_start3A_288 = arith.constant 5 : i32
    %dma_start3A_289 = arith.constant 0 : i32
    %dma_start3A_290 = arith.constant 0 : i32
    %dma_start3A_291 = tpu.memref_slice %arg6[%dma_start3A_287, %dma_start3A_289, %dma_start3A_290] : memref<2x128x384xi32, #tpu.memory_space<vmem>> -> memref<1x128x384xi32, #tpu.memory_space<vmem>>
    %dma_start3A_292 = tpu.memref_squeeze %dma_start3A_291 : memref<1x128x384xi32, #tpu.memory_space<vmem>> -> memref<128x384xi32, #tpu.memory_space<vmem>>
    %dma_start3A_293 = arith.constant 0 : i32
    %dma_start3A_294 = tpu.memref_slice %arg5[%dma_start3A_288, %dma_start3A_293] : memref<8x128xi32, #tpu.memory_space<vmem>> -> memref<1x128xi32, #tpu.memory_space<vmem>>
    %dma_start3A_295 = tpu.memref_squeeze %dma_start3A_294 : memref<1x128xi32, #tpu.memory_space<vmem>> -> memref<128xi32, #tpu.memory_space<vmem>>
    %dma_start3A_296 = arith.constant 0 : i32
    %dma_start3A_297 = arith.constant 0 : i32
    %dma_start3A_298 = tpu.memref_slice %arg4[%dma_start3A_296, %dma_start3A_297] : memref<33280x384xi32, #tpu.memory_space<hbm>> -> memref<33280x384xi32, #tpu.memory_space<hbm>>
    tpu.enqueue_indirect_dma source(%dma_start3A_292 : memref<128x384xi32, #tpu.memory_space<vmem>>) target(%dma_start3A_298 : memref<33280x384xi32, #tpu.memory_space<hbm>>) offsets(%dma_start3A_295 : memref<128xi32, #tpu.memory_space<vmem>>) semaphore(%arg9 : memref<!tpu.dma_semaphore, #tpu.memory_space<semaphore_mem>>)
    %dma_wait3A_299 = arith.constant 0 : i32
    %dma_wait3A_300 = arith.constant 4 : i32
    %dma_wait3A_301 = arith.constant 0 : i32
    %dma_wait3A_302 = arith.constant 0 : i32
    %dma_wait3A_303 = tpu.memref_slice %arg6[%dma_wait3A_299, %dma_wait3A_301, %dma_wait3A_302] : memref<2x128x384xi32, #tpu.memory_space<vmem>> -> memref<1x128x384xi32, #tpu.memory_space<vmem>>
    %dma_wait3A_304 = tpu.memref_squeeze %dma_wait3A_303 : memref<1x128x384xi32, #tpu.memory_space<vmem>> -> memref<128x384xi32, #tpu.memory_space<vmem>>
    %dma_wait3A_305 = arith.constant 0 : i32
    %dma_wait3A_306 = tpu.memref_slice %arg5[%dma_wait3A_300, %dma_wait3A_305] : memref<8x128xi32, #tpu.memory_space<vmem>> -> memref<1x128xi32, #tpu.memory_space<vmem>>
    %dma_wait3A_307 = tpu.memref_squeeze %dma_wait3A_306 : memref<1x128xi32, #tpu.memory_space<vmem>> -> memref<128xi32, #tpu.memory_space<vmem>>
    %dma_wait3A_308 = arith.constant 0 : i32
    %dma_wait3A_309 = arith.constant 0 : i32
    %dma_wait3A_310 = tpu.memref_slice %arg4[%dma_wait3A_308, %dma_wait3A_309] : memref<33280x384xi32, #tpu.memory_space<hbm>> -> memref<33280x384xi32, #tpu.memory_space<hbm>>
    tpu.wait_indirect_dma semaphore(%arg8 : memref<!tpu.dma_semaphore, #tpu.memory_space<semaphore_mem>>) src(%dma_wait3A_304 : memref<128x384xi32, #tpu.memory_space<vmem>>) dst(%dma_wait3A_310 : memref<33280x384xi32, #tpu.memory_space<hbm>>)
    %mul3A_311 = arith.constant 1024 : i32
    %mul3A_312 = arith.muli %add3A, %mul3A_311 : i32
    %add3A_313 = arith.constant 768 : i32
    %add3A_314 = arith.addi %mul3A_312, %add3A_313 : i32
    %dma_start3A_315 = arith.constant 0 : i32
    %dma_start3A_316 = arith.constant 0 : i32
    %dma_start3A_317 = arith.constant 0 : i32
    %dma_start3A_318 = tpu.memref_slice %arg6[%dma_start3A_315, %dma_start3A_316, %dma_start3A_317] : memref<2x128x384xi32, #tpu.memory_space<vmem>> -> memref<1x128x384xi32, #tpu.memory_space<vmem>>
    %dma_start3A_319 = tpu.memref_squeeze %dma_start3A_318 : memref<1x128x384xi32, #tpu.memory_space<vmem>> -> memref<128x384xi32, #tpu.memory_space<vmem>>
    %dma_start3A_320 = arith.constant 0 : i32
    %dma_start3A_321 = tpu.memref_slice %arg2[%add3A_314, %dma_start3A_320] : memref<32768x384xi32, #tpu.memory_space<hbm>> -> memref<128x384xi32, #tpu.memory_space<hbm>>
    %dma_start3A_322 = arith.constant 0 : i32
    %dma_start3A_323 = arith.constant 0 : i32
    %dma_start3A_324 = tpu.memref_slice %arg6[%dma_start3A_315, %dma_start3A_322, %dma_start3A_323] : memref<2x128x384xi32, #tpu.memory_space<vmem>> -> memref<1x128x384xi32, #tpu.memory_space<vmem>>
    %dma_start3A_325 = tpu.memref_squeeze %dma_start3A_324 : memref<1x128x384xi32, #tpu.memory_space<vmem>> -> memref<128x384xi32, #tpu.memory_space<vmem>>
    %dma_start3A_326 = arith.constant 0 : i32
    %dma_start3A_327 = tpu.memref_slice %arg2[%add3A_314, %dma_start3A_326] : memref<32768x384xi32, #tpu.memory_space<hbm>> -> memref<128x384xi32, #tpu.memory_space<hbm>>
    tpu.enqueue_dma source(%dma_start3A_327 : memref<128x384xi32, #tpu.memory_space<hbm>>) target(%dma_start3A_325 : memref<128x384xi32, #tpu.memory_space<vmem>>) target_semaphore(%arg7 : memref<!tpu.dma_semaphore, #tpu.memory_space<semaphore_mem>>)
    %dma_wait3A_328 = arith.constant 0 : i32
    %dma_wait3A_329 = arith.constant 0 : i32
    %dma_wait3A_330 = arith.constant 0 : i32
    %dma_wait3A_331 = tpu.memref_slice %arg6[%dma_wait3A_328, %dma_wait3A_329, %dma_wait3A_330] : memref<2x128x384xi32, #tpu.memory_space<vmem>> -> memref<1x128x384xi32, #tpu.memory_space<vmem>>
    %dma_wait3A_332 = tpu.memref_squeeze %dma_wait3A_331 : memref<1x128x384xi32, #tpu.memory_space<vmem>> -> memref<128x384xi32, #tpu.memory_space<vmem>>
    %dma_wait3A_333 = arith.constant 0 : i32
    %dma_wait3A_334 = tpu.memref_slice %arg2[%add3A_314, %dma_wait3A_333] : memref<32768x384xi32, #tpu.memory_space<hbm>> -> memref<128x384xi32, #tpu.memory_space<hbm>>
    %dma_wait3A_335 = arith.constant 0 : i32
    %dma_wait3A_336 = arith.constant 0 : i32
    %dma_wait3A_337 = tpu.memref_slice %arg6[%dma_wait3A_328, %dma_wait3A_335, %dma_wait3A_336] : memref<2x128x384xi32, #tpu.memory_space<vmem>> -> memref<1x128x384xi32, #tpu.memory_space<vmem>>
    %dma_wait3A_338 = tpu.memref_squeeze %dma_wait3A_337 : memref<1x128x384xi32, #tpu.memory_space<vmem>> -> memref<128x384xi32, #tpu.memory_space<vmem>>
    %dma_wait3A_339 = arith.constant 0 : i32
    %dma_wait3A_340 = tpu.memref_slice %arg2[%add3A_314, %dma_wait3A_339] : memref<32768x384xi32, #tpu.memory_space<hbm>> -> memref<128x384xi32, #tpu.memory_space<hbm>>
    tpu.wait_dma2 semaphore(%arg7 : memref<!tpu.dma_semaphore, #tpu.memory_space<semaphore_mem>>) src(%dma_wait3A_340 : memref<128x384xi32, #tpu.memory_space<hbm>>) dst(%dma_wait3A_338 : memref<128x384xi32, #tpu.memory_space<vmem>>)
    %dma_start3A_341 = arith.constant 0 : i32
    %dma_start3A_342 = arith.constant 6 : i32
    %dma_start3A_343 = arith.constant 0 : i32
    %dma_start3A_344 = arith.constant 0 : i32
    %dma_start3A_345 = tpu.memref_slice %arg6[%dma_start3A_341, %dma_start3A_343, %dma_start3A_344] : memref<2x128x384xi32, #tpu.memory_space<vmem>> -> memref<1x128x384xi32, #tpu.memory_space<vmem>>
    %dma_start3A_346 = tpu.memref_squeeze %dma_start3A_345 : memref<1x128x384xi32, #tpu.memory_space<vmem>> -> memref<128x384xi32, #tpu.memory_space<vmem>>
    %dma_start3A_347 = arith.constant 0 : i32
    %dma_start3A_348 = tpu.memref_slice %arg5[%dma_start3A_342, %dma_start3A_347] : memref<8x128xi32, #tpu.memory_space<vmem>> -> memref<1x128xi32, #tpu.memory_space<vmem>>
    %dma_start3A_349 = tpu.memref_squeeze %dma_start3A_348 : memref<1x128xi32, #tpu.memory_space<vmem>> -> memref<128xi32, #tpu.memory_space<vmem>>
    %dma_start3A_350 = arith.constant 0 : i32
    %dma_start3A_351 = arith.constant 0 : i32
    %dma_start3A_352 = tpu.memref_slice %arg4[%dma_start3A_350, %dma_start3A_351] : memref<33280x384xi32, #tpu.memory_space<hbm>> -> memref<33280x384xi32, #tpu.memory_space<hbm>>
    tpu.enqueue_indirect_dma source(%dma_start3A_346 : memref<128x384xi32, #tpu.memory_space<vmem>>) target(%dma_start3A_352 : memref<33280x384xi32, #tpu.memory_space<hbm>>) offsets(%dma_start3A_349 : memref<128xi32, #tpu.memory_space<vmem>>) semaphore(%arg8 : memref<!tpu.dma_semaphore, #tpu.memory_space<semaphore_mem>>)
    %dma_wait3A_353 = arith.constant 1 : i32
    %dma_wait3A_354 = arith.constant 5 : i32
    %dma_wait3A_355 = arith.constant 0 : i32
    %dma_wait3A_356 = arith.constant 0 : i32
    %dma_wait3A_357 = tpu.memref_slice %arg6[%dma_wait3A_353, %dma_wait3A_355, %dma_wait3A_356] : memref<2x128x384xi32, #tpu.memory_space<vmem>> -> memref<1x128x384xi32, #tpu.memory_space<vmem>>
    %dma_wait3A_358 = tpu.memref_squeeze %dma_wait3A_357 : memref<1x128x384xi32, #tpu.memory_space<vmem>> -> memref<128x384xi32, #tpu.memory_space<vmem>>
    %dma_wait3A_359 = arith.constant 0 : i32
    %dma_wait3A_360 = tpu.memref_slice %arg5[%dma_wait3A_354, %dma_wait3A_359] : memref<8x128xi32, #tpu.memory_space<vmem>> -> memref<1x128xi32, #tpu.memory_space<vmem>>
    %dma_wait3A_361 = tpu.memref_squeeze %dma_wait3A_360 : memref<1x128xi32, #tpu.memory_space<vmem>> -> memref<128xi32, #tpu.memory_space<vmem>>
    %dma_wait3A_362 = arith.constant 0 : i32
    %dma_wait3A_363 = arith.constant 0 : i32
    %dma_wait3A_364 = tpu.memref_slice %arg4[%dma_wait3A_362, %dma_wait3A_363] : memref<33280x384xi32, #tpu.memory_space<hbm>> -> memref<33280x384xi32, #tpu.memory_space<hbm>>
    tpu.wait_indirect_dma semaphore(%arg9 : memref<!tpu.dma_semaphore, #tpu.memory_space<semaphore_mem>>) src(%dma_wait3A_358 : memref<128x384xi32, #tpu.memory_space<vmem>>) dst(%dma_wait3A_364 : memref<33280x384xi32, #tpu.memory_space<hbm>>)
    %mul3A_365 = arith.constant 1024 : i32
    %mul3A_366 = arith.muli %add3A, %mul3A_365 : i32
    %add3A_367 = arith.constant 896 : i32
    %add3A_368 = arith.addi %mul3A_366, %add3A_367 : i32
    %dma_start3A_369 = arith.constant 1 : i32
    %dma_start3A_370 = arith.constant 0 : i32
    %dma_start3A_371 = arith.constant 0 : i32
    %dma_start3A_372 = tpu.memref_slice %arg6[%dma_start3A_369, %dma_start3A_370, %dma_start3A_371] : memref<2x128x384xi32, #tpu.memory_space<vmem>> -> memref<1x128x384xi32, #tpu.memory_space<vmem>>
    %dma_start3A_373 = tpu.memref_squeeze %dma_start3A_372 : memref<1x128x384xi32, #tpu.memory_space<vmem>> -> memref<128x384xi32, #tpu.memory_space<vmem>>
    %dma_start3A_374 = arith.constant 0 : i32
    %dma_start3A_375 = tpu.memref_slice %arg2[%add3A_368, %dma_start3A_374] : memref<32768x384xi32, #tpu.memory_space<hbm>> -> memref<128x384xi32, #tpu.memory_space<hbm>>
    %dma_start3A_376 = arith.constant 0 : i32
    %dma_start3A_377 = arith.constant 0 : i32
    %dma_start3A_378 = tpu.memref_slice %arg6[%dma_start3A_369, %dma_start3A_376, %dma_start3A_377] : memref<2x128x384xi32, #tpu.memory_space<vmem>> -> memref<1x128x384xi32, #tpu.memory_space<vmem>>
    %dma_start3A_379 = tpu.memref_squeeze %dma_start3A_378 : memref<1x128x384xi32, #tpu.memory_space<vmem>> -> memref<128x384xi32, #tpu.memory_space<vmem>>
    %dma_start3A_380 = arith.constant 0 : i32
    %dma_start3A_381 = tpu.memref_slice %arg2[%add3A_368, %dma_start3A_380] : memref<32768x384xi32, #tpu.memory_space<hbm>> -> memref<128x384xi32, #tpu.memory_space<hbm>>
    tpu.enqueue_dma source(%dma_start3A_381 : memref<128x384xi32, #tpu.memory_space<hbm>>) target(%dma_start3A_379 : memref<128x384xi32, #tpu.memory_space<vmem>>) target_semaphore(%arg7 : memref<!tpu.dma_semaphore, #tpu.memory_space<semaphore_mem>>)
    %dma_wait3A_382 = arith.constant 1 : i32
    %dma_wait3A_383 = arith.constant 0 : i32
    %dma_wait3A_384 = arith.constant 0 : i32
    %dma_wait3A_385 = tpu.memref_slice %arg6[%dma_wait3A_382, %dma_wait3A_383, %dma_wait3A_384] : memref<2x128x384xi32, #tpu.memory_space<vmem>> -> memref<1x128x384xi32, #tpu.memory_space<vmem>>
    %dma_wait3A_386 = tpu.memref_squeeze %dma_wait3A_385 : memref<1x128x384xi32, #tpu.memory_space<vmem>> -> memref<128x384xi32, #tpu.memory_space<vmem>>
    %dma_wait3A_387 = arith.constant 0 : i32
    %dma_wait3A_388 = tpu.memref_slice %arg2[%add3A_368, %dma_wait3A_387] : memref<32768x384xi32, #tpu.memory_space<hbm>> -> memref<128x384xi32, #tpu.memory_space<hbm>>
    %dma_wait3A_389 = arith.constant 0 : i32
    %dma_wait3A_390 = arith.constant 0 : i32
    %dma_wait3A_391 = tpu.memref_slice %arg6[%dma_wait3A_382, %dma_wait3A_389, %dma_wait3A_390] : memref<2x128x384xi32, #tpu.memory_space<vmem>> -> memref<1x128x384xi32, #tpu.memory_space<vmem>>
    %dma_wait3A_392 = tpu.memref_squeeze %dma_wait3A_391 : memref<1x128x384xi32, #tpu.memory_space<vmem>> -> memref<128x384xi32, #tpu.memory_space<vmem>>
    %dma_wait3A_393 = arith.constant 0 : i32
    %dma_wait3A_394 = tpu.memref_slice %arg2[%add3A_368, %dma_wait3A_393] : memref<32768x384xi32, #tpu.memory_space<hbm>> -> memref<128x384xi32, #tpu.memory_space<hbm>>
    tpu.wait_dma2 semaphore(%arg7 : memref<!tpu.dma_semaphore, #tpu.memory_space<semaphore_mem>>) src(%dma_wait3A_394 : memref<128x384xi32, #tpu.memory_space<hbm>>) dst(%dma_wait3A_392 : memref<128x384xi32, #tpu.memory_space<vmem>>)
    %dma_start3A_395 = arith.constant 1 : i32
    %dma_start3A_396 = arith.constant 7 : i32
    %dma_start3A_397 = arith.constant 0 : i32
    %dma_start3A_398 = arith.constant 0 : i32
    %dma_start3A_399 = tpu.memref_slice %arg6[%dma_start3A_395, %dma_start3A_397, %dma_start3A_398] : memref<2x128x384xi32, #tpu.memory_space<vmem>> -> memref<1x128x384xi32, #tpu.memory_space<vmem>>
    %dma_start3A_400 = tpu.memref_squeeze %dma_start3A_399 : memref<1x128x384xi32, #tpu.memory_space<vmem>> -> memref<128x384xi32, #tpu.memory_space<vmem>>
    %dma_start3A_401 = arith.constant 0 : i32
    %dma_start3A_402 = tpu.memref_slice %arg5[%dma_start3A_396, %dma_start3A_401] : memref<8x128xi32, #tpu.memory_space<vmem>> -> memref<1x128xi32, #tpu.memory_space<vmem>>
    %dma_start3A_403 = tpu.memref_squeeze %dma_start3A_402 : memref<1x128xi32, #tpu.memory_space<vmem>> -> memref<128xi32, #tpu.memory_space<vmem>>
    %dma_start3A_404 = arith.constant 0 : i32
    %dma_start3A_405 = arith.constant 0 : i32
    %dma_start3A_406 = tpu.memref_slice %arg4[%dma_start3A_404, %dma_start3A_405] : memref<33280x384xi32, #tpu.memory_space<hbm>> -> memref<33280x384xi32, #tpu.memory_space<hbm>>
    tpu.enqueue_indirect_dma source(%dma_start3A_400 : memref<128x384xi32, #tpu.memory_space<vmem>>) target(%dma_start3A_406 : memref<33280x384xi32, #tpu.memory_space<hbm>>) offsets(%dma_start3A_403 : memref<128xi32, #tpu.memory_space<vmem>>) semaphore(%arg9 : memref<!tpu.dma_semaphore, #tpu.memory_space<semaphore_mem>>)
    %dma_wait3A_407 = arith.constant 0 : i32
    %dma_wait3A_408 = arith.constant 6 : i32
    %dma_wait3A_409 = arith.constant 0 : i32
    %dma_wait3A_410 = arith.constant 0 : i32
    %dma_wait3A_411 = tpu.memref_slice %arg6[%dma_wait3A_407, %dma_wait3A_409, %dma_wait3A_410] : memref<2x128x384xi32, #tpu.memory_space<vmem>> -> memref<1x128x384xi32, #tpu.memory_space<vmem>>
    %dma_wait3A_412 = tpu.memref_squeeze %dma_wait3A_411 : memref<1x128x384xi32, #tpu.memory_space<vmem>> -> memref<128x384xi32, #tpu.memory_space<vmem>>
    %dma_wait3A_413 = arith.constant 0 : i32
    %dma_wait3A_414 = tpu.memref_slice %arg5[%dma_wait3A_408, %dma_wait3A_413] : memref<8x128xi32, #tpu.memory_space<vmem>> -> memref<1x128xi32, #tpu.memory_space<vmem>>
    %dma_wait3A_415 = tpu.memref_squeeze %dma_wait3A_414 : memref<1x128xi32, #tpu.memory_space<vmem>> -> memref<128xi32, #tpu.memory_space<vmem>>
    %dma_wait3A_416 = arith.constant 0 : i32
    %dma_wait3A_417 = arith.constant 0 : i32
    %dma_wait3A_418 = tpu.memref_slice %arg4[%dma_wait3A_416, %dma_wait3A_417] : memref<33280x384xi32, #tpu.memory_space<hbm>> -> memref<33280x384xi32, #tpu.memory_space<hbm>>
    tpu.wait_indirect_dma semaphore(%arg8 : memref<!tpu.dma_semaphore, #tpu.memory_space<semaphore_mem>>) src(%dma_wait3A_412 : memref<128x384xi32, #tpu.memory_space<vmem>>) dst(%dma_wait3A_418 : memref<33280x384xi32, #tpu.memory_space<hbm>>)
    %dma_wait3A_419 = arith.constant 1 : i32
    %dma_wait3A_420 = arith.constant 7 : i32
    %dma_wait3A_421 = arith.constant 0 : i32
    %dma_wait3A_422 = arith.constant 0 : i32
    %dma_wait3A_423 = tpu.memref_slice %arg6[%dma_wait3A_419, %dma_wait3A_421, %dma_wait3A_422] : memref<2x128x384xi32, #tpu.memory_space<vmem>> -> memref<1x128x384xi32, #tpu.memory_space<vmem>>
    %dma_wait3A_424 = tpu.memref_squeeze %dma_wait3A_423 : memref<1x128x384xi32, #tpu.memory_space<vmem>> -> memref<128x384xi32, #tpu.memory_space<vmem>>
    %dma_wait3A_425 = arith.constant 0 : i32
    %dma_wait3A_426 = tpu.memref_slice %arg5[%dma_wait3A_420, %dma_wait3A_425] : memref<8x128xi32, #tpu.memory_space<vmem>> -> memref<1x128xi32, #tpu.memory_space<vmem>>
    %dma_wait3A_427 = tpu.memref_squeeze %dma_wait3A_426 : memref<1x128xi32, #tpu.memory_space<vmem>> -> memref<128xi32, #tpu.memory_space<vmem>>
    %dma_wait3A_428 = arith.constant 0 : i32
    %dma_wait3A_429 = arith.constant 0 : i32
    %dma_wait3A_430 = tpu.memref_slice %arg4[%dma_wait3A_428, %dma_wait3A_429] : memref<33280x384xi32, #tpu.memory_space<hbm>> -> memref<33280x384xi32, #tpu.memory_space<hbm>>
    tpu.wait_indirect_dma semaphore(%arg9 : memref<!tpu.dma_semaphore, #tpu.memory_space<semaphore_mem>>) src(%dma_wait3A_424 : memref<128x384xi32, #tpu.memory_space<vmem>>) dst(%dma_wait3A_430 : memref<33280x384xi32, #tpu.memory_space<hbm>>)
    return
  }
}

#map = affine_map<(d0, d1) -> (0, 0)>
#map1 = affine_map<(d0, d1) -> (0, 0, 0)>
module attributes {stable_mosaic.version = 14 : i64} {
  func.func @combine(%arg0: i32, %arg1: i32, %arg2: memref<33280x768xf32, #tpu.memory_space<hbm>>, %arg3: memref<32x16x64xi32, #tpu.memory_space<hbm>>, %arg4: memref<32768x768xf32, #tpu.memory_space<hbm>>, %arg5: memref<16x64xi32, #tpu.memory_space<vmem>>, %arg6: memref<2x64x768xf32, #tpu.memory_space<vmem>>, %arg7: memref<!tpu.dma_semaphore, #tpu.memory_space<semaphore_mem>>, %arg8: memref<!tpu.dma_semaphore, #tpu.memory_space<semaphore_mem>>, %arg9: memref<!tpu.dma_semaphore, #tpu.memory_space<semaphore_mem>>) attributes {dimension_semantics = [#tpu.dimension_semantics<core_parallel>, #tpu.dimension_semantics<subcore_parallel>], iteration_bounds = array<i64: 2, 16>, scalar_prefetch = 0 : i64, scratch_operands = 5 : i64, tpu.core_type = #tpu.core_type<sc_vector_subcore>, window_params = [{transform_indices = #map}, {transform_indices = #map1}, {transform_indices = #map}]} {
    %mul3A = arith.constant 2 : i32
    %mul3A_0 = arith.muli %arg1, %mul3A : i32
    %add3A = arith.addi %mul3A_0, %arg0 : i32
    "tpu.region"() ({
      %run_scoped3A = tpu.sem_alloc : memref<!tpu.dma_semaphore, #tpu.memory_space<semaphore_mem>>
      %dma_start3A_863 = arith.constant 0 : i32
      %dma_start3A_864 = arith.constant 0 : i32
      %dma_start3A_865 = tpu.memref_slice %arg3[%add3A, %dma_start3A_863, %dma_start3A_864] : memref<32x16x64xi32, #tpu.memory_space<hbm>> -> memref<1x16x64xi32, #tpu.memory_space<hbm>>
      %dma_start3A_866 = tpu.memref_squeeze %dma_start3A_865 : memref<1x16x64xi32, #tpu.memory_space<hbm>> -> memref<16x64xi32, #tpu.memory_space<hbm>>
      %dma_start3A_867 = arith.constant 0 : i32
      %dma_start3A_868 = arith.constant 0 : i32
      %dma_start3A_869 = tpu.memref_slice %arg3[%add3A, %dma_start3A_867, %dma_start3A_868] : memref<32x16x64xi32, #tpu.memory_space<hbm>> -> memref<1x16x64xi32, #tpu.memory_space<hbm>>
      %dma_start3A_870 = tpu.memref_squeeze %dma_start3A_869 : memref<1x16x64xi32, #tpu.memory_space<hbm>> -> memref<16x64xi32, #tpu.memory_space<hbm>>
      tpu.enqueue_dma source(%dma_start3A_870 : memref<16x64xi32, #tpu.memory_space<hbm>>) target(%arg5 : memref<16x64xi32, #tpu.memory_space<vmem>>) target_semaphore(%run_scoped3A : memref<!tpu.dma_semaphore, #tpu.memory_space<semaphore_mem>>)
      %dma_wait3A_871 = arith.constant 0 : i32
      %dma_wait3A_872 = arith.constant 0 : i32
      %dma_wait3A_873 = tpu.memref_slice %arg3[%add3A, %dma_wait3A_871, %dma_wait3A_872] : memref<32x16x64xi32, #tpu.memory_space<hbm>> -> memref<1x16x64xi32, #tpu.memory_space<hbm>>
      %dma_wait3A_874 = tpu.memref_squeeze %dma_wait3A_873 : memref<1x16x64xi32, #tpu.memory_space<hbm>> -> memref<16x64xi32, #tpu.memory_space<hbm>>
      %dma_wait3A_875 = arith.constant 0 : i32
      %dma_wait3A_876 = arith.constant 0 : i32
      %dma_wait3A_877 = tpu.memref_slice %arg3[%add3A, %dma_wait3A_875, %dma_wait3A_876] : memref<32x16x64xi32, #tpu.memory_space<hbm>> -> memref<1x16x64xi32, #tpu.memory_space<hbm>>
      %dma_wait3A_878 = tpu.memref_squeeze %dma_wait3A_877 : memref<1x16x64xi32, #tpu.memory_space<hbm>> -> memref<16x64xi32, #tpu.memory_space<hbm>>
      tpu.wait_dma2 semaphore(%run_scoped3A : memref<!tpu.dma_semaphore, #tpu.memory_space<semaphore_mem>>) src(%dma_wait3A_878 : memref<16x64xi32, #tpu.memory_space<hbm>>) dst(%arg5 : memref<16x64xi32, #tpu.memory_space<vmem>>)
      tpu.yield
    }) : () -> ()
    %dma_start3A = arith.constant 0 : i32
    %dma_start3A_1 = arith.constant 0 : i32
    %dma_start3A_2 = arith.constant 0 : i32
    %dma_start3A_3 = arith.constant 0 : i32
    %dma_start3A_4 = tpu.memref_slice %arg6[%dma_start3A_1, %dma_start3A_2, %dma_start3A_3] : memref<2x64x768xf32, #tpu.memory_space<vmem>> -> memref<1x64x768xf32, #tpu.memory_space<vmem>>
    %dma_start3A_5 = tpu.memref_squeeze %dma_start3A_4 : memref<1x64x768xf32, #tpu.memory_space<vmem>> -> memref<64x768xf32, #tpu.memory_space<vmem>>
    %dma_start3A_6 = arith.constant 0 : i32
    %dma_start3A_7 = tpu.memref_slice %arg5[%dma_start3A, %dma_start3A_6] : memref<16x64xi32, #tpu.memory_space<vmem>> -> memref<1x64xi32, #tpu.memory_space<vmem>>
    %dma_start3A_8 = tpu.memref_squeeze %dma_start3A_7 : memref<1x64xi32, #tpu.memory_space<vmem>> -> memref<64xi32, #tpu.memory_space<vmem>>
    %dma_start3A_9 = arith.constant 0 : i32
    %dma_start3A_10 = arith.constant 0 : i32
    %dma_start3A_11 = tpu.memref_slice %arg2[%dma_start3A_9, %dma_start3A_10] : memref<33280x768xf32, #tpu.memory_space<hbm>> -> memref<33280x768xf32, #tpu.memory_space<hbm>>
    tpu.enqueue_indirect_dma source(%dma_start3A_11 : memref<33280x768xf32, #tpu.memory_space<hbm>>) target(%dma_start3A_5 : memref<64x768xf32, #tpu.memory_space<vmem>>) offsets(%dma_start3A_8 : memref<64xi32, #tpu.memory_space<vmem>>) semaphore(%arg7 : memref<!tpu.dma_semaphore, #tpu.memory_space<semaphore_mem>>)
    %dma_wait3A = arith.constant 0 : i32
    %dma_wait3A_12 = arith.constant 0 : i32
    %dma_wait3A_13 = arith.constant 0 : i32
    %dma_wait3A_14 = arith.constant 0 : i32
    %dma_wait3A_15 = tpu.memref_slice %arg6[%dma_wait3A_12, %dma_wait3A_13, %dma_wait3A_14] : memref<2x64x768xf32, #tpu.memory_space<vmem>> -> memref<1x64x768xf32, #tpu.memory_space<vmem>>
    %dma_wait3A_16 = tpu.memref_squeeze %dma_wait3A_15 : memref<1x64x768xf32, #tpu.memory_space<vmem>> -> memref<64x768xf32, #tpu.memory_space<vmem>>
    %dma_wait3A_17 = arith.constant 0 : i32
    %dma_wait3A_18 = tpu.memref_slice %arg5[%dma_wait3A, %dma_wait3A_17] : memref<16x64xi32, #tpu.memory_space<vmem>> -> memref<1x64xi32, #tpu.memory_space<vmem>>
    %dma_wait3A_19 = tpu.memref_squeeze %dma_wait3A_18 : memref<1x64xi32, #tpu.memory_space<vmem>> -> memref<64xi32, #tpu.memory_space<vmem>>
    %dma_wait3A_20 = arith.constant 0 : i32
    %dma_wait3A_21 = arith.constant 0 : i32
    %dma_wait3A_22 = tpu.memref_slice %arg2[%dma_wait3A_20, %dma_wait3A_21] : memref<33280x768xf32, #tpu.memory_space<hbm>> -> memref<33280x768xf32, #tpu.memory_space<hbm>>
    tpu.wait_indirect_dma semaphore(%arg7 : memref<!tpu.dma_semaphore, #tpu.memory_space<semaphore_mem>>) src(%dma_wait3A_22 : memref<33280x768xf32, #tpu.memory_space<hbm>>) dst(%dma_wait3A_16 : memref<64x768xf32, #tpu.memory_space<vmem>>)
    %mul3A_23 = arith.constant 1024 : i32
    %mul3A_24 = arith.muli %add3A, %mul3A_23 : i32
    %add3A_25 = arith.constant 0 : i32
    %add3A_26 = arith.addi %mul3A_24, %add3A_25 : i32
    %dma_start3A_27 = arith.constant 0 : i32
    %dma_start3A_28 = arith.constant 0 : i32
    %dma_start3A_29 = arith.constant 0 : i32
    %dma_start3A_30 = tpu.memref_slice %arg6[%dma_start3A_27, %dma_start3A_28, %dma_start3A_29] : memref<2x64x768xf32, #tpu.memory_space<vmem>> -> memref<1x64x768xf32, #tpu.memory_space<vmem>>
    %dma_start3A_31 = tpu.memref_squeeze %dma_start3A_30 : memref<1x64x768xf32, #tpu.memory_space<vmem>> -> memref<64x768xf32, #tpu.memory_space<vmem>>
    %dma_start3A_32 = arith.constant 0 : i32
    %dma_start3A_33 = tpu.memref_slice %arg4[%add3A_26, %dma_start3A_32] : memref<32768x768xf32, #tpu.memory_space<hbm>> -> memref<64x768xf32, #tpu.memory_space<hbm>>
    %dma_start3A_34 = arith.constant 0 : i32
    %dma_start3A_35 = tpu.memref_slice %arg4[%add3A_26, %dma_start3A_34] : memref<32768x768xf32, #tpu.memory_space<hbm>> -> memref<64x768xf32, #tpu.memory_space<hbm>>
    %dma_start3A_36 = arith.constant 0 : i32
    %dma_start3A_37 = arith.constant 0 : i32
    %dma_start3A_38 = tpu.memref_slice %arg6[%dma_start3A_27, %dma_start3A_36, %dma_start3A_37] : memref<2x64x768xf32, #tpu.memory_space<vmem>> -> memref<1x64x768xf32, #tpu.memory_space<vmem>>
    %dma_start3A_39 = tpu.memref_squeeze %dma_start3A_38 : memref<1x64x768xf32, #tpu.memory_space<vmem>> -> memref<64x768xf32, #tpu.memory_space<vmem>>
    tpu.enqueue_dma source(%dma_start3A_39 : memref<64x768xf32, #tpu.memory_space<vmem>>) target(%dma_start3A_35 : memref<64x768xf32, #tpu.memory_space<hbm>>) target_semaphore(%arg8 : memref<!tpu.dma_semaphore, #tpu.memory_space<semaphore_mem>>)
    %dma_start3A_40 = arith.constant 1 : i32
    %dma_start3A_41 = arith.constant 1 : i32
    %dma_start3A_42 = arith.constant 0 : i32
    %dma_start3A_43 = arith.constant 0 : i32
    %dma_start3A_44 = tpu.memref_slice %arg6[%dma_start3A_41, %dma_start3A_42, %dma_start3A_43] : memref<2x64x768xf32, #tpu.memory_space<vmem>> -> memref<1x64x768xf32, #tpu.memory_space<vmem>>
    %dma_start3A_45 = tpu.memref_squeeze %dma_start3A_44 : memref<1x64x768xf32, #tpu.memory_space<vmem>> -> memref<64x768xf32, #tpu.memory_space<vmem>>
    %dma_start3A_46 = arith.constant 0 : i32
    %dma_start3A_47 = tpu.memref_slice %arg5[%dma_start3A_40, %dma_start3A_46] : memref<16x64xi32, #tpu.memory_space<vmem>> -> memref<1x64xi32, #tpu.memory_space<vmem>>
    %dma_start3A_48 = tpu.memref_squeeze %dma_start3A_47 : memref<1x64xi32, #tpu.memory_space<vmem>> -> memref<64xi32, #tpu.memory_space<vmem>>
    %dma_start3A_49 = arith.constant 0 : i32
    %dma_start3A_50 = arith.constant 0 : i32
    %dma_start3A_51 = tpu.memref_slice %arg2[%dma_start3A_49, %dma_start3A_50] : memref<33280x768xf32, #tpu.memory_space<hbm>> -> memref<33280x768xf32, #tpu.memory_space<hbm>>
    tpu.enqueue_indirect_dma source(%dma_start3A_51 : memref<33280x768xf32, #tpu.memory_space<hbm>>) target(%dma_start3A_45 : memref<64x768xf32, #tpu.memory_space<vmem>>) offsets(%dma_start3A_48 : memref<64xi32, #tpu.memory_space<vmem>>) semaphore(%arg7 : memref<!tpu.dma_semaphore, #tpu.memory_space<semaphore_mem>>)
    %dma_wait3A_52 = arith.constant 1 : i32
    %dma_wait3A_53 = arith.constant 1 : i32
    %dma_wait3A_54 = arith.constant 0 : i32
    %dma_wait3A_55 = arith.constant 0 : i32
    %dma_wait3A_56 = tpu.memref_slice %arg6[%dma_wait3A_53, %dma_wait3A_54, %dma_wait3A_55] : memref<2x64x768xf32, #tpu.memory_space<vmem>> -> memref<1x64x768xf32, #tpu.memory_space<vmem>>
    %dma_wait3A_57 = tpu.memref_squeeze %dma_wait3A_56 : memref<1x64x768xf32, #tpu.memory_space<vmem>> -> memref<64x768xf32, #tpu.memory_space<vmem>>
    %dma_wait3A_58 = arith.constant 0 : i32
    %dma_wait3A_59 = tpu.memref_slice %arg5[%dma_wait3A_52, %dma_wait3A_58] : memref<16x64xi32, #tpu.memory_space<vmem>> -> memref<1x64xi32, #tpu.memory_space<vmem>>
    %dma_wait3A_60 = tpu.memref_squeeze %dma_wait3A_59 : memref<1x64xi32, #tpu.memory_space<vmem>> -> memref<64xi32, #tpu.memory_space<vmem>>
    %dma_wait3A_61 = arith.constant 0 : i32
    %dma_wait3A_62 = arith.constant 0 : i32
    %dma_wait3A_63 = tpu.memref_slice %arg2[%dma_wait3A_61, %dma_wait3A_62] : memref<33280x768xf32, #tpu.memory_space<hbm>> -> memref<33280x768xf32, #tpu.memory_space<hbm>>
    tpu.wait_indirect_dma semaphore(%arg7 : memref<!tpu.dma_semaphore, #tpu.memory_space<semaphore_mem>>) src(%dma_wait3A_63 : memref<33280x768xf32, #tpu.memory_space<hbm>>) dst(%dma_wait3A_57 : memref<64x768xf32, #tpu.memory_space<vmem>>)
    %mul3A_64 = arith.constant 1024 : i32
    %mul3A_65 = arith.muli %add3A, %mul3A_64 : i32
    %add3A_66 = arith.constant 64 : i32
    %add3A_67 = arith.addi %mul3A_65, %add3A_66 : i32
    %dma_start3A_68 = arith.constant 1 : i32
    %dma_start3A_69 = arith.constant 0 : i32
    %dma_start3A_70 = arith.constant 0 : i32
    %dma_start3A_71 = tpu.memref_slice %arg6[%dma_start3A_68, %dma_start3A_69, %dma_start3A_70] : memref<2x64x768xf32, #tpu.memory_space<vmem>> -> memref<1x64x768xf32, #tpu.memory_space<vmem>>
    %dma_start3A_72 = tpu.memref_squeeze %dma_start3A_71 : memref<1x64x768xf32, #tpu.memory_space<vmem>> -> memref<64x768xf32, #tpu.memory_space<vmem>>
    %dma_start3A_73 = arith.constant 0 : i32
    %dma_start3A_74 = tpu.memref_slice %arg4[%add3A_67, %dma_start3A_73] : memref<32768x768xf32, #tpu.memory_space<hbm>> -> memref<64x768xf32, #tpu.memory_space<hbm>>
    %dma_start3A_75 = arith.constant 0 : i32
    %dma_start3A_76 = tpu.memref_slice %arg4[%add3A_67, %dma_start3A_75] : memref<32768x768xf32, #tpu.memory_space<hbm>> -> memref<64x768xf32, #tpu.memory_space<hbm>>
    %dma_start3A_77 = arith.constant 0 : i32
    %dma_start3A_78 = arith.constant 0 : i32
    %dma_start3A_79 = tpu.memref_slice %arg6[%dma_start3A_68, %dma_start3A_77, %dma_start3A_78] : memref<2x64x768xf32, #tpu.memory_space<vmem>> -> memref<1x64x768xf32, #tpu.memory_space<vmem>>
    %dma_start3A_80 = tpu.memref_squeeze %dma_start3A_79 : memref<1x64x768xf32, #tpu.memory_space<vmem>> -> memref<64x768xf32, #tpu.memory_space<vmem>>
    tpu.enqueue_dma source(%dma_start3A_80 : memref<64x768xf32, #tpu.memory_space<vmem>>) target(%dma_start3A_76 : memref<64x768xf32, #tpu.memory_space<hbm>>) target_semaphore(%arg9 : memref<!tpu.dma_semaphore, #tpu.memory_space<semaphore_mem>>)
    %dma_wait3A_81 = arith.constant 0 : i32
    %dma_wait3A_82 = arith.constant 0 : i32
    %dma_wait3A_83 = arith.constant 0 : i32
    %dma_wait3A_84 = tpu.memref_slice %arg6[%dma_wait3A_81, %dma_wait3A_82, %dma_wait3A_83] : memref<2x64x768xf32, #tpu.memory_space<vmem>> -> memref<1x64x768xf32, #tpu.memory_space<vmem>>
    %dma_wait3A_85 = tpu.memref_squeeze %dma_wait3A_84 : memref<1x64x768xf32, #tpu.memory_space<vmem>> -> memref<64x768xf32, #tpu.memory_space<vmem>>
    %dma_wait3A_86 = arith.constant 0 : i32
    %dma_wait3A_87 = tpu.memref_slice %arg4[%add3A_26, %dma_wait3A_86] : memref<32768x768xf32, #tpu.memory_space<hbm>> -> memref<64x768xf32, #tpu.memory_space<hbm>>
    %dma_wait3A_88 = arith.constant 0 : i32
    %dma_wait3A_89 = tpu.memref_slice %arg4[%add3A_26, %dma_wait3A_88] : memref<32768x768xf32, #tpu.memory_space<hbm>> -> memref<64x768xf32, #tpu.memory_space<hbm>>
    %dma_wait3A_90 = arith.constant 0 : i32
    %dma_wait3A_91 = arith.constant 0 : i32
    %dma_wait3A_92 = tpu.memref_slice %arg6[%dma_wait3A_81, %dma_wait3A_90, %dma_wait3A_91] : memref<2x64x768xf32, #tpu.memory_space<vmem>> -> memref<1x64x768xf32, #tpu.memory_space<vmem>>
    %dma_wait3A_93 = tpu.memref_squeeze %dma_wait3A_92 : memref<1x64x768xf32, #tpu.memory_space<vmem>> -> memref<64x768xf32, #tpu.memory_space<vmem>>
    tpu.wait_dma2 semaphore(%arg8 : memref<!tpu.dma_semaphore, #tpu.memory_space<semaphore_mem>>) src(%dma_wait3A_93 : memref<64x768xf32, #tpu.memory_space<vmem>>) dst(%dma_wait3A_89 : memref<64x768xf32, #tpu.memory_space<hbm>>)
    %dma_start3A_94 = arith.constant 2 : i32
    %dma_start3A_95 = arith.constant 0 : i32
    %dma_start3A_96 = arith.constant 0 : i32
    %dma_start3A_97 = arith.constant 0 : i32
    %dma_start3A_98 = tpu.memref_slice %arg6[%dma_start3A_95, %dma_start3A_96, %dma_start3A_97] : memref<2x64x768xf32, #tpu.memory_space<vmem>> -> memref<1x64x768xf32, #tpu.memory_space<vmem>>
    %dma_start3A_99 = tpu.memref_squeeze %dma_start3A_98 : memref<1x64x768xf32, #tpu.memory_space<vmem>> -> memref<64x768xf32, #tpu.memory_space<vmem>>
    %dma_start3A_100 = arith.constant 0 : i32
    %dma_start3A_101 = tpu.memref_slice %arg5[%dma_start3A_94, %dma_start3A_100] : memref<16x64xi32, #tpu.memory_space<vmem>> -> memref<1x64xi32, #tpu.memory_space<vmem>>
    %dma_start3A_102 = tpu.memref_squeeze %dma_start3A_101 : memref<1x64xi32, #tpu.memory_space<vmem>> -> memref<64xi32, #tpu.memory_space<vmem>>
    %dma_start3A_103 = arith.constant 0 : i32
    %dma_start3A_104 = arith.constant 0 : i32
    %dma_start3A_105 = tpu.memref_slice %arg2[%dma_start3A_103, %dma_start3A_104] : memref<33280x768xf32, #tpu.memory_space<hbm>> -> memref<33280x768xf32, #tpu.memory_space<hbm>>
    tpu.enqueue_indirect_dma source(%dma_start3A_105 : memref<33280x768xf32, #tpu.memory_space<hbm>>) target(%dma_start3A_99 : memref<64x768xf32, #tpu.memory_space<vmem>>) offsets(%dma_start3A_102 : memref<64xi32, #tpu.memory_space<vmem>>) semaphore(%arg7 : memref<!tpu.dma_semaphore, #tpu.memory_space<semaphore_mem>>)
    %dma_wait3A_106 = arith.constant 2 : i32
    %dma_wait3A_107 = arith.constant 0 : i32
    %dma_wait3A_108 = arith.constant 0 : i32
    %dma_wait3A_109 = arith.constant 0 : i32
    %dma_wait3A_110 = tpu.memref_slice %arg6[%dma_wait3A_107, %dma_wait3A_108, %dma_wait3A_109] : memref<2x64x768xf32, #tpu.memory_space<vmem>> -> memref<1x64x768xf32, #tpu.memory_space<vmem>>
    %dma_wait3A_111 = tpu.memref_squeeze %dma_wait3A_110 : memref<1x64x768xf32, #tpu.memory_space<vmem>> -> memref<64x768xf32, #tpu.memory_space<vmem>>
    %dma_wait3A_112 = arith.constant 0 : i32
    %dma_wait3A_113 = tpu.memref_slice %arg5[%dma_wait3A_106, %dma_wait3A_112] : memref<16x64xi32, #tpu.memory_space<vmem>> -> memref<1x64xi32, #tpu.memory_space<vmem>>
    %dma_wait3A_114 = tpu.memref_squeeze %dma_wait3A_113 : memref<1x64xi32, #tpu.memory_space<vmem>> -> memref<64xi32, #tpu.memory_space<vmem>>
    %dma_wait3A_115 = arith.constant 0 : i32
    %dma_wait3A_116 = arith.constant 0 : i32
    %dma_wait3A_117 = tpu.memref_slice %arg2[%dma_wait3A_115, %dma_wait3A_116] : memref<33280x768xf32, #tpu.memory_space<hbm>> -> memref<33280x768xf32, #tpu.memory_space<hbm>>
    tpu.wait_indirect_dma semaphore(%arg7 : memref<!tpu.dma_semaphore, #tpu.memory_space<semaphore_mem>>) src(%dma_wait3A_117 : memref<33280x768xf32, #tpu.memory_space<hbm>>) dst(%dma_wait3A_111 : memref<64x768xf32, #tpu.memory_space<vmem>>)
    %mul3A_118 = arith.constant 1024 : i32
    %mul3A_119 = arith.muli %add3A, %mul3A_118 : i32
    %add3A_120 = arith.constant 128 : i32
    %add3A_121 = arith.addi %mul3A_119, %add3A_120 : i32
    %dma_start3A_122 = arith.constant 0 : i32
    %dma_start3A_123 = arith.constant 0 : i32
    %dma_start3A_124 = arith.constant 0 : i32
    %dma_start3A_125 = tpu.memref_slice %arg6[%dma_start3A_122, %dma_start3A_123, %dma_start3A_124] : memref<2x64x768xf32, #tpu.memory_space<vmem>> -> memref<1x64x768xf32, #tpu.memory_space<vmem>>
    %dma_start3A_126 = tpu.memref_squeeze %dma_start3A_125 : memref<1x64x768xf32, #tpu.memory_space<vmem>> -> memref<64x768xf32, #tpu.memory_space<vmem>>
    %dma_start3A_127 = arith.constant 0 : i32
    %dma_start3A_128 = tpu.memref_slice %arg4[%add3A_121, %dma_start3A_127] : memref<32768x768xf32, #tpu.memory_space<hbm>> -> memref<64x768xf32, #tpu.memory_space<hbm>>
    %dma_start3A_129 = arith.constant 0 : i32
    %dma_start3A_130 = tpu.memref_slice %arg4[%add3A_121, %dma_start3A_129] : memref<32768x768xf32, #tpu.memory_space<hbm>> -> memref<64x768xf32, #tpu.memory_space<hbm>>
    %dma_start3A_131 = arith.constant 0 : i32
    %dma_start3A_132 = arith.constant 0 : i32
    %dma_start3A_133 = tpu.memref_slice %arg6[%dma_start3A_122, %dma_start3A_131, %dma_start3A_132] : memref<2x64x768xf32, #tpu.memory_space<vmem>> -> memref<1x64x768xf32, #tpu.memory_space<vmem>>
    %dma_start3A_134 = tpu.memref_squeeze %dma_start3A_133 : memref<1x64x768xf32, #tpu.memory_space<vmem>> -> memref<64x768xf32, #tpu.memory_space<vmem>>
    tpu.enqueue_dma source(%dma_start3A_134 : memref<64x768xf32, #tpu.memory_space<vmem>>) target(%dma_start3A_130 : memref<64x768xf32, #tpu.memory_space<hbm>>) target_semaphore(%arg8 : memref<!tpu.dma_semaphore, #tpu.memory_space<semaphore_mem>>)
    %dma_wait3A_135 = arith.constant 1 : i32
    %dma_wait3A_136 = arith.constant 0 : i32
    %dma_wait3A_137 = arith.constant 0 : i32
    %dma_wait3A_138 = tpu.memref_slice %arg6[%dma_wait3A_135, %dma_wait3A_136, %dma_wait3A_137] : memref<2x64x768xf32, #tpu.memory_space<vmem>> -> memref<1x64x768xf32, #tpu.memory_space<vmem>>
    %dma_wait3A_139 = tpu.memref_squeeze %dma_wait3A_138 : memref<1x64x768xf32, #tpu.memory_space<vmem>> -> memref<64x768xf32, #tpu.memory_space<vmem>>
    %dma_wait3A_140 = arith.constant 0 : i32
    %dma_wait3A_141 = tpu.memref_slice %arg4[%add3A_67, %dma_wait3A_140] : memref<32768x768xf32, #tpu.memory_space<hbm>> -> memref<64x768xf32, #tpu.memory_space<hbm>>
    %dma_wait3A_142 = arith.constant 0 : i32
    %dma_wait3A_143 = tpu.memref_slice %arg4[%add3A_67, %dma_wait3A_142] : memref<32768x768xf32, #tpu.memory_space<hbm>> -> memref<64x768xf32, #tpu.memory_space<hbm>>
    %dma_wait3A_144 = arith.constant 0 : i32
    %dma_wait3A_145 = arith.constant 0 : i32
    %dma_wait3A_146 = tpu.memref_slice %arg6[%dma_wait3A_135, %dma_wait3A_144, %dma_wait3A_145] : memref<2x64x768xf32, #tpu.memory_space<vmem>> -> memref<1x64x768xf32, #tpu.memory_space<vmem>>
    %dma_wait3A_147 = tpu.memref_squeeze %dma_wait3A_146 : memref<1x64x768xf32, #tpu.memory_space<vmem>> -> memref<64x768xf32, #tpu.memory_space<vmem>>
    tpu.wait_dma2 semaphore(%arg9 : memref<!tpu.dma_semaphore, #tpu.memory_space<semaphore_mem>>) src(%dma_wait3A_147 : memref<64x768xf32, #tpu.memory_space<vmem>>) dst(%dma_wait3A_143 : memref<64x768xf32, #tpu.memory_space<hbm>>)
    %dma_start3A_148 = arith.constant 3 : i32
    %dma_start3A_149 = arith.constant 1 : i32
    %dma_start3A_150 = arith.constant 0 : i32
    %dma_start3A_151 = arith.constant 0 : i32
    %dma_start3A_152 = tpu.memref_slice %arg6[%dma_start3A_149, %dma_start3A_150, %dma_start3A_151] : memref<2x64x768xf32, #tpu.memory_space<vmem>> -> memref<1x64x768xf32, #tpu.memory_space<vmem>>
    %dma_start3A_153 = tpu.memref_squeeze %dma_start3A_152 : memref<1x64x768xf32, #tpu.memory_space<vmem>> -> memref<64x768xf32, #tpu.memory_space<vmem>>
    %dma_start3A_154 = arith.constant 0 : i32
    %dma_start3A_155 = tpu.memref_slice %arg5[%dma_start3A_148, %dma_start3A_154] : memref<16x64xi32, #tpu.memory_space<vmem>> -> memref<1x64xi32, #tpu.memory_space<vmem>>
    %dma_start3A_156 = tpu.memref_squeeze %dma_start3A_155 : memref<1x64xi32, #tpu.memory_space<vmem>> -> memref<64xi32, #tpu.memory_space<vmem>>
    %dma_start3A_157 = arith.constant 0 : i32
    %dma_start3A_158 = arith.constant 0 : i32
    %dma_start3A_159 = tpu.memref_slice %arg2[%dma_start3A_157, %dma_start3A_158] : memref<33280x768xf32, #tpu.memory_space<hbm>> -> memref<33280x768xf32, #tpu.memory_space<hbm>>
    tpu.enqueue_indirect_dma source(%dma_start3A_159 : memref<33280x768xf32, #tpu.memory_space<hbm>>) target(%dma_start3A_153 : memref<64x768xf32, #tpu.memory_space<vmem>>) offsets(%dma_start3A_156 : memref<64xi32, #tpu.memory_space<vmem>>) semaphore(%arg7 : memref<!tpu.dma_semaphore, #tpu.memory_space<semaphore_mem>>)
    %dma_wait3A_160 = arith.constant 3 : i32
    %dma_wait3A_161 = arith.constant 1 : i32
    %dma_wait3A_162 = arith.constant 0 : i32
    %dma_wait3A_163 = arith.constant 0 : i32
    %dma_wait3A_164 = tpu.memref_slice %arg6[%dma_wait3A_161, %dma_wait3A_162, %dma_wait3A_163] : memref<2x64x768xf32, #tpu.memory_space<vmem>> -> memref<1x64x768xf32, #tpu.memory_space<vmem>>
    %dma_wait3A_165 = tpu.memref_squeeze %dma_wait3A_164 : memref<1x64x768xf32, #tpu.memory_space<vmem>> -> memref<64x768xf32, #tpu.memory_space<vmem>>
    %dma_wait3A_166 = arith.constant 0 : i32
    %dma_wait3A_167 = tpu.memref_slice %arg5[%dma_wait3A_160, %dma_wait3A_166] : memref<16x64xi32, #tpu.memory_space<vmem>> -> memref<1x64xi32, #tpu.memory_space<vmem>>
    %dma_wait3A_168 = tpu.memref_squeeze %dma_wait3A_167 : memref<1x64xi32, #tpu.memory_space<vmem>> -> memref<64xi32, #tpu.memory_space<vmem>>
    %dma_wait3A_169 = arith.constant 0 : i32
    %dma_wait3A_170 = arith.constant 0 : i32
    %dma_wait3A_171 = tpu.memref_slice %arg2[%dma_wait3A_169, %dma_wait3A_170] : memref<33280x768xf32, #tpu.memory_space<hbm>> -> memref<33280x768xf32, #tpu.memory_space<hbm>>
    tpu.wait_indirect_dma semaphore(%arg7 : memref<!tpu.dma_semaphore, #tpu.memory_space<semaphore_mem>>) src(%dma_wait3A_171 : memref<33280x768xf32, #tpu.memory_space<hbm>>) dst(%dma_wait3A_165 : memref<64x768xf32, #tpu.memory_space<vmem>>)
    %mul3A_172 = arith.constant 1024 : i32
    %mul3A_173 = arith.muli %add3A, %mul3A_172 : i32
    %add3A_174 = arith.constant 192 : i32
    %add3A_175 = arith.addi %mul3A_173, %add3A_174 : i32
    %dma_start3A_176 = arith.constant 1 : i32
    %dma_start3A_177 = arith.constant 0 : i32
    %dma_start3A_178 = arith.constant 0 : i32
    %dma_start3A_179 = tpu.memref_slice %arg6[%dma_start3A_176, %dma_start3A_177, %dma_start3A_178] : memref<2x64x768xf32, #tpu.memory_space<vmem>> -> memref<1x64x768xf32, #tpu.memory_space<vmem>>
    %dma_start3A_180 = tpu.memref_squeeze %dma_start3A_179 : memref<1x64x768xf32, #tpu.memory_space<vmem>> -> memref<64x768xf32, #tpu.memory_space<vmem>>
    %dma_start3A_181 = arith.constant 0 : i32
    %dma_start3A_182 = tpu.memref_slice %arg4[%add3A_175, %dma_start3A_181] : memref<32768x768xf32, #tpu.memory_space<hbm>> -> memref<64x768xf32, #tpu.memory_space<hbm>>
    %dma_start3A_183 = arith.constant 0 : i32
    %dma_start3A_184 = tpu.memref_slice %arg4[%add3A_175, %dma_start3A_183] : memref<32768x768xf32, #tpu.memory_space<hbm>> -> memref<64x768xf32, #tpu.memory_space<hbm>>
    %dma_start3A_185 = arith.constant 0 : i32
    %dma_start3A_186 = arith.constant 0 : i32
    %dma_start3A_187 = tpu.memref_slice %arg6[%dma_start3A_176, %dma_start3A_185, %dma_start3A_186] : memref<2x64x768xf32, #tpu.memory_space<vmem>> -> memref<1x64x768xf32, #tpu.memory_space<vmem>>
    %dma_start3A_188 = tpu.memref_squeeze %dma_start3A_187 : memref<1x64x768xf32, #tpu.memory_space<vmem>> -> memref<64x768xf32, #tpu.memory_space<vmem>>
    tpu.enqueue_dma source(%dma_start3A_188 : memref<64x768xf32, #tpu.memory_space<vmem>>) target(%dma_start3A_184 : memref<64x768xf32, #tpu.memory_space<hbm>>) target_semaphore(%arg9 : memref<!tpu.dma_semaphore, #tpu.memory_space<semaphore_mem>>)
    %dma_wait3A_189 = arith.constant 0 : i32
    %dma_wait3A_190 = arith.constant 0 : i32
    %dma_wait3A_191 = arith.constant 0 : i32
    %dma_wait3A_192 = tpu.memref_slice %arg6[%dma_wait3A_189, %dma_wait3A_190, %dma_wait3A_191] : memref<2x64x768xf32, #tpu.memory_space<vmem>> -> memref<1x64x768xf32, #tpu.memory_space<vmem>>
    %dma_wait3A_193 = tpu.memref_squeeze %dma_wait3A_192 : memref<1x64x768xf32, #tpu.memory_space<vmem>> -> memref<64x768xf32, #tpu.memory_space<vmem>>
    %dma_wait3A_194 = arith.constant 0 : i32
    %dma_wait3A_195 = tpu.memref_slice %arg4[%add3A_121, %dma_wait3A_194] : memref<32768x768xf32, #tpu.memory_space<hbm>> -> memref<64x768xf32, #tpu.memory_space<hbm>>
    %dma_wait3A_196 = arith.constant 0 : i32
    %dma_wait3A_197 = tpu.memref_slice %arg4[%add3A_121, %dma_wait3A_196] : memref<32768x768xf32, #tpu.memory_space<hbm>> -> memref<64x768xf32, #tpu.memory_space<hbm>>
    %dma_wait3A_198 = arith.constant 0 : i32
    %dma_wait3A_199 = arith.constant 0 : i32
    %dma_wait3A_200 = tpu.memref_slice %arg6[%dma_wait3A_189, %dma_wait3A_198, %dma_wait3A_199] : memref<2x64x768xf32, #tpu.memory_space<vmem>> -> memref<1x64x768xf32, #tpu.memory_space<vmem>>
    %dma_wait3A_201 = tpu.memref_squeeze %dma_wait3A_200 : memref<1x64x768xf32, #tpu.memory_space<vmem>> -> memref<64x768xf32, #tpu.memory_space<vmem>>
    tpu.wait_dma2 semaphore(%arg8 : memref<!tpu.dma_semaphore, #tpu.memory_space<semaphore_mem>>) src(%dma_wait3A_201 : memref<64x768xf32, #tpu.memory_space<vmem>>) dst(%dma_wait3A_197 : memref<64x768xf32, #tpu.memory_space<hbm>>)
    %dma_start3A_202 = arith.constant 4 : i32
    %dma_start3A_203 = arith.constant 0 : i32
    %dma_start3A_204 = arith.constant 0 : i32
    %dma_start3A_205 = arith.constant 0 : i32
    %dma_start3A_206 = tpu.memref_slice %arg6[%dma_start3A_203, %dma_start3A_204, %dma_start3A_205] : memref<2x64x768xf32, #tpu.memory_space<vmem>> -> memref<1x64x768xf32, #tpu.memory_space<vmem>>
    %dma_start3A_207 = tpu.memref_squeeze %dma_start3A_206 : memref<1x64x768xf32, #tpu.memory_space<vmem>> -> memref<64x768xf32, #tpu.memory_space<vmem>>
    %dma_start3A_208 = arith.constant 0 : i32
    %dma_start3A_209 = tpu.memref_slice %arg5[%dma_start3A_202, %dma_start3A_208] : memref<16x64xi32, #tpu.memory_space<vmem>> -> memref<1x64xi32, #tpu.memory_space<vmem>>
    %dma_start3A_210 = tpu.memref_squeeze %dma_start3A_209 : memref<1x64xi32, #tpu.memory_space<vmem>> -> memref<64xi32, #tpu.memory_space<vmem>>
    %dma_start3A_211 = arith.constant 0 : i32
    %dma_start3A_212 = arith.constant 0 : i32
    %dma_start3A_213 = tpu.memref_slice %arg2[%dma_start3A_211, %dma_start3A_212] : memref<33280x768xf32, #tpu.memory_space<hbm>> -> memref<33280x768xf32, #tpu.memory_space<hbm>>
    tpu.enqueue_indirect_dma source(%dma_start3A_213 : memref<33280x768xf32, #tpu.memory_space<hbm>>) target(%dma_start3A_207 : memref<64x768xf32, #tpu.memory_space<vmem>>) offsets(%dma_start3A_210 : memref<64xi32, #tpu.memory_space<vmem>>) semaphore(%arg7 : memref<!tpu.dma_semaphore, #tpu.memory_space<semaphore_mem>>)
    %dma_wait3A_214 = arith.constant 4 : i32
    %dma_wait3A_215 = arith.constant 0 : i32
    %dma_wait3A_216 = arith.constant 0 : i32
    %dma_wait3A_217 = arith.constant 0 : i32
    %dma_wait3A_218 = tpu.memref_slice %arg6[%dma_wait3A_215, %dma_wait3A_216, %dma_wait3A_217] : memref<2x64x768xf32, #tpu.memory_space<vmem>> -> memref<1x64x768xf32, #tpu.memory_space<vmem>>
    %dma_wait3A_219 = tpu.memref_squeeze %dma_wait3A_218 : memref<1x64x768xf32, #tpu.memory_space<vmem>> -> memref<64x768xf32, #tpu.memory_space<vmem>>
    %dma_wait3A_220 = arith.constant 0 : i32
    %dma_wait3A_221 = tpu.memref_slice %arg5[%dma_wait3A_214, %dma_wait3A_220] : memref<16x64xi32, #tpu.memory_space<vmem>> -> memref<1x64xi32, #tpu.memory_space<vmem>>
    %dma_wait3A_222 = tpu.memref_squeeze %dma_wait3A_221 : memref<1x64xi32, #tpu.memory_space<vmem>> -> memref<64xi32, #tpu.memory_space<vmem>>
    %dma_wait3A_223 = arith.constant 0 : i32
    %dma_wait3A_224 = arith.constant 0 : i32
    %dma_wait3A_225 = tpu.memref_slice %arg2[%dma_wait3A_223, %dma_wait3A_224] : memref<33280x768xf32, #tpu.memory_space<hbm>> -> memref<33280x768xf32, #tpu.memory_space<hbm>>
    tpu.wait_indirect_dma semaphore(%arg7 : memref<!tpu.dma_semaphore, #tpu.memory_space<semaphore_mem>>) src(%dma_wait3A_225 : memref<33280x768xf32, #tpu.memory_space<hbm>>) dst(%dma_wait3A_219 : memref<64x768xf32, #tpu.memory_space<vmem>>)
    %mul3A_226 = arith.constant 1024 : i32
    %mul3A_227 = arith.muli %add3A, %mul3A_226 : i32
    %add3A_228 = arith.constant 256 : i32
    %add3A_229 = arith.addi %mul3A_227, %add3A_228 : i32
    %dma_start3A_230 = arith.constant 0 : i32
    %dma_start3A_231 = arith.constant 0 : i32
    %dma_start3A_232 = arith.constant 0 : i32
    %dma_start3A_233 = tpu.memref_slice %arg6[%dma_start3A_230, %dma_start3A_231, %dma_start3A_232] : memref<2x64x768xf32, #tpu.memory_space<vmem>> -> memref<1x64x768xf32, #tpu.memory_space<vmem>>
    %dma_start3A_234 = tpu.memref_squeeze %dma_start3A_233 : memref<1x64x768xf32, #tpu.memory_space<vmem>> -> memref<64x768xf32, #tpu.memory_space<vmem>>
    %dma_start3A_235 = arith.constant 0 : i32
    %dma_start3A_236 = tpu.memref_slice %arg4[%add3A_229, %dma_start3A_235] : memref<32768x768xf32, #tpu.memory_space<hbm>> -> memref<64x768xf32, #tpu.memory_space<hbm>>
    %dma_start3A_237 = arith.constant 0 : i32
    %dma_start3A_238 = tpu.memref_slice %arg4[%add3A_229, %dma_start3A_237] : memref<32768x768xf32, #tpu.memory_space<hbm>> -> memref<64x768xf32, #tpu.memory_space<hbm>>
    %dma_start3A_239 = arith.constant 0 : i32
    %dma_start3A_240 = arith.constant 0 : i32
    %dma_start3A_241 = tpu.memref_slice %arg6[%dma_start3A_230, %dma_start3A_239, %dma_start3A_240] : memref<2x64x768xf32, #tpu.memory_space<vmem>> -> memref<1x64x768xf32, #tpu.memory_space<vmem>>
    %dma_start3A_242 = tpu.memref_squeeze %dma_start3A_241 : memref<1x64x768xf32, #tpu.memory_space<vmem>> -> memref<64x768xf32, #tpu.memory_space<vmem>>
    tpu.enqueue_dma source(%dma_start3A_242 : memref<64x768xf32, #tpu.memory_space<vmem>>) target(%dma_start3A_238 : memref<64x768xf32, #tpu.memory_space<hbm>>) target_semaphore(%arg8 : memref<!tpu.dma_semaphore, #tpu.memory_space<semaphore_mem>>)
    %dma_wait3A_243 = arith.constant 1 : i32
    %dma_wait3A_244 = arith.constant 0 : i32
    %dma_wait3A_245 = arith.constant 0 : i32
    %dma_wait3A_246 = tpu.memref_slice %arg6[%dma_wait3A_243, %dma_wait3A_244, %dma_wait3A_245] : memref<2x64x768xf32, #tpu.memory_space<vmem>> -> memref<1x64x768xf32, #tpu.memory_space<vmem>>
    %dma_wait3A_247 = tpu.memref_squeeze %dma_wait3A_246 : memref<1x64x768xf32, #tpu.memory_space<vmem>> -> memref<64x768xf32, #tpu.memory_space<vmem>>
    %dma_wait3A_248 = arith.constant 0 : i32
    %dma_wait3A_249 = tpu.memref_slice %arg4[%add3A_175, %dma_wait3A_248] : memref<32768x768xf32, #tpu.memory_space<hbm>> -> memref<64x768xf32, #tpu.memory_space<hbm>>
    %dma_wait3A_250 = arith.constant 0 : i32
    %dma_wait3A_251 = tpu.memref_slice %arg4[%add3A_175, %dma_wait3A_250] : memref<32768x768xf32, #tpu.memory_space<hbm>> -> memref<64x768xf32, #tpu.memory_space<hbm>>
    %dma_wait3A_252 = arith.constant 0 : i32
    %dma_wait3A_253 = arith.constant 0 : i32
    %dma_wait3A_254 = tpu.memref_slice %arg6[%dma_wait3A_243, %dma_wait3A_252, %dma_wait3A_253] : memref<2x64x768xf32, #tpu.memory_space<vmem>> -> memref<1x64x768xf32, #tpu.memory_space<vmem>>
    %dma_wait3A_255 = tpu.memref_squeeze %dma_wait3A_254 : memref<1x64x768xf32, #tpu.memory_space<vmem>> -> memref<64x768xf32, #tpu.memory_space<vmem>>
    tpu.wait_dma2 semaphore(%arg9 : memref<!tpu.dma_semaphore, #tpu.memory_space<semaphore_mem>>) src(%dma_wait3A_255 : memref<64x768xf32, #tpu.memory_space<vmem>>) dst(%dma_wait3A_251 : memref<64x768xf32, #tpu.memory_space<hbm>>)
    %dma_start3A_256 = arith.constant 5 : i32
    %dma_start3A_257 = arith.constant 1 : i32
    %dma_start3A_258 = arith.constant 0 : i32
    %dma_start3A_259 = arith.constant 0 : i32
    %dma_start3A_260 = tpu.memref_slice %arg6[%dma_start3A_257, %dma_start3A_258, %dma_start3A_259] : memref<2x64x768xf32, #tpu.memory_space<vmem>> -> memref<1x64x768xf32, #tpu.memory_space<vmem>>
    %dma_start3A_261 = tpu.memref_squeeze %dma_start3A_260 : memref<1x64x768xf32, #tpu.memory_space<vmem>> -> memref<64x768xf32, #tpu.memory_space<vmem>>
    %dma_start3A_262 = arith.constant 0 : i32
    %dma_start3A_263 = tpu.memref_slice %arg5[%dma_start3A_256, %dma_start3A_262] : memref<16x64xi32, #tpu.memory_space<vmem>> -> memref<1x64xi32, #tpu.memory_space<vmem>>
    %dma_start3A_264 = tpu.memref_squeeze %dma_start3A_263 : memref<1x64xi32, #tpu.memory_space<vmem>> -> memref<64xi32, #tpu.memory_space<vmem>>
    %dma_start3A_265 = arith.constant 0 : i32
    %dma_start3A_266 = arith.constant 0 : i32
    %dma_start3A_267 = tpu.memref_slice %arg2[%dma_start3A_265, %dma_start3A_266] : memref<33280x768xf32, #tpu.memory_space<hbm>> -> memref<33280x768xf32, #tpu.memory_space<hbm>>
    tpu.enqueue_indirect_dma source(%dma_start3A_267 : memref<33280x768xf32, #tpu.memory_space<hbm>>) target(%dma_start3A_261 : memref<64x768xf32, #tpu.memory_space<vmem>>) offsets(%dma_start3A_264 : memref<64xi32, #tpu.memory_space<vmem>>) semaphore(%arg7 : memref<!tpu.dma_semaphore, #tpu.memory_space<semaphore_mem>>)
    %dma_wait3A_268 = arith.constant 5 : i32
    %dma_wait3A_269 = arith.constant 1 : i32
    %dma_wait3A_270 = arith.constant 0 : i32
    %dma_wait3A_271 = arith.constant 0 : i32
    %dma_wait3A_272 = tpu.memref_slice %arg6[%dma_wait3A_269, %dma_wait3A_270, %dma_wait3A_271] : memref<2x64x768xf32, #tpu.memory_space<vmem>> -> memref<1x64x768xf32, #tpu.memory_space<vmem>>
    %dma_wait3A_273 = tpu.memref_squeeze %dma_wait3A_272 : memref<1x64x768xf32, #tpu.memory_space<vmem>> -> memref<64x768xf32, #tpu.memory_space<vmem>>
    %dma_wait3A_274 = arith.constant 0 : i32
    %dma_wait3A_275 = tpu.memref_slice %arg5[%dma_wait3A_268, %dma_wait3A_274] : memref<16x64xi32, #tpu.memory_space<vmem>> -> memref<1x64xi32, #tpu.memory_space<vmem>>
    %dma_wait3A_276 = tpu.memref_squeeze %dma_wait3A_275 : memref<1x64xi32, #tpu.memory_space<vmem>> -> memref<64xi32, #tpu.memory_space<vmem>>
    %dma_wait3A_277 = arith.constant 0 : i32
    %dma_wait3A_278 = arith.constant 0 : i32
    %dma_wait3A_279 = tpu.memref_slice %arg2[%dma_wait3A_277, %dma_wait3A_278] : memref<33280x768xf32, #tpu.memory_space<hbm>> -> memref<33280x768xf32, #tpu.memory_space<hbm>>
    tpu.wait_indirect_dma semaphore(%arg7 : memref<!tpu.dma_semaphore, #tpu.memory_space<semaphore_mem>>) src(%dma_wait3A_279 : memref<33280x768xf32, #tpu.memory_space<hbm>>) dst(%dma_wait3A_273 : memref<64x768xf32, #tpu.memory_space<vmem>>)
    %mul3A_280 = arith.constant 1024 : i32
    %mul3A_281 = arith.muli %add3A, %mul3A_280 : i32
    %add3A_282 = arith.constant 320 : i32
    %add3A_283 = arith.addi %mul3A_281, %add3A_282 : i32
    %dma_start3A_284 = arith.constant 1 : i32
    %dma_start3A_285 = arith.constant 0 : i32
    %dma_start3A_286 = arith.constant 0 : i32
    %dma_start3A_287 = tpu.memref_slice %arg6[%dma_start3A_284, %dma_start3A_285, %dma_start3A_286] : memref<2x64x768xf32, #tpu.memory_space<vmem>> -> memref<1x64x768xf32, #tpu.memory_space<vmem>>
    %dma_start3A_288 = tpu.memref_squeeze %dma_start3A_287 : memref<1x64x768xf32, #tpu.memory_space<vmem>> -> memref<64x768xf32, #tpu.memory_space<vmem>>
    %dma_start3A_289 = arith.constant 0 : i32
    %dma_start3A_290 = tpu.memref_slice %arg4[%add3A_283, %dma_start3A_289] : memref<32768x768xf32, #tpu.memory_space<hbm>> -> memref<64x768xf32, #tpu.memory_space<hbm>>
    %dma_start3A_291 = arith.constant 0 : i32
    %dma_start3A_292 = tpu.memref_slice %arg4[%add3A_283, %dma_start3A_291] : memref<32768x768xf32, #tpu.memory_space<hbm>> -> memref<64x768xf32, #tpu.memory_space<hbm>>
    %dma_start3A_293 = arith.constant 0 : i32
    %dma_start3A_294 = arith.constant 0 : i32
    %dma_start3A_295 = tpu.memref_slice %arg6[%dma_start3A_284, %dma_start3A_293, %dma_start3A_294] : memref<2x64x768xf32, #tpu.memory_space<vmem>> -> memref<1x64x768xf32, #tpu.memory_space<vmem>>
    %dma_start3A_296 = tpu.memref_squeeze %dma_start3A_295 : memref<1x64x768xf32, #tpu.memory_space<vmem>> -> memref<64x768xf32, #tpu.memory_space<vmem>>
    tpu.enqueue_dma source(%dma_start3A_296 : memref<64x768xf32, #tpu.memory_space<vmem>>) target(%dma_start3A_292 : memref<64x768xf32, #tpu.memory_space<hbm>>) target_semaphore(%arg9 : memref<!tpu.dma_semaphore, #tpu.memory_space<semaphore_mem>>)
    %dma_wait3A_297 = arith.constant 0 : i32
    %dma_wait3A_298 = arith.constant 0 : i32
    %dma_wait3A_299 = arith.constant 0 : i32
    %dma_wait3A_300 = tpu.memref_slice %arg6[%dma_wait3A_297, %dma_wait3A_298, %dma_wait3A_299] : memref<2x64x768xf32, #tpu.memory_space<vmem>> -> memref<1x64x768xf32, #tpu.memory_space<vmem>>
    %dma_wait3A_301 = tpu.memref_squeeze %dma_wait3A_300 : memref<1x64x768xf32, #tpu.memory_space<vmem>> -> memref<64x768xf32, #tpu.memory_space<vmem>>
    %dma_wait3A_302 = arith.constant 0 : i32
    %dma_wait3A_303 = tpu.memref_slice %arg4[%add3A_229, %dma_wait3A_302] : memref<32768x768xf32, #tpu.memory_space<hbm>> -> memref<64x768xf32, #tpu.memory_space<hbm>>
    %dma_wait3A_304 = arith.constant 0 : i32
    %dma_wait3A_305 = tpu.memref_slice %arg4[%add3A_229, %dma_wait3A_304] : memref<32768x768xf32, #tpu.memory_space<hbm>> -> memref<64x768xf32, #tpu.memory_space<hbm>>
    %dma_wait3A_306 = arith.constant 0 : i32
    %dma_wait3A_307 = arith.constant 0 : i32
    %dma_wait3A_308 = tpu.memref_slice %arg6[%dma_wait3A_297, %dma_wait3A_306, %dma_wait3A_307] : memref<2x64x768xf32, #tpu.memory_space<vmem>> -> memref<1x64x768xf32, #tpu.memory_space<vmem>>
    %dma_wait3A_309 = tpu.memref_squeeze %dma_wait3A_308 : memref<1x64x768xf32, #tpu.memory_space<vmem>> -> memref<64x768xf32, #tpu.memory_space<vmem>>
    tpu.wait_dma2 semaphore(%arg8 : memref<!tpu.dma_semaphore, #tpu.memory_space<semaphore_mem>>) src(%dma_wait3A_309 : memref<64x768xf32, #tpu.memory_space<vmem>>) dst(%dma_wait3A_305 : memref<64x768xf32, #tpu.memory_space<hbm>>)
    %dma_start3A_310 = arith.constant 6 : i32
    %dma_start3A_311 = arith.constant 0 : i32
    %dma_start3A_312 = arith.constant 0 : i32
    %dma_start3A_313 = arith.constant 0 : i32
    %dma_start3A_314 = tpu.memref_slice %arg6[%dma_start3A_311, %dma_start3A_312, %dma_start3A_313] : memref<2x64x768xf32, #tpu.memory_space<vmem>> -> memref<1x64x768xf32, #tpu.memory_space<vmem>>
    %dma_start3A_315 = tpu.memref_squeeze %dma_start3A_314 : memref<1x64x768xf32, #tpu.memory_space<vmem>> -> memref<64x768xf32, #tpu.memory_space<vmem>>
    %dma_start3A_316 = arith.constant 0 : i32
    %dma_start3A_317 = tpu.memref_slice %arg5[%dma_start3A_310, %dma_start3A_316] : memref<16x64xi32, #tpu.memory_space<vmem>> -> memref<1x64xi32, #tpu.memory_space<vmem>>
    %dma_start3A_318 = tpu.memref_squeeze %dma_start3A_317 : memref<1x64xi32, #tpu.memory_space<vmem>> -> memref<64xi32, #tpu.memory_space<vmem>>
    %dma_start3A_319 = arith.constant 0 : i32
    %dma_start3A_320 = arith.constant 0 : i32
    %dma_start3A_321 = tpu.memref_slice %arg2[%dma_start3A_319, %dma_start3A_320] : memref<33280x768xf32, #tpu.memory_space<hbm>> -> memref<33280x768xf32, #tpu.memory_space<hbm>>
    tpu.enqueue_indirect_dma source(%dma_start3A_321 : memref<33280x768xf32, #tpu.memory_space<hbm>>) target(%dma_start3A_315 : memref<64x768xf32, #tpu.memory_space<vmem>>) offsets(%dma_start3A_318 : memref<64xi32, #tpu.memory_space<vmem>>) semaphore(%arg7 : memref<!tpu.dma_semaphore, #tpu.memory_space<semaphore_mem>>)
    %dma_wait3A_322 = arith.constant 6 : i32
    %dma_wait3A_323 = arith.constant 0 : i32
    %dma_wait3A_324 = arith.constant 0 : i32
    %dma_wait3A_325 = arith.constant 0 : i32
    %dma_wait3A_326 = tpu.memref_slice %arg6[%dma_wait3A_323, %dma_wait3A_324, %dma_wait3A_325] : memref<2x64x768xf32, #tpu.memory_space<vmem>> -> memref<1x64x768xf32, #tpu.memory_space<vmem>>
    %dma_wait3A_327 = tpu.memref_squeeze %dma_wait3A_326 : memref<1x64x768xf32, #tpu.memory_space<vmem>> -> memref<64x768xf32, #tpu.memory_space<vmem>>
    %dma_wait3A_328 = arith.constant 0 : i32
    %dma_wait3A_329 = tpu.memref_slice %arg5[%dma_wait3A_322, %dma_wait3A_328] : memref<16x64xi32, #tpu.memory_space<vmem>> -> memref<1x64xi32, #tpu.memory_space<vmem>>
    %dma_wait3A_330 = tpu.memref_squeeze %dma_wait3A_329 : memref<1x64xi32, #tpu.memory_space<vmem>> -> memref<64xi32, #tpu.memory_space<vmem>>
    %dma_wait3A_331 = arith.constant 0 : i32
    %dma_wait3A_332 = arith.constant 0 : i32
    %dma_wait3A_333 = tpu.memref_slice %arg2[%dma_wait3A_331, %dma_wait3A_332] : memref<33280x768xf32, #tpu.memory_space<hbm>> -> memref<33280x768xf32, #tpu.memory_space<hbm>>
    tpu.wait_indirect_dma semaphore(%arg7 : memref<!tpu.dma_semaphore, #tpu.memory_space<semaphore_mem>>) src(%dma_wait3A_333 : memref<33280x768xf32, #tpu.memory_space<hbm>>) dst(%dma_wait3A_327 : memref<64x768xf32, #tpu.memory_space<vmem>>)
    %mul3A_334 = arith.constant 1024 : i32
    %mul3A_335 = arith.muli %add3A, %mul3A_334 : i32
    %add3A_336 = arith.constant 384 : i32
    %add3A_337 = arith.addi %mul3A_335, %add3A_336 : i32
    %dma_start3A_338 = arith.constant 0 : i32
    %dma_start3A_339 = arith.constant 0 : i32
    %dma_start3A_340 = arith.constant 0 : i32
    %dma_start3A_341 = tpu.memref_slice %arg6[%dma_start3A_338, %dma_start3A_339, %dma_start3A_340] : memref<2x64x768xf32, #tpu.memory_space<vmem>> -> memref<1x64x768xf32, #tpu.memory_space<vmem>>
    %dma_start3A_342 = tpu.memref_squeeze %dma_start3A_341 : memref<1x64x768xf32, #tpu.memory_space<vmem>> -> memref<64x768xf32, #tpu.memory_space<vmem>>
    %dma_start3A_343 = arith.constant 0 : i32
    %dma_start3A_344 = tpu.memref_slice %arg4[%add3A_337, %dma_start3A_343] : memref<32768x768xf32, #tpu.memory_space<hbm>> -> memref<64x768xf32, #tpu.memory_space<hbm>>
    %dma_start3A_345 = arith.constant 0 : i32
    %dma_start3A_346 = tpu.memref_slice %arg4[%add3A_337, %dma_start3A_345] : memref<32768x768xf32, #tpu.memory_space<hbm>> -> memref<64x768xf32, #tpu.memory_space<hbm>>
    %dma_start3A_347 = arith.constant 0 : i32
    %dma_start3A_348 = arith.constant 0 : i32
    %dma_start3A_349 = tpu.memref_slice %arg6[%dma_start3A_338, %dma_start3A_347, %dma_start3A_348] : memref<2x64x768xf32, #tpu.memory_space<vmem>> -> memref<1x64x768xf32, #tpu.memory_space<vmem>>
    %dma_start3A_350 = tpu.memref_squeeze %dma_start3A_349 : memref<1x64x768xf32, #tpu.memory_space<vmem>> -> memref<64x768xf32, #tpu.memory_space<vmem>>
    tpu.enqueue_dma source(%dma_start3A_350 : memref<64x768xf32, #tpu.memory_space<vmem>>) target(%dma_start3A_346 : memref<64x768xf32, #tpu.memory_space<hbm>>) target_semaphore(%arg8 : memref<!tpu.dma_semaphore, #tpu.memory_space<semaphore_mem>>)
    %dma_wait3A_351 = arith.constant 1 : i32
    %dma_wait3A_352 = arith.constant 0 : i32
    %dma_wait3A_353 = arith.constant 0 : i32
    %dma_wait3A_354 = tpu.memref_slice %arg6[%dma_wait3A_351, %dma_wait3A_352, %dma_wait3A_353] : memref<2x64x768xf32, #tpu.memory_space<vmem>> -> memref<1x64x768xf32, #tpu.memory_space<vmem>>
    %dma_wait3A_355 = tpu.memref_squeeze %dma_wait3A_354 : memref<1x64x768xf32, #tpu.memory_space<vmem>> -> memref<64x768xf32, #tpu.memory_space<vmem>>
    %dma_wait3A_356 = arith.constant 0 : i32
    %dma_wait3A_357 = tpu.memref_slice %arg4[%add3A_283, %dma_wait3A_356] : memref<32768x768xf32, #tpu.memory_space<hbm>> -> memref<64x768xf32, #tpu.memory_space<hbm>>
    %dma_wait3A_358 = arith.constant 0 : i32
    %dma_wait3A_359 = tpu.memref_slice %arg4[%add3A_283, %dma_wait3A_358] : memref<32768x768xf32, #tpu.memory_space<hbm>> -> memref<64x768xf32, #tpu.memory_space<hbm>>
    %dma_wait3A_360 = arith.constant 0 : i32
    %dma_wait3A_361 = arith.constant 0 : i32
    %dma_wait3A_362 = tpu.memref_slice %arg6[%dma_wait3A_351, %dma_wait3A_360, %dma_wait3A_361] : memref<2x64x768xf32, #tpu.memory_space<vmem>> -> memref<1x64x768xf32, #tpu.memory_space<vmem>>
    %dma_wait3A_363 = tpu.memref_squeeze %dma_wait3A_362 : memref<1x64x768xf32, #tpu.memory_space<vmem>> -> memref<64x768xf32, #tpu.memory_space<vmem>>
    tpu.wait_dma2 semaphore(%arg9 : memref<!tpu.dma_semaphore, #tpu.memory_space<semaphore_mem>>) src(%dma_wait3A_363 : memref<64x768xf32, #tpu.memory_space<vmem>>) dst(%dma_wait3A_359 : memref<64x768xf32, #tpu.memory_space<hbm>>)
    %dma_start3A_364 = arith.constant 7 : i32
    %dma_start3A_365 = arith.constant 1 : i32
    %dma_start3A_366 = arith.constant 0 : i32
    %dma_start3A_367 = arith.constant 0 : i32
    %dma_start3A_368 = tpu.memref_slice %arg6[%dma_start3A_365, %dma_start3A_366, %dma_start3A_367] : memref<2x64x768xf32, #tpu.memory_space<vmem>> -> memref<1x64x768xf32, #tpu.memory_space<vmem>>
    %dma_start3A_369 = tpu.memref_squeeze %dma_start3A_368 : memref<1x64x768xf32, #tpu.memory_space<vmem>> -> memref<64x768xf32, #tpu.memory_space<vmem>>
    %dma_start3A_370 = arith.constant 0 : i32
    %dma_start3A_371 = tpu.memref_slice %arg5[%dma_start3A_364, %dma_start3A_370] : memref<16x64xi32, #tpu.memory_space<vmem>> -> memref<1x64xi32, #tpu.memory_space<vmem>>
    %dma_start3A_372 = tpu.memref_squeeze %dma_start3A_371 : memref<1x64xi32, #tpu.memory_space<vmem>> -> memref<64xi32, #tpu.memory_space<vmem>>
    %dma_start3A_373 = arith.constant 0 : i32
    %dma_start3A_374 = arith.constant 0 : i32
    %dma_start3A_375 = tpu.memref_slice %arg2[%dma_start3A_373, %dma_start3A_374] : memref<33280x768xf32, #tpu.memory_space<hbm>> -> memref<33280x768xf32, #tpu.memory_space<hbm>>
    tpu.enqueue_indirect_dma source(%dma_start3A_375 : memref<33280x768xf32, #tpu.memory_space<hbm>>) target(%dma_start3A_369 : memref<64x768xf32, #tpu.memory_space<vmem>>) offsets(%dma_start3A_372 : memref<64xi32, #tpu.memory_space<vmem>>) semaphore(%arg7 : memref<!tpu.dma_semaphore, #tpu.memory_space<semaphore_mem>>)
    %dma_wait3A_376 = arith.constant 7 : i32
    %dma_wait3A_377 = arith.constant 1 : i32
    %dma_wait3A_378 = arith.constant 0 : i32
    %dma_wait3A_379 = arith.constant 0 : i32
    %dma_wait3A_380 = tpu.memref_slice %arg6[%dma_wait3A_377, %dma_wait3A_378, %dma_wait3A_379] : memref<2x64x768xf32, #tpu.memory_space<vmem>> -> memref<1x64x768xf32, #tpu.memory_space<vmem>>
    %dma_wait3A_381 = tpu.memref_squeeze %dma_wait3A_380 : memref<1x64x768xf32, #tpu.memory_space<vmem>> -> memref<64x768xf32, #tpu.memory_space<vmem>>
    %dma_wait3A_382 = arith.constant 0 : i32
    %dma_wait3A_383 = tpu.memref_slice %arg5[%dma_wait3A_376, %dma_wait3A_382] : memref<16x64xi32, #tpu.memory_space<vmem>> -> memref<1x64xi32, #tpu.memory_space<vmem>>
    %dma_wait3A_384 = tpu.memref_squeeze %dma_wait3A_383 : memref<1x64xi32, #tpu.memory_space<vmem>> -> memref<64xi32, #tpu.memory_space<vmem>>
    %dma_wait3A_385 = arith.constant 0 : i32
    %dma_wait3A_386 = arith.constant 0 : i32
    %dma_wait3A_387 = tpu.memref_slice %arg2[%dma_wait3A_385, %dma_wait3A_386] : memref<33280x768xf32, #tpu.memory_space<hbm>> -> memref<33280x768xf32, #tpu.memory_space<hbm>>
    tpu.wait_indirect_dma semaphore(%arg7 : memref<!tpu.dma_semaphore, #tpu.memory_space<semaphore_mem>>) src(%dma_wait3A_387 : memref<33280x768xf32, #tpu.memory_space<hbm>>) dst(%dma_wait3A_381 : memref<64x768xf32, #tpu.memory_space<vmem>>)
    %mul3A_388 = arith.constant 1024 : i32
    %mul3A_389 = arith.muli %add3A, %mul3A_388 : i32
    %add3A_390 = arith.constant 448 : i32
    %add3A_391 = arith.addi %mul3A_389, %add3A_390 : i32
    %dma_start3A_392 = arith.constant 1 : i32
    %dma_start3A_393 = arith.constant 0 : i32
    %dma_start3A_394 = arith.constant 0 : i32
    %dma_start3A_395 = tpu.memref_slice %arg6[%dma_start3A_392, %dma_start3A_393, %dma_start3A_394] : memref<2x64x768xf32, #tpu.memory_space<vmem>> -> memref<1x64x768xf32, #tpu.memory_space<vmem>>
    %dma_start3A_396 = tpu.memref_squeeze %dma_start3A_395 : memref<1x64x768xf32, #tpu.memory_space<vmem>> -> memref<64x768xf32, #tpu.memory_space<vmem>>
    %dma_start3A_397 = arith.constant 0 : i32
    %dma_start3A_398 = tpu.memref_slice %arg4[%add3A_391, %dma_start3A_397] : memref<32768x768xf32, #tpu.memory_space<hbm>> -> memref<64x768xf32, #tpu.memory_space<hbm>>
    %dma_start3A_399 = arith.constant 0 : i32
    %dma_start3A_400 = tpu.memref_slice %arg4[%add3A_391, %dma_start3A_399] : memref<32768x768xf32, #tpu.memory_space<hbm>> -> memref<64x768xf32, #tpu.memory_space<hbm>>
    %dma_start3A_401 = arith.constant 0 : i32
    %dma_start3A_402 = arith.constant 0 : i32
    %dma_start3A_403 = tpu.memref_slice %arg6[%dma_start3A_392, %dma_start3A_401, %dma_start3A_402] : memref<2x64x768xf32, #tpu.memory_space<vmem>> -> memref<1x64x768xf32, #tpu.memory_space<vmem>>
    %dma_start3A_404 = tpu.memref_squeeze %dma_start3A_403 : memref<1x64x768xf32, #tpu.memory_space<vmem>> -> memref<64x768xf32, #tpu.memory_space<vmem>>
    tpu.enqueue_dma source(%dma_start3A_404 : memref<64x768xf32, #tpu.memory_space<vmem>>) target(%dma_start3A_400 : memref<64x768xf32, #tpu.memory_space<hbm>>) target_semaphore(%arg9 : memref<!tpu.dma_semaphore, #tpu.memory_space<semaphore_mem>>)
    %dma_wait3A_405 = arith.constant 0 : i32
    %dma_wait3A_406 = arith.constant 0 : i32
    %dma_wait3A_407 = arith.constant 0 : i32
    %dma_wait3A_408 = tpu.memref_slice %arg6[%dma_wait3A_405, %dma_wait3A_406, %dma_wait3A_407] : memref<2x64x768xf32, #tpu.memory_space<vmem>> -> memref<1x64x768xf32, #tpu.memory_space<vmem>>
    %dma_wait3A_409 = tpu.memref_squeeze %dma_wait3A_408 : memref<1x64x768xf32, #tpu.memory_space<vmem>> -> memref<64x768xf32, #tpu.memory_space<vmem>>
    %dma_wait3A_410 = arith.constant 0 : i32
    %dma_wait3A_411 = tpu.memref_slice %arg4[%add3A_337, %dma_wait3A_410] : memref<32768x768xf32, #tpu.memory_space<hbm>> -> memref<64x768xf32, #tpu.memory_space<hbm>>
    %dma_wait3A_412 = arith.constant 0 : i32
    %dma_wait3A_413 = tpu.memref_slice %arg4[%add3A_337, %dma_wait3A_412] : memref<32768x768xf32, #tpu.memory_space<hbm>> -> memref<64x768xf32, #tpu.memory_space<hbm>>
    %dma_wait3A_414 = arith.constant 0 : i32
    %dma_wait3A_415 = arith.constant 0 : i32
    %dma_wait3A_416 = tpu.memref_slice %arg6[%dma_wait3A_405, %dma_wait3A_414, %dma_wait3A_415] : memref<2x64x768xf32, #tpu.memory_space<vmem>> -> memref<1x64x768xf32, #tpu.memory_space<vmem>>
    %dma_wait3A_417 = tpu.memref_squeeze %dma_wait3A_416 : memref<1x64x768xf32, #tpu.memory_space<vmem>> -> memref<64x768xf32, #tpu.memory_space<vmem>>
    tpu.wait_dma2 semaphore(%arg8 : memref<!tpu.dma_semaphore, #tpu.memory_space<semaphore_mem>>) src(%dma_wait3A_417 : memref<64x768xf32, #tpu.memory_space<vmem>>) dst(%dma_wait3A_413 : memref<64x768xf32, #tpu.memory_space<hbm>>)
    %dma_start3A_418 = arith.constant 8 : i32
    %dma_start3A_419 = arith.constant 0 : i32
    %dma_start3A_420 = arith.constant 0 : i32
    %dma_start3A_421 = arith.constant 0 : i32
    %dma_start3A_422 = tpu.memref_slice %arg6[%dma_start3A_419, %dma_start3A_420, %dma_start3A_421] : memref<2x64x768xf32, #tpu.memory_space<vmem>> -> memref<1x64x768xf32, #tpu.memory_space<vmem>>
    %dma_start3A_423 = tpu.memref_squeeze %dma_start3A_422 : memref<1x64x768xf32, #tpu.memory_space<vmem>> -> memref<64x768xf32, #tpu.memory_space<vmem>>
    %dma_start3A_424 = arith.constant 0 : i32
    %dma_start3A_425 = tpu.memref_slice %arg5[%dma_start3A_418, %dma_start3A_424] : memref<16x64xi32, #tpu.memory_space<vmem>> -> memref<1x64xi32, #tpu.memory_space<vmem>>
    %dma_start3A_426 = tpu.memref_squeeze %dma_start3A_425 : memref<1x64xi32, #tpu.memory_space<vmem>> -> memref<64xi32, #tpu.memory_space<vmem>>
    %dma_start3A_427 = arith.constant 0 : i32
    %dma_start3A_428 = arith.constant 0 : i32
    %dma_start3A_429 = tpu.memref_slice %arg2[%dma_start3A_427, %dma_start3A_428] : memref<33280x768xf32, #tpu.memory_space<hbm>> -> memref<33280x768xf32, #tpu.memory_space<hbm>>
    tpu.enqueue_indirect_dma source(%dma_start3A_429 : memref<33280x768xf32, #tpu.memory_space<hbm>>) target(%dma_start3A_423 : memref<64x768xf32, #tpu.memory_space<vmem>>) offsets(%dma_start3A_426 : memref<64xi32, #tpu.memory_space<vmem>>) semaphore(%arg7 : memref<!tpu.dma_semaphore, #tpu.memory_space<semaphore_mem>>)
    %dma_wait3A_430 = arith.constant 8 : i32
    %dma_wait3A_431 = arith.constant 0 : i32
    %dma_wait3A_432 = arith.constant 0 : i32
    %dma_wait3A_433 = arith.constant 0 : i32
    %dma_wait3A_434 = tpu.memref_slice %arg6[%dma_wait3A_431, %dma_wait3A_432, %dma_wait3A_433] : memref<2x64x768xf32, #tpu.memory_space<vmem>> -> memref<1x64x768xf32, #tpu.memory_space<vmem>>
    %dma_wait3A_435 = tpu.memref_squeeze %dma_wait3A_434 : memref<1x64x768xf32, #tpu.memory_space<vmem>> -> memref<64x768xf32, #tpu.memory_space<vmem>>
    %dma_wait3A_436 = arith.constant 0 : i32
    %dma_wait3A_437 = tpu.memref_slice %arg5[%dma_wait3A_430, %dma_wait3A_436] : memref<16x64xi32, #tpu.memory_space<vmem>> -> memref<1x64xi32, #tpu.memory_space<vmem>>
    %dma_wait3A_438 = tpu.memref_squeeze %dma_wait3A_437 : memref<1x64xi32, #tpu.memory_space<vmem>> -> memref<64xi32, #tpu.memory_space<vmem>>
    %dma_wait3A_439 = arith.constant 0 : i32
    %dma_wait3A_440 = arith.constant 0 : i32
    %dma_wait3A_441 = tpu.memref_slice %arg2[%dma_wait3A_439, %dma_wait3A_440] : memref<33280x768xf32, #tpu.memory_space<hbm>> -> memref<33280x768xf32, #tpu.memory_space<hbm>>
    tpu.wait_indirect_dma semaphore(%arg7 : memref<!tpu.dma_semaphore, #tpu.memory_space<semaphore_mem>>) src(%dma_wait3A_441 : memref<33280x768xf32, #tpu.memory_space<hbm>>) dst(%dma_wait3A_435 : memref<64x768xf32, #tpu.memory_space<vmem>>)
    %mul3A_442 = arith.constant 1024 : i32
    %mul3A_443 = arith.muli %add3A, %mul3A_442 : i32
    %add3A_444 = arith.constant 512 : i32
    %add3A_445 = arith.addi %mul3A_443, %add3A_444 : i32
    %dma_start3A_446 = arith.constant 0 : i32
    %dma_start3A_447 = arith.constant 0 : i32
    %dma_start3A_448 = arith.constant 0 : i32
    %dma_start3A_449 = tpu.memref_slice %arg6[%dma_start3A_446, %dma_start3A_447, %dma_start3A_448] : memref<2x64x768xf32, #tpu.memory_space<vmem>> -> memref<1x64x768xf32, #tpu.memory_space<vmem>>
    %dma_start3A_450 = tpu.memref_squeeze %dma_start3A_449 : memref<1x64x768xf32, #tpu.memory_space<vmem>> -> memref<64x768xf32, #tpu.memory_space<vmem>>
    %dma_start3A_451 = arith.constant 0 : i32
    %dma_start3A_452 = tpu.memref_slice %arg4[%add3A_445, %dma_start3A_451] : memref<32768x768xf32, #tpu.memory_space<hbm>> -> memref<64x768xf32, #tpu.memory_space<hbm>>
    %dma_start3A_453 = arith.constant 0 : i32
    %dma_start3A_454 = tpu.memref_slice %arg4[%add3A_445, %dma_start3A_453] : memref<32768x768xf32, #tpu.memory_space<hbm>> -> memref<64x768xf32, #tpu.memory_space<hbm>>
    %dma_start3A_455 = arith.constant 0 : i32
    %dma_start3A_456 = arith.constant 0 : i32
    %dma_start3A_457 = tpu.memref_slice %arg6[%dma_start3A_446, %dma_start3A_455, %dma_start3A_456] : memref<2x64x768xf32, #tpu.memory_space<vmem>> -> memref<1x64x768xf32, #tpu.memory_space<vmem>>
    %dma_start3A_458 = tpu.memref_squeeze %dma_start3A_457 : memref<1x64x768xf32, #tpu.memory_space<vmem>> -> memref<64x768xf32, #tpu.memory_space<vmem>>
    tpu.enqueue_dma source(%dma_start3A_458 : memref<64x768xf32, #tpu.memory_space<vmem>>) target(%dma_start3A_454 : memref<64x768xf32, #tpu.memory_space<hbm>>) target_semaphore(%arg8 : memref<!tpu.dma_semaphore, #tpu.memory_space<semaphore_mem>>)
    %dma_wait3A_459 = arith.constant 1 : i32
    %dma_wait3A_460 = arith.constant 0 : i32
    %dma_wait3A_461 = arith.constant 0 : i32
    %dma_wait3A_462 = tpu.memref_slice %arg6[%dma_wait3A_459, %dma_wait3A_460, %dma_wait3A_461] : memref<2x64x768xf32, #tpu.memory_space<vmem>> -> memref<1x64x768xf32, #tpu.memory_space<vmem>>
    %dma_wait3A_463 = tpu.memref_squeeze %dma_wait3A_462 : memref<1x64x768xf32, #tpu.memory_space<vmem>> -> memref<64x768xf32, #tpu.memory_space<vmem>>
    %dma_wait3A_464 = arith.constant 0 : i32
    %dma_wait3A_465 = tpu.memref_slice %arg4[%add3A_391, %dma_wait3A_464] : memref<32768x768xf32, #tpu.memory_space<hbm>> -> memref<64x768xf32, #tpu.memory_space<hbm>>
    %dma_wait3A_466 = arith.constant 0 : i32
    %dma_wait3A_467 = tpu.memref_slice %arg4[%add3A_391, %dma_wait3A_466] : memref<32768x768xf32, #tpu.memory_space<hbm>> -> memref<64x768xf32, #tpu.memory_space<hbm>>
    %dma_wait3A_468 = arith.constant 0 : i32
    %dma_wait3A_469 = arith.constant 0 : i32
    %dma_wait3A_470 = tpu.memref_slice %arg6[%dma_wait3A_459, %dma_wait3A_468, %dma_wait3A_469] : memref<2x64x768xf32, #tpu.memory_space<vmem>> -> memref<1x64x768xf32, #tpu.memory_space<vmem>>
    %dma_wait3A_471 = tpu.memref_squeeze %dma_wait3A_470 : memref<1x64x768xf32, #tpu.memory_space<vmem>> -> memref<64x768xf32, #tpu.memory_space<vmem>>
    tpu.wait_dma2 semaphore(%arg9 : memref<!tpu.dma_semaphore, #tpu.memory_space<semaphore_mem>>) src(%dma_wait3A_471 : memref<64x768xf32, #tpu.memory_space<vmem>>) dst(%dma_wait3A_467 : memref<64x768xf32, #tpu.memory_space<hbm>>)
    %dma_start3A_472 = arith.constant 9 : i32
    %dma_start3A_473 = arith.constant 1 : i32
    %dma_start3A_474 = arith.constant 0 : i32
    %dma_start3A_475 = arith.constant 0 : i32
    %dma_start3A_476 = tpu.memref_slice %arg6[%dma_start3A_473, %dma_start3A_474, %dma_start3A_475] : memref<2x64x768xf32, #tpu.memory_space<vmem>> -> memref<1x64x768xf32, #tpu.memory_space<vmem>>
    %dma_start3A_477 = tpu.memref_squeeze %dma_start3A_476 : memref<1x64x768xf32, #tpu.memory_space<vmem>> -> memref<64x768xf32, #tpu.memory_space<vmem>>
    %dma_start3A_478 = arith.constant 0 : i32
    %dma_start3A_479 = tpu.memref_slice %arg5[%dma_start3A_472, %dma_start3A_478] : memref<16x64xi32, #tpu.memory_space<vmem>> -> memref<1x64xi32, #tpu.memory_space<vmem>>
    %dma_start3A_480 = tpu.memref_squeeze %dma_start3A_479 : memref<1x64xi32, #tpu.memory_space<vmem>> -> memref<64xi32, #tpu.memory_space<vmem>>
    %dma_start3A_481 = arith.constant 0 : i32
    %dma_start3A_482 = arith.constant 0 : i32
    %dma_start3A_483 = tpu.memref_slice %arg2[%dma_start3A_481, %dma_start3A_482] : memref<33280x768xf32, #tpu.memory_space<hbm>> -> memref<33280x768xf32, #tpu.memory_space<hbm>>
    tpu.enqueue_indirect_dma source(%dma_start3A_483 : memref<33280x768xf32, #tpu.memory_space<hbm>>) target(%dma_start3A_477 : memref<64x768xf32, #tpu.memory_space<vmem>>) offsets(%dma_start3A_480 : memref<64xi32, #tpu.memory_space<vmem>>) semaphore(%arg7 : memref<!tpu.dma_semaphore, #tpu.memory_space<semaphore_mem>>)
    %dma_wait3A_484 = arith.constant 9 : i32
    %dma_wait3A_485 = arith.constant 1 : i32
    %dma_wait3A_486 = arith.constant 0 : i32
    %dma_wait3A_487 = arith.constant 0 : i32
    %dma_wait3A_488 = tpu.memref_slice %arg6[%dma_wait3A_485, %dma_wait3A_486, %dma_wait3A_487] : memref<2x64x768xf32, #tpu.memory_space<vmem>> -> memref<1x64x768xf32, #tpu.memory_space<vmem>>
    %dma_wait3A_489 = tpu.memref_squeeze %dma_wait3A_488 : memref<1x64x768xf32, #tpu.memory_space<vmem>> -> memref<64x768xf32, #tpu.memory_space<vmem>>
    %dma_wait3A_490 = arith.constant 0 : i32
    %dma_wait3A_491 = tpu.memref_slice %arg5[%dma_wait3A_484, %dma_wait3A_490] : memref<16x64xi32, #tpu.memory_space<vmem>> -> memref<1x64xi32, #tpu.memory_space<vmem>>
    %dma_wait3A_492 = tpu.memref_squeeze %dma_wait3A_491 : memref<1x64xi32, #tpu.memory_space<vmem>> -> memref<64xi32, #tpu.memory_space<vmem>>
    %dma_wait3A_493 = arith.constant 0 : i32
    %dma_wait3A_494 = arith.constant 0 : i32
    %dma_wait3A_495 = tpu.memref_slice %arg2[%dma_wait3A_493, %dma_wait3A_494] : memref<33280x768xf32, #tpu.memory_space<hbm>> -> memref<33280x768xf32, #tpu.memory_space<hbm>>
    tpu.wait_indirect_dma semaphore(%arg7 : memref<!tpu.dma_semaphore, #tpu.memory_space<semaphore_mem>>) src(%dma_wait3A_495 : memref<33280x768xf32, #tpu.memory_space<hbm>>) dst(%dma_wait3A_489 : memref<64x768xf32, #tpu.memory_space<vmem>>)
    %mul3A_496 = arith.constant 1024 : i32
    %mul3A_497 = arith.muli %add3A, %mul3A_496 : i32
    %add3A_498 = arith.constant 576 : i32
    %add3A_499 = arith.addi %mul3A_497, %add3A_498 : i32
    %dma_start3A_500 = arith.constant 1 : i32
    %dma_start3A_501 = arith.constant 0 : i32
    %dma_start3A_502 = arith.constant 0 : i32
    %dma_start3A_503 = tpu.memref_slice %arg6[%dma_start3A_500, %dma_start3A_501, %dma_start3A_502] : memref<2x64x768xf32, #tpu.memory_space<vmem>> -> memref<1x64x768xf32, #tpu.memory_space<vmem>>
    %dma_start3A_504 = tpu.memref_squeeze %dma_start3A_503 : memref<1x64x768xf32, #tpu.memory_space<vmem>> -> memref<64x768xf32, #tpu.memory_space<vmem>>
    %dma_start3A_505 = arith.constant 0 : i32
    %dma_start3A_506 = tpu.memref_slice %arg4[%add3A_499, %dma_start3A_505] : memref<32768x768xf32, #tpu.memory_space<hbm>> -> memref<64x768xf32, #tpu.memory_space<hbm>>
    %dma_start3A_507 = arith.constant 0 : i32
    %dma_start3A_508 = tpu.memref_slice %arg4[%add3A_499, %dma_start3A_507] : memref<32768x768xf32, #tpu.memory_space<hbm>> -> memref<64x768xf32, #tpu.memory_space<hbm>>
    %dma_start3A_509 = arith.constant 0 : i32
    %dma_start3A_510 = arith.constant 0 : i32
    %dma_start3A_511 = tpu.memref_slice %arg6[%dma_start3A_500, %dma_start3A_509, %dma_start3A_510] : memref<2x64x768xf32, #tpu.memory_space<vmem>> -> memref<1x64x768xf32, #tpu.memory_space<vmem>>
    %dma_start3A_512 = tpu.memref_squeeze %dma_start3A_511 : memref<1x64x768xf32, #tpu.memory_space<vmem>> -> memref<64x768xf32, #tpu.memory_space<vmem>>
    tpu.enqueue_dma source(%dma_start3A_512 : memref<64x768xf32, #tpu.memory_space<vmem>>) target(%dma_start3A_508 : memref<64x768xf32, #tpu.memory_space<hbm>>) target_semaphore(%arg9 : memref<!tpu.dma_semaphore, #tpu.memory_space<semaphore_mem>>)
    %dma_wait3A_513 = arith.constant 0 : i32
    %dma_wait3A_514 = arith.constant 0 : i32
    %dma_wait3A_515 = arith.constant 0 : i32
    %dma_wait3A_516 = tpu.memref_slice %arg6[%dma_wait3A_513, %dma_wait3A_514, %dma_wait3A_515] : memref<2x64x768xf32, #tpu.memory_space<vmem>> -> memref<1x64x768xf32, #tpu.memory_space<vmem>>
    %dma_wait3A_517 = tpu.memref_squeeze %dma_wait3A_516 : memref<1x64x768xf32, #tpu.memory_space<vmem>> -> memref<64x768xf32, #tpu.memory_space<vmem>>
    %dma_wait3A_518 = arith.constant 0 : i32
    %dma_wait3A_519 = tpu.memref_slice %arg4[%add3A_445, %dma_wait3A_518] : memref<32768x768xf32, #tpu.memory_space<hbm>> -> memref<64x768xf32, #tpu.memory_space<hbm>>
    %dma_wait3A_520 = arith.constant 0 : i32
    %dma_wait3A_521 = tpu.memref_slice %arg4[%add3A_445, %dma_wait3A_520] : memref<32768x768xf32, #tpu.memory_space<hbm>> -> memref<64x768xf32, #tpu.memory_space<hbm>>
    %dma_wait3A_522 = arith.constant 0 : i32
    %dma_wait3A_523 = arith.constant 0 : i32
    %dma_wait3A_524 = tpu.memref_slice %arg6[%dma_wait3A_513, %dma_wait3A_522, %dma_wait3A_523] : memref<2x64x768xf32, #tpu.memory_space<vmem>> -> memref<1x64x768xf32, #tpu.memory_space<vmem>>
    %dma_wait3A_525 = tpu.memref_squeeze %dma_wait3A_524 : memref<1x64x768xf32, #tpu.memory_space<vmem>> -> memref<64x768xf32, #tpu.memory_space<vmem>>
    tpu.wait_dma2 semaphore(%arg8 : memref<!tpu.dma_semaphore, #tpu.memory_space<semaphore_mem>>) src(%dma_wait3A_525 : memref<64x768xf32, #tpu.memory_space<vmem>>) dst(%dma_wait3A_521 : memref<64x768xf32, #tpu.memory_space<hbm>>)
    %dma_start3A_526 = arith.constant 10 : i32
    %dma_start3A_527 = arith.constant 0 : i32
    %dma_start3A_528 = arith.constant 0 : i32
    %dma_start3A_529 = arith.constant 0 : i32
    %dma_start3A_530 = tpu.memref_slice %arg6[%dma_start3A_527, %dma_start3A_528, %dma_start3A_529] : memref<2x64x768xf32, #tpu.memory_space<vmem>> -> memref<1x64x768xf32, #tpu.memory_space<vmem>>
    %dma_start3A_531 = tpu.memref_squeeze %dma_start3A_530 : memref<1x64x768xf32, #tpu.memory_space<vmem>> -> memref<64x768xf32, #tpu.memory_space<vmem>>
    %dma_start3A_532 = arith.constant 0 : i32
    %dma_start3A_533 = tpu.memref_slice %arg5[%dma_start3A_526, %dma_start3A_532] : memref<16x64xi32, #tpu.memory_space<vmem>> -> memref<1x64xi32, #tpu.memory_space<vmem>>
    %dma_start3A_534 = tpu.memref_squeeze %dma_start3A_533 : memref<1x64xi32, #tpu.memory_space<vmem>> -> memref<64xi32, #tpu.memory_space<vmem>>
    %dma_start3A_535 = arith.constant 0 : i32
    %dma_start3A_536 = arith.constant 0 : i32
    %dma_start3A_537 = tpu.memref_slice %arg2[%dma_start3A_535, %dma_start3A_536] : memref<33280x768xf32, #tpu.memory_space<hbm>> -> memref<33280x768xf32, #tpu.memory_space<hbm>>
    tpu.enqueue_indirect_dma source(%dma_start3A_537 : memref<33280x768xf32, #tpu.memory_space<hbm>>) target(%dma_start3A_531 : memref<64x768xf32, #tpu.memory_space<vmem>>) offsets(%dma_start3A_534 : memref<64xi32, #tpu.memory_space<vmem>>) semaphore(%arg7 : memref<!tpu.dma_semaphore, #tpu.memory_space<semaphore_mem>>)
    %dma_wait3A_538 = arith.constant 10 : i32
    %dma_wait3A_539 = arith.constant 0 : i32
    %dma_wait3A_540 = arith.constant 0 : i32
    %dma_wait3A_541 = arith.constant 0 : i32
    %dma_wait3A_542 = tpu.memref_slice %arg6[%dma_wait3A_539, %dma_wait3A_540, %dma_wait3A_541] : memref<2x64x768xf32, #tpu.memory_space<vmem>> -> memref<1x64x768xf32, #tpu.memory_space<vmem>>
    %dma_wait3A_543 = tpu.memref_squeeze %dma_wait3A_542 : memref<1x64x768xf32, #tpu.memory_space<vmem>> -> memref<64x768xf32, #tpu.memory_space<vmem>>
    %dma_wait3A_544 = arith.constant 0 : i32
    %dma_wait3A_545 = tpu.memref_slice %arg5[%dma_wait3A_538, %dma_wait3A_544] : memref<16x64xi32, #tpu.memory_space<vmem>> -> memref<1x64xi32, #tpu.memory_space<vmem>>
    %dma_wait3A_546 = tpu.memref_squeeze %dma_wait3A_545 : memref<1x64xi32, #tpu.memory_space<vmem>> -> memref<64xi32, #tpu.memory_space<vmem>>
    %dma_wait3A_547 = arith.constant 0 : i32
    %dma_wait3A_548 = arith.constant 0 : i32
    %dma_wait3A_549 = tpu.memref_slice %arg2[%dma_wait3A_547, %dma_wait3A_548] : memref<33280x768xf32, #tpu.memory_space<hbm>> -> memref<33280x768xf32, #tpu.memory_space<hbm>>
    tpu.wait_indirect_dma semaphore(%arg7 : memref<!tpu.dma_semaphore, #tpu.memory_space<semaphore_mem>>) src(%dma_wait3A_549 : memref<33280x768xf32, #tpu.memory_space<hbm>>) dst(%dma_wait3A_543 : memref<64x768xf32, #tpu.memory_space<vmem>>)
    %mul3A_550 = arith.constant 1024 : i32
    %mul3A_551 = arith.muli %add3A, %mul3A_550 : i32
    %add3A_552 = arith.constant 640 : i32
    %add3A_553 = arith.addi %mul3A_551, %add3A_552 : i32
    %dma_start3A_554 = arith.constant 0 : i32
    %dma_start3A_555 = arith.constant 0 : i32
    %dma_start3A_556 = arith.constant 0 : i32
    %dma_start3A_557 = tpu.memref_slice %arg6[%dma_start3A_554, %dma_start3A_555, %dma_start3A_556] : memref<2x64x768xf32, #tpu.memory_space<vmem>> -> memref<1x64x768xf32, #tpu.memory_space<vmem>>
    %dma_start3A_558 = tpu.memref_squeeze %dma_start3A_557 : memref<1x64x768xf32, #tpu.memory_space<vmem>> -> memref<64x768xf32, #tpu.memory_space<vmem>>
    %dma_start3A_559 = arith.constant 0 : i32
    %dma_start3A_560 = tpu.memref_slice %arg4[%add3A_553, %dma_start3A_559] : memref<32768x768xf32, #tpu.memory_space<hbm>> -> memref<64x768xf32, #tpu.memory_space<hbm>>
    %dma_start3A_561 = arith.constant 0 : i32
    %dma_start3A_562 = tpu.memref_slice %arg4[%add3A_553, %dma_start3A_561] : memref<32768x768xf32, #tpu.memory_space<hbm>> -> memref<64x768xf32, #tpu.memory_space<hbm>>
    %dma_start3A_563 = arith.constant 0 : i32
    %dma_start3A_564 = arith.constant 0 : i32
    %dma_start3A_565 = tpu.memref_slice %arg6[%dma_start3A_554, %dma_start3A_563, %dma_start3A_564] : memref<2x64x768xf32, #tpu.memory_space<vmem>> -> memref<1x64x768xf32, #tpu.memory_space<vmem>>
    %dma_start3A_566 = tpu.memref_squeeze %dma_start3A_565 : memref<1x64x768xf32, #tpu.memory_space<vmem>> -> memref<64x768xf32, #tpu.memory_space<vmem>>
    tpu.enqueue_dma source(%dma_start3A_566 : memref<64x768xf32, #tpu.memory_space<vmem>>) target(%dma_start3A_562 : memref<64x768xf32, #tpu.memory_space<hbm>>) target_semaphore(%arg8 : memref<!tpu.dma_semaphore, #tpu.memory_space<semaphore_mem>>)
    %dma_wait3A_567 = arith.constant 1 : i32
    %dma_wait3A_568 = arith.constant 0 : i32
    %dma_wait3A_569 = arith.constant 0 : i32
    %dma_wait3A_570 = tpu.memref_slice %arg6[%dma_wait3A_567, %dma_wait3A_568, %dma_wait3A_569] : memref<2x64x768xf32, #tpu.memory_space<vmem>> -> memref<1x64x768xf32, #tpu.memory_space<vmem>>
    %dma_wait3A_571 = tpu.memref_squeeze %dma_wait3A_570 : memref<1x64x768xf32, #tpu.memory_space<vmem>> -> memref<64x768xf32, #tpu.memory_space<vmem>>
    %dma_wait3A_572 = arith.constant 0 : i32
    %dma_wait3A_573 = tpu.memref_slice %arg4[%add3A_499, %dma_wait3A_572] : memref<32768x768xf32, #tpu.memory_space<hbm>> -> memref<64x768xf32, #tpu.memory_space<hbm>>
    %dma_wait3A_574 = arith.constant 0 : i32
    %dma_wait3A_575 = tpu.memref_slice %arg4[%add3A_499, %dma_wait3A_574] : memref<32768x768xf32, #tpu.memory_space<hbm>> -> memref<64x768xf32, #tpu.memory_space<hbm>>
    %dma_wait3A_576 = arith.constant 0 : i32
    %dma_wait3A_577 = arith.constant 0 : i32
    %dma_wait3A_578 = tpu.memref_slice %arg6[%dma_wait3A_567, %dma_wait3A_576, %dma_wait3A_577] : memref<2x64x768xf32, #tpu.memory_space<vmem>> -> memref<1x64x768xf32, #tpu.memory_space<vmem>>
    %dma_wait3A_579 = tpu.memref_squeeze %dma_wait3A_578 : memref<1x64x768xf32, #tpu.memory_space<vmem>> -> memref<64x768xf32, #tpu.memory_space<vmem>>
    tpu.wait_dma2 semaphore(%arg9 : memref<!tpu.dma_semaphore, #tpu.memory_space<semaphore_mem>>) src(%dma_wait3A_579 : memref<64x768xf32, #tpu.memory_space<vmem>>) dst(%dma_wait3A_575 : memref<64x768xf32, #tpu.memory_space<hbm>>)
    %dma_start3A_580 = arith.constant 11 : i32
    %dma_start3A_581 = arith.constant 1 : i32
    %dma_start3A_582 = arith.constant 0 : i32
    %dma_start3A_583 = arith.constant 0 : i32
    %dma_start3A_584 = tpu.memref_slice %arg6[%dma_start3A_581, %dma_start3A_582, %dma_start3A_583] : memref<2x64x768xf32, #tpu.memory_space<vmem>> -> memref<1x64x768xf32, #tpu.memory_space<vmem>>
    %dma_start3A_585 = tpu.memref_squeeze %dma_start3A_584 : memref<1x64x768xf32, #tpu.memory_space<vmem>> -> memref<64x768xf32, #tpu.memory_space<vmem>>
    %dma_start3A_586 = arith.constant 0 : i32
    %dma_start3A_587 = tpu.memref_slice %arg5[%dma_start3A_580, %dma_start3A_586] : memref<16x64xi32, #tpu.memory_space<vmem>> -> memref<1x64xi32, #tpu.memory_space<vmem>>
    %dma_start3A_588 = tpu.memref_squeeze %dma_start3A_587 : memref<1x64xi32, #tpu.memory_space<vmem>> -> memref<64xi32, #tpu.memory_space<vmem>>
    %dma_start3A_589 = arith.constant 0 : i32
    %dma_start3A_590 = arith.constant 0 : i32
    %dma_start3A_591 = tpu.memref_slice %arg2[%dma_start3A_589, %dma_start3A_590] : memref<33280x768xf32, #tpu.memory_space<hbm>> -> memref<33280x768xf32, #tpu.memory_space<hbm>>
    tpu.enqueue_indirect_dma source(%dma_start3A_591 : memref<33280x768xf32, #tpu.memory_space<hbm>>) target(%dma_start3A_585 : memref<64x768xf32, #tpu.memory_space<vmem>>) offsets(%dma_start3A_588 : memref<64xi32, #tpu.memory_space<vmem>>) semaphore(%arg7 : memref<!tpu.dma_semaphore, #tpu.memory_space<semaphore_mem>>)
    %dma_wait3A_592 = arith.constant 11 : i32
    %dma_wait3A_593 = arith.constant 1 : i32
    %dma_wait3A_594 = arith.constant 0 : i32
    %dma_wait3A_595 = arith.constant 0 : i32
    %dma_wait3A_596 = tpu.memref_slice %arg6[%dma_wait3A_593, %dma_wait3A_594, %dma_wait3A_595] : memref<2x64x768xf32, #tpu.memory_space<vmem>> -> memref<1x64x768xf32, #tpu.memory_space<vmem>>
    %dma_wait3A_597 = tpu.memref_squeeze %dma_wait3A_596 : memref<1x64x768xf32, #tpu.memory_space<vmem>> -> memref<64x768xf32, #tpu.memory_space<vmem>>
    %dma_wait3A_598 = arith.constant 0 : i32
    %dma_wait3A_599 = tpu.memref_slice %arg5[%dma_wait3A_592, %dma_wait3A_598] : memref<16x64xi32, #tpu.memory_space<vmem>> -> memref<1x64xi32, #tpu.memory_space<vmem>>
    %dma_wait3A_600 = tpu.memref_squeeze %dma_wait3A_599 : memref<1x64xi32, #tpu.memory_space<vmem>> -> memref<64xi32, #tpu.memory_space<vmem>>
    %dma_wait3A_601 = arith.constant 0 : i32
    %dma_wait3A_602 = arith.constant 0 : i32
    %dma_wait3A_603 = tpu.memref_slice %arg2[%dma_wait3A_601, %dma_wait3A_602] : memref<33280x768xf32, #tpu.memory_space<hbm>> -> memref<33280x768xf32, #tpu.memory_space<hbm>>
    tpu.wait_indirect_dma semaphore(%arg7 : memref<!tpu.dma_semaphore, #tpu.memory_space<semaphore_mem>>) src(%dma_wait3A_603 : memref<33280x768xf32, #tpu.memory_space<hbm>>) dst(%dma_wait3A_597 : memref<64x768xf32, #tpu.memory_space<vmem>>)
    %mul3A_604 = arith.constant 1024 : i32
    %mul3A_605 = arith.muli %add3A, %mul3A_604 : i32
    %add3A_606 = arith.constant 704 : i32
    %add3A_607 = arith.addi %mul3A_605, %add3A_606 : i32
    %dma_start3A_608 = arith.constant 1 : i32
    %dma_start3A_609 = arith.constant 0 : i32
    %dma_start3A_610 = arith.constant 0 : i32
    %dma_start3A_611 = tpu.memref_slice %arg6[%dma_start3A_608, %dma_start3A_609, %dma_start3A_610] : memref<2x64x768xf32, #tpu.memory_space<vmem>> -> memref<1x64x768xf32, #tpu.memory_space<vmem>>
    %dma_start3A_612 = tpu.memref_squeeze %dma_start3A_611 : memref<1x64x768xf32, #tpu.memory_space<vmem>> -> memref<64x768xf32, #tpu.memory_space<vmem>>
    %dma_start3A_613 = arith.constant 0 : i32
    %dma_start3A_614 = tpu.memref_slice %arg4[%add3A_607, %dma_start3A_613] : memref<32768x768xf32, #tpu.memory_space<hbm>> -> memref<64x768xf32, #tpu.memory_space<hbm>>
    %dma_start3A_615 = arith.constant 0 : i32
    %dma_start3A_616 = tpu.memref_slice %arg4[%add3A_607, %dma_start3A_615] : memref<32768x768xf32, #tpu.memory_space<hbm>> -> memref<64x768xf32, #tpu.memory_space<hbm>>
    %dma_start3A_617 = arith.constant 0 : i32
    %dma_start3A_618 = arith.constant 0 : i32
    %dma_start3A_619 = tpu.memref_slice %arg6[%dma_start3A_608, %dma_start3A_617, %dma_start3A_618] : memref<2x64x768xf32, #tpu.memory_space<vmem>> -> memref<1x64x768xf32, #tpu.memory_space<vmem>>
    %dma_start3A_620 = tpu.memref_squeeze %dma_start3A_619 : memref<1x64x768xf32, #tpu.memory_space<vmem>> -> memref<64x768xf32, #tpu.memory_space<vmem>>
    tpu.enqueue_dma source(%dma_start3A_620 : memref<64x768xf32, #tpu.memory_space<vmem>>) target(%dma_start3A_616 : memref<64x768xf32, #tpu.memory_space<hbm>>) target_semaphore(%arg9 : memref<!tpu.dma_semaphore, #tpu.memory_space<semaphore_mem>>)
    %dma_wait3A_621 = arith.constant 0 : i32
    %dma_wait3A_622 = arith.constant 0 : i32
    %dma_wait3A_623 = arith.constant 0 : i32
    %dma_wait3A_624 = tpu.memref_slice %arg6[%dma_wait3A_621, %dma_wait3A_622, %dma_wait3A_623] : memref<2x64x768xf32, #tpu.memory_space<vmem>> -> memref<1x64x768xf32, #tpu.memory_space<vmem>>
    %dma_wait3A_625 = tpu.memref_squeeze %dma_wait3A_624 : memref<1x64x768xf32, #tpu.memory_space<vmem>> -> memref<64x768xf32, #tpu.memory_space<vmem>>
    %dma_wait3A_626 = arith.constant 0 : i32
    %dma_wait3A_627 = tpu.memref_slice %arg4[%add3A_553, %dma_wait3A_626] : memref<32768x768xf32, #tpu.memory_space<hbm>> -> memref<64x768xf32, #tpu.memory_space<hbm>>
    %dma_wait3A_628 = arith.constant 0 : i32
    %dma_wait3A_629 = tpu.memref_slice %arg4[%add3A_553, %dma_wait3A_628] : memref<32768x768xf32, #tpu.memory_space<hbm>> -> memref<64x768xf32, #tpu.memory_space<hbm>>
    %dma_wait3A_630 = arith.constant 0 : i32
    %dma_wait3A_631 = arith.constant 0 : i32
    %dma_wait3A_632 = tpu.memref_slice %arg6[%dma_wait3A_621, %dma_wait3A_630, %dma_wait3A_631] : memref<2x64x768xf32, #tpu.memory_space<vmem>> -> memref<1x64x768xf32, #tpu.memory_space<vmem>>
    %dma_wait3A_633 = tpu.memref_squeeze %dma_wait3A_632 : memref<1x64x768xf32, #tpu.memory_space<vmem>> -> memref<64x768xf32, #tpu.memory_space<vmem>>
    tpu.wait_dma2 semaphore(%arg8 : memref<!tpu.dma_semaphore, #tpu.memory_space<semaphore_mem>>) src(%dma_wait3A_633 : memref<64x768xf32, #tpu.memory_space<vmem>>) dst(%dma_wait3A_629 : memref<64x768xf32, #tpu.memory_space<hbm>>)
    %dma_start3A_634 = arith.constant 12 : i32
    %dma_start3A_635 = arith.constant 0 : i32
    %dma_start3A_636 = arith.constant 0 : i32
    %dma_start3A_637 = arith.constant 0 : i32
    %dma_start3A_638 = tpu.memref_slice %arg6[%dma_start3A_635, %dma_start3A_636, %dma_start3A_637] : memref<2x64x768xf32, #tpu.memory_space<vmem>> -> memref<1x64x768xf32, #tpu.memory_space<vmem>>
    %dma_start3A_639 = tpu.memref_squeeze %dma_start3A_638 : memref<1x64x768xf32, #tpu.memory_space<vmem>> -> memref<64x768xf32, #tpu.memory_space<vmem>>
    %dma_start3A_640 = arith.constant 0 : i32
    %dma_start3A_641 = tpu.memref_slice %arg5[%dma_start3A_634, %dma_start3A_640] : memref<16x64xi32, #tpu.memory_space<vmem>> -> memref<1x64xi32, #tpu.memory_space<vmem>>
    %dma_start3A_642 = tpu.memref_squeeze %dma_start3A_641 : memref<1x64xi32, #tpu.memory_space<vmem>> -> memref<64xi32, #tpu.memory_space<vmem>>
    %dma_start3A_643 = arith.constant 0 : i32
    %dma_start3A_644 = arith.constant 0 : i32
    %dma_start3A_645 = tpu.memref_slice %arg2[%dma_start3A_643, %dma_start3A_644] : memref<33280x768xf32, #tpu.memory_space<hbm>> -> memref<33280x768xf32, #tpu.memory_space<hbm>>
    tpu.enqueue_indirect_dma source(%dma_start3A_645 : memref<33280x768xf32, #tpu.memory_space<hbm>>) target(%dma_start3A_639 : memref<64x768xf32, #tpu.memory_space<vmem>>) offsets(%dma_start3A_642 : memref<64xi32, #tpu.memory_space<vmem>>) semaphore(%arg7 : memref<!tpu.dma_semaphore, #tpu.memory_space<semaphore_mem>>)
    %dma_wait3A_646 = arith.constant 12 : i32
    %dma_wait3A_647 = arith.constant 0 : i32
    %dma_wait3A_648 = arith.constant 0 : i32
    %dma_wait3A_649 = arith.constant 0 : i32
    %dma_wait3A_650 = tpu.memref_slice %arg6[%dma_wait3A_647, %dma_wait3A_648, %dma_wait3A_649] : memref<2x64x768xf32, #tpu.memory_space<vmem>> -> memref<1x64x768xf32, #tpu.memory_space<vmem>>
    %dma_wait3A_651 = tpu.memref_squeeze %dma_wait3A_650 : memref<1x64x768xf32, #tpu.memory_space<vmem>> -> memref<64x768xf32, #tpu.memory_space<vmem>>
    %dma_wait3A_652 = arith.constant 0 : i32
    %dma_wait3A_653 = tpu.memref_slice %arg5[%dma_wait3A_646, %dma_wait3A_652] : memref<16x64xi32, #tpu.memory_space<vmem>> -> memref<1x64xi32, #tpu.memory_space<vmem>>
    %dma_wait3A_654 = tpu.memref_squeeze %dma_wait3A_653 : memref<1x64xi32, #tpu.memory_space<vmem>> -> memref<64xi32, #tpu.memory_space<vmem>>
    %dma_wait3A_655 = arith.constant 0 : i32
    %dma_wait3A_656 = arith.constant 0 : i32
    %dma_wait3A_657 = tpu.memref_slice %arg2[%dma_wait3A_655, %dma_wait3A_656] : memref<33280x768xf32, #tpu.memory_space<hbm>> -> memref<33280x768xf32, #tpu.memory_space<hbm>>
    tpu.wait_indirect_dma semaphore(%arg7 : memref<!tpu.dma_semaphore, #tpu.memory_space<semaphore_mem>>) src(%dma_wait3A_657 : memref<33280x768xf32, #tpu.memory_space<hbm>>) dst(%dma_wait3A_651 : memref<64x768xf32, #tpu.memory_space<vmem>>)
    %mul3A_658 = arith.constant 1024 : i32
    %mul3A_659 = arith.muli %add3A, %mul3A_658 : i32
    %add3A_660 = arith.constant 768 : i32
    %add3A_661 = arith.addi %mul3A_659, %add3A_660 : i32
    %dma_start3A_662 = arith.constant 0 : i32
    %dma_start3A_663 = arith.constant 0 : i32
    %dma_start3A_664 = arith.constant 0 : i32
    %dma_start3A_665 = tpu.memref_slice %arg6[%dma_start3A_662, %dma_start3A_663, %dma_start3A_664] : memref<2x64x768xf32, #tpu.memory_space<vmem>> -> memref<1x64x768xf32, #tpu.memory_space<vmem>>
    %dma_start3A_666 = tpu.memref_squeeze %dma_start3A_665 : memref<1x64x768xf32, #tpu.memory_space<vmem>> -> memref<64x768xf32, #tpu.memory_space<vmem>>
    %dma_start3A_667 = arith.constant 0 : i32
    %dma_start3A_668 = tpu.memref_slice %arg4[%add3A_661, %dma_start3A_667] : memref<32768x768xf32, #tpu.memory_space<hbm>> -> memref<64x768xf32, #tpu.memory_space<hbm>>
    %dma_start3A_669 = arith.constant 0 : i32
    %dma_start3A_670 = tpu.memref_slice %arg4[%add3A_661, %dma_start3A_669] : memref<32768x768xf32, #tpu.memory_space<hbm>> -> memref<64x768xf32, #tpu.memory_space<hbm>>
    %dma_start3A_671 = arith.constant 0 : i32
    %dma_start3A_672 = arith.constant 0 : i32
    %dma_start3A_673 = tpu.memref_slice %arg6[%dma_start3A_662, %dma_start3A_671, %dma_start3A_672] : memref<2x64x768xf32, #tpu.memory_space<vmem>> -> memref<1x64x768xf32, #tpu.memory_space<vmem>>
    %dma_start3A_674 = tpu.memref_squeeze %dma_start3A_673 : memref<1x64x768xf32, #tpu.memory_space<vmem>> -> memref<64x768xf32, #tpu.memory_space<vmem>>
    tpu.enqueue_dma source(%dma_start3A_674 : memref<64x768xf32, #tpu.memory_space<vmem>>) target(%dma_start3A_670 : memref<64x768xf32, #tpu.memory_space<hbm>>) target_semaphore(%arg8 : memref<!tpu.dma_semaphore, #tpu.memory_space<semaphore_mem>>)
    %dma_wait3A_675 = arith.constant 1 : i32
    %dma_wait3A_676 = arith.constant 0 : i32
    %dma_wait3A_677 = arith.constant 0 : i32
    %dma_wait3A_678 = tpu.memref_slice %arg6[%dma_wait3A_675, %dma_wait3A_676, %dma_wait3A_677] : memref<2x64x768xf32, #tpu.memory_space<vmem>> -> memref<1x64x768xf32, #tpu.memory_space<vmem>>
    %dma_wait3A_679 = tpu.memref_squeeze %dma_wait3A_678 : memref<1x64x768xf32, #tpu.memory_space<vmem>> -> memref<64x768xf32, #tpu.memory_space<vmem>>
    %dma_wait3A_680 = arith.constant 0 : i32
    %dma_wait3A_681 = tpu.memref_slice %arg4[%add3A_607, %dma_wait3A_680] : memref<32768x768xf32, #tpu.memory_space<hbm>> -> memref<64x768xf32, #tpu.memory_space<hbm>>
    %dma_wait3A_682 = arith.constant 0 : i32
    %dma_wait3A_683 = tpu.memref_slice %arg4[%add3A_607, %dma_wait3A_682] : memref<32768x768xf32, #tpu.memory_space<hbm>> -> memref<64x768xf32, #tpu.memory_space<hbm>>
    %dma_wait3A_684 = arith.constant 0 : i32
    %dma_wait3A_685 = arith.constant 0 : i32
    %dma_wait3A_686 = tpu.memref_slice %arg6[%dma_wait3A_675, %dma_wait3A_684, %dma_wait3A_685] : memref<2x64x768xf32, #tpu.memory_space<vmem>> -> memref<1x64x768xf32, #tpu.memory_space<vmem>>
    %dma_wait3A_687 = tpu.memref_squeeze %dma_wait3A_686 : memref<1x64x768xf32, #tpu.memory_space<vmem>> -> memref<64x768xf32, #tpu.memory_space<vmem>>
    tpu.wait_dma2 semaphore(%arg9 : memref<!tpu.dma_semaphore, #tpu.memory_space<semaphore_mem>>) src(%dma_wait3A_687 : memref<64x768xf32, #tpu.memory_space<vmem>>) dst(%dma_wait3A_683 : memref<64x768xf32, #tpu.memory_space<hbm>>)
    %dma_start3A_688 = arith.constant 13 : i32
    %dma_start3A_689 = arith.constant 1 : i32
    %dma_start3A_690 = arith.constant 0 : i32
    %dma_start3A_691 = arith.constant 0 : i32
    %dma_start3A_692 = tpu.memref_slice %arg6[%dma_start3A_689, %dma_start3A_690, %dma_start3A_691] : memref<2x64x768xf32, #tpu.memory_space<vmem>> -> memref<1x64x768xf32, #tpu.memory_space<vmem>>
    %dma_start3A_693 = tpu.memref_squeeze %dma_start3A_692 : memref<1x64x768xf32, #tpu.memory_space<vmem>> -> memref<64x768xf32, #tpu.memory_space<vmem>>
    %dma_start3A_694 = arith.constant 0 : i32
    %dma_start3A_695 = tpu.memref_slice %arg5[%dma_start3A_688, %dma_start3A_694] : memref<16x64xi32, #tpu.memory_space<vmem>> -> memref<1x64xi32, #tpu.memory_space<vmem>>
    %dma_start3A_696 = tpu.memref_squeeze %dma_start3A_695 : memref<1x64xi32, #tpu.memory_space<vmem>> -> memref<64xi32, #tpu.memory_space<vmem>>
    %dma_start3A_697 = arith.constant 0 : i32
    %dma_start3A_698 = arith.constant 0 : i32
    %dma_start3A_699 = tpu.memref_slice %arg2[%dma_start3A_697, %dma_start3A_698] : memref<33280x768xf32, #tpu.memory_space<hbm>> -> memref<33280x768xf32, #tpu.memory_space<hbm>>
    tpu.enqueue_indirect_dma source(%dma_start3A_699 : memref<33280x768xf32, #tpu.memory_space<hbm>>) target(%dma_start3A_693 : memref<64x768xf32, #tpu.memory_space<vmem>>) offsets(%dma_start3A_696 : memref<64xi32, #tpu.memory_space<vmem>>) semaphore(%arg7 : memref<!tpu.dma_semaphore, #tpu.memory_space<semaphore_mem>>)
    %dma_wait3A_700 = arith.constant 13 : i32
    %dma_wait3A_701 = arith.constant 1 : i32
    %dma_wait3A_702 = arith.constant 0 : i32
    %dma_wait3A_703 = arith.constant 0 : i32
    %dma_wait3A_704 = tpu.memref_slice %arg6[%dma_wait3A_701, %dma_wait3A_702, %dma_wait3A_703] : memref<2x64x768xf32, #tpu.memory_space<vmem>> -> memref<1x64x768xf32, #tpu.memory_space<vmem>>
    %dma_wait3A_705 = tpu.memref_squeeze %dma_wait3A_704 : memref<1x64x768xf32, #tpu.memory_space<vmem>> -> memref<64x768xf32, #tpu.memory_space<vmem>>
    %dma_wait3A_706 = arith.constant 0 : i32
    %dma_wait3A_707 = tpu.memref_slice %arg5[%dma_wait3A_700, %dma_wait3A_706] : memref<16x64xi32, #tpu.memory_space<vmem>> -> memref<1x64xi32, #tpu.memory_space<vmem>>
    %dma_wait3A_708 = tpu.memref_squeeze %dma_wait3A_707 : memref<1x64xi32, #tpu.memory_space<vmem>> -> memref<64xi32, #tpu.memory_space<vmem>>
    %dma_wait3A_709 = arith.constant 0 : i32
    %dma_wait3A_710 = arith.constant 0 : i32
    %dma_wait3A_711 = tpu.memref_slice %arg2[%dma_wait3A_709, %dma_wait3A_710] : memref<33280x768xf32, #tpu.memory_space<hbm>> -> memref<33280x768xf32, #tpu.memory_space<hbm>>
    tpu.wait_indirect_dma semaphore(%arg7 : memref<!tpu.dma_semaphore, #tpu.memory_space<semaphore_mem>>) src(%dma_wait3A_711 : memref<33280x768xf32, #tpu.memory_space<hbm>>) dst(%dma_wait3A_705 : memref<64x768xf32, #tpu.memory_space<vmem>>)
    %mul3A_712 = arith.constant 1024 : i32
    %mul3A_713 = arith.muli %add3A, %mul3A_712 : i32
    %add3A_714 = arith.constant 832 : i32
    %add3A_715 = arith.addi %mul3A_713, %add3A_714 : i32
    %dma_start3A_716 = arith.constant 1 : i32
    %dma_start3A_717 = arith.constant 0 : i32
    %dma_start3A_718 = arith.constant 0 : i32
    %dma_start3A_719 = tpu.memref_slice %arg6[%dma_start3A_716, %dma_start3A_717, %dma_start3A_718] : memref<2x64x768xf32, #tpu.memory_space<vmem>> -> memref<1x64x768xf32, #tpu.memory_space<vmem>>
    %dma_start3A_720 = tpu.memref_squeeze %dma_start3A_719 : memref<1x64x768xf32, #tpu.memory_space<vmem>> -> memref<64x768xf32, #tpu.memory_space<vmem>>
    %dma_start3A_721 = arith.constant 0 : i32
    %dma_start3A_722 = tpu.memref_slice %arg4[%add3A_715, %dma_start3A_721] : memref<32768x768xf32, #tpu.memory_space<hbm>> -> memref<64x768xf32, #tpu.memory_space<hbm>>
    %dma_start3A_723 = arith.constant 0 : i32
    %dma_start3A_724 = tpu.memref_slice %arg4[%add3A_715, %dma_start3A_723] : memref<32768x768xf32, #tpu.memory_space<hbm>> -> memref<64x768xf32, #tpu.memory_space<hbm>>
    %dma_start3A_725 = arith.constant 0 : i32
    %dma_start3A_726 = arith.constant 0 : i32
    %dma_start3A_727 = tpu.memref_slice %arg6[%dma_start3A_716, %dma_start3A_725, %dma_start3A_726] : memref<2x64x768xf32, #tpu.memory_space<vmem>> -> memref<1x64x768xf32, #tpu.memory_space<vmem>>
    %dma_start3A_728 = tpu.memref_squeeze %dma_start3A_727 : memref<1x64x768xf32, #tpu.memory_space<vmem>> -> memref<64x768xf32, #tpu.memory_space<vmem>>
    tpu.enqueue_dma source(%dma_start3A_728 : memref<64x768xf32, #tpu.memory_space<vmem>>) target(%dma_start3A_724 : memref<64x768xf32, #tpu.memory_space<hbm>>) target_semaphore(%arg9 : memref<!tpu.dma_semaphore, #tpu.memory_space<semaphore_mem>>)
    %dma_wait3A_729 = arith.constant 0 : i32
    %dma_wait3A_730 = arith.constant 0 : i32
    %dma_wait3A_731 = arith.constant 0 : i32
    %dma_wait3A_732 = tpu.memref_slice %arg6[%dma_wait3A_729, %dma_wait3A_730, %dma_wait3A_731] : memref<2x64x768xf32, #tpu.memory_space<vmem>> -> memref<1x64x768xf32, #tpu.memory_space<vmem>>
    %dma_wait3A_733 = tpu.memref_squeeze %dma_wait3A_732 : memref<1x64x768xf32, #tpu.memory_space<vmem>> -> memref<64x768xf32, #tpu.memory_space<vmem>>
    %dma_wait3A_734 = arith.constant 0 : i32
    %dma_wait3A_735 = tpu.memref_slice %arg4[%add3A_661, %dma_wait3A_734] : memref<32768x768xf32, #tpu.memory_space<hbm>> -> memref<64x768xf32, #tpu.memory_space<hbm>>
    %dma_wait3A_736 = arith.constant 0 : i32
    %dma_wait3A_737 = tpu.memref_slice %arg4[%add3A_661, %dma_wait3A_736] : memref<32768x768xf32, #tpu.memory_space<hbm>> -> memref<64x768xf32, #tpu.memory_space<hbm>>
    %dma_wait3A_738 = arith.constant 0 : i32
    %dma_wait3A_739 = arith.constant 0 : i32
    %dma_wait3A_740 = tpu.memref_slice %arg6[%dma_wait3A_729, %dma_wait3A_738, %dma_wait3A_739] : memref<2x64x768xf32, #tpu.memory_space<vmem>> -> memref<1x64x768xf32, #tpu.memory_space<vmem>>
    %dma_wait3A_741 = tpu.memref_squeeze %dma_wait3A_740 : memref<1x64x768xf32, #tpu.memory_space<vmem>> -> memref<64x768xf32, #tpu.memory_space<vmem>>
    tpu.wait_dma2 semaphore(%arg8 : memref<!tpu.dma_semaphore, #tpu.memory_space<semaphore_mem>>) src(%dma_wait3A_741 : memref<64x768xf32, #tpu.memory_space<vmem>>) dst(%dma_wait3A_737 : memref<64x768xf32, #tpu.memory_space<hbm>>)
    %dma_start3A_742 = arith.constant 14 : i32
    %dma_start3A_743 = arith.constant 0 : i32
    %dma_start3A_744 = arith.constant 0 : i32
    %dma_start3A_745 = arith.constant 0 : i32
    %dma_start3A_746 = tpu.memref_slice %arg6[%dma_start3A_743, %dma_start3A_744, %dma_start3A_745] : memref<2x64x768xf32, #tpu.memory_space<vmem>> -> memref<1x64x768xf32, #tpu.memory_space<vmem>>
    %dma_start3A_747 = tpu.memref_squeeze %dma_start3A_746 : memref<1x64x768xf32, #tpu.memory_space<vmem>> -> memref<64x768xf32, #tpu.memory_space<vmem>>
    %dma_start3A_748 = arith.constant 0 : i32
    %dma_start3A_749 = tpu.memref_slice %arg5[%dma_start3A_742, %dma_start3A_748] : memref<16x64xi32, #tpu.memory_space<vmem>> -> memref<1x64xi32, #tpu.memory_space<vmem>>
    %dma_start3A_750 = tpu.memref_squeeze %dma_start3A_749 : memref<1x64xi32, #tpu.memory_space<vmem>> -> memref<64xi32, #tpu.memory_space<vmem>>
    %dma_start3A_751 = arith.constant 0 : i32
    %dma_start3A_752 = arith.constant 0 : i32
    %dma_start3A_753 = tpu.memref_slice %arg2[%dma_start3A_751, %dma_start3A_752] : memref<33280x768xf32, #tpu.memory_space<hbm>> -> memref<33280x768xf32, #tpu.memory_space<hbm>>
    tpu.enqueue_indirect_dma source(%dma_start3A_753 : memref<33280x768xf32, #tpu.memory_space<hbm>>) target(%dma_start3A_747 : memref<64x768xf32, #tpu.memory_space<vmem>>) offsets(%dma_start3A_750 : memref<64xi32, #tpu.memory_space<vmem>>) semaphore(%arg7 : memref<!tpu.dma_semaphore, #tpu.memory_space<semaphore_mem>>)
    %dma_wait3A_754 = arith.constant 14 : i32
    %dma_wait3A_755 = arith.constant 0 : i32
    %dma_wait3A_756 = arith.constant 0 : i32
    %dma_wait3A_757 = arith.constant 0 : i32
    %dma_wait3A_758 = tpu.memref_slice %arg6[%dma_wait3A_755, %dma_wait3A_756, %dma_wait3A_757] : memref<2x64x768xf32, #tpu.memory_space<vmem>> -> memref<1x64x768xf32, #tpu.memory_space<vmem>>
    %dma_wait3A_759 = tpu.memref_squeeze %dma_wait3A_758 : memref<1x64x768xf32, #tpu.memory_space<vmem>> -> memref<64x768xf32, #tpu.memory_space<vmem>>
    %dma_wait3A_760 = arith.constant 0 : i32
    %dma_wait3A_761 = tpu.memref_slice %arg5[%dma_wait3A_754, %dma_wait3A_760] : memref<16x64xi32, #tpu.memory_space<vmem>> -> memref<1x64xi32, #tpu.memory_space<vmem>>
    %dma_wait3A_762 = tpu.memref_squeeze %dma_wait3A_761 : memref<1x64xi32, #tpu.memory_space<vmem>> -> memref<64xi32, #tpu.memory_space<vmem>>
    %dma_wait3A_763 = arith.constant 0 : i32
    %dma_wait3A_764 = arith.constant 0 : i32
    %dma_wait3A_765 = tpu.memref_slice %arg2[%dma_wait3A_763, %dma_wait3A_764] : memref<33280x768xf32, #tpu.memory_space<hbm>> -> memref<33280x768xf32, #tpu.memory_space<hbm>>
    tpu.wait_indirect_dma semaphore(%arg7 : memref<!tpu.dma_semaphore, #tpu.memory_space<semaphore_mem>>) src(%dma_wait3A_765 : memref<33280x768xf32, #tpu.memory_space<hbm>>) dst(%dma_wait3A_759 : memref<64x768xf32, #tpu.memory_space<vmem>>)
    %mul3A_766 = arith.constant 1024 : i32
    %mul3A_767 = arith.muli %add3A, %mul3A_766 : i32
    %add3A_768 = arith.constant 896 : i32
    %add3A_769 = arith.addi %mul3A_767, %add3A_768 : i32
    %dma_start3A_770 = arith.constant 0 : i32
    %dma_start3A_771 = arith.constant 0 : i32
    %dma_start3A_772 = arith.constant 0 : i32
    %dma_start3A_773 = tpu.memref_slice %arg6[%dma_start3A_770, %dma_start3A_771, %dma_start3A_772] : memref<2x64x768xf32, #tpu.memory_space<vmem>> -> memref<1x64x768xf32, #tpu.memory_space<vmem>>
    %dma_start3A_774 = tpu.memref_squeeze %dma_start3A_773 : memref<1x64x768xf32, #tpu.memory_space<vmem>> -> memref<64x768xf32, #tpu.memory_space<vmem>>
    %dma_start3A_775 = arith.constant 0 : i32
    %dma_start3A_776 = tpu.memref_slice %arg4[%add3A_769, %dma_start3A_775] : memref<32768x768xf32, #tpu.memory_space<hbm>> -> memref<64x768xf32, #tpu.memory_space<hbm>>
    %dma_start3A_777 = arith.constant 0 : i32
    %dma_start3A_778 = tpu.memref_slice %arg4[%add3A_769, %dma_start3A_777] : memref<32768x768xf32, #tpu.memory_space<hbm>> -> memref<64x768xf32, #tpu.memory_space<hbm>>
    %dma_start3A_779 = arith.constant 0 : i32
    %dma_start3A_780 = arith.constant 0 : i32
    %dma_start3A_781 = tpu.memref_slice %arg6[%dma_start3A_770, %dma_start3A_779, %dma_start3A_780] : memref<2x64x768xf32, #tpu.memory_space<vmem>> -> memref<1x64x768xf32, #tpu.memory_space<vmem>>
    %dma_start3A_782 = tpu.memref_squeeze %dma_start3A_781 : memref<1x64x768xf32, #tpu.memory_space<vmem>> -> memref<64x768xf32, #tpu.memory_space<vmem>>
    tpu.enqueue_dma source(%dma_start3A_782 : memref<64x768xf32, #tpu.memory_space<vmem>>) target(%dma_start3A_778 : memref<64x768xf32, #tpu.memory_space<hbm>>) target_semaphore(%arg8 : memref<!tpu.dma_semaphore, #tpu.memory_space<semaphore_mem>>)
    %dma_wait3A_783 = arith.constant 1 : i32
    %dma_wait3A_784 = arith.constant 0 : i32
    %dma_wait3A_785 = arith.constant 0 : i32
    %dma_wait3A_786 = tpu.memref_slice %arg6[%dma_wait3A_783, %dma_wait3A_784, %dma_wait3A_785] : memref<2x64x768xf32, #tpu.memory_space<vmem>> -> memref<1x64x768xf32, #tpu.memory_space<vmem>>
    %dma_wait3A_787 = tpu.memref_squeeze %dma_wait3A_786 : memref<1x64x768xf32, #tpu.memory_space<vmem>> -> memref<64x768xf32, #tpu.memory_space<vmem>>
    %dma_wait3A_788 = arith.constant 0 : i32
    %dma_wait3A_789 = tpu.memref_slice %arg4[%add3A_715, %dma_wait3A_788] : memref<32768x768xf32, #tpu.memory_space<hbm>> -> memref<64x768xf32, #tpu.memory_space<hbm>>
    %dma_wait3A_790 = arith.constant 0 : i32
    %dma_wait3A_791 = tpu.memref_slice %arg4[%add3A_715, %dma_wait3A_790] : memref<32768x768xf32, #tpu.memory_space<hbm>> -> memref<64x768xf32, #tpu.memory_space<hbm>>
    %dma_wait3A_792 = arith.constant 0 : i32
    %dma_wait3A_793 = arith.constant 0 : i32
    %dma_wait3A_794 = tpu.memref_slice %arg6[%dma_wait3A_783, %dma_wait3A_792, %dma_wait3A_793] : memref<2x64x768xf32, #tpu.memory_space<vmem>> -> memref<1x64x768xf32, #tpu.memory_space<vmem>>
    %dma_wait3A_795 = tpu.memref_squeeze %dma_wait3A_794 : memref<1x64x768xf32, #tpu.memory_space<vmem>> -> memref<64x768xf32, #tpu.memory_space<vmem>>
    tpu.wait_dma2 semaphore(%arg9 : memref<!tpu.dma_semaphore, #tpu.memory_space<semaphore_mem>>) src(%dma_wait3A_795 : memref<64x768xf32, #tpu.memory_space<vmem>>) dst(%dma_wait3A_791 : memref<64x768xf32, #tpu.memory_space<hbm>>)
    %dma_start3A_796 = arith.constant 15 : i32
    %dma_start3A_797 = arith.constant 1 : i32
    %dma_start3A_798 = arith.constant 0 : i32
    %dma_start3A_799 = arith.constant 0 : i32
    %dma_start3A_800 = tpu.memref_slice %arg6[%dma_start3A_797, %dma_start3A_798, %dma_start3A_799] : memref<2x64x768xf32, #tpu.memory_space<vmem>> -> memref<1x64x768xf32, #tpu.memory_space<vmem>>
    %dma_start3A_801 = tpu.memref_squeeze %dma_start3A_800 : memref<1x64x768xf32, #tpu.memory_space<vmem>> -> memref<64x768xf32, #tpu.memory_space<vmem>>
    %dma_start3A_802 = arith.constant 0 : i32
    %dma_start3A_803 = tpu.memref_slice %arg5[%dma_start3A_796, %dma_start3A_802] : memref<16x64xi32, #tpu.memory_space<vmem>> -> memref<1x64xi32, #tpu.memory_space<vmem>>
    %dma_start3A_804 = tpu.memref_squeeze %dma_start3A_803 : memref<1x64xi32, #tpu.memory_space<vmem>> -> memref<64xi32, #tpu.memory_space<vmem>>
    %dma_start3A_805 = arith.constant 0 : i32
    %dma_start3A_806 = arith.constant 0 : i32
    %dma_start3A_807 = tpu.memref_slice %arg2[%dma_start3A_805, %dma_start3A_806] : memref<33280x768xf32, #tpu.memory_space<hbm>> -> memref<33280x768xf32, #tpu.memory_space<hbm>>
    tpu.enqueue_indirect_dma source(%dma_start3A_807 : memref<33280x768xf32, #tpu.memory_space<hbm>>) target(%dma_start3A_801 : memref<64x768xf32, #tpu.memory_space<vmem>>) offsets(%dma_start3A_804 : memref<64xi32, #tpu.memory_space<vmem>>) semaphore(%arg7 : memref<!tpu.dma_semaphore, #tpu.memory_space<semaphore_mem>>)
    %dma_wait3A_808 = arith.constant 15 : i32
    %dma_wait3A_809 = arith.constant 1 : i32
    %dma_wait3A_810 = arith.constant 0 : i32
    %dma_wait3A_811 = arith.constant 0 : i32
    %dma_wait3A_812 = tpu.memref_slice %arg6[%dma_wait3A_809, %dma_wait3A_810, %dma_wait3A_811] : memref<2x64x768xf32, #tpu.memory_space<vmem>> -> memref<1x64x768xf32, #tpu.memory_space<vmem>>
    %dma_wait3A_813 = tpu.memref_squeeze %dma_wait3A_812 : memref<1x64x768xf32, #tpu.memory_space<vmem>> -> memref<64x768xf32, #tpu.memory_space<vmem>>
    %dma_wait3A_814 = arith.constant 0 : i32
    %dma_wait3A_815 = tpu.memref_slice %arg5[%dma_wait3A_808, %dma_wait3A_814] : memref<16x64xi32, #tpu.memory_space<vmem>> -> memref<1x64xi32, #tpu.memory_space<vmem>>
    %dma_wait3A_816 = tpu.memref_squeeze %dma_wait3A_815 : memref<1x64xi32, #tpu.memory_space<vmem>> -> memref<64xi32, #tpu.memory_space<vmem>>
    %dma_wait3A_817 = arith.constant 0 : i32
    %dma_wait3A_818 = arith.constant 0 : i32
    %dma_wait3A_819 = tpu.memref_slice %arg2[%dma_wait3A_817, %dma_wait3A_818] : memref<33280x768xf32, #tpu.memory_space<hbm>> -> memref<33280x768xf32, #tpu.memory_space<hbm>>
    tpu.wait_indirect_dma semaphore(%arg7 : memref<!tpu.dma_semaphore, #tpu.memory_space<semaphore_mem>>) src(%dma_wait3A_819 : memref<33280x768xf32, #tpu.memory_space<hbm>>) dst(%dma_wait3A_813 : memref<64x768xf32, #tpu.memory_space<vmem>>)
    %mul3A_820 = arith.constant 1024 : i32
    %mul3A_821 = arith.muli %add3A, %mul3A_820 : i32
    %add3A_822 = arith.constant 960 : i32
    %add3A_823 = arith.addi %mul3A_821, %add3A_822 : i32
    %dma_start3A_824 = arith.constant 1 : i32
    %dma_start3A_825 = arith.constant 0 : i32
    %dma_start3A_826 = arith.constant 0 : i32
    %dma_start3A_827 = tpu.memref_slice %arg6[%dma_start3A_824, %dma_start3A_825, %dma_start3A_826] : memref<2x64x768xf32, #tpu.memory_space<vmem>> -> memref<1x64x768xf32, #tpu.memory_space<vmem>>
    %dma_start3A_828 = tpu.memref_squeeze %dma_start3A_827 : memref<1x64x768xf32, #tpu.memory_space<vmem>> -> memref<64x768xf32, #tpu.memory_space<vmem>>
    %dma_start3A_829 = arith.constant 0 : i32
    %dma_start3A_830 = tpu.memref_slice %arg4[%add3A_823, %dma_start3A_829] : memref<32768x768xf32, #tpu.memory_space<hbm>> -> memref<64x768xf32, #tpu.memory_space<hbm>>
    %dma_start3A_831 = arith.constant 0 : i32
    %dma_start3A_832 = tpu.memref_slice %arg4[%add3A_823, %dma_start3A_831] : memref<32768x768xf32, #tpu.memory_space<hbm>> -> memref<64x768xf32, #tpu.memory_space<hbm>>
    %dma_start3A_833 = arith.constant 0 : i32
    %dma_start3A_834 = arith.constant 0 : i32
    %dma_start3A_835 = tpu.memref_slice %arg6[%dma_start3A_824, %dma_start3A_833, %dma_start3A_834] : memref<2x64x768xf32, #tpu.memory_space<vmem>> -> memref<1x64x768xf32, #tpu.memory_space<vmem>>
    %dma_start3A_836 = tpu.memref_squeeze %dma_start3A_835 : memref<1x64x768xf32, #tpu.memory_space<vmem>> -> memref<64x768xf32, #tpu.memory_space<vmem>>
    tpu.enqueue_dma source(%dma_start3A_836 : memref<64x768xf32, #tpu.memory_space<vmem>>) target(%dma_start3A_832 : memref<64x768xf32, #tpu.memory_space<hbm>>) target_semaphore(%arg9 : memref<!tpu.dma_semaphore, #tpu.memory_space<semaphore_mem>>)
    %dma_wait3A_837 = arith.constant 0 : i32
    %dma_wait3A_838 = arith.constant 0 : i32
    %dma_wait3A_839 = arith.constant 0 : i32
    %dma_wait3A_840 = tpu.memref_slice %arg6[%dma_wait3A_837, %dma_wait3A_838, %dma_wait3A_839] : memref<2x64x768xf32, #tpu.memory_space<vmem>> -> memref<1x64x768xf32, #tpu.memory_space<vmem>>
    %dma_wait3A_841 = tpu.memref_squeeze %dma_wait3A_840 : memref<1x64x768xf32, #tpu.memory_space<vmem>> -> memref<64x768xf32, #tpu.memory_space<vmem>>
    %dma_wait3A_842 = arith.constant 0 : i32
    %dma_wait3A_843 = tpu.memref_slice %arg4[%add3A_769, %dma_wait3A_842] : memref<32768x768xf32, #tpu.memory_space<hbm>> -> memref<64x768xf32, #tpu.memory_space<hbm>>
    %dma_wait3A_844 = arith.constant 0 : i32
    %dma_wait3A_845 = tpu.memref_slice %arg4[%add3A_769, %dma_wait3A_844] : memref<32768x768xf32, #tpu.memory_space<hbm>> -> memref<64x768xf32, #tpu.memory_space<hbm>>
    %dma_wait3A_846 = arith.constant 0 : i32
    %dma_wait3A_847 = arith.constant 0 : i32
    %dma_wait3A_848 = tpu.memref_slice %arg6[%dma_wait3A_837, %dma_wait3A_846, %dma_wait3A_847] : memref<2x64x768xf32, #tpu.memory_space<vmem>> -> memref<1x64x768xf32, #tpu.memory_space<vmem>>
    %dma_wait3A_849 = tpu.memref_squeeze %dma_wait3A_848 : memref<1x64x768xf32, #tpu.memory_space<vmem>> -> memref<64x768xf32, #tpu.memory_space<vmem>>
    tpu.wait_dma2 semaphore(%arg8 : memref<!tpu.dma_semaphore, #tpu.memory_space<semaphore_mem>>) src(%dma_wait3A_849 : memref<64x768xf32, #tpu.memory_space<vmem>>) dst(%dma_wait3A_845 : memref<64x768xf32, #tpu.memory_space<hbm>>)
    %dma_wait3A_850 = arith.constant 1 : i32
    %dma_wait3A_851 = arith.constant 0 : i32
    %dma_wait3A_852 = arith.constant 0 : i32
    %dma_wait3A_853 = tpu.memref_slice %arg6[%dma_wait3A_850, %dma_wait3A_851, %dma_wait3A_852] : memref<2x64x768xf32, #tpu.memory_space<vmem>> -> memref<1x64x768xf32, #tpu.memory_space<vmem>>
    %dma_wait3A_854 = tpu.memref_squeeze %dma_wait3A_853 : memref<1x64x768xf32, #tpu.memory_space<vmem>> -> memref<64x768xf32, #tpu.memory_space<vmem>>
    %dma_wait3A_855 = arith.constant 0 : i32
    %dma_wait3A_856 = tpu.memref_slice %arg4[%add3A_823, %dma_wait3A_855] : memref<32768x768xf32, #tpu.memory_space<hbm>> -> memref<64x768xf32, #tpu.memory_space<hbm>>
    %dma_wait3A_857 = arith.constant 0 : i32
    %dma_wait3A_858 = tpu.memref_slice %arg4[%add3A_823, %dma_wait3A_857] : memref<32768x768xf32, #tpu.memory_space<hbm>> -> memref<64x768xf32, #tpu.memory_space<hbm>>
    %dma_wait3A_859 = arith.constant 0 : i32
    %dma_wait3A_860 = arith.constant 0 : i32
    %dma_wait3A_861 = tpu.memref_slice %arg6[%dma_wait3A_850, %dma_wait3A_859, %dma_wait3A_860] : memref<2x64x768xf32, #tpu.memory_space<vmem>> -> memref<1x64x768xf32, #tpu.memory_space<vmem>>
    %dma_wait3A_862 = tpu.memref_squeeze %dma_wait3A_861 : memref<1x64x768xf32, #tpu.memory_space<vmem>> -> memref<64x768xf32, #tpu.memory_space<vmem>>
    tpu.wait_dma2 semaphore(%arg9 : memref<!tpu.dma_semaphore, #tpu.memory_space<semaphore_mem>>) src(%dma_wait3A_862 : memref<64x768xf32, #tpu.memory_space<vmem>>) dst(%dma_wait3A_858 : memref<64x768xf32, #tpu.memory_space<hbm>>)
    return
  }
}

module attributes {stable_mosaic.version = 14 : i64} {
  func.func @_ffn_body(%arg0: i32, %arg1: memref<512x384xi32, #tpu.memory_space<vmem>>, %arg2: memref<1x768x1536xf32, #tpu.memory_space<vmem>>, %arg3: memref<1x1536x768xf32, #tpu.memory_space<vmem>>, %arg4: memref<512x768xf32, #tpu.memory_space<vmem>>) attributes {dimension_semantics = [#tpu.dimension_semantics<arbitrary>], iteration_bounds = array<i64: 65>, scalar_prefetch = 0 : i64, scratch_operands = 0 : i64, tpu.core_type = #tpu.core_type<tc>, window_params = [{transform_indices = @transform_0, window_bounds = array<i64: 512, 384>}, {transform_indices = @transform_1, window_bounds = array<i64: 1, 768, 1536>}, {transform_indices = @transform_2, window_bounds = array<i64: 1, 1536, 768>}, {transform_indices = @transform_3, window_bounds = array<i64: 512, 768>}]} {
    %lt3A = arith.constant 64 : i32
    %lt3A_0 = arith.cmpi slt, %arg0, %lt3A : i32
    %convert_element_type3A = arith.extui %lt3A_0 : i1 to i32
    %cond3A = arith.constant 0 : i32
    %cond3A_1 = arith.cmpi ne, %convert_element_type3A, %cond3A : i32
    scf.if %cond3A_1 {
      %get3A = arith.constant 0 : index
      %get3A_6 = arith.constant 0 : index
      %get3A_7 = vector.load %arg1[%get3A, %get3A_6] : memref<512x384xi32, #tpu.memory_space<vmem>>, vector<512x384xi32>
      %bitcast_convert_type3A = tpu.bitcast %get3A_7 : vector<512x384xi32> -> vector<512x384xi32>
      %shift_left3A = arith.constant 16 : i32
      %shift_left3A_8 = vector.broadcast %shift_left3A : i32 to vector<512x384xi32>
      %shift_left3A_9 = arith.shli %bitcast_convert_type3A, %shift_left3A_8 : vector<512x384xi32>
      %bitcast_convert_type3A_10 = tpu.bitcast %shift_left3A_9 : vector<512x384xi32> -> vector<512x384xf32>
      %and3A = arith.constant -65536 : i32
      %and3A_11 = vector.broadcast %and3A : i32 to vector<512x384xi32>
      %and3A_12 = arith.andi %bitcast_convert_type3A, %and3A_11 : vector<512x384xi32>
      %bitcast_convert_type3A_13 = tpu.bitcast %and3A_12 : vector<512x384xi32> -> vector<512x384xf32>
      %concatenate3A = tpu.concatenate %bitcast_convert_type3A_10, %bitcast_convert_type3A_13 in 1 : vector<512x384xf32>, vector<512x384xf32> -> vector<512x768xf32>
      %convert_element_type3A_14 = arith.truncf %concatenate3A : vector<512x768xf32> to vector<512x768xbf16>
      %get3A_15 = arith.constant 0 : index
      %get3A_16 = arith.constant 0 : index
      %get3A_17 = arith.constant 0 : index
      %get3A_18 = vector.load %arg2[%get3A_15, %get3A_16, %get3A_17] : memref<1x768x1536xf32, #tpu.memory_space<vmem>>, vector<1x768x1536xf32>
      %get3A_19 = vector.shape_cast %get3A_18 : vector<1x768x1536xf32> to vector<768x1536xf32>
      %convert_element_type3A_20 = arith.truncf %get3A_19 : vector<768x1536xf32> to vector<768x1536xbf16>
      %dot_general3A = arith.constant dense<0.000000e+00> : vector<512x1536xf32>
      %dot_general3A_21 = tpu.matmul %convert_element_type3A_14, %convert_element_type3A_20, %dot_general3A {dimension_numbers = #tpu.dot_dimension_numbers<[1], [0], [0], [1], [0, 0, 1, 1], [], []>, transpose_lhs_hint = false} : vector<512x768xbf16>, vector<768x1536xbf16>, vector<512x1536xf32> -> vector<512x1536xf32>
      %max3A = arith.constant 0.000000e+00 : f32
      %max3A_22 = vector.broadcast %max3A : f32 to vector<512x1536xf32>
      %max3A_23 = arith.maximumf %dot_general3A_21, %max3A_22 : vector<512x1536xf32>
      %convert_element_type3A_24 = arith.truncf %max3A_23 : vector<512x1536xf32> to vector<512x1536xbf16>
      %get3A_25 = arith.constant 0 : index
      %get3A_26 = arith.constant 0 : index
      %get3A_27 = arith.constant 0 : index
      %get3A_28 = vector.load %arg3[%get3A_25, %get3A_26, %get3A_27] : memref<1x1536x768xf32, #tpu.memory_space<vmem>>, vector<1x1536x768xf32>
      %get3A_29 = vector.shape_cast %get3A_28 : vector<1x1536x768xf32> to vector<1536x768xf32>
      %convert_element_type3A_30 = arith.truncf %get3A_29 : vector<1536x768xf32> to vector<1536x768xbf16>
      %dot_general3A_31 = arith.constant dense<0.000000e+00> : vector<512x768xf32>
      %dot_general3A_32 = tpu.matmul %convert_element_type3A_24, %convert_element_type3A_30, %dot_general3A_31 {dimension_numbers = #tpu.dot_dimension_numbers<[1], [0], [0], [1], [0, 0, 1, 1], [], []>, transpose_lhs_hint = false} : vector<512x1536xbf16>, vector<1536x768xbf16>, vector<512x768xf32> -> vector<512x768xf32>
      %swap3A = arith.constant 0 : index
      %swap3A_33 = arith.constant 0 : index
      %swap3A_34 = vector.load %arg4[%swap3A, %swap3A_33] : memref<512x768xf32, #tpu.memory_space<vmem>>, vector<512x768xf32>
      tpu.vector_store %arg4[%swap3A, %swap3A_33], %dot_general3A_32 {strides = array<i32>} : memref<512x768xf32, #tpu.memory_space<vmem>>, vector<512x768xf32>,
    } else {
    }
    %eq3A = arith.constant 64 : i32
    %eq3A_2 = arith.cmpi eq, %arg0, %eq3A : i32
    %convert_element_type3A_3 = arith.extui %eq3A_2 : i1 to i32
    %cond3A_4 = arith.constant 0 : i32
    %cond3A_5 = arith.cmpi ne, %convert_element_type3A_3, %cond3A_4 : i32
    scf.if %cond3A_5 {
      %broadcast_in_dim3A = arith.constant 0.000000e+00 : f32
      %broadcast_in_dim3A_6 = vector.broadcast %broadcast_in_dim3A : f32 to vector<512x768xf32>
      %swap3A = arith.constant 0 : index
      %swap3A_7 = arith.constant 0 : index
      %swap3A_8 = vector.load %arg4[%swap3A, %swap3A_7] : memref<512x768xf32, #tpu.memory_space<vmem>>, vector<512x768xf32>
      tpu.vector_store %arg4[%swap3A, %swap3A_7], %broadcast_in_dim3A_6 {strides = array<i32>} : memref<512x768xf32, #tpu.memory_space<vmem>>, vector<512x768xf32>,
    } else {
    }
    return
  }
  func.func @transform_0(%arg0: i32) -> (i32, i32) {
    %c0_i32 = arith.constant 0 : i32
    %c0_i32_0 = arith.constant 0 : i32
    return %arg0, %c0_i32 : i32, i32
  }
  func.func @transform_1(%arg0: i32) -> (i32, i32, i32) {
    %min3A = arith.constant 63 : i32
    %min3A_0 = arith.minsi %arg0, %min3A : i32
    %c0_i32 = arith.constant 0 : i32
    %c0_i32_1 = arith.constant 0 : i32
    %c0_i32_2 = arith.constant 0 : i32
    return %min3A_0, %c0_i32, %c0_i32_1 : i32, i32, i32
  }
  func.func @transform_2(%arg0: i32) -> (i32, i32, i32) {
    %min3A = arith.constant 63 : i32
    %min3A_0 = arith.minsi %arg0, %min3A : i32
    %c0_i32 = arith.constant 0 : i32
    %c0_i32_1 = arith.constant 0 : i32
    %c0_i32_2 = arith.constant 0 : i32
    return %min3A_0, %c0_i32, %c0_i32_1 : i32, i32, i32
  }
  func.func @transform_3(%arg0: i32) -> (i32, i32) {
    %c0_i32 = arith.constant 0 : i32
    %c0_i32_0 = arith.constant 0 : i32
    return %arg0, %c0_i32 : i32, i32
  }
}

module attributes {stable_mosaic.version = 14 : i64} {
  func.func @_gating_body(%arg0: i32, %arg1: memref<1024x768xf32, #tpu.memory_space<vmem>>, %arg2: memref<768x64xf32, #tpu.memory_space<vmem>>, %arg3: memref<1024x384xi32, #tpu.memory_space<vmem>>, %arg4: memref<1x1024x1xi32, #tpu.memory_space<vmem>>, %arg5: memref<1x1xf32, #tpu.memory_space<vmem>>, %arg6: memref<1x64xf32, #tpu.memory_space<vmem>>, %arg7: memref<1x64xf32, #tpu.memory_space<vmem>>, %arg8: memref<1024x1024xbf16, #tpu.memory_space<vmem>>, %arg9: memref<64x64xbf16, #tpu.memory_space<vmem>>) attributes {dimension_semantics = [#tpu.dimension_semantics<arbitrary>], iteration_bounds = array<i64: 32>, scalar_prefetch = 0 : i64, scratch_operands = 4 : i64, tpu.core_type = #tpu.core_type<tc>, window_params = [{transform_indices = @transform_0, window_bounds = array<i64: 1024, 768>}, {pipeline_mode = #tpu.pipeline_mode<synchronous>, transform_indices = @transform_1, window_bounds = array<i64: 768, 64>}, {transform_indices = @transform_2, window_bounds = array<i64: 1024, 384>}, {transform_indices = @transform_3, window_bounds = array<i64: 1, 1024, 1>}, {pipeline_mode = #tpu.pipeline_mode<synchronous>, transform_indices = @transform_4, window_bounds = array<i64: 1, 1>}]} {
    %eq3A = arith.constant 0 : i32
    %eq3A_0 = arith.cmpi eq, %arg0, %eq3A : i32
    %convert_element_type3A = arith.extui %eq3A_0 : i1 to i32
    %cond3A = arith.constant 0 : i32
    %cond3A_1 = arith.cmpi ne, %convert_element_type3A, %cond3A : i32
    scf.if %cond3A_1 {
      %broadcast_in_dim3A_113 = arith.constant 0.000000e+00 : f32
      %broadcast_in_dim3A_114 = vector.broadcast %broadcast_in_dim3A_113 : f32 to vector<1x64xf32>
      %swap3A_115 = arith.constant 0 : index
      %swap3A_116 = arith.constant 0 : index
      %swap3A_117 = vector.load %arg6[%swap3A_115, %swap3A_116] : memref<1x64xf32, #tpu.memory_space<vmem>>, vector<1x64xf32>
      tpu.vector_store %arg6[%swap3A_115, %swap3A_116], %broadcast_in_dim3A_114 {strides = array<i32>} : memref<1x64xf32, #tpu.memory_space<vmem>>, vector<1x64xf32>,
      %broadcast_in_dim3A_118 = arith.constant 0.000000e+00 : f32
      %broadcast_in_dim3A_119 = vector.broadcast %broadcast_in_dim3A_118 : f32 to vector<1x64xf32>
      %swap3A_120 = arith.constant 0 : index
      %swap3A_121 = arith.constant 0 : index
      %swap3A_122 = vector.load %arg7[%swap3A_120, %swap3A_121] : memref<1x64xf32, #tpu.memory_space<vmem>>, vector<1x64xf32>
      tpu.vector_store %arg7[%swap3A_120, %swap3A_121], %broadcast_in_dim3A_119 {strides = array<i32>} : memref<1x64xf32, #tpu.memory_space<vmem>>, vector<1x64xf32>,
      %iota3A_123 = tpu.iota {dimensions = array<i32: 0>} : vector<1024x1024xi32>
      %iota3A_124 = tpu.iota {dimensions = array<i32: 1>} : vector<1024x1024xi32>
      %lt3A_125 = arith.cmpi slt, %iota3A_124, %iota3A_123 : vector<1024x1024xi32>
      %convert_element_type3A_126 = arith.extui %lt3A_125 : vector<1024x1024xi1> to vector<1024x1024xi32>
      %convert_element_type3A_127 = arith.sitofp %convert_element_type3A_126 : vector<1024x1024xi32> to vector<1024x1024xf32>
      %convert_element_type3A_128 = arith.truncf %convert_element_type3A_127 : vector<1024x1024xf32> to vector<1024x1024xbf16>
      %swap3A_129 = arith.constant 0 : index
      %swap3A_130 = arith.constant 0 : index
      %swap3A_131 = vector.load %arg8[%swap3A_129, %swap3A_130] : memref<1024x1024xbf16, #tpu.memory_space<vmem>>, vector<1024x1024xbf16>
      tpu.vector_store %arg8[%swap3A_129, %swap3A_130], %convert_element_type3A_128 {strides = array<i32>} : memref<1024x1024xbf16, #tpu.memory_space<vmem>>, vector<1024x1024xbf16>,
      %iota3A_132 = tpu.iota {dimensions = array<i32: 0>} : vector<64x64xi32>
      %iota3A_133 = tpu.iota {dimensions = array<i32: 1>} : vector<64x64xi32>
      %lt3A_134 = arith.cmpi slt, %iota3A_132, %iota3A_133 : vector<64x64xi32>
      %convert_element_type3A_135 = arith.extui %lt3A_134 : vector<64x64xi1> to vector<64x64xi32>
      %convert_element_type3A_136 = arith.sitofp %convert_element_type3A_135 : vector<64x64xi32> to vector<64x64xf32>
      %convert_element_type3A_137 = arith.truncf %convert_element_type3A_136 : vector<64x64xf32> to vector<64x64xbf16>
      %swap3A_138 = arith.constant 0 : index
      %swap3A_139 = arith.constant 0 : index
      %swap3A_140 = vector.load %arg9[%swap3A_138, %swap3A_139] : memref<64x64xbf16, #tpu.memory_space<vmem>>, vector<64x64xbf16>
      tpu.vector_store %arg9[%swap3A_138, %swap3A_139], %convert_element_type3A_137 {strides = array<i32>} : memref<64x64xbf16, #tpu.memory_space<vmem>>, vector<64x64xbf16>,
    } else {
    }
    %get3A = arith.constant 0 : index
    %get3A_2 = arith.constant 0 : index
    %get3A_3 = vector.load %arg1[%get3A, %get3A_2] : memref<1024x768xf32, #tpu.memory_space<vmem>>, vector<1024x768xf32>
    %get3A_4 = arith.constant 0 : index
    %get3A_5 = arith.constant 0 : index
    %get3A_6 = vector.load %arg2[%get3A_4, %get3A_5] : memref<768x64xf32, #tpu.memory_space<vmem>>, vector<768x64xf32>
    %dot_general3A = arith.constant dense<0.000000e+00> : vector<1024x64xf32>
    %dot_general3A_7 = tpu.matmul %get3A_3, %get3A_6, %dot_general3A {dimension_numbers = #tpu.dot_dimension_numbers<[1], [0], [0], [1], [0, 0, 1, 1], [], []>, transpose_lhs_hint = false} : vector<1024x768xf32>, vector<768x64xf32>, vector<1024x64xf32> -> vector<1024x64xf32>
    %reduce_max3A = arith.constant dense<0xFF800000> : vector<1024xf32>
    %reduce_max3A_8 = vector.multi_reduction <maximumf>, %dot_general3A_7, %reduce_max3A [1] : vector<1024x64xf32> to vector<1024xf32>
    %broadcast_in_dim3A = vector.shape_cast %reduce_max3A_8 : vector<1024xf32> to vector<1024x1xf32>
    %sub3A = vector.broadcast %broadcast_in_dim3A : vector<1024x1xf32> to vector<1024x64xf32>
    %sub3A_9 = arith.subf %dot_general3A_7, %sub3A : vector<1024x64xf32>
    %exp3A = math.exp %sub3A_9 : vector<1024x64xf32>
    %reduce_sum3A = arith.constant dense<0.000000e+00> : vector<1024xf32>
    %reduce_sum3A_10 = vector.multi_reduction <add>, %exp3A, %reduce_sum3A [1] : vector<1024x64xf32> to vector<1024xf32>
    %broadcast_in_dim3A_11 = vector.shape_cast %reduce_sum3A_10 : vector<1024xf32> to vector<1024x1xf32>
    %div3A = arith.constant 1.000000e+00 : f32
    %div3A_12 = vector.broadcast %div3A : f32 to vector<1024x1xf32>
    %div3A_13 = arith.divf %div3A_12, %broadcast_in_dim3A_11 : vector<1024x1xf32>
    %eq3A_14 = vector.broadcast %broadcast_in_dim3A : vector<1024x1xf32> to vector<1024x64xf32>
    %eq3A_15 = arith.cmpf oeq, %dot_general3A_7, %eq3A_14 : vector<1024x64xf32>
    %convert_element_type3A_16 = arith.extui %eq3A_15 : vector<1024x64xi1> to vector<1024x64xi32>
    %convert_element_type3A_17 = arith.sitofp %convert_element_type3A_16 : vector<1024x64xi32> to vector<1024x64xf32>
    %convert_element_type3A_18 = arith.truncf %convert_element_type3A_17 : vector<1024x64xf32> to vector<1024x64xbf16>
    %get3A_19 = arith.constant 0 : index
    %get3A_20 = arith.constant 0 : index
    %get3A_21 = vector.load %arg9[%get3A_19, %get3A_20] : memref<64x64xbf16, #tpu.memory_space<vmem>>, vector<64x64xbf16>
    %dot_general3A_22 = arith.constant dense<0.000000e+00> : vector<1024x64xf32>
    %dot_general3A_23 = tpu.matmul %convert_element_type3A_18, %get3A_21, %dot_general3A_22 {dimension_numbers = #tpu.dot_dimension_numbers<[1], [0], [0], [1], [0, 0, 1, 1], [], []>, transpose_lhs_hint = false} : vector<1024x64xbf16>, vector<64x64xbf16>, vector<1024x64xf32> -> vector<1024x64xf32>
    %eq3A_24 = arith.constant 0.000000e+00 : f32
    %eq3A_25 = vector.broadcast %eq3A_24 : f32 to vector<1024x64xf32>
    %eq3A_26 = arith.cmpf oeq, %dot_general3A_23, %eq3A_25 : vector<1024x64xf32>
    %convert_element_type3A_27 = arith.extf %convert_element_type3A_18 : vector<1024x64xbf16> to vector<1024x64xf32>
    %jit3A = arith.constant 0.000000e+00 : f32
    %broadcast_in_dim3A_28 = vector.broadcast %jit3A : f32 to vector<1024x64xf32>
    %select_n3A = arith.select %eq3A_26, %convert_element_type3A_27, %broadcast_in_dim3A_28 : vector<1024x64xi1>, vector<1024x64xf32>
    %iota3A = tpu.iota {dimensions = array<i32: 0>} : vector<64x1xi32>
    %convert_element_type3A_29 = arith.sitofp %iota3A : vector<64x1xi32> to vector<64x1xbf16>
    %convert_element_type3A_30 = arith.truncf %select_n3A : vector<1024x64xf32> to vector<1024x64xbf16>
    %dot_general3A_31 = arith.constant dense<0.000000e+00> : vector<1024x1xf32>
    %dot_general3A_32 = tpu.matmul %convert_element_type3A_30, %convert_element_type3A_29, %dot_general3A_31 {dimension_numbers = #tpu.dot_dimension_numbers<[1], [0], [0], [1], [0, 0, 1, 1], [], []>, transpose_lhs_hint = false} : vector<1024x64xbf16>, vector<64x1xbf16>, vector<1024x1xf32> -> vector<1024x1xf32>
    %convert_element_type3A_33 = arith.fptosi %dot_general3A_32 : vector<1024x1xf32> to vector<1024x1xi32>
    %get3A_34 = arith.constant 0 : index
    %get3A_35 = arith.constant 0 : index
    %get3A_36 = vector.load %arg8[%get3A_34, %get3A_35] : memref<1024x1024xbf16, #tpu.memory_space<vmem>>, vector<1024x1024xbf16>
    %convert_element_type3A_37 = arith.truncf %select_n3A : vector<1024x64xf32> to vector<1024x64xbf16>
    %dot_general3A_38 = arith.constant dense<0.000000e+00> : vector<1024x64xf32>
    %dot_general3A_39 = tpu.matmul %get3A_36, %convert_element_type3A_37, %dot_general3A_38 {dimension_numbers = #tpu.dot_dimension_numbers<[1], [0], [0], [1], [0, 0, 1, 1], [], []>, transpose_lhs_hint = false} : vector<1024x1024xbf16>, vector<1024x64xbf16>, vector<1024x64xf32> -> vector<1024x64xf32>
    %get3A_40 = arith.constant 0 : index
    %get3A_41 = arith.constant 0 : index
    %get3A_42 = vector.load %arg6[%get3A_40, %get3A_41] : memref<1x64xf32, #tpu.memory_space<vmem>>, vector<1x64xf32>
    %add3A = vector.broadcast %get3A_42 : vector<1x64xf32> to vector<1024x64xf32>
    %add3A_43 = arith.addf %dot_general3A_39, %add3A : vector<1024x64xf32>
    %mul3A = arith.mulf %add3A_43, %select_n3A : vector<1024x64xf32>
    %reduce_sum3A_44 = arith.constant dense<0.000000e+00> : vector<1024xf32>
    %reduce_sum3A_45 = vector.multi_reduction <add>, %mul3A, %reduce_sum3A_44 [1] : vector<1024x64xf32> to vector<1024xf32>
    %broadcast_in_dim3A_46 = vector.shape_cast %reduce_sum3A_45 : vector<1024xf32> to vector<1024x1xf32>
    %get3A_47 = arith.constant 0 : index
    %get3A_48 = arith.constant 0 : index
    %get3A_49 = vector.load %arg7[%get3A_47, %get3A_48] : memref<1x64xf32, #tpu.memory_space<vmem>>, vector<1x64xf32>
    %div3A_50 = vector.broadcast %broadcast_in_dim3A_11 : vector<1024x1xf32> to vector<1024x64xf32>
    %div3A_51 = arith.divf %exp3A, %div3A_50 : vector<1024x64xf32>
    %reduce_sum3A_52 = arith.constant dense<0.000000e+00> : vector<64xf32>
    %reduce_sum3A_53 = vector.multi_reduction <add>, %div3A_51, %reduce_sum3A_52 [0] : vector<1024x64xf32> to vector<64xf32>
    %broadcast_in_dim3A_54 = vector.shape_cast %reduce_sum3A_53 : vector<64xf32> to vector<1x64xf32>
    %add3A_55 = arith.addf %get3A_49, %broadcast_in_dim3A_54 : vector<1x64xf32>
    %swap3A = arith.constant 0 : index
    %swap3A_56 = arith.constant 0 : index
    %swap3A_57 = vector.load %arg7[%swap3A, %swap3A_56] : memref<1x64xf32, #tpu.memory_space<vmem>>, vector<1x64xf32>
    tpu.vector_store %arg7[%swap3A, %swap3A_56], %add3A_55 {strides = array<i32>} : memref<1x64xf32, #tpu.memory_space<vmem>>, vector<1x64xf32>,
    %get3A_58 = arith.constant 0 : index
    %get3A_59 = arith.constant 0 : index
    %get3A_60 = vector.load %arg6[%get3A_58, %get3A_59] : memref<1x64xf32, #tpu.memory_space<vmem>>, vector<1x64xf32>
    %reduce_sum3A_61 = arith.constant dense<0.000000e+00> : vector<64xf32>
    %reduce_sum3A_62 = vector.multi_reduction <add>, %select_n3A, %reduce_sum3A_61 [0] : vector<1024x64xf32> to vector<64xf32>
    %broadcast_in_dim3A_63 = vector.shape_cast %reduce_sum3A_62 : vector<64xf32> to vector<1x64xf32>
    %add3A_64 = arith.addf %get3A_60, %broadcast_in_dim3A_63 : vector<1x64xf32>
    %swap3A_65 = arith.constant 0 : index
    %swap3A_66 = arith.constant 0 : index
    %swap3A_67 = vector.load %arg6[%swap3A_65, %swap3A_66] : memref<1x64xf32, #tpu.memory_space<vmem>>, vector<1x64xf32>
    tpu.vector_store %arg6[%swap3A_65, %swap3A_66], %add3A_64 {strides = array<i32>} : memref<1x64xf32, #tpu.memory_space<vmem>>, vector<1x64xf32>,
    %lt3A = arith.constant 5.120000e+02 : f32
    %lt3A_68 = vector.broadcast %lt3A : f32 to vector<1024x1xf32>
    %lt3A_69 = arith.cmpf olt, %broadcast_in_dim3A_46, %lt3A_68 : vector<1024x1xf32>
    %mul3A_70 = arith.constant 512 : i32
    %mul3A_71 = vector.broadcast %mul3A_70 : i32 to vector<1024x1xi32>
    %mul3A_72 = arith.muli %convert_element_type3A_33, %mul3A_71 : vector<1024x1xi32>
    %convert_element_type3A_73 = arith.fptosi %broadcast_in_dim3A_46 : vector<1024x1xf32> to vector<1024x1xi32>
    %min3A = arith.constant 511 : i32
    %min3A_74 = vector.broadcast %min3A : i32 to vector<1024x1xi32>
    %min3A_75 = arith.minsi %convert_element_type3A_73, %min3A_74 : vector<1024x1xi32>
    %add3A_76 = arith.addi %mul3A_72, %min3A_75 : vector<1024x1xi32>
    %iota3A_77 = tpu.iota {dimensions = array<i32: 0>} : vector<1024x1xi32>
    %and3A = arith.constant 511 : i32
    %and3A_78 = vector.broadcast %and3A : i32 to vector<1024x1xi32>
    %and3A_79 = arith.andi %iota3A_77, %and3A_78 : vector<1024x1xi32>
    %add3A_80 = arith.constant 32768 : i32
    %add3A_81 = vector.broadcast %add3A_80 : i32 to vector<1024x1xi32>
    %add3A_82 = arith.addi %add3A_81, %and3A_79 : vector<1024x1xi32>
    %select_n3A_83 = arith.select %lt3A_69, %add3A_76, %add3A_82 : vector<1024x1xi1>, vector<1024x1xi32>
    %swap3A_84 = arith.constant 0 : index
    %swap3A_85 = arith.constant 0 : index
    %swap3A_86 = arith.constant 0 : index
    %swap3A_87 = vector.load %arg4[%swap3A_84, %swap3A_85, %swap3A_86] : memref<1x1024x1xi32, #tpu.memory_space<vmem>>, vector<1x1024x1xi32>
    %swap3A_88 = vector.shape_cast %swap3A_87 : vector<1x1024x1xi32> to vector<1024x1xi32>
    %swap3A_89 = vector.shape_cast %select_n3A_83 : vector<1024x1xi32> to vector<1x1024x1xi32>
    tpu.vector_store %arg4[%swap3A_84, %swap3A_85, %swap3A_86], %swap3A_89 {strides = array<i32>} : memref<1x1024x1xi32, #tpu.memory_space<vmem>>, vector<1x1024x1xi32>,
    %convert_element_type3A_90 = arith.extui %lt3A_69 : vector<1024x1xi1> to vector<1024x1xi32>
    %convert_element_type3A_91 = arith.sitofp %convert_element_type3A_90 : vector<1024x1xi32> to vector<1024x1xf32>
    %mul3A_92 = arith.mulf %div3A_13, %convert_element_type3A_91 : vector<1024x1xf32>
    %mul3A_93 = vector.broadcast %mul3A_92 : vector<1024x1xf32> to vector<1024x768xf32>
    %mul3A_94 = arith.mulf %get3A_3, %mul3A_93 : vector<1024x768xf32>
    %bitcast_convert_type3A = tpu.bitcast %mul3A_94 : vector<1024x768xf32> -> vector<1024x768xi32>
    %add3A_95 = arith.constant 32768 : i32
    %add3A_96 = vector.broadcast %add3A_95 : i32 to vector<1024x768xi32>
    %add3A_97 = arith.addi %bitcast_convert_type3A, %add3A_96 : vector<1024x768xi32>
    %slice3A = vector.extract_strided_slice %add3A_97 {offsets = [0, 384], sizes = [1024, 384], strides = [1, 1]} : vector<1024x768xi32> to vector<1024x384xi32>
    %and3A_98 = arith.constant -65536 : i32
    %and3A_99 = vector.broadcast %and3A_98 : i32 to vector<1024x384xi32>
    %and3A_100 = arith.andi %slice3A, %and3A_99 : vector<1024x384xi32>
    %slice3A_101 = vector.extract_strided_slice %add3A_97 {offsets = [0, 0], sizes = [1024, 384], strides = [1, 1]} : vector<1024x768xi32> to vector<1024x384xi32>
    %shift_right_logical3A = arith.constant 16 : i32
    %shift_right_logical3A_102 = vector.broadcast %shift_right_logical3A : i32 to vector<1024x384xi32>
    %shift_right_logical3A_103 = arith.shrui %slice3A_101, %shift_right_logical3A_102 : vector<1024x384xi32>
    %or3A = arith.ori %and3A_100, %shift_right_logical3A_103 : vector<1024x384xi32>
    %bitcast_convert_type3A_104 = tpu.bitcast %or3A : vector<1024x384xi32> -> vector<1024x384xi32>
    %swap3A_105 = arith.constant 0 : index
    %swap3A_106 = arith.constant 0 : index
    %swap3A_107 = vector.load %arg3[%swap3A_105, %swap3A_106] : memref<1024x384xi32, #tpu.memory_space<vmem>>, vector<1024x384xi32>
    tpu.vector_store %arg3[%swap3A_105, %swap3A_106], %bitcast_convert_type3A_104 {strides = array<i32>} : memref<1024x384xi32, #tpu.memory_space<vmem>>, vector<1024x384xi32>,
    %eq3A_108 = arith.constant 31 : i32
    %eq3A_109 = arith.cmpi eq, %arg0, %eq3A_108 : i32
    %convert_element_type3A_110 = arith.extui %eq3A_109 : i1 to i32
    %cond3A_111 = arith.constant 0 : i32
    %cond3A_112 = arith.cmpi ne, %convert_element_type3A_110, %cond3A_111 : i32
    scf.if %cond3A_112 {
      %broadcast_in_dim3A_113 = arith.constant 5.96046448E-8 : f32
      %broadcast_in_dim3A_114 = vector.broadcast %broadcast_in_dim3A_113 : f32 to vector<1x1xf32>
      %get3A_115 = arith.constant 0 : index
      %get3A_116 = arith.constant 0 : index
      %get3A_117 = vector.load %arg7[%get3A_115, %get3A_116] : memref<1x64xf32, #tpu.memory_space<vmem>>, vector<1x64xf32>
      %get3A_118 = arith.constant 0 : index
      %get3A_119 = arith.constant 0 : index
      %get3A_120 = vector.load %arg6[%get3A_118, %get3A_119] : memref<1x64xf32, #tpu.memory_space<vmem>>, vector<1x64xf32>
      %mul3A_121 = arith.mulf %get3A_117, %get3A_120 : vector<1x64xf32>
      %reduce_sum3A_122 = vector.shape_cast %mul3A_121 : vector<1x64xf32> to vector<1x1x64xf32>
      %reduce_sum3A_123 = arith.constant dense<0.000000e+00> : vector<1xf32>
      %reduce_sum3A_124 = vector.multi_reduction <add>, %reduce_sum3A_122, %reduce_sum3A_123 [1, 2] : vector<1x1x64xf32> to vector<1xf32>
      %reduce_sum3A_125 = vector.shape_cast %reduce_sum3A_124 : vector<1xf32> to vector<1x1x1xf32>
      %reduce_sum3A_126 = vector.extract %reduce_sum3A_125[0, 0, 0] : f32 from vector<1x1x1xf32>
      %mul3A_127 = vector.broadcast %reduce_sum3A_126 : f32 to vector<1x1xf32>
      %mul3A_128 = arith.mulf %broadcast_in_dim3A_114, %mul3A_127 : vector<1x1xf32>
      %swap3A_129 = arith.constant 0 : index
      %swap3A_130 = arith.constant 0 : index
      %swap3A_131 = vector.load %arg5[%swap3A_129, %swap3A_130] : memref<1x1xf32, #tpu.memory_space<vmem>>, vector<1x1xf32>
      tpu.vector_store %arg5[%swap3A_129, %swap3A_130], %mul3A_128 {strides = array<i32>} : memref<1x1xf32, #tpu.memory_space<vmem>>, vector<1x1xf32>,
    } else {
    }
    return
  }
  func.func @transform_0(%arg0: i32) -> (i32, i32) {
    %c0_i32 = arith.constant 0 : i32
    %c0_i32_0 = arith.constant 0 : i32
    return %arg0, %c0_i32 : i32, i32
  }
  func.func @transform_1(%arg0: i32) -> (i32, i32) {
    %c0_i32 = arith.constant 0 : i32
    %c0_i32_0 = arith.constant 0 : i32
    %c0_i32_1 = arith.constant 0 : i32
    return %c0_i32, %c0_i32_0 : i32, i32
  }
  func.func @transform_2(%arg0: i32) -> (i32, i32) {
    %c0_i32 = arith.constant 0 : i32
    %c0_i32_0 = arith.constant 0 : i32
    return %arg0, %c0_i32 : i32, i32
  }
  func.func @transform_3(%arg0: i32) -> (i32, i32, i32) {
    %c0_i32 = arith.constant 0 : i32
    %c0_i32_0 = arith.constant 0 : i32
    %c0_i32_1 = arith.constant 0 : i32
    return %arg0, %c0_i32, %c0_i32_0 : i32, i32, i32
  }
  func.func @transform_4(%arg0: i32) -> (i32, i32) {
    %c0_i32 = arith.constant 0 : i32
    %c0_i32_0 = arith.constant 0 : i32
    %c0_i32_1 = arith.constant 0 : i32
    return %c0_i32, %c0_i32_0 : i32, i32
  }
}

</mosaic_0001>

<sc_bundles>
// kernel: kernel.6.cloned.1.call-start
scs
__scs_entry_jumppad:
0x0: {  	(pc) =	sbr.rel $0x88, $3  }
0x1: {  	(tag) =	ssettag $0x0;
	lr =	simm.s32 $0x1  }
0x2: {  	[smem:$0x3F9D] =	sst lr;
	_ =	strace $0xD0000000  }
0x3: {  	_ = 	snop  }
0x4: {  	_ = 	snop  }
0x5: {  	_ = 	snop  }
0x6: {  	_ = 	snop  }
0x7: {  	_ = 	snop  }
__scs_overlays_trampoline_lowered:
0x8: {  	[smem:$0x3FAC] =	sst s0  }
0x9: {  	[smem:$0x3FAD] =	sst s1  }
0xa: {  	[smem:$0x3FAE] =	sst s2  }
0xb: {  	[smem:$0x3FAF] =	sst s3  }
0xc: {  	[smem:$0x3FB0] =	sst s4  }
0xd: {  	[smem:$0x3FB1] =	sst s5  }
0xe: {  	[smem:$0x3FB2] =	sst s6  }
0xf: {  	[smem:$0x3FB3] =	sst s7  }
0x10: {  	[smem:$0x3FB4] =	sst s8  }
0x11: {  	[smem:$0x3FB5] =	sst s9;
	s0 =	simm.s32 @!p0 $0x0  }
0x12: {  	s1 =	sld [smem:$0x3F9B];
	s0 =	simm.s32 @p0 $0x1  }
0x13: {  	[smem:$0x3FB6] =	sst s0;
	s0 =	simm.s32 @!p1 $0x0  }
0x14: {  	s2 =	sld [smem:$0x3F9A];
	s0 =	simm.s32 @p1 $0x1  }
0x15: {  	[smem:$0x3FB7] =	sst s0;
	s0 =	simm.s32 @!p2 $0x0  }
0x16: {  	s3 =	sld [smem:$0x3FDB];
	s0 =	simm.s32 @p2 $0x1  }
0x17: {  	s4 =	simm.s32 $0x1BF5;
	[smem:$0x3FB9] =	sst s0  }
0x18: {  	s0 =	sld [smem:$0x3F9C];
	_ =	swait.ge [sflag:s4], $0x0  }
0x19: {  	s7 =	sld [smem:$0x3F9D]  }
0x1a: {  	s8 =	sadd.s32 $0xFFFFE003, lr  }
0x1b: {  	s9 =	sadd.s32 $0xFFFFFEF7, lr;
	s5 =	simm.s32 $0xFFFFFFFF;
	p2 =	slt.u32 s8, $0xFFFFF086  }
0x1c: {  	p1 =	slt.u32 s9, $0xF7A;
	s5 =	simm.s32 @!p2 $0x0  }
0x1d: {  	s5 =	simm.s32 @p1 $0x1;
	p0 =	seq.s32 s7, s2  }
0x1e: {  	s7 =	smul.u32 @!p0 $0xF7A, s2;
	p2 =	seq.s32 @!p0 s5, $0x0  }
0x1f: {  	s9 =	smul.u32 $0xF7A, s1;
	s8 =	simm.s32 @!p0 $0x1BF5;
	p2 =	por !p2, p0  }
0x20: {  	[sflag:s8] =	ssyncset.s32 @!p0 $0xFFFFF086;
	s6 =	sadd.s32 @!p0 s3, s7;
	s7 =	simm.s32 @!p0 $0x108  }
0x21: {  	s3 =	sadd.s32 s3, s9;
	s6 =	sadd.s32 @!p0 $0x88, s6;
	s7 =	simm.s32 @p2 $0x1082  }
0x22: {  	[simem:s7], [sflag:s8] =	dma.local @!p0 [hbm:s6], $0xF7A  }
0x23: {  	s9 =	sor.u32 $0xD0000000, s2;
	s6 =	simm.s32 $0x108;
	_ =	swait.ge @!p0 [sflag:s8], $0x0  }
0x24: {  	s3 =	sadd.s32 $0x88, s3;
	s6 =	simm.s32 @!p1 $0x1082;
	[sflag:s4] =	ssyncset.s32 $0xFFFFF086  }
0x25: {  	[simem:s6], [sflag:s4] =	dma.local [hbm:s3], $0xF7A  }
0x26: {  	[smem:$0x3F9D] =	sst s1;
	(tag) =	ssettag s2;
	_ =	strace s9  }
0x27: {  	s1 =	sld [smem:$0x3FAD]  }
0x28: {  	s2 =	sld [smem:$0x3FAE]  }
0x29: {  	s4 =	sld [smem:$0x3FB0]  }
0x2a: {  	p0 =	seq.s32 s5, $0x0;
	s5 =	sld [smem:$0x3FB1]  }
0x2b: {  	s6 =	sld [smem:$0x3FB2]  }
0x2c: {  	s7 =	sld [smem:$0x3FB3]  }
0x2d: {  	s3 =	simm.s32 $0x108;
	s8 =	sld [smem:$0x3FB4]  }
0x2e: {  	s3 =	simm.s32 @!p0 $0x1082;
	s9 =	sld [smem:$0x3FB5]  }
0x2f: {  	lr =	sadd.s32 s0, s3;
	s0 =	sld [smem:$0x3FAC]  }
0x30: {  	s3 =	sld [smem:$0x3FAF]  }
0x31: {  	[smem:$0x3FB8] =	sst s10  }
0x32: {  	s10 =	sld [smem:$0x3FB6];
	_ =	sdelay $0x3  }
0x33: {  	p0 =	seq.s32 s10, $0x1;
	s10 =	sld [smem:$0x3FB8];
	_ =	sdelay $0x3  }
0x34: {  	[smem:$0x3FB8] =	sst s10  }
0x35: {  	s10 =	sld [smem:$0x3FB7];
	_ =	sdelay $0x3  }
0x36: {  	p1 =	seq.s32 s10, $0x1;
	s10 =	sld [smem:$0x3FB8];
	_ =	sdelay $0x3  }
0x37: {  	[smem:$0x3FB8] =	sst s10  }
0x38: {  	s10 =	sld [smem:$0x3FB9]  }
0x39: {  	_ = 	snop;
	(pc) =	sbr.ind lr, $3  }
0x3a: {  	_ = 	snop  }
0x3b: {  	_ = 	snop  }
0x3c: {  	p2 =	seq.s32 s10, $0x1;
	s10 =	sld [smem:$0x3FB8]  }
0x3d: {  	_ =	shalt  }
0x3e: {  	_ =	shalt  }
0x3f: {  	_ =	shalt  }
0x40: {  	_ =	shalt  }
0x41: {  	_ =	shalt  }
0x42: {  	_ =	shalt  }
0x43: {  	_ =	shalt  }
0x44: {  	_ =	shalt  }
0x45: {  	_ =	shalt  }
0x46: {  	_ =	shalt  }
0x47: {  	_ =	shalt  }
0x48: {  	_ =	shalt  }
0x49: {  	_ =	shalt  }
0x4a: {  	_ =	shalt  }
0x4b: {  	_ =	shalt  }
0x4c: {  	_ =	shalt  }
0x4d: {  	_ =	shalt  }
0x4e: {  	_ =	shalt  }
0x4f: {  	_ =	shalt  }
0x50: {  	_ =	shalt  }
0x51: {  	_ =	shalt  }
0x52: {  	_ =	shalt  }
0x53: {  	_ =	shalt  }
0x54: {  	_ =	shalt  }
0x55: {  	_ =	shalt  }
0x56: {  	_ =	shalt  }
0x57: {  	_ =	shalt  }
0x58: {  	_ =	shalt  }
0x59: {  	_ =	shalt  }
0x5a: {  	_ =	shalt  }
0x5b: {  	_ =	shalt  }
0x5c: {  	_ =	shalt  }
0x5d: {  	_ =	shalt  }
0x5e: {  	_ =	shalt  }
0x5f: {  	_ =	shalt  }
0x60: {  	_ =	shalt  }
0x61: {  	_ =	shalt  }
0x62: {  	_ =	shalt  }
0x63: {  	_ =	shalt  }
0x64: {  	_ =	shalt  }
0x65: {  	_ =	shalt  }
0x66: {  	_ =	shalt  }
0x67: {  	_ =	shalt  }
0x68: {  	_ =	shalt  }
0x69: {  	_ =	shalt  }
0x6a: {  	_ =	shalt  }
0x6b: {  	_ =	shalt  }
0x6c: {  	_ =	shalt  }
0x6d: {  	_ =	shalt  }
0x6e: {  	_ =	shalt  }
0x6f: {  	_ =	shalt  }
0x70: {  	_ =	shalt  }
0x71: {  	_ =	shalt  }
0x72: {  	_ =	shalt  }
0x73: {  	_ =	shalt  }
0x74: {  	_ =	shalt  }
0x75: {  	_ =	shalt  }
0x76: {  	_ =	shalt  }
0x77: {  	_ =	shalt  }
0x78: {  	_ =	shalt  }
0x79: {  	_ =	shalt  }
0x7a: {  	_ =	shalt  }
0x7b: {  	_ =	shalt  }
0x7c: {  	_ =	shalt  }
0x7d: {  	_ =	shalt  }
0x7e: {  	_ =	shalt  }
0x7f: {  	_ =	shalt  }
0x80: {  	_ =	shalt  }
0x81: {  	_ =	shalt  }
0x82: {  	_ =	shalt  }
0x83: {  	_ =	shalt  }
0x84: {  	_ =	shalt  }
0x85: {  	_ =	shalt  }
0x86: {  	_ =	shalt  }
0x87: {  	_ =	shalt  }
.Lfunc_end0:
.L_simem_size_0:
called_computation_lowered:
.L_overlay_start_0:
0x88: {  	s2 =	sld [smem:$0x3FD9]  }
0x89: {  	s3 =	sld [smem:$0x3FFE];
	_ =	sdelay $0x1  }
0x8a: {  	s1 =	srdreg.scid  }
0x8b: {  	s0 =	sand.u32 $0x1, s1  }
0x8c: {  	s14 =	sshll.u32 s0, $0xA;
	s2 =	sadd.s32 s3, s2  }
0x8d: {  	s2 =	sadd.s32 s2, s14  }
0x8e: {  	[smem:$0x3FC4] =	sst s2  }
0x8f: {  	_ = 	snop  }
0x90: {  	s2 =	sld [smem:$0x3FD0];
	_ =	sdelay $0x2  }
0x91: {  	s15 =	simm.s32 $0xA;
	s4 =	simm.s32 $0x10  }
0x92: {  	[smem:s4], [sflag:s15] =	dma.local [hbm:s2], $0x1  }
0x93: {  	_ =	swait.eq [sflag:s15], $0x1  }
0x94: {  	[sflag:s15] =	ssyncset.done $0x0  }
0x95: {  	[sflag:s15] =	ssyncadd.s32 $0xFFFFFFFF  }
0x96: {  	s16 =	sld [smem:$0x10];
	(tm) =	ssettm $0x1  }
0x97: {  	s17 =	sld [smem:$0x3FFB];
	_ =	sdelay $0x3  }
0x98: {  	_ =	strace s17  }
0x99: {  	s3 =	sld [smem:$0x3FFC];
	_ =	sdelay $0x3  }
0x9a: {  	_ =	strace s3  }
0x9b: {  	s3 =	sld [smem:$0x3FFD];
	_ =	sdelay $0x3  }
0x9c: {  	_ =	strace s3  }
0x9d: {  	_ =	strace $0x8FFFFFFF  }
0x9e: {  	s18 =	sld [smem:$0x3FDB];
	_ =	sdelay $0x1  }
0x9f: {  	s19 =	simm.s32 $_scs_section_size  }
0xa0: {  	s5 =	simm.s32 $_size__tile_overlayer_lowered;
	s6 =	simm.s32 $_tile_overlayer_lowered  }
0xa1: {  	s22 =	simm.s32 $0x1BFF;
	s21 =	sshll.u32 s6, $0x1;
	s3 =	sadd.s32 s19, s18  }
0xa2: {  	s7 =	simm.s32 $0x0;
	s20 =	sshll.u32 s5, $0x1;
	s5 =	sadd.s32 s21, s3  }
0xa3: {  	[timem:s7], [sflag:s22] =	dma.local [hbm:s5], s20  }
0xa4: {  	_ =	swait.ge [sflag:s22], s20  }
0xa5: {  	s4 =	ssub.s32 $0x0, s20;
	[sflag:s22] =	ssyncset.done $0x0  }
0xa6: {  	[sflag:s22] =	ssyncadd.s32 s4;
	_ =	sdelay $0x1  }
0xa7: {  	s23 =	simm.s32 $0x1B8B  }
0xa8: {  	_ =	swait.ge [sflag:s23], $0x1  }
0xa9: {  	[sflag:s23] =	ssyncset.done $0x0  }
0xaa: {  	s25 =	simm.s32 $0x1B8E;
	s24 =	sld [smem:$0x3FFE];
	[sflag:s23] =	ssyncadd.s32 $0xFFFFFFFF  }
0xab: {  	s26 =	simm.s32 $execute0_lowered;
	[smem:$0x3FD2] =	sst s25  }
0xac: {  	s5 =	sshll.u32 s26, $0x1;
	_ =	strace $0x80000046;
	[dreg:$0x1] =	wrdreg $0xFFFFFFFF  }
0xad: {  	s28 =	simm.s32 $_size_execute0_lowered;
	s3 =	sadd.s32 s3, s5;
	[dreg:$0x0] =	wrdreg $0x0  }
0xae: {  	s5 =	sshll.u32 s28, $0x1;
	[dreg:$0x2] =	wrdreg s3  }
0xaf: {  	[dreg:$0x3] =	wrdreg s5  }
0xb0: {  	[dreg:$0x4] =	wrdreg $0xC0  }
0xb1: {  	_ =	task [dreg:s7], $0x5FFFF  }
0xb2: {  	[dreg:$0x1] =	wrdreg $0xFFFFFFFF  }
0xb3: {  	[dreg:$0x0] =	wrdreg $0x60  }
0xb4: {  	[dreg:$0x2] =	wrdreg s24  }
0xb5: {  	[dreg:$0x3] =	wrdreg s16  }
0xb6: {  	[dreg:$0x4] =	wrdreg $0x9  }
0xb7: {  	_ =	task.clear_ibuf [dreg:s7], $0x5FFFF;
	_ =	strace $0x90000046  }
0xb8: {  	s29 =	simm.s32 $0x9;
	_ =	strace $0x80000048  }
0xb9: {  	_ =	swait.ge [sflag:s29], $0x1  }
0xba: {  	[sflag:s29] =	ssyncadd.s32 $0xFFFFFFFF  }
0xbb: {  	_ =	strace $0x90000048  }
0xbc: {  	_ =	sfence  }
0xbd: {  	s30 =	sld [smem:$0x0];
	_ =	sdelay $0x2  }
0xbe: {  	s31 =	sshll.u32 s1, $0xD;
	s1 =	sshrl.u32 s1, $0x2  }
0xbf: {  	s3 =	sand.u32 $0x4000, s31;
	s1 =	sadd.s32 s1, s30  }
0xc0: {  	s0 =	sor.u32 s3, s0;
	s1 =	sshll.u32 s1, $0x11  }
0xc1: {  	s0 =	sor.u32 s1, s0  }
0xc2: {  	s0 =	sadd.s32 $0x8F2B, s0  }
0xc3: {  	[sflag:s0] =	ssyncadd.remote.s32 $0x1  }
0xc4: {  	_ =	sfence.sel $0xFFFF  }
0xc5: {  	[dreg:$0x0] =	wrdreg $0xFFFFFFFF;
	(pc) =	sbr.abs _section_cstart, $3  }
0xc6: {  	[dreg:$0x1] =	wrdreg $0xFFFFFFFF  }
0xc7: {  	_ =	task.clear_ibuf [dreg:s7], $0x2FFFF;
	_ =	strace $0x9FFFFFFF  }
0xc8: {  	(tm) =	ssettm $0x7FFFFFFF  }
0xc9: {  	_ =	shalt  }
tec
execute0_lowered:
.L_overlay_start_1:
0x0: {  	(tag) =	ssettag $0x1  }
0x1: {  	s0 =	srdreg.scid  }
0x2: {  	s1 =	rddreg [dreg:$0x0];
	s3 =	stileid.u32;
	s0 =	sand.u32 $0x1, s0  }
0x3: {  	s2 =	rddreg [dreg:$0x1];
	s4 =	sshll.u32 s3, $0x8;
	s5 =	sshll.u32 s0, $0x7  }
0x4: {  	s9 =	simm.s32 $0x1;
	s3 =	simm.s32 $0x0;
	s4 =	sor.u32 s5, s4  }
0x5: {  	s6 =	sadd.s32 $0x600, s1;
	s5 =	smul.u32 $0x180, s4;
	s1 =	sadd.s32 s4, s1  }
0x6: {  	[smem:$0x7FF] =	sst s3;
	s4 =	smul.u32 $0xC00, s4;
	s1 =	sadd.s32 $0x180600, s1  }
0x7: {  	_ =	strace $0x80000047;
	s5 =	sadd.s32 s6, s5;
	[dreg:$0x3] =	wrdreg s1  }
0x8: {  	s4 =	sshrl.u32 s4, $0x3;
	s23 =	sadd.s32 $0x1800, s5;
	[dreg:$0xb] =	wrdreg s5  }
0x9: {  	s24 =	sadd.s32 $0x3000, s5;
	s4 =	sadd.s32 s6, s4;
	[dreg:$0x4] =	wrdreg s23  }
0xa: {  	s0 =	ssub.s32 $0x2, s0;
	[dreg:$0x5] =	wrdreg s24;
	s25 =	sadd.s32 $0x4800, s4  }
0xb: {  	s30 =	sshrl.u32 s0, $0x1;
	s26 =	sadd.s32 $0x6000, s4;
	[dreg:$0x6] =	wrdreg s25  }
0xc: {  	s0 =	ssub.s32 s0, s30;
	s28 =	sadd.s32 $0x7800, s4;
	[dreg:$0x7] =	wrdreg s26  }
0xd: {  	v2 =	vlaneseq.u32;
	s5 =	sadd.s32 $0x100, s2;
	s29 =	sadd.s32 $0x9000, s4;
	[dreg:$0x8] =	wrdreg s28  }
0xe: {  	vm0 =	vmmov $0xffff;
	vm1 =	vmmov $0xff;
	v1 =	vshrl.u32 v2, $0x3;
	s6 =	smax.u32 s0, $0x1;
	s31 =	sadd.s32 $0xA800, s4;
	[dreg:$0x9] =	wrdreg s29  }
0xf: {  	v0 =	vand.u32 $0x7, v2;
	v2 =	vor.u32 $0x8, v2;
	v1 =	vmul.u32 $0x8, v1;
	s24 =	simm.s32 $0x2;
	[dreg:$0xa] =	wrdreg s31;
	s25 =	simm.s32 $0x3  }
.LBB2_1:
0x10: {  	s26 =	rddreg [dreg:$0x3];
	s22 =	simm.s32 $0x4  }
0x11: {  	[tilespmem:s3], [sflag:$0x4] =	stream.linear.gather [hbm4b:s26+s3], $0x400, $0x38;
	[tilespmem:$0x18400] =	vst v63  }
0x12: {  	_ =	swait.ge [sflag:s22], $0x400  }
0x13: {  	[sflag:s22] =	ssyncset.done $0x0  }
0x14: {  	s0 =	simm.s32 $0x400;
	s23 =	rddreg [dreg:$0xb];
	[sflag:s22] =	ssyncadd.s32 $0xFFFFFC00  }
0x15: {  	[tilespmem:s0], [sflag:$0x1] =	stream.linear.gather [hbm4b:s23+s3], $0xC000, $0x38;
	[tilespmem:$0x18400] =	vst v63  }
0x16: {  	_ =	swait.ge [sflag:s9], $0xC000  }
0x17: {  	[sflag:s9] =	ssyncset.done $0x0  }
0x18: {  	[sflag:s9] =	ssyncadd.s32 $0xFFFF4000  }
0x19: {  	v3 =	vld [tilespmem:$0x0];
	_ =	sdelay $0x4  }
0x1a: {  	v4 =	vshrl.u32 v3, $0x3  }
0x1b: {  	v4 =	vmul.u32 $0x18, v4  }
0x1c: {  	v3 =	vand.u32 $0x7, v3  }
0x1d: {  	v3 =	vor.u32 v3, v4  }
0x1e: {  	v4 =	vperm.xlane v3, v0;
	_ =	sdelay $0x1  }
0x1f: {  	v4 =	vadd.s32 v1, v4;
	_ =	sdelay $0x1  }
0x20: {  	v3 =	vperm.xlane v3, v2;
	_ =	sdelay $0x1  }
0x21: {  	v3 =	vadd.s32 v1, v3  }
0x22: {  	[hbm4b:s2+s3] =	stream.indirect_vreg.scatter [tilespmem:s0], [sflag:$0x2], $0x80, v4, vm0, $0xb8;
	[tilespmem:$0x18400] =	vst v63  }
0x23: {  	s1 =	simm.s32 $0xC00  }
0x24: {  	[hbm4b:s5+s3] =	stream.indirect_vreg.scatter [tilespmem:s1], [sflag:$0x2], $0x80, v4, vm1, $0xb8;
	[tilespmem:$0x18400] =	vst v63  }
0x25: {  	s28 =	simm.s32 $0x1000  }
0x26: {  	[hbm4b:s2+s3] =	stream.indirect_vreg.scatter [tilespmem:s28], [sflag:$0x2], $0x80, v3, vm0, $0xb8;
	[tilespmem:$0x18400] =	vst v63  }
0x27: {  	s29 =	simm.s32 $0x1800  }
0x28: {  	[hbm4b:s5+s3] =	stream.indirect_vreg.scatter [tilespmem:s29], [sflag:$0x2], $0x80, v3, vm1, $0xb8;
	[tilespmem:$0x18400] =	vst v63  }
0x29: {  	v3 =	vld [tilespmem:$0x10];
	_ =	sdelay $0x4  }
0x2a: {  	v57 =	vshrl.u32 v3, $0x3  }
0x2b: {  	v4 =	vmul.u32 $0x18, v57  }
0x2c: {  	v3 =	vand.u32 $0x7, v3  }
0x2d: {  	v3 =	vor.u32 v3, v4  }
0x2e: {  	v4 =	vperm.xlane v3, v0;
	_ =	sdelay $0x1  }
0x2f: {  	v4 =	vadd.s32 v1, v4;
	_ =	sdelay $0x1  }
0x30: {  	v3 =	vperm.xlane v3, v2;
	_ =	sdelay $0x1  }
0x31: {  	s30 =	simm.s32 $0x1C00;
	v3 =	vadd.s32 v1, v3  }
0x32: {  	[hbm4b:s2+s3] =	stream.indirect_vreg.scatter [tilespmem:s30], [sflag:$0x2], $0x80, v4, vm0, $0xb8;
	[tilespmem:$0x18400] =	vst v63  }
0x33: {  	s31 =	simm.s32 $0x2400  }
0x34: {  	[hbm4b:s5+s3] =	stream.indirect_vreg.scatter [tilespmem:s31], [sflag:$0x2], $0x80, v4, vm1, $0xb8;
	[tilespmem:$0x18400] =	vst v63  }
0x35: {  	s4 =	simm.s32 $0x2800  }
0x36: {  	[hbm4b:s2+s3] =	stream.indirect_vreg.scatter [tilespmem:s4], [sflag:$0x2], $0x80, v3, vm0, $0xb8;
	[tilespmem:$0x18400] =	vst v63  }
0x37: {  	s8 =	simm.s32 $0x3000  }
0x38: {  	[hbm4b:s5+s3] =	stream.indirect_vreg.scatter [tilespmem:s8], [sflag:$0x2], $0x80, v3, vm1, $0xb8;
	[tilespmem:$0x18400] =	vst v63  }
0x39: {  	v3 =	vld [tilespmem:$0x20];
	_ =	sdelay $0x4  }
0x3a: {  	v58 =	vshrl.u32 v3, $0x3  }
0x3b: {  	v4 =	vmul.u32 $0x18, v58  }
0x3c: {  	v3 =	vand.u32 $0x7, v3  }
0x3d: {  	v3 =	vor.u32 v3, v4  }
0x3e: {  	v4 =	vperm.xlane v3, v0;
	_ =	sdelay $0x1  }
0x3f: {  	v4 =	vadd.s32 v1, v4;
	_ =	sdelay $0x1  }
0x40: {  	v3 =	vperm.xlane v3, v2;
	_ =	sdelay $0x1  }
0x41: {  	s10 =	simm.s32 $0x3400;
	v3 =	vadd.s32 v1, v3  }
0x42: {  	[hbm4b:s2+s3] =	stream.indirect_vreg.scatter [tilespmem:s10], [sflag:$0x2], $0x80, v4, vm0, $0xb8;
	[tilespmem:$0x18400] =	vst v63  }
0x43: {  	s12 =	simm.s32 $0x3C00  }
0x44: {  	[hbm4b:s5+s3] =	stream.indirect_vreg.scatter [tilespmem:s12], [sflag:$0x2], $0x80, v4, vm1, $0xb8;
	[tilespmem:$0x18400] =	vst v63  }
0x45: {  	s13 =	simm.s32 $0x4000  }
0x46: {  	[hbm4b:s2+s3] =	stream.indirect_vreg.scatter [tilespmem:s13], [sflag:$0x2], $0x80, v3, vm0, $0xb8;
	[tilespmem:$0x18400] =	vst v63  }
0x47: {  	s14 =	simm.s32 $0x4800  }
0x48: {  	[hbm4b:s5+s3] =	stream.indirect_vreg.scatter [tilespmem:s14], [sflag:$0x2], $0x80, v3, vm1, $0xb8;
	[tilespmem:$0x18400] =	vst v63  }
0x49: {  	v3 =	vld [tilespmem:$0x30];
	_ =	sdelay $0x4  }
0x4a: {  	v59 =	vshrl.u32 v3, $0x3  }
0x4b: {  	v4 =	vmul.u32 $0x18, v59  }
0x4c: {  	v3 =	vand.u32 $0x7, v3  }
0x4d: {  	v3 =	vor.u32 v3, v4  }
0x4e: {  	v4 =	vperm.xlane v3, v0;
	_ =	sdelay $0x1  }
0x4f: {  	v4 =	vadd.s32 v1, v4;
	_ =	sdelay $0x1  }
0x50: {  	v3 =	vperm.xlane v3, v2;
	_ =	sdelay $0x1  }
0x51: {  	s15 =	simm.s32 $0x4C00;
	v3 =	vadd.s32 v1, v3  }
0x52: {  	[hbm4b:s2+s3] =	stream.indirect_vreg.scatter [tilespmem:s15], [sflag:$0x2], $0x80, v4, vm0, $0xb8;
	[tilespmem:$0x18400] =	vst v63  }
0x53: {  	s16 =	simm.s32 $0x5400  }
0x54: {  	[hbm4b:s5+s3] =	stream.indirect_vreg.scatter [tilespmem:s16], [sflag:$0x2], $0x80, v4, vm1, $0xb8;
	[tilespmem:$0x18400] =	vst v63  }
0x55: {  	s17 =	simm.s32 $0x5800  }
0x56: {  	[hbm4b:s2+s3] =	stream.indirect_vreg.scatter [tilespmem:s17], [sflag:$0x2], $0x80, v3, vm0, $0xb8;
	[tilespmem:$0x18400] =	vst v63  }
0x57: {  	s18 =	simm.s32 $0x6000  }
0x58: {  	[hbm4b:s5+s3] =	stream.indirect_vreg.scatter [tilespmem:s18], [sflag:$0x2], $0x80, v3, vm1, $0xb8;
	[tilespmem:$0x18400] =	vst v63  }
0x59: {  	v3 =	vld [tilespmem:$0x40];
	_ =	sdelay $0x4  }
0x5a: {  	v60 =	vshrl.u32 v3, $0x3  }
0x5b: {  	v4 =	vmul.u32 $0x18, v60  }
0x5c: {  	v3 =	vand.u32 $0x7, v3  }
0x5d: {  	v3 =	vor.u32 v3, v4  }
0x5e: {  	v4 =	vperm.xlane v3, v0;
	_ =	sdelay $0x1  }
0x5f: {  	v4 =	vadd.s32 v1, v4;
	_ =	sdelay $0x1  }
0x60: {  	v3 =	vperm.xlane v3, v2;
	_ =	sdelay $0x1  }
0x61: {  	s19 =	simm.s32 $0x6400;
	v3 =	vadd.s32 v1, v3  }
0x62: {  	[hbm4b:s2+s3] =	stream.indirect_vreg.scatter [tilespmem:s19], [sflag:$0x2], $0x80, v4, vm0, $0xb8;
	[tilespmem:$0x18400] =	vst v63  }
0x63: {  	s20 =	simm.s32 $0x6C00  }
0x64: {  	[hbm4b:s5+s3] =	stream.indirect_vreg.scatter [tilespmem:s20], [sflag:$0x2], $0x80, v4, vm1, $0xb8;
	[tilespmem:$0x18400] =	vst v63  }
0x65: {  	s21 =	simm.s32 $0x7000  }
0x66: {  	[hbm4b:s2+s3] =	stream.indirect_vreg.scatter [tilespmem:s21], [sflag:$0x2], $0x80, v3, vm0, $0xb8;
	[tilespmem:$0x18400] =	vst v63  }
0x67: {  	s22 =	simm.s32 $0x7800  }
0x68: {  	[hbm4b:s5+s3] =	stream.indirect_vreg.scatter [tilespmem:s22], [sflag:$0x2], $0x80, v3, vm1, $0xb8;
	[tilespmem:$0x18400] =	vst v63  }
0x69: {  	v3 =	vld [tilespmem:$0x50];
	_ =	sdelay $0x4  }
0x6a: {  	v61 =	vshrl.u32 v3, $0x3  }
0x6b: {  	v4 =	vmul.u32 $0x18, v61  }
0x6c: {  	v3 =	vand.u32 $0x7, v3  }
0x6d: {  	v3 =	vor.u32 v3, v4  }
0x6e: {  	v4 =	vperm.xlane v3, v0;
	_ =	sdelay $0x1  }
0x6f: {  	v4 =	vadd.s32 v1, v4;
	_ =	sdelay $0x1  }
0x70: {  	v3 =	vperm.xlane v3, v2;
	_ =	sdelay $0x1  }
0x71: {  	s23 =	simm.s32 $0x7C00;
	v3 =	vadd.s32 v1, v3  }
0x72: {  	[hbm4b:s2+s3] =	stream.indirect_vreg.scatter [tilespmem:s23], [sflag:$0x2], $0x80, v4, vm0, $0xb8;
	[tilespmem:$0x18400] =	vst v63  }
0x73: {  	s26 =	simm.s32 $0x8400  }
0x74: {  	[hbm4b:s5+s3] =	stream.indirect_vreg.scatter [tilespmem:s26], [sflag:$0x2], $0x80, v4, vm1, $0xb8;
	[tilespmem:$0x18400] =	vst v63  }
0x75: {  	s28 =	simm.s32 $0x8800  }
0x76: {  	[hbm4b:s2+s3] =	stream.indirect_vreg.scatter [tilespmem:s28], [sflag:$0x2], $0x80, v3, vm0, $0xb8;
	[tilespmem:$0x18400] =	vst v63  }
0x77: {  	s29 =	simm.s32 $0x9000  }
0x78: {  	[hbm4b:s5+s3] =	stream.indirect_vreg.scatter [tilespmem:s29], [sflag:$0x2], $0x80, v3, vm1, $0xb8;
	[tilespmem:$0x18400] =	vst v63  }
0x79: {  	v3 =	vld [tilespmem:$0x60];
	_ =	sdelay $0x4  }
0x7a: {  	v62 =	vshrl.u32 v3, $0x3  }
0x7b: {  	v4 =	vmul.u32 $0x18, v62  }
0x7c: {  	v3 =	vand.u32 $0x7, v3  }
0x7d: {  	v3 =	vor.u32 v3, v4  }
0x7e: {  	v4 =	vperm.xlane v3, v0;
	_ =	sdelay $0x1  }
0x7f: {  	v4 =	vadd.s32 v1, v4;
	_ =	sdelay $0x1  }
0x80: {  	v3 =	vperm.xlane v3, v2;
	_ =	sdelay $0x1  }
0x81: {  	s30 =	simm.s32 $0x9400;
	v3 =	vadd.s32 v1, v3  }
0x82: {  	[hbm4b:s2+s3] =	stream.indirect_vreg.scatter [tilespmem:s30], [sflag:$0x2], $0x80, v4, vm0, $0xb8;
	[tilespmem:$0x18400] =	vst v63  }
0x83: {  	s31 =	simm.s32 $0x9C00  }
0x84: {  	[hbm4b:s5+s3] =	stream.indirect_vreg.scatter [tilespmem:s31], [sflag:$0x2], $0x80, v4, vm1, $0xb8;
	[tilespmem:$0x18400] =	vst v63  }
0x85: {  	s4 =	simm.s32 $0xA000  }
0x86: {  	[hbm4b:s2+s3] =	stream.indirect_vreg.scatter [tilespmem:s4], [sflag:$0x2], $0x80, v3, vm0, $0xb8;
	[tilespmem:$0x18400] =	vst v63  }
0x87: {  	s8 =	simm.s32 $0xA800  }
0x88: {  	[hbm4b:s5+s3] =	stream.indirect_vreg.scatter [tilespmem:s8], [sflag:$0x2], $0x80, v3, vm1, $0xb8;
	[tilespmem:$0x18400] =	vst v63  }
0x89: {  	v3 =	vld [tilespmem:$0x70];
	_ =	sdelay $0x4  }
0x8a: {  	v63 =	vshrl.u32 v3, $0x3  }
0x8b: {  	v4 =	vmul.u32 $0x18, v63  }
0x8c: {  	v3 =	vand.u32 $0x7, v3  }
0x8d: {  	v3 =	vor.u32 v3, v4  }
0x8e: {  	v4 =	vperm.xlane v3, v0;
	_ =	sdelay $0x1  }
0x8f: {  	v4 =	vadd.s32 v1, v4;
	_ =	sdelay $0x1  }
0x90: {  	v3 =	vperm.xlane v3, v2;
	_ =	sdelay $0x1  }
0x91: {  	s10 =	simm.s32 $0xAC00;
	v3 =	vadd.s32 v1, v3  }
0x92: {  	[hbm4b:s2+s3] =	stream.indirect_vreg.scatter [tilespmem:s10], [sflag:$0x2], $0x80, v4, vm0, $0xb8;
	[tilespmem:$0x18400] =	vst v63  }
0x93: {  	s12 =	simm.s32 $0xB400  }
0x94: {  	[hbm4b:s5+s3] =	stream.indirect_vreg.scatter [tilespmem:s12], [sflag:$0x2], $0x80, v4, vm1, $0xb8;
	[tilespmem:$0x18400] =	vst v63  }
0x95: {  	s13 =	simm.s32 $0xB800  }
0x96: {  	[hbm4b:s2+s3] =	stream.indirect_vreg.scatter [tilespmem:s13], [sflag:$0x2], $0x80, v3, vm0, $0xb8;
	[tilespmem:$0x18400] =	vst v63  }
0x97: {  	s16 =	simm.s32 $0xC000  }
0x98: {  	[hbm4b:s5+s3] =	stream.indirect_vreg.scatter [tilespmem:s16], [sflag:$0x2], $0x80, v3, vm1, $0xb8;
	[tilespmem:$0x18400] =	vst v63  }
0x99: {  	s1 =	simm.s32 $0xC400;
	s15 =	rddreg [dreg:$0x4]  }
0x9a: {  	[tilespmem:s1], [sflag:$0x1] =	stream.linear.gather [hbm4b:s15+s3], $0xC000, $0x38;
	[tilespmem:$0x18400] =	vst v63  }
0x9b: {  	_ =	swait.ge [sflag:s9], $0xC000  }
0x9c: {  	[sflag:s9] =	ssyncset.done $0x0  }
0x9d: {  	[sflag:s9] =	ssyncadd.s32 $0xFFFF4000  }
0x9e: {  	v3 =	vld [tilespmem:$0x80];
	_ =	sdelay $0x4  }
0x9f: {  	v8 =	vshrl.u32 v3, $0x3  }
0xa0: {  	v4 =	vmul.u32 $0x18, v8  }
0xa1: {  	v3 =	vand.u32 $0x7, v3  }
0xa2: {  	v3 =	vor.u32 v3, v4  }
0xa3: {  	v4 =	vperm.xlane v3, v0;
	_ =	sdelay $0x1  }
0xa4: {  	v4 =	vadd.s32 v1, v4;
	_ =	sdelay $0x1  }
0xa5: {  	v3 =	vperm.xlane v3, v2;
	_ =	sdelay $0x1  }
0xa6: {  	v3 =	vadd.s32 v1, v3  }
0xa7: {  	[hbm4b:s2+s3] =	stream.indirect_vreg.scatter [tilespmem:s1], [sflag:$0x3], $0x80, v4, vm0, $0xb8;
	[tilespmem:$0x18400] =	vst v63  }
0xa8: {  	s18 =	simm.s32 $0xCC00  }
0xa9: {  	[hbm4b:s5+s3] =	stream.indirect_vreg.scatter [tilespmem:s18], [sflag:$0x3], $0x80, v4, vm1, $0xb8;
	[tilespmem:$0x18400] =	vst v63  }
0xaa: {  	s19 =	simm.s32 $0xD000  }
0xab: {  	[hbm4b:s2+s3] =	stream.indirect_vreg.scatter [tilespmem:s19], [sflag:$0x3], $0x80, v3, vm0, $0xb8;
	[tilespmem:$0x18400] =	vst v63  }
0xac: {  	s21 =	simm.s32 $0xD800  }
0xad: {  	[hbm4b:s5+s3] =	stream.indirect_vreg.scatter [tilespmem:s21], [sflag:$0x3], $0x80, v3, vm1, $0xb8;
	[tilespmem:$0x18400] =	vst v63  }
0xae: {  	v3 =	vld [tilespmem:$0x90];
	_ =	sdelay $0x4  }
0xaf: {  	v9 =	vshrl.u32 v3, $0x3  }
0xb0: {  	v4 =	vmul.u32 $0x18, v9  }
0xb1: {  	v3 =	vand.u32 $0x7, v3  }
0xb2: {  	v3 =	vor.u32 v3, v4  }
0xb3: {  	v4 =	vperm.xlane v3, v0;
	_ =	sdelay $0x1  }
0xb4: {  	v4 =	vadd.s32 v1, v4;
	_ =	sdelay $0x1  }
0xb5: {  	v3 =	vperm.xlane v3, v2;
	_ =	sdelay $0x1  }
0xb6: {  	s22 =	simm.s32 $0xDC00;
	v3 =	vadd.s32 v1, v3  }
0xb7: {  	[hbm4b:s2+s3] =	stream.indirect_vreg.scatter [tilespmem:s22], [sflag:$0x3], $0x80, v4, vm0, $0xb8;
	[tilespmem:$0x18400] =	vst v63  }
0xb8: {  	s28 =	simm.s32 $0xE400  }
0xb9: {  	[hbm4b:s5+s3] =	stream.indirect_vreg.scatter [tilespmem:s28], [sflag:$0x3], $0x80, v4, vm1, $0xb8;
	[tilespmem:$0x18400] =	vst v63  }
0xba: {  	s29 =	simm.s32 $0xE800  }
0xbb: {  	[hbm4b:s2+s3] =	stream.indirect_vreg.scatter [tilespmem:s29], [sflag:$0x3], $0x80, v3, vm0, $0xb8;
	[tilespmem:$0x18400] =	vst v63  }
0xbc: {  	s31 =	simm.s32 $0xF000  }
0xbd: {  	[hbm4b:s5+s3] =	stream.indirect_vreg.scatter [tilespmem:s31], [sflag:$0x3], $0x80, v3, vm1, $0xb8;
	[tilespmem:$0x18400] =	vst v63  }
0xbe: {  	v3 =	vld [tilespmem:$0xA0];
	_ =	sdelay $0x4  }
0xbf: {  	v10 =	vshrl.u32 v3, $0x3  }
0xc0: {  	v4 =	vmul.u32 $0x18, v10  }
0xc1: {  	v3 =	vand.u32 $0x7, v3  }
0xc2: {  	v3 =	vor.u32 v3, v4  }
0xc3: {  	v4 =	vperm.xlane v3, v0;
	_ =	sdelay $0x1  }
0xc4: {  	v4 =	vadd.s32 v1, v4;
	_ =	sdelay $0x1  }
0xc5: {  	v3 =	vperm.xlane v3, v2;
	_ =	sdelay $0x1  }
0xc6: {  	s4 =	simm.s32 $0xF400;
	v3 =	vadd.s32 v1, v3  }
0xc7: {  	[hbm4b:s2+s3] =	stream.indirect_vreg.scatter [tilespmem:s4], [sflag:$0x3], $0x80, v4, vm0, $0xb8;
	[tilespmem:$0x18400] =	vst v63  }
0xc8: {  	s8 =	simm.s32 $0xFC00  }
0xc9: {  	[hbm4b:s5+s3] =	stream.indirect_vreg.scatter [tilespmem:s8], [sflag:$0x3], $0x80, v4, vm1, $0xb8;
	[tilespmem:$0x18400] =	vst v63  }
0xca: {  	s10 =	simm.s32 $0x10000  }
0xcb: {  	[hbm4b:s2+s3] =	stream.indirect_vreg.scatter [tilespmem:s10], [sflag:$0x3], $0x80, v3, vm0, $0xb8;
	[tilespmem:$0x18400] =	vst v63  }
0xcc: {  	s12 =	simm.s32 $0x10800  }
0xcd: {  	[hbm4b:s5+s3] =	stream.indirect_vreg.scatter [tilespmem:s12], [sflag:$0x3], $0x80, v3, vm1, $0xb8;
	[tilespmem:$0x18400] =	vst v63  }
0xce: {  	v3 =	vld [tilespmem:$0xB0];
	_ =	sdelay $0x4  }
0xcf: {  	v11 =	vshrl.u32 v3, $0x3  }
0xd0: {  	v4 =	vmul.u32 $0x18, v11  }
0xd1: {  	v3 =	vand.u32 $0x7, v3  }
0xd2: {  	v3 =	vor.u32 v3, v4  }
0xd3: {  	v4 =	vperm.xlane v3, v0;
	_ =	sdelay $0x1  }
0xd4: {  	v4 =	vadd.s32 v1, v4;
	_ =	sdelay $0x1  }
0xd5: {  	v3 =	vperm.xlane v3, v2;
	_ =	sdelay $0x1  }
0xd6: {  	s13 =	simm.s32 $0x10C00;
	v3 =	vadd.s32 v1, v3  }
0xd7: {  	[hbm4b:s2+s3] =	stream.indirect_vreg.scatter [tilespmem:s13], [sflag:$0x3], $0x80, v4, vm0, $0xb8;
	[tilespmem:$0x18400] =	vst v63  }
0xd8: {  	s15 =	simm.s32 $0x11400  }
0xd9: {  	[hbm4b:s5+s3] =	stream.indirect_vreg.scatter [tilespmem:s15], [sflag:$0x3], $0x80, v4, vm1, $0xb8;
	[tilespmem:$0x18400] =	vst v63  }
0xda: {  	s16 =	simm.s32 $0x11800  }
0xdb: {  	[hbm4b:s2+s3] =	stream.indirect_vreg.scatter [tilespmem:s16], [sflag:$0x3], $0x80, v3, vm0, $0xb8;
	[tilespmem:$0x18400] =	vst v63  }
0xdc: {  	s18 =	simm.s32 $0x12000  }
0xdd: {  	[hbm4b:s5+s3] =	stream.indirect_vreg.scatter [tilespmem:s18], [sflag:$0x3], $0x80, v3, vm1, $0xb8;
	[tilespmem:$0x18400] =	vst v63  }
0xde: {  	v3 =	vld [tilespmem:$0xC0];
	_ =	sdelay $0x4  }
0xdf: {  	v12 =	vshrl.u32 v3, $0x3  }
0xe0: {  	v4 =	vmul.u32 $0x18, v12  }
0xe1: {  	v3 =	vand.u32 $0x7, v3  }
0xe2: {  	v3 =	vor.u32 v3, v4  }
0xe3: {  	v4 =	vperm.xlane v3, v0;
	_ =	sdelay $0x1  }
0xe4: {  	v4 =	vadd.s32 v1, v4;
	_ =	sdelay $0x1  }
0xe5: {  	v3 =	vperm.xlane v3, v2;
	_ =	sdelay $0x1  }
0xe6: {  	s19 =	simm.s32 $0x12400;
	v3 =	vadd.s32 v1, v3  }
0xe7: {  	[hbm4b:s2+s3] =	stream.indirect_vreg.scatter [tilespmem:s19], [sflag:$0x3], $0x80, v4, vm0, $0xb8;
	[tilespmem:$0x18400] =	vst v63  }
0xe8: {  	s21 =	simm.s32 $0x12C00  }
0xe9: {  	[hbm4b:s5+s3] =	stream.indirect_vreg.scatter [tilespmem:s21], [sflag:$0x3], $0x80, v4, vm1, $0xb8;
	[tilespmem:$0x18400] =	vst v63  }
0xea: {  	s22 =	simm.s32 $0x13000  }
0xeb: {  	[hbm4b:s2+s3] =	stream.indirect_vreg.scatter [tilespmem:s22], [sflag:$0x3], $0x80, v3, vm0, $0xb8;
	[tilespmem:$0x18400] =	vst v63  }
0xec: {  	s28 =	simm.s32 $0x13800  }
0xed: {  	[hbm4b:s5+s3] =	stream.indirect_vreg.scatter [tilespmem:s28], [sflag:$0x3], $0x80, v3, vm1, $0xb8;
	[tilespmem:$0x18400] =	vst v63  }
0xee: {  	v3 =	vld [tilespmem:$0xD0];
	_ =	sdelay $0x4  }
0xef: {  	v13 =	vshrl.u32 v3, $0x3  }
0xf0: {  	v4 =	vmul.u32 $0x18, v13  }
0xf1: {  	v3 =	vand.u32 $0x7, v3  }
0xf2: {  	v3 =	vor.u32 v3, v4  }
0xf3: {  	v4 =	vperm.xlane v3, v0;
	_ =	sdelay $0x1  }
0xf4: {  	v4 =	vadd.s32 v1, v4;
	_ =	sdelay $0x1  }
0xf5: {  	v3 =	vperm.xlane v3, v2;
	_ =	sdelay $0x1  }
0xf6: {  	s29 =	simm.s32 $0x13C00;
	v3 =	vadd.s32 v1, v3  }
0xf7: {  	[hbm4b:s2+s3] =	stream.indirect_vreg.scatter [tilespmem:s29], [sflag:$0x3], $0x80, v4, vm0, $0xb8;
	[tilespmem:$0x18400] =	vst v63  }
0xf8: {  	s31 =	simm.s32 $0x14400  }
0xf9: {  	[hbm4b:s5+s3] =	stream.indirect_vreg.scatter [tilespmem:s31], [sflag:$0x3], $0x80, v4, vm1, $0xb8;
	[tilespmem:$0x18400] =	vst v63  }
0xfa: {  	s4 =	simm.s32 $0x14800  }
0xfb: {  	[hbm4b:s2+s3] =	stream.indirect_vreg.scatter [tilespmem:s4], [sflag:$0x3], $0x80, v3, vm0, $0xb8;
	[tilespmem:$0x18400] =	vst v63  }
0xfc: {  	s8 =	simm.s32 $0x15000  }
0xfd: {  	[hbm4b:s5+s3] =	stream.indirect_vreg.scatter [tilespmem:s8], [sflag:$0x3], $0x80, v3, vm1, $0xb8;
	[tilespmem:$0x18400] =	vst v63  }
0xfe: {  	v3 =	vld [tilespmem:$0xE0];
	_ =	sdelay $0x4  }
0xff: {  	v14 =	vshrl.u32 v3, $0x3  }
0x100: {  	v4 =	vmul.u32 $0x18, v14  }
0x101: {  	v3 =	vand.u32 $0x7, v3  }
0x102: {  	v3 =	vor.u32 v3, v4  }
0x103: {  	v4 =	vperm.xlane v3, v0;
	_ =	sdelay $0x1  }
0x104: {  	v4 =	vadd.s32 v1, v4;
	_ =	sdelay $0x1  }
0x105: {  	v3 =	vperm.xlane v3, v2;
	_ =	sdelay $0x1  }
0x106: {  	s10 =	simm.s32 $0x15400;
	v3 =	vadd.s32 v1, v3  }
0x107: {  	[hbm4b:s2+s3] =	stream.indirect_vreg.scatter [tilespmem:s10], [sflag:$0x3], $0x80, v4, vm0, $0xb8;
	[tilespmem:$0x18400] =	vst v63  }
0x108: {  	s12 =	simm.s32 $0x15C00  }
0x109: {  	[hbm4b:s5+s3] =	stream.indirect_vreg.scatter [tilespmem:s12], [sflag:$0x3], $0x80, v4, vm1, $0xb8;
	[tilespmem:$0x18400] =	vst v63  }
0x10a: {  	s13 =	simm.s32 $0x16000  }
0x10b: {  	[hbm4b:s2+s3] =	stream.indirect_vreg.scatter [tilespmem:s13], [sflag:$0x3], $0x80, v3, vm0, $0xb8;
	[tilespmem:$0x18400] =	vst v63  }
0x10c: {  	s15 =	simm.s32 $0x16800  }
0x10d: {  	[hbm4b:s5+s3] =	stream.indirect_vreg.scatter [tilespmem:s15], [sflag:$0x3], $0x80, v3, vm1, $0xb8;
	[tilespmem:$0x18400] =	vst v63  }
0x10e: {  	v3 =	vld [tilespmem:$0xF0];
	_ =	sdelay $0x4  }
0x10f: {  	v15 =	vshrl.u32 v3, $0x3  }
0x110: {  	v4 =	vmul.u32 $0x18, v15  }
0x111: {  	v3 =	vand.u32 $0x7, v3  }
0x112: {  	v3 =	vor.u32 v3, v4  }
0x113: {  	v4 =	vperm.xlane v3, v0;
	_ =	sdelay $0x1  }
0x114: {  	v4 =	vadd.s32 v1, v4;
	_ =	sdelay $0x1  }
0x115: {  	v3 =	vperm.xlane v3, v2;
	_ =	sdelay $0x1  }
0x116: {  	s16 =	simm.s32 $0x16C00;
	v3 =	vadd.s32 v1, v3  }
0x117: {  	[hbm4b:s2+s3] =	stream.indirect_vreg.scatter [tilespmem:s16], [sflag:$0x3], $0x80, v4, vm0, $0xb8;
	[tilespmem:$0x18400] =	vst v63  }
0x118: {  	s18 =	simm.s32 $0x17400  }
0x119: {  	[hbm4b:s5+s3] =	stream.indirect_vreg.scatter [tilespmem:s18], [sflag:$0x3], $0x80, v4, vm1, $0xb8;
	[tilespmem:$0x18400] =	vst v63  }
0x11a: {  	s19 =	simm.s32 $0x17800  }
0x11b: {  	[hbm4b:s2+s3] =	stream.indirect_vreg.scatter [tilespmem:s19], [sflag:$0x3], $0x80, v3, vm0, $0xb8;
	[tilespmem:$0x18400] =	vst v63  }
0x11c: {  	s21 =	simm.s32 $0x18000  }
0x11d: {  	[hbm4b:s5+s3] =	stream.indirect_vreg.scatter [tilespmem:s21], [sflag:$0x3], $0x80, v3, vm1, $0xb8;
	[tilespmem:$0x18400] =	vst v63  }
0x11e: {  	_ =	swait.ge [sflag:s24], $0xC000  }
0x11f: {  	[sflag:s24] =	ssyncset.done $0x0  }
0x120: {  	s22 =	rddreg [dreg:$0x5];
	[sflag:s24] =	ssyncadd.s32 $0xFFFF4000  }
0x121: {  	[tilespmem:s0], [sflag:$0x1] =	stream.linear.gather [hbm4b:s22+s3], $0xC000, $0x38;
	[tilespmem:$0x18400] =	vst v63  }
0x122: {  	_ =	swait.ge [sflag:s9], $0xC000  }
0x123: {  	[sflag:s9] =	ssyncset.done $0x0  }
0x124: {  	[sflag:s9] =	ssyncadd.s32 $0xFFFF4000  }
0x125: {  	v3 =	vld [tilespmem:$0x100];
	_ =	sdelay $0x4  }
0x126: {  	v16 =	vshrl.u32 v3, $0x3  }
0x127: {  	v4 =	vmul.u32 $0x18, v16  }
0x128: {  	v3 =	vand.u32 $0x7, v3  }
0x129: {  	v3 =	vor.u32 v3, v4  }
0x12a: {  	v4 =	vperm.xlane v3, v0;
	_ =	sdelay $0x1  }
0x12b: {  	v4 =	vadd.s32 v1, v4;
	_ =	sdelay $0x1  }
0x12c: {  	v3 =	vperm.xlane v3, v2;
	_ =	sdelay $0x1  }
0x12d: {  	v3 =	vadd.s32 v1, v3  }
0x12e: {  	[hbm4b:s2+s3] =	stream.indirect_vreg.scatter [tilespmem:s0], [sflag:$0x2], $0x80, v4, vm0, $0xb8;
	[tilespmem:$0x18400] =	vst v63  }
0x12f: {  	s4 =	simm.s32 $0xC00  }
0x130: {  	[hbm4b:s5+s3] =	stream.indirect_vreg.scatter [tilespmem:s4], [sflag:$0x2], $0x80, v4, vm1, $0xb8;
	[tilespmem:$0x18400] =	vst v63  }
0x131: {  	s4 =	simm.s32 $0x1000  }
0x132: {  	[hbm4b:s2+s3] =	stream.indirect_vreg.scatter [tilespmem:s4], [sflag:$0x2], $0x80, v3, vm0, $0xb8;
	[tilespmem:$0x18400] =	vst v63  }
0x133: {  	s7 =	simm.s32 $0x1800  }
0x134: {  	[hbm4b:s5+s3] =	stream.indirect_vreg.scatter [tilespmem:s7], [sflag:$0x2], $0x80, v3, vm1, $0xb8;
	[tilespmem:$0x18400] =	vst v63  }
0x135: {  	v3 =	vld [tilespmem:$0x110];
	_ =	sdelay $0x4  }
0x136: {  	v17 =	vshrl.u32 v3, $0x3  }
0x137: {  	v4 =	vmul.u32 $0x18, v17  }
0x138: {  	v3 =	vand.u32 $0x7, v3  }
0x139: {  	v3 =	vor.u32 v3, v4  }
0x13a: {  	v4 =	vperm.xlane v3, v0;
	_ =	sdelay $0x1  }
0x13b: {  	v4 =	vadd.s32 v1, v4;
	_ =	sdelay $0x1  }
0x13c: {  	v3 =	vperm.xlane v3, v2;
	_ =	sdelay $0x1  }
0x13d: {  	s7 =	simm.s32 $0x1C00;
	v3 =	vadd.s32 v1, v3  }
0x13e: {  	[hbm4b:s2+s3] =	stream.indirect_vreg.scatter [tilespmem:s7], [sflag:$0x2], $0x80, v4, vm0, $0xb8;
	[tilespmem:$0x18400] =	vst v63  }
0x13f: {  	s8 =	simm.s32 $0x2400  }
0x140: {  	[hbm4b:s5+s3] =	stream.indirect_vreg.scatter [tilespmem:s8], [sflag:$0x2], $0x80, v4, vm1, $0xb8;
	[tilespmem:$0x18400] =	vst v63  }
0x141: {  	s10 =	simm.s32 $0x2800  }
0x142: {  	[hbm4b:s2+s3] =	stream.indirect_vreg.scatter [tilespmem:s10], [sflag:$0x2], $0x80, v3, vm0, $0xb8;
	[tilespmem:$0x18400] =	vst v63  }
0x143: {  	s11 =	simm.s32 $0x3000  }
0x144: {  	[hbm4b:s5+s3] =	stream.indirect_vreg.scatter [tilespmem:s11], [sflag:$0x2], $0x80, v3, vm1, $0xb8;
	[tilespmem:$0x18400] =	vst v63  }
0x145: {  	v3 =	vld [tilespmem:$0x120];
	_ =	sdelay $0x4  }
0x146: {  	v18 =	vshrl.u32 v3, $0x3  }
0x147: {  	v4 =	vmul.u32 $0x18, v18  }
0x148: {  	v3 =	vand.u32 $0x7, v3  }
0x149: {  	v3 =	vor.u32 v3, v4  }
0x14a: {  	v4 =	vperm.xlane v3, v0;
	_ =	sdelay $0x1  }
0x14b: {  	v4 =	vadd.s32 v1, v4;
	_ =	sdelay $0x1  }
0x14c: {  	v3 =	vperm.xlane v3, v2;
	_ =	sdelay $0x1  }
0x14d: {  	s11 =	simm.s32 $0x3400;
	v3 =	vadd.s32 v1, v3  }
0x14e: {  	[hbm4b:s2+s3] =	stream.indirect_vreg.scatter [tilespmem:s11], [sflag:$0x2], $0x80, v4, vm0, $0xb8;
	[tilespmem:$0x18400] =	vst v63  }
0x14f: {  	s12 =	simm.s32 $0x3C00  }
0x150: {  	[hbm4b:s5+s3] =	stream.indirect_vreg.scatter [tilespmem:s12], [sflag:$0x2], $0x80, v4, vm1, $0xb8;
	[tilespmem:$0x18400] =	vst v63  }
0x151: {  	s13 =	simm.s32 $0x4000  }
0x152: {  	[hbm4b:s2+s3] =	stream.indirect_vreg.scatter [tilespmem:s13], [sflag:$0x2], $0x80, v3, vm0, $0xb8;
	[tilespmem:$0x18400] =	vst v63  }
0x153: {  	s14 =	simm.s32 $0x4800  }
0x154: {  	[hbm4b:s5+s3] =	stream.indirect_vreg.scatter [tilespmem:s14], [sflag:$0x2], $0x80, v3, vm1, $0xb8;
	[tilespmem:$0x18400] =	vst v63  }
0x155: {  	v3 =	vld [tilespmem:$0x130];
	_ =	sdelay $0x4  }
0x156: {  	v19 =	vshrl.u32 v3, $0x3  }
0x157: {  	v4 =	vmul.u32 $0x18, v19  }
0x158: {  	v3 =	vand.u32 $0x7, v3  }
0x159: {  	v3 =	vor.u32 v3, v4  }
0x15a: {  	v4 =	vperm.xlane v3, v0;
	_ =	sdelay $0x1  }
0x15b: {  	v4 =	vadd.s32 v1, v4;
	_ =	sdelay $0x1  }
0x15c: {  	v3 =	vperm.xlane v3, v2;
	_ =	sdelay $0x1  }
0x15d: {  	s14 =	simm.s32 $0x4C00;
	v3 =	vadd.s32 v1, v3  }
0x15e: {  	[hbm4b:s2+s3] =	stream.indirect_vreg.scatter [tilespmem:s14], [sflag:$0x2], $0x80, v4, vm0, $0xb8;
	[tilespmem:$0x18400] =	vst v63  }
0x15f: {  	s15 =	simm.s32 $0x5400  }
0x160: {  	[hbm4b:s5+s3] =	stream.indirect_vreg.scatter [tilespmem:s15], [sflag:$0x2], $0x80, v4, vm1, $0xb8;
	[tilespmem:$0x18400] =	vst v63  }
0x161: {  	s16 =	simm.s32 $0x5800  }
0x162: {  	[hbm4b:s2+s3] =	stream.indirect_vreg.scatter [tilespmem:s16], [sflag:$0x2], $0x80, v3, vm0, $0xb8;
	[tilespmem:$0x18400] =	vst v63  }
0x163: {  	s17 =	simm.s32 $0x6000  }
0x164: {  	[hbm4b:s5+s3] =	stream.indirect_vreg.scatter [tilespmem:s17], [sflag:$0x2], $0x80, v3, vm1, $0xb8;
	[tilespmem:$0x18400] =	vst v63  }
0x165: {  	v3 =	vld [tilespmem:$0x140];
	_ =	sdelay $0x4  }
0x166: {  	v20 =	vshrl.u32 v3, $0x3  }
0x167: {  	v4 =	vmul.u32 $0x18, v20  }
0x168: {  	v3 =	vand.u32 $0x7, v3  }
0x169: {  	v3 =	vor.u32 v3, v4  }
0x16a: {  	v4 =	vperm.xlane v3, v0;
	_ =	sdelay $0x1  }
0x16b: {  	v4 =	vadd.s32 v1, v4;
	_ =	sdelay $0x1  }
0x16c: {  	v3 =	vperm.xlane v3, v2;
	_ =	sdelay $0x1  }
0x16d: {  	s17 =	simm.s32 $0x6400;
	v3 =	vadd.s32 v1, v3  }
0x16e: {  	[hbm4b:s2+s3] =	stream.indirect_vreg.scatter [tilespmem:s17], [sflag:$0x2], $0x80, v4, vm0, $0xb8;
	[tilespmem:$0x18400] =	vst v63  }
0x16f: {  	s18 =	simm.s32 $0x6C00  }
0x170: {  	[hbm4b:s5+s3] =	stream.indirect_vreg.scatter [tilespmem:s18], [sflag:$0x2], $0x80, v4, vm1, $0xb8;
	[tilespmem:$0x18400] =	vst v63  }
0x171: {  	s19 =	simm.s32 $0x7000  }
0x172: {  	[hbm4b:s2+s3] =	stream.indirect_vreg.scatter [tilespmem:s19], [sflag:$0x2], $0x80, v3, vm0, $0xb8;
	[tilespmem:$0x18400] =	vst v63  }
0x173: {  	s20 =	simm.s32 $0x7800  }
0x174: {  	[hbm4b:s5+s3] =	stream.indirect_vreg.scatter [tilespmem:s20], [sflag:$0x2], $0x80, v3, vm1, $0xb8;
	[tilespmem:$0x18400] =	vst v63  }
0x175: {  	v3 =	vld [tilespmem:$0x150];
	_ =	sdelay $0x4  }
0x176: {  	v21 =	vshrl.u32 v3, $0x3  }
0x177: {  	v4 =	vmul.u32 $0x18, v21  }
0x178: {  	v3 =	vand.u32 $0x7, v3  }
0x179: {  	v3 =	vor.u32 v3, v4  }
0x17a: {  	v4 =	vperm.xlane v3, v0;
	_ =	sdelay $0x1  }
0x17b: {  	v4 =	vadd.s32 v1, v4;
	_ =	sdelay $0x1  }
0x17c: {  	v3 =	vperm.xlane v3, v2;
	_ =	sdelay $0x1  }
0x17d: {  	s20 =	simm.s32 $0x7C00;
	v3 =	vadd.s32 v1, v3  }
0x17e: {  	[hbm4b:s2+s3] =	stream.indirect_vreg.scatter [tilespmem:s20], [sflag:$0x2], $0x80, v4, vm0, $0xb8;
	[tilespmem:$0x18400] =	vst v63  }
0x17f: {  	s21 =	simm.s32 $0x8400  }
0x180: {  	[hbm4b:s5+s3] =	stream.indirect_vreg.scatter [tilespmem:s21], [sflag:$0x2], $0x80, v4, vm1, $0xb8;
	[tilespmem:$0x18400] =	vst v63  }
0x181: {  	s22 =	simm.s32 $0x8800  }
0x182: {  	[hbm4b:s2+s3] =	stream.indirect_vreg.scatter [tilespmem:s22], [sflag:$0x2], $0x80, v3, vm0, $0xb8;
	[tilespmem:$0x18400] =	vst v63  }
0x183: {  	s23 =	simm.s32 $0x9000  }
0x184: {  	[hbm4b:s5+s3] =	stream.indirect_vreg.scatter [tilespmem:s23], [sflag:$0x2], $0x80, v3, vm1, $0xb8;
	[tilespmem:$0x18400] =	vst v63  }
0x185: {  	v3 =	vld [tilespmem:$0x160];
	_ =	sdelay $0x4  }
0x186: {  	v22 =	vshrl.u32 v3, $0x3  }
0x187: {  	v4 =	vmul.u32 $0x18, v22  }
0x188: {  	v3 =	vand.u32 $0x7, v3  }
0x189: {  	v3 =	vor.u32 v3, v4  }
0x18a: {  	v4 =	vperm.xlane v3, v0;
	_ =	sdelay $0x1  }
0x18b: {  	v4 =	vadd.s32 v1, v4;
	_ =	sdelay $0x1  }
0x18c: {  	v3 =	vperm.xlane v3, v2;
	_ =	sdelay $0x1  }
0x18d: {  	s23 =	simm.s32 $0x9400;
	v3 =	vadd.s32 v1, v3  }
0x18e: {  	[hbm4b:s2+s3] =	stream.indirect_vreg.scatter [tilespmem:s23], [sflag:$0x2], $0x80, v4, vm0, $0xb8;
	[tilespmem:$0x18400] =	vst v63  }
0x18f: {  	s28 =	simm.s32 $0x9C00  }
0x190: {  	[hbm4b:s5+s3] =	stream.indirect_vreg.scatter [tilespmem:s28], [sflag:$0x2], $0x80, v4, vm1, $0xb8;
	[tilespmem:$0x18400] =	vst v63  }
0x191: {  	s29 =	simm.s32 $0xA000  }
0x192: {  	[hbm4b:s2+s3] =	stream.indirect_vreg.scatter [tilespmem:s29], [sflag:$0x2], $0x80, v3, vm0, $0xb8;
	[tilespmem:$0x18400] =	vst v63  }
0x193: {  	s30 =	simm.s32 $0xA800  }
0x194: {  	[hbm4b:s5+s3] =	stream.indirect_vreg.scatter [tilespmem:s30], [sflag:$0x2], $0x80, v3, vm1, $0xb8;
	[tilespmem:$0x18400] =	vst v63  }
0x195: {  	v3 =	vld [tilespmem:$0x170];
	_ =	sdelay $0x4  }
0x196: {  	v23 =	vshrl.u32 v3, $0x3  }
0x197: {  	v4 =	vmul.u32 $0x18, v23  }
0x198: {  	v3 =	vand.u32 $0x7, v3  }
0x199: {  	v3 =	vor.u32 v3, v4  }
0x19a: {  	v4 =	vperm.xlane v3, v0;
	_ =	sdelay $0x1  }
0x19b: {  	v4 =	vadd.s32 v1, v4;
	_ =	sdelay $0x1  }
0x19c: {  	v3 =	vperm.xlane v3, v2;
	_ =	sdelay $0x1  }
0x19d: {  	s30 =	simm.s32 $0xAC00;
	v3 =	vadd.s32 v1, v3  }
0x19e: {  	[hbm4b:s2+s3] =	stream.indirect_vreg.scatter [tilespmem:s30], [sflag:$0x2], $0x80, v4, vm0, $0xb8;
	[tilespmem:$0x18400] =	vst v63  }
0x19f: {  	s31 =	simm.s32 $0xB400  }
0x1a0: {  	[hbm4b:s5+s3] =	stream.indirect_vreg.scatter [tilespmem:s31], [sflag:$0x2], $0x80, v4, vm1, $0xb8;
	[tilespmem:$0x18400] =	vst v63  }
0x1a1: {  	s26 =	simm.s32 $0xB800  }
0x1a2: {  	[hbm4b:s2+s3] =	stream.indirect_vreg.scatter [tilespmem:s26], [sflag:$0x2], $0x80, v3, vm0, $0xb8;
	[tilespmem:$0x18400] =	vst v63  }
0x1a3: {  	s26 =	simm.s32 $0xC000  }
0x1a4: {  	[hbm4b:s5+s3] =	stream.indirect_vreg.scatter [tilespmem:s26], [sflag:$0x2], $0x80, v3, vm1, $0xb8;
	[tilespmem:$0x18400] =	vst v63  }
0x1a5: {  	_ =	swait.ge [sflag:s25], $0xC000  }
0x1a6: {  	[sflag:s25] =	ssyncset.done $0x0  }
0x1a7: {  	s26 =	rddreg [dreg:$0x6];
	[sflag:s25] =	ssyncadd.s32 $0xFFFF4000  }
0x1a8: {  	[tilespmem:s1], [sflag:$0x1] =	stream.linear.gather [hbm4b:s26+s3], $0xC000, $0x38;
	[tilespmem:$0x18400] =	vst v63  }
0x1a9: {  	_ =	swait.ge [sflag:s9], $0xC000  }
0x1aa: {  	[sflag:s9] =	ssyncset.done $0x0  }
0x1ab: {  	[sflag:s9] =	ssyncadd.s32 $0xFFFF4000  }
0x1ac: {  	v3 =	vld [tilespmem:$0x180];
	_ =	sdelay $0x4  }
0x1ad: {  	v24 =	vshrl.u32 v3, $0x3  }
0x1ae: {  	v4 =	vmul.u32 $0x18, v24  }
0x1af: {  	v3 =	vand.u32 $0x7, v3  }
0x1b0: {  	v3 =	vor.u32 v3, v4  }
0x1b1: {  	v4 =	vperm.xlane v3, v0;
	_ =	sdelay $0x1  }
0x1b2: {  	v4 =	vadd.s32 v1, v4;
	_ =	sdelay $0x1  }
0x1b3: {  	v3 =	vperm.xlane v3, v2;
	_ =	sdelay $0x1  }
0x1b4: {  	v3 =	vadd.s32 v1, v3  }
0x1b5: {  	[hbm4b:s2+s3] =	stream.indirect_vreg.scatter [tilespmem:s1], [sflag:$0x3], $0x80, v4, vm0, $0xb8;
	[tilespmem:$0x18400] =	vst v63  }
0x1b6: {  	s26 =	simm.s32 $0xCC00  }
0x1b7: {  	[hbm4b:s5+s3] =	stream.indirect_vreg.scatter [tilespmem:s26], [sflag:$0x3], $0x80, v4, vm1, $0xb8;
	[tilespmem:$0x18400] =	vst v63  }
0x1b8: {  	s26 =	simm.s32 $0xD000  }
0x1b9: {  	[hbm4b:s2+s3] =	stream.indirect_vreg.scatter [tilespmem:s26], [sflag:$0x3], $0x80, v3, vm0, $0xb8;
	[tilespmem:$0x18400] =	vst v63  }
0x1ba: {  	s26 =	simm.s32 $0xD800  }
0x1bb: {  	[hbm4b:s5+s3] =	stream.indirect_vreg.scatter [tilespmem:s26], [sflag:$0x3], $0x80, v3, vm1, $0xb8;
	[tilespmem:$0x18400] =	vst v63  }
0x1bc: {  	v3 =	vld [tilespmem:$0x190];
	_ =	sdelay $0x4  }
0x1bd: {  	v25 =	vshrl.u32 v3, $0x3  }
0x1be: {  	v4 =	vmul.u32 $0x18, v25  }
0x1bf: {  	v3 =	vand.u32 $0x7, v3  }
0x1c0: {  	v3 =	vor.u32 v3, v4  }
0x1c1: {  	v4 =	vperm.xlane v3, v0;
	_ =	sdelay $0x1  }
0x1c2: {  	v4 =	vadd.s32 v1, v4;
	_ =	sdelay $0x1  }
0x1c3: {  	v3 =	vperm.xlane v3, v2;
	_ =	sdelay $0x1  }
0x1c4: {  	s26 =	simm.s32 $0xDC00;
	v3 =	vadd.s32 v1, v3  }
0x1c5: {  	[hbm4b:s2+s3] =	stream.indirect_vreg.scatter [tilespmem:s26], [sflag:$0x3], $0x80, v4, vm0, $0xb8;
	[tilespmem:$0x18400] =	vst v63  }
0x1c6: {  	s26 =	simm.s32 $0xE400  }
0x1c7: {  	[hbm4b:s5+s3] =	stream.indirect_vreg.scatter [tilespmem:s26], [sflag:$0x3], $0x80, v4, vm1, $0xb8;
	[tilespmem:$0x18400] =	vst v63  }
0x1c8: {  	s26 =	simm.s32 $0xE800  }
0x1c9: {  	[hbm4b:s2+s3] =	stream.indirect_vreg.scatter [tilespmem:s26], [sflag:$0x3], $0x80, v3, vm0, $0xb8;
	[tilespmem:$0x18400] =	vst v63  }
0x1ca: {  	s26 =	simm.s32 $0xF000  }
0x1cb: {  	[hbm4b:s5+s3] =	stream.indirect_vreg.scatter [tilespmem:s26], [sflag:$0x3], $0x80, v3, vm1, $0xb8;
	[tilespmem:$0x18400] =	vst v63  }
0x1cc: {  	v3 =	vld [tilespmem:$0x1A0];
	_ =	sdelay $0x4  }
0x1cd: {  	v26 =	vshrl.u32 v3, $0x3  }
0x1ce: {  	v4 =	vmul.u32 $0x18, v26  }
0x1cf: {  	v3 =	vand.u32 $0x7, v3  }
0x1d0: {  	v3 =	vor.u32 v3, v4  }
0x1d1: {  	v4 =	vperm.xlane v3, v0;
	_ =	sdelay $0x1  }
0x1d2: {  	v4 =	vadd.s32 v1, v4;
	_ =	sdelay $0x1  }
0x1d3: {  	v3 =	vperm.xlane v3, v2;
	_ =	sdelay $0x1  }
0x1d4: {  	s26 =	simm.s32 $0xF400;
	v3 =	vadd.s32 v1, v3  }
0x1d5: {  	[hbm4b:s2+s3] =	stream.indirect_vreg.scatter [tilespmem:s26], [sflag:$0x3], $0x80, v4, vm0, $0xb8;
	[tilespmem:$0x18400] =	vst v63  }
0x1d6: {  	s26 =	simm.s32 $0xFC00  }
0x1d7: {  	[hbm4b:s5+s3] =	stream.indirect_vreg.scatter [tilespmem:s26], [sflag:$0x3], $0x80, v4, vm1, $0xb8;
	[tilespmem:$0x18400] =	vst v63  }
0x1d8: {  	s26 =	simm.s32 $0x10000  }
0x1d9: {  	[hbm4b:s2+s3] =	stream.indirect_vreg.scatter [tilespmem:s26], [sflag:$0x3], $0x80, v3, vm0, $0xb8;
	[tilespmem:$0x18400] =	vst v63  }
0x1da: {  	s26 =	simm.s32 $0x10800  }
0x1db: {  	[hbm4b:s5+s3] =	stream.indirect_vreg.scatter [tilespmem:s26], [sflag:$0x3], $0x80, v3, vm1, $0xb8;
	[tilespmem:$0x18400] =	vst v63  }
0x1dc: {  	v3 =	vld [tilespmem:$0x1B0];
	_ =	sdelay $0x4  }
0x1dd: {  	v27 =	vshrl.u32 v3, $0x3  }
0x1de: {  	v4 =	vmul.u32 $0x18, v27  }
0x1df: {  	v3 =	vand.u32 $0x7, v3  }
0x1e0: {  	v3 =	vor.u32 v3, v4  }
0x1e1: {  	v4 =	vperm.xlane v3, v0;
	_ =	sdelay $0x1  }
0x1e2: {  	v4 =	vadd.s32 v1, v4;
	_ =	sdelay $0x1  }
0x1e3: {  	v3 =	vperm.xlane v3, v2;
	_ =	sdelay $0x1  }
0x1e4: {  	s26 =	simm.s32 $0x10C00;
	v3 =	vadd.s32 v1, v3  }
0x1e5: {  	[hbm4b:s2+s3] =	stream.indirect_vreg.scatter [tilespmem:s26], [sflag:$0x3], $0x80, v4, vm0, $0xb8;
	[tilespmem:$0x18400] =	vst v63  }
0x1e6: {  	s26 =	simm.s32 $0x11400  }
0x1e7: {  	[hbm4b:s5+s3] =	stream.indirect_vreg.scatter [tilespmem:s26], [sflag:$0x3], $0x80, v4, vm1, $0xb8;
	[tilespmem:$0x18400] =	vst v63  }
0x1e8: {  	s26 =	simm.s32 $0x11800  }
0x1e9: {  	[hbm4b:s2+s3] =	stream.indirect_vreg.scatter [tilespmem:s26], [sflag:$0x3], $0x80, v3, vm0, $0xb8;
	[tilespmem:$0x18400] =	vst v63  }
0x1ea: {  	s26 =	simm.s32 $0x12000  }
0x1eb: {  	[hbm4b:s5+s3] =	stream.indirect_vreg.scatter [tilespmem:s26], [sflag:$0x3], $0x80, v3, vm1, $0xb8;
	[tilespmem:$0x18400] =	vst v63  }
0x1ec: {  	v3 =	vld [tilespmem:$0x1C0];
	_ =	sdelay $0x4  }
0x1ed: {  	v28 =	vshrl.u32 v3, $0x3  }
0x1ee: {  	v4 =	vmul.u32 $0x18, v28  }
0x1ef: {  	v3 =	vand.u32 $0x7, v3  }
0x1f0: {  	v3 =	vor.u32 v3, v4  }
0x1f1: {  	v4 =	vperm.xlane v3, v0;
	_ =	sdelay $0x1  }
0x1f2: {  	v4 =	vadd.s32 v1, v4;
	_ =	sdelay $0x1  }
0x1f3: {  	v3 =	vperm.xlane v3, v2;
	_ =	sdelay $0x1  }
0x1f4: {  	s26 =	simm.s32 $0x12400;
	v3 =	vadd.s32 v1, v3  }
0x1f5: {  	[hbm4b:s2+s3] =	stream.indirect_vreg.scatter [tilespmem:s26], [sflag:$0x3], $0x80, v4, vm0, $0xb8;
	[tilespmem:$0x18400] =	vst v63  }
0x1f6: {  	s26 =	simm.s32 $0x12C00  }
0x1f7: {  	[hbm4b:s5+s3] =	stream.indirect_vreg.scatter [tilespmem:s26], [sflag:$0x3], $0x80, v4, vm1, $0xb8;
	[tilespmem:$0x18400] =	vst v63  }
0x1f8: {  	s26 =	simm.s32 $0x13000  }
0x1f9: {  	[hbm4b:s2+s3] =	stream.indirect_vreg.scatter [tilespmem:s26], [sflag:$0x3], $0x80, v3, vm0, $0xb8;
	[tilespmem:$0x18400] =	vst v63  }
0x1fa: {  	s26 =	simm.s32 $0x13800  }
0x1fb: {  	[hbm4b:s5+s3] =	stream.indirect_vreg.scatter [tilespmem:s26], [sflag:$0x3], $0x80, v3, vm1, $0xb8;
	[tilespmem:$0x18400] =	vst v63  }
0x1fc: {  	v3 =	vld [tilespmem:$0x1D0];
	_ =	sdelay $0x4  }
0x1fd: {  	v29 =	vshrl.u32 v3, $0x3  }
0x1fe: {  	v4 =	vmul.u32 $0x18, v29  }
0x1ff: {  	v3 =	vand.u32 $0x7, v3  }
0x200: {  	v3 =	vor.u32 v3, v4  }
0x201: {  	v4 =	vperm.xlane v3, v0;
	_ =	sdelay $0x1  }
0x202: {  	v4 =	vadd.s32 v1, v4;
	_ =	sdelay $0x1  }
0x203: {  	v3 =	vperm.xlane v3, v2;
	_ =	sdelay $0x1  }
0x204: {  	s26 =	simm.s32 $0x13C00;
	v3 =	vadd.s32 v1, v3  }
0x205: {  	[hbm4b:s2+s3] =	stream.indirect_vreg.scatter [tilespmem:s26], [sflag:$0x3], $0x80, v4, vm0, $0xb8;
	[tilespmem:$0x18400] =	vst v63  }
0x206: {  	s26 =	simm.s32 $0x14400  }
0x207: {  	[hbm4b:s5+s3] =	stream.indirect_vreg.scatter [tilespmem:s26], [sflag:$0x3], $0x80, v4, vm1, $0xb8;
	[tilespmem:$0x18400] =	vst v63  }
0x208: {  	s26 =	simm.s32 $0x14800  }
0x209: {  	[hbm4b:s2+s3] =	stream.indirect_vreg.scatter [tilespmem:s26], [sflag:$0x3], $0x80, v3, vm0, $0xb8;
	[tilespmem:$0x18400] =	vst v63  }
0x20a: {  	s26 =	simm.s32 $0x15000  }
0x20b: {  	[hbm4b:s5+s3] =	stream.indirect_vreg.scatter [tilespmem:s26], [sflag:$0x3], $0x80, v3, vm1, $0xb8;
	[tilespmem:$0x18400] =	vst v63  }
0x20c: {  	v3 =	vld [tilespmem:$0x1E0];
	_ =	sdelay $0x4  }
0x20d: {  	v30 =	vshrl.u32 v3, $0x3  }
0x20e: {  	v4 =	vmul.u32 $0x18, v30  }
0x20f: {  	v3 =	vand.u32 $0x7, v3  }
0x210: {  	v3 =	vor.u32 v3, v4  }
0x211: {  	v4 =	vperm.xlane v3, v0;
	_ =	sdelay $0x1  }
0x212: {  	v4 =	vadd.s32 v1, v4;
	_ =	sdelay $0x1  }
0x213: {  	v3 =	vperm.xlane v3, v2;
	_ =	sdelay $0x1  }
0x214: {  	s26 =	simm.s32 $0x15400;
	v3 =	vadd.s32 v1, v3  }
0x215: {  	[hbm4b:s2+s3] =	stream.indirect_vreg.scatter [tilespmem:s26], [sflag:$0x3], $0x80, v4, vm0, $0xb8;
	[tilespmem:$0x18400] =	vst v63  }
0x216: {  	s26 =	simm.s32 $0x15C00  }
0x217: {  	[hbm4b:s5+s3] =	stream.indirect_vreg.scatter [tilespmem:s26], [sflag:$0x3], $0x80, v4, vm1, $0xb8;
	[tilespmem:$0x18400] =	vst v63  }
0x218: {  	s26 =	simm.s32 $0x16000  }
0x219: {  	[hbm4b:s2+s3] =	stream.indirect_vreg.scatter [tilespmem:s26], [sflag:$0x3], $0x80, v3, vm0, $0xb8;
	[tilespmem:$0x18400] =	vst v63  }
0x21a: {  	s26 =	simm.s32 $0x16800  }
0x21b: {  	[hbm4b:s5+s3] =	stream.indirect_vreg.scatter [tilespmem:s26], [sflag:$0x3], $0x80, v3, vm1, $0xb8;
	[tilespmem:$0x18400] =	vst v63  }
0x21c: {  	v3 =	vld [tilespmem:$0x1F0];
	_ =	sdelay $0x4  }
0x21d: {  	v31 =	vshrl.u32 v3, $0x3  }
0x21e: {  	v4 =	vmul.u32 $0x18, v31  }
0x21f: {  	v3 =	vand.u32 $0x7, v3  }
0x220: {  	v3 =	vor.u32 v3, v4  }
0x221: {  	v4 =	vperm.xlane v3, v0;
	_ =	sdelay $0x1  }
0x222: {  	v4 =	vadd.s32 v1, v4;
	_ =	sdelay $0x1  }
0x223: {  	v3 =	vperm.xlane v3, v2;
	_ =	sdelay $0x1  }
0x224: {  	s26 =	simm.s32 $0x16C00;
	v3 =	vadd.s32 v1, v3  }
0x225: {  	[hbm4b:s2+s3] =	stream.indirect_vreg.scatter [tilespmem:s26], [sflag:$0x3], $0x80, v4, vm0, $0xb8;
	[tilespmem:$0x18400] =	vst v63  }
0x226: {  	s26 =	simm.s32 $0x17400  }
0x227: {  	[hbm4b:s5+s3] =	stream.indirect_vreg.scatter [tilespmem:s26], [sflag:$0x3], $0x80, v4, vm1, $0xb8;
	[tilespmem:$0x18400] =	vst v63  }
0x228: {  	s26 =	simm.s32 $0x17800  }
0x229: {  	[hbm4b:s2+s3] =	stream.indirect_vreg.scatter [tilespmem:s26], [sflag:$0x3], $0x80, v3, vm0, $0xb8;
	[tilespmem:$0x18400] =	vst v63  }
0x22a: {  	s26 =	simm.s32 $0x18000  }
0x22b: {  	[hbm4b:s5+s3] =	stream.indirect_vreg.scatter [tilespmem:s26], [sflag:$0x3], $0x80, v3, vm1, $0xb8;
	[tilespmem:$0x18400] =	vst v63  }
0x22c: {  	_ =	swait.ge [sflag:s24], $0xC000  }
0x22d: {  	[sflag:s24] =	ssyncset.done $0x0  }
0x22e: {  	s26 =	rddreg [dreg:$0x7];
	[sflag:s24] =	ssyncadd.s32 $0xFFFF4000  }
0x22f: {  	[tilespmem:s0], [sflag:$0x1] =	stream.linear.gather [hbm4b:s26+s3], $0xC000, $0x38;
	[tilespmem:$0x18400] =	vst v63  }
0x230: {  	_ =	swait.ge [sflag:s9], $0xC000  }
0x231: {  	[sflag:s9] =	ssyncset.done $0x0  }
0x232: {  	[sflag:s9] =	ssyncadd.s32 $0xFFFF4000  }
0x233: {  	v3 =	vld [tilespmem:$0x200];
	_ =	sdelay $0x4  }
0x234: {  	v32 =	vshrl.u32 v3, $0x3  }
0x235: {  	v4 =	vmul.u32 $0x18, v32  }
0x236: {  	v3 =	vand.u32 $0x7, v3  }
0x237: {  	v3 =	vor.u32 v3, v4  }
0x238: {  	v4 =	vperm.xlane v3, v0;
	_ =	sdelay $0x1  }
0x239: {  	v4 =	vadd.s32 v1, v4;
	_ =	sdelay $0x1  }
0x23a: {  	v3 =	vperm.xlane v3, v2;
	_ =	sdelay $0x1  }
0x23b: {  	v3 =	vadd.s32 v1, v3  }
0x23c: {  	[hbm4b:s2+s3] =	stream.indirect_vreg.scatter [tilespmem:s0], [sflag:$0x2], $0x80, v4, vm0, $0xb8;
	[tilespmem:$0x18400] =	vst v63  }
0x23d: {  	s26 =	simm.s32 $0xC00  }
0x23e: {  	[hbm4b:s5+s3] =	stream.indirect_vreg.scatter [tilespmem:s26], [sflag:$0x2], $0x80, v4, vm1, $0xb8;
	[tilespmem:$0x18400] =	vst v63  }
0x23f: {  	_ = 	snop  }
0x240: {  	[hbm4b:s2+s3] =	stream.indirect_vreg.scatter [tilespmem:s4], [sflag:$0x2], $0x80, v3, vm0, $0xb8;
	[tilespmem:$0x18400] =	vst v63  }
0x241: {  	s26 =	simm.s32 $0x1800  }
0x242: {  	[hbm4b:s5+s3] =	stream.indirect_vreg.scatter [tilespmem:s26], [sflag:$0x2], $0x80, v3, vm1, $0xb8;
	[tilespmem:$0x18400] =	vst v63  }
0x243: {  	v3 =	vld [tilespmem:$0x210];
	_ =	sdelay $0x4  }
0x244: {  	v33 =	vshrl.u32 v3, $0x3  }
0x245: {  	v4 =	vmul.u32 $0x18, v33  }
0x246: {  	v3 =	vand.u32 $0x7, v3  }
0x247: {  	v3 =	vor.u32 v3, v4  }
0x248: {  	v4 =	vperm.xlane v3, v0;
	_ =	sdelay $0x1  }
0x249: {  	v4 =	vadd.s32 v1, v4;
	_ =	sdelay $0x1  }
0x24a: {  	v3 =	vperm.xlane v3, v2;
	_ =	sdelay $0x1  }
0x24b: {  	v3 =	vadd.s32 v1, v3  }
0x24c: {  	[hbm4b:s2+s3] =	stream.indirect_vreg.scatter [tilespmem:s7], [sflag:$0x2], $0x80, v4, vm0, $0xb8;
	[tilespmem:$0x18400] =	vst v63  }
0x24d: {  	_ = 	snop  }
0x24e: {  	[hbm4b:s5+s3] =	stream.indirect_vreg.scatter [tilespmem:s8], [sflag:$0x2], $0x80, v4, vm1, $0xb8;
	[tilespmem:$0x18400] =	vst v63  }
0x24f: {  	_ = 	snop  }
0x250: {  	[hbm4b:s2+s3] =	stream.indirect_vreg.scatter [tilespmem:s10], [sflag:$0x2], $0x80, v3, vm0, $0xb8;
	[tilespmem:$0x18400] =	vst v63  }
0x251: {  	s26 =	simm.s32 $0x3000  }
0x252: {  	[hbm4b:s5+s3] =	stream.indirect_vreg.scatter [tilespmem:s26], [sflag:$0x2], $0x80, v3, vm1, $0xb8;
	[tilespmem:$0x18400] =	vst v63  }
0x253: {  	v3 =	vld [tilespmem:$0x220];
	_ =	sdelay $0x4  }
0x254: {  	v34 =	vshrl.u32 v3, $0x3  }
0x255: {  	v4 =	vmul.u32 $0x18, v34  }
0x256: {  	v3 =	vand.u32 $0x7, v3  }
0x257: {  	v3 =	vor.u32 v3, v4  }
0x258: {  	v4 =	vperm.xlane v3, v0;
	_ =	sdelay $0x1  }
0x259: {  	v4 =	vadd.s32 v1, v4;
	_ =	sdelay $0x1  }
0x25a: {  	v3 =	vperm.xlane v3, v2;
	_ =	sdelay $0x1  }
0x25b: {  	v3 =	vadd.s32 v1, v3  }
0x25c: {  	[hbm4b:s2+s3] =	stream.indirect_vreg.scatter [tilespmem:s11], [sflag:$0x2], $0x80, v4, vm0, $0xb8;
	[tilespmem:$0x18400] =	vst v63  }
0x25d: {  	_ = 	snop  }
0x25e: {  	[hbm4b:s5+s3] =	stream.indirect_vreg.scatter [tilespmem:s12], [sflag:$0x2], $0x80, v4, vm1, $0xb8;
	[tilespmem:$0x18400] =	vst v63  }
0x25f: {  	_ = 	snop  }
0x260: {  	[hbm4b:s2+s3] =	stream.indirect_vreg.scatter [tilespmem:s13], [sflag:$0x2], $0x80, v3, vm0, $0xb8;
	[tilespmem:$0x18400] =	vst v63  }
0x261: {  	s26 =	simm.s32 $0x4800  }
0x262: {  	[hbm4b:s5+s3] =	stream.indirect_vreg.scatter [tilespmem:s26], [sflag:$0x2], $0x80, v3, vm1, $0xb8;
	[tilespmem:$0x18400] =	vst v63  }
0x263: {  	v3 =	vld [tilespmem:$0x230];
	_ =	sdelay $0x4  }
0x264: {  	v35 =	vshrl.u32 v3, $0x3  }
0x265: {  	v4 =	vmul.u32 $0x18, v35  }
0x266: {  	v3 =	vand.u32 $0x7, v3  }
0x267: {  	v3 =	vor.u32 v3, v4  }
0x268: {  	v4 =	vperm.xlane v3, v0;
	_ =	sdelay $0x1  }
0x269: {  	v4 =	vadd.s32 v1, v4;
	_ =	sdelay $0x1  }
0x26a: {  	v3 =	vperm.xlane v3, v2;
	_ =	sdelay $0x1  }
0x26b: {  	v3 =	vadd.s32 v1, v3  }
0x26c: {  	[hbm4b:s2+s3] =	stream.indirect_vreg.scatter [tilespmem:s14], [sflag:$0x2], $0x80, v4, vm0, $0xb8;
	[tilespmem:$0x18400] =	vst v63  }
0x26d: {  	_ = 	snop  }
0x26e: {  	[hbm4b:s5+s3] =	stream.indirect_vreg.scatter [tilespmem:s15], [sflag:$0x2], $0x80, v4, vm1, $0xb8;
	[tilespmem:$0x18400] =	vst v63  }
0x26f: {  	_ = 	snop  }
0x270: {  	[hbm4b:s2+s3] =	stream.indirect_vreg.scatter [tilespmem:s16], [sflag:$0x2], $0x80, v3, vm0, $0xb8;
	[tilespmem:$0x18400] =	vst v63  }
0x271: {  	s26 =	simm.s32 $0x6000  }
0x272: {  	[hbm4b:s5+s3] =	stream.indirect_vreg.scatter [tilespmem:s26], [sflag:$0x2], $0x80, v3, vm1, $0xb8;
	[tilespmem:$0x18400] =	vst v63  }
0x273: {  	v3 =	vld [tilespmem:$0x240];
	_ =	sdelay $0x4  }
0x274: {  	v36 =	vshrl.u32 v3, $0x3  }
0x275: {  	v4 =	vmul.u32 $0x18, v36  }
0x276: {  	v3 =	vand.u32 $0x7, v3  }
0x277: {  	v3 =	vor.u32 v3, v4  }
0x278: {  	v4 =	vperm.xlane v3, v0;
	_ =	sdelay $0x1  }
0x279: {  	v4 =	vadd.s32 v1, v4;
	_ =	sdelay $0x1  }
0x27a: {  	v3 =	vperm.xlane v3, v2;
	_ =	sdelay $0x1  }
0x27b: {  	v3 =	vadd.s32 v1, v3  }
0x27c: {  	[hbm4b:s2+s3] =	stream.indirect_vreg.scatter [tilespmem:s17], [sflag:$0x2], $0x80, v4, vm0, $0xb8;
	[tilespmem:$0x18400] =	vst v63  }
0x27d: {  	_ = 	snop  }
0x27e: {  	[hbm4b:s5+s3] =	stream.indirect_vreg.scatter [tilespmem:s18], [sflag:$0x2], $0x80, v4, vm1, $0xb8;
	[tilespmem:$0x18400] =	vst v63  }
0x27f: {  	_ = 	snop  }
0x280: {  	[hbm4b:s2+s3] =	stream.indirect_vreg.scatter [tilespmem:s19], [sflag:$0x2], $0x80, v3, vm0, $0xb8;
	[tilespmem:$0x18400] =	vst v63  }
0x281: {  	s26 =	simm.s32 $0x7800  }
0x282: {  	[hbm4b:s5+s3] =	stream.indirect_vreg.scatter [tilespmem:s26], [sflag:$0x2], $0x80, v3, vm1, $0xb8;
	[tilespmem:$0x18400] =	vst v63  }
0x283: {  	v3 =	vld [tilespmem:$0x250];
	_ =	sdelay $0x4  }
0x284: {  	v37 =	vshrl.u32 v3, $0x3  }
0x285: {  	v4 =	vmul.u32 $0x18, v37  }
0x286: {  	v3 =	vand.u32 $0x7, v3  }
0x287: {  	v3 =	vor.u32 v3, v4  }
0x288: {  	v4 =	vperm.xlane v3, v0;
	_ =	sdelay $0x1  }
0x289: {  	v4 =	vadd.s32 v1, v4;
	_ =	sdelay $0x1  }
0x28a: {  	v3 =	vperm.xlane v3, v2;
	_ =	sdelay $0x1  }
0x28b: {  	v3 =	vadd.s32 v1, v3  }
0x28c: {  	[hbm4b:s2+s3] =	stream.indirect_vreg.scatter [tilespmem:s20], [sflag:$0x2], $0x80, v4, vm0, $0xb8;
	[tilespmem:$0x18400] =	vst v63  }
0x28d: {  	_ = 	snop  }
0x28e: {  	[hbm4b:s5+s3] =	stream.indirect_vreg.scatter [tilespmem:s21], [sflag:$0x2], $0x80, v4, vm1, $0xb8;
	[tilespmem:$0x18400] =	vst v63  }
0x28f: {  	_ = 	snop  }
0x290: {  	[hbm4b:s2+s3] =	stream.indirect_vreg.scatter [tilespmem:s22], [sflag:$0x2], $0x80, v3, vm0, $0xb8;
	[tilespmem:$0x18400] =	vst v63  }
0x291: {  	s26 =	simm.s32 $0x9000  }
0x292: {  	[hbm4b:s5+s3] =	stream.indirect_vreg.scatter [tilespmem:s26], [sflag:$0x2], $0x80, v3, vm1, $0xb8;
	[tilespmem:$0x18400] =	vst v63  }
0x293: {  	v3 =	vld [tilespmem:$0x260];
	_ =	sdelay $0x4  }
0x294: {  	v38 =	vshrl.u32 v3, $0x3  }
0x295: {  	v4 =	vmul.u32 $0x18, v38  }
0x296: {  	v3 =	vand.u32 $0x7, v3  }
0x297: {  	v3 =	vor.u32 v3, v4  }
0x298: {  	v4 =	vperm.xlane v3, v0;
	_ =	sdelay $0x1  }
0x299: {  	v4 =	vadd.s32 v1, v4;
	_ =	sdelay $0x1  }
0x29a: {  	v3 =	vperm.xlane v3, v2;
	_ =	sdelay $0x1  }
0x29b: {  	v3 =	vadd.s32 v1, v3  }
0x29c: {  	[hbm4b:s2+s3] =	stream.indirect_vreg.scatter [tilespmem:s23], [sflag:$0x2], $0x80, v4, vm0, $0xb8;
	[tilespmem:$0x18400] =	vst v63  }
0x29d: {  	_ = 	snop  }
0x29e: {  	[hbm4b:s5+s3] =	stream.indirect_vreg.scatter [tilespmem:s28], [sflag:$0x2], $0x80, v4, vm1, $0xb8;
	[tilespmem:$0x18400] =	vst v63  }
0x29f: {  	_ = 	snop  }
0x2a0: {  	[hbm4b:s2+s3] =	stream.indirect_vreg.scatter [tilespmem:s29], [sflag:$0x2], $0x80, v3, vm0, $0xb8;
	[tilespmem:$0x18400] =	vst v63  }
0x2a1: {  	s26 =	simm.s32 $0xA800  }
0x2a2: {  	[hbm4b:s5+s3] =	stream.indirect_vreg.scatter [tilespmem:s26], [sflag:$0x2], $0x80, v3, vm1, $0xb8;
	[tilespmem:$0x18400] =	vst v63  }
0x2a3: {  	v3 =	vld [tilespmem:$0x270];
	_ =	sdelay $0x4  }
0x2a4: {  	v39 =	vshrl.u32 v3, $0x3  }
0x2a5: {  	v4 =	vmul.u32 $0x18, v39  }
0x2a6: {  	v3 =	vand.u32 $0x7, v3  }
0x2a7: {  	v3 =	vor.u32 v3, v4  }
0x2a8: {  	v4 =	vperm.xlane v3, v0;
	_ =	sdelay $0x1  }
0x2a9: {  	v4 =	vadd.s32 v1, v4;
	_ =	sdelay $0x1  }
0x2aa: {  	v3 =	vperm.xlane v3, v2;
	_ =	sdelay $0x1  }
0x2ab: {  	v3 =	vadd.s32 v1, v3  }
0x2ac: {  	[hbm4b:s2+s3] =	stream.indirect_vreg.scatter [tilespmem:s30], [sflag:$0x2], $0x80, v4, vm0, $0xb8;
	[tilespmem:$0x18400] =	vst v63  }
0x2ad: {  	_ = 	snop  }
0x2ae: {  	[hbm4b:s5+s3] =	stream.indirect_vreg.scatter [tilespmem:s31], [sflag:$0x2], $0x80, v4, vm1, $0xb8;
	[tilespmem:$0x18400] =	vst v63  }
0x2af: {  	s26 =	simm.s32 $0xB800  }
0x2b0: {  	[hbm4b:s2+s3] =	stream.indirect_vreg.scatter [tilespmem:s26], [sflag:$0x2], $0x80, v3, vm0, $0xb8;
	[tilespmem:$0x18400] =	vst v63  }
0x2b1: {  	s26 =	simm.s32 $0xC000  }
0x2b2: {  	[hbm4b:s5+s3] =	stream.indirect_vreg.scatter [tilespmem:s26], [sflag:$0x2], $0x80, v3, vm1, $0xb8;
	[tilespmem:$0x18400] =	vst v63  }
0x2b3: {  	_ =	swait.ge [sflag:s25], $0xC000  }
0x2b4: {  	[sflag:s25] =	ssyncset.done $0x0  }
0x2b5: {  	s26 =	rddreg [dreg:$0x8];
	[sflag:s25] =	ssyncadd.s32 $0xFFFF4000  }
0x2b6: {  	[tilespmem:s1], [sflag:$0x1] =	stream.linear.gather [hbm4b:s26+s3], $0xC000, $0x38;
	[tilespmem:$0x18400] =	vst v63  }
0x2b7: {  	_ =	swait.ge [sflag:s9], $0xC000  }
0x2b8: {  	[sflag:s9] =	ssyncset.done $0x0  }
0x2b9: {  	[sflag:s9] =	ssyncadd.s32 $0xFFFF4000  }
0x2ba: {  	v3 =	vld [tilespmem:$0x280];
	_ =	sdelay $0x4  }
0x2bb: {  	v40 =	vshrl.u32 v3, $0x3  }
0x2bc: {  	v4 =	vmul.u32 $0x18, v40  }
0x2bd: {  	v3 =	vand.u32 $0x7, v3  }
0x2be: {  	v3 =	vor.u32 v3, v4  }
0x2bf: {  	v4 =	vperm.xlane v3, v0;
	_ =	sdelay $0x1  }
0x2c0: {  	v4 =	vadd.s32 v1, v4;
	_ =	sdelay $0x1  }
0x2c1: {  	v3 =	vperm.xlane v3, v2;
	_ =	sdelay $0x1  }
0x2c2: {  	v3 =	vadd.s32 v1, v3  }
0x2c3: {  	[hbm4b:s2+s3] =	stream.indirect_vreg.scatter [tilespmem:s1], [sflag:$0x3], $0x80, v4, vm0, $0xb8;
	[tilespmem:$0x18400] =	vst v63  }
0x2c4: {  	s26 =	simm.s32 $0xCC00  }
0x2c5: {  	[hbm4b:s5+s3] =	stream.indirect_vreg.scatter [tilespmem:s26], [sflag:$0x3], $0x80, v4, vm1, $0xb8;
	[tilespmem:$0x18400] =	vst v63  }
0x2c6: {  	s26 =	simm.s32 $0xD000  }
0x2c7: {  	[hbm4b:s2+s3] =	stream.indirect_vreg.scatter [tilespmem:s26], [sflag:$0x3], $0x80, v3, vm0, $0xb8;
	[tilespmem:$0x18400] =	vst v63  }
0x2c8: {  	s26 =	simm.s32 $0xD800  }
0x2c9: {  	[hbm4b:s5+s3] =	stream.indirect_vreg.scatter [tilespmem:s26], [sflag:$0x3], $0x80, v3, vm1, $0xb8;
	[tilespmem:$0x18400] =	vst v63  }
0x2ca: {  	v3 =	vld [tilespmem:$0x290];
	_ =	sdelay $0x4  }
0x2cb: {  	v41 =	vshrl.u32 v3, $0x3  }
0x2cc: {  	v4 =	vmul.u32 $0x18, v41  }
0x2cd: {  	v3 =	vand.u32 $0x7, v3  }
0x2ce: {  	v3 =	vor.u32 v3, v4  }
0x2cf: {  	v4 =	vperm.xlane v3, v0;
	_ =	sdelay $0x1  }
0x2d0: {  	v4 =	vadd.s32 v1, v4;
	_ =	sdelay $0x1  }
0x2d1: {  	v3 =	vperm.xlane v3, v2;
	_ =	sdelay $0x1  }
0x2d2: {  	s26 =	simm.s32 $0xDC00;
	v3 =	vadd.s32 v1, v3  }
0x2d3: {  	[hbm4b:s2+s3] =	stream.indirect_vreg.scatter [tilespmem:s26], [sflag:$0x3], $0x80, v4, vm0, $0xb8;
	[tilespmem:$0x18400] =	vst v63  }
0x2d4: {  	s26 =	simm.s32 $0xE400  }
0x2d5: {  	[hbm4b:s5+s3] =	stream.indirect_vreg.scatter [tilespmem:s26], [sflag:$0x3], $0x80, v4, vm1, $0xb8;
	[tilespmem:$0x18400] =	vst v63  }
0x2d6: {  	s26 =	simm.s32 $0xE800  }
0x2d7: {  	[hbm4b:s2+s3] =	stream.indirect_vreg.scatter [tilespmem:s26], [sflag:$0x3], $0x80, v3, vm0, $0xb8;
	[tilespmem:$0x18400] =	vst v63  }
0x2d8: {  	s26 =	simm.s32 $0xF000  }
0x2d9: {  	[hbm4b:s5+s3] =	stream.indirect_vreg.scatter [tilespmem:s26], [sflag:$0x3], $0x80, v3, vm1, $0xb8;
	[tilespmem:$0x18400] =	vst v63  }
0x2da: {  	v3 =	vld [tilespmem:$0x2A0];
	_ =	sdelay $0x4  }
0x2db: {  	v42 =	vshrl.u32 v3, $0x3  }
0x2dc: {  	v4 =	vmul.u32 $0x18, v42  }
0x2dd: {  	v3 =	vand.u32 $0x7, v3  }
0x2de: {  	v3 =	vor.u32 v3, v4  }
0x2df: {  	v4 =	vperm.xlane v3, v0;
	_ =	sdelay $0x1  }
0x2e0: {  	v4 =	vadd.s32 v1, v4;
	_ =	sdelay $0x1  }
0x2e1: {  	v3 =	vperm.xlane v3, v2;
	_ =	sdelay $0x1  }
0x2e2: {  	s26 =	simm.s32 $0xF400;
	v3 =	vadd.s32 v1, v3  }
0x2e3: {  	[hbm4b:s2+s3] =	stream.indirect_vreg.scatter [tilespmem:s26], [sflag:$0x3], $0x80, v4, vm0, $0xb8;
	[tilespmem:$0x18400] =	vst v63  }
0x2e4: {  	s26 =	simm.s32 $0xFC00  }
0x2e5: {  	[hbm4b:s5+s3] =	stream.indirect_vreg.scatter [tilespmem:s26], [sflag:$0x3], $0x80, v4, vm1, $0xb8;
	[tilespmem:$0x18400] =	vst v63  }
0x2e6: {  	s26 =	simm.s32 $0x10000  }
0x2e7: {  	[hbm4b:s2+s3] =	stream.indirect_vreg.scatter [tilespmem:s26], [sflag:$0x3], $0x80, v3, vm0, $0xb8;
	[tilespmem:$0x18400] =	vst v63  }
0x2e8: {  	s26 =	simm.s32 $0x10800  }
0x2e9: {  	[hbm4b:s5+s3] =	stream.indirect_vreg.scatter [tilespmem:s26], [sflag:$0x3], $0x80, v3, vm1, $0xb8;
	[tilespmem:$0x18400] =	vst v63  }
0x2ea: {  	v3 =	vld [tilespmem:$0x2B0];
	_ =	sdelay $0x4  }
0x2eb: {  	v43 =	vshrl.u32 v3, $0x3  }
0x2ec: {  	v4 =	vmul.u32 $0x18, v43  }
0x2ed: {  	v3 =	vand.u32 $0x7, v3  }
0x2ee: {  	v3 =	vor.u32 v3, v4  }
0x2ef: {  	v4 =	vperm.xlane v3, v0;
	_ =	sdelay $0x1  }
0x2f0: {  	v4 =	vadd.s32 v1, v4;
	_ =	sdelay $0x1  }
0x2f1: {  	v3 =	vperm.xlane v3, v2;
	_ =	sdelay $0x1  }
0x2f2: {  	s26 =	simm.s32 $0x10C00;
	v3 =	vadd.s32 v1, v3  }
0x2f3: {  	[hbm4b:s2+s3] =	stream.indirect_vreg.scatter [tilespmem:s26], [sflag:$0x3], $0x80, v4, vm0, $0xb8;
	[tilespmem:$0x18400] =	vst v63  }
0x2f4: {  	s26 =	simm.s32 $0x11400  }
0x2f5: {  	[hbm4b:s5+s3] =	stream.indirect_vreg.scatter [tilespmem:s26], [sflag:$0x3], $0x80, v4, vm1, $0xb8;
	[tilespmem:$0x18400] =	vst v63  }
0x2f6: {  	s26 =	simm.s32 $0x11800  }
0x2f7: {  	[hbm4b:s2+s3] =	stream.indirect_vreg.scatter [tilespmem:s26], [sflag:$0x3], $0x80, v3, vm0, $0xb8;
	[tilespmem:$0x18400] =	vst v63  }
0x2f8: {  	s26 =	simm.s32 $0x12000  }
0x2f9: {  	[hbm4b:s5+s3] =	stream.indirect_vreg.scatter [tilespmem:s26], [sflag:$0x3], $0x80, v3, vm1, $0xb8;
	[tilespmem:$0x18400] =	vst v63  }
0x2fa: {  	v3 =	vld [tilespmem:$0x2C0];
	_ =	sdelay $0x4  }
0x2fb: {  	v44 =	vshrl.u32 v3, $0x3  }
0x2fc: {  	v4 =	vmul.u32 $0x18, v44  }
0x2fd: {  	v3 =	vand.u32 $0x7, v3  }
0x2fe: {  	v3 =	vor.u32 v3, v4  }
0x2ff: {  	v4 =	vperm.xlane v3, v0;
	_ =	sdelay $0x1  }
0x300: {  	v4 =	vadd.s32 v1, v4;
	_ =	sdelay $0x1  }
0x301: {  	v3 =	vperm.xlane v3, v2;
	_ =	sdelay $0x1  }
0x302: {  	s26 =	simm.s32 $0x12400;
	v3 =	vadd.s32 v1, v3  }
0x303: {  	[hbm4b:s2+s3] =	stream.indirect_vreg.scatter [tilespmem:s26], [sflag:$0x3], $0x80, v4, vm0, $0xb8;
	[tilespmem:$0x18400] =	vst v63  }
0x304: {  	s26 =	simm.s32 $0x12C00  }
0x305: {  	[hbm4b:s5+s3] =	stream.indirect_vreg.scatter [tilespmem:s26], [sflag:$0x3], $0x80, v4, vm1, $0xb8;
	[tilespmem:$0x18400] =	vst v63  }
0x306: {  	s26 =	simm.s32 $0x13000  }
0x307: {  	[hbm4b:s2+s3] =	stream.indirect_vreg.scatter [tilespmem:s26], [sflag:$0x3], $0x80, v3, vm0, $0xb8;
	[tilespmem:$0x18400] =	vst v63  }
0x308: {  	s26 =	simm.s32 $0x13800  }
0x309: {  	[hbm4b:s5+s3] =	stream.indirect_vreg.scatter [tilespmem:s26], [sflag:$0x3], $0x80, v3, vm1, $0xb8;
	[tilespmem:$0x18400] =	vst v63  }
0x30a: {  	v3 =	vld [tilespmem:$0x2D0];
	_ =	sdelay $0x4  }
0x30b: {  	v45 =	vshrl.u32 v3, $0x3  }
0x30c: {  	v4 =	vmul.u32 $0x18, v45  }
0x30d: {  	v3 =	vand.u32 $0x7, v3  }
0x30e: {  	v3 =	vor.u32 v3, v4  }
0x30f: {  	v4 =	vperm.xlane v3, v0;
	_ =	sdelay $0x1  }
0x310: {  	v4 =	vadd.s32 v1, v4;
	_ =	sdelay $0x1  }
0x311: {  	v3 =	vperm.xlane v3, v2;
	_ =	sdelay $0x1  }
0x312: {  	s26 =	simm.s32 $0x13C00;
	v3 =	vadd.s32 v1, v3  }
0x313: {  	[hbm4b:s2+s3] =	stream.indirect_vreg.scatter [tilespmem:s26], [sflag:$0x3], $0x80, v4, vm0, $0xb8;
	[tilespmem:$0x18400] =	vst v63  }
0x314: {  	s26 =	simm.s32 $0x14400  }
0x315: {  	[hbm4b:s5+s3] =	stream.indirect_vreg.scatter [tilespmem:s26], [sflag:$0x3], $0x80, v4, vm1, $0xb8;
	[tilespmem:$0x18400] =	vst v63  }
0x316: {  	s26 =	simm.s32 $0x14800  }
0x317: {  	[hbm4b:s2+s3] =	stream.indirect_vreg.scatter [tilespmem:s26], [sflag:$0x3], $0x80, v3, vm0, $0xb8;
	[tilespmem:$0x18400] =	vst v63  }
0x318: {  	s26 =	simm.s32 $0x15000  }
0x319: {  	[hbm4b:s5+s3] =	stream.indirect_vreg.scatter [tilespmem:s26], [sflag:$0x3], $0x80, v3, vm1, $0xb8;
	[tilespmem:$0x18400] =	vst v63  }
0x31a: {  	v3 =	vld [tilespmem:$0x2E0];
	_ =	sdelay $0x4  }
0x31b: {  	v46 =	vshrl.u32 v3, $0x3  }
0x31c: {  	v4 =	vmul.u32 $0x18, v46  }
0x31d: {  	v3 =	vand.u32 $0x7, v3  }
0x31e: {  	v3 =	vor.u32 v3, v4  }
0x31f: {  	v4 =	vperm.xlane v3, v0;
	_ =	sdelay $0x1  }
0x320: {  	v4 =	vadd.s32 v1, v4;
	_ =	sdelay $0x1  }
0x321: {  	v3 =	vperm.xlane v3, v2;
	_ =	sdelay $0x1  }
0x322: {  	s26 =	simm.s32 $0x15400;
	v3 =	vadd.s32 v1, v3  }
0x323: {  	[hbm4b:s2+s3] =	stream.indirect_vreg.scatter [tilespmem:s26], [sflag:$0x3], $0x80, v4, vm0, $0xb8;
	[tilespmem:$0x18400] =	vst v63  }
0x324: {  	s26 =	simm.s32 $0x15C00  }
0x325: {  	[hbm4b:s5+s3] =	stream.indirect_vreg.scatter [tilespmem:s26], [sflag:$0x3], $0x80, v4, vm1, $0xb8;
	[tilespmem:$0x18400] =	vst v63  }
0x326: {  	s26 =	simm.s32 $0x16000  }
0x327: {  	[hbm4b:s2+s3] =	stream.indirect_vreg.scatter [tilespmem:s26], [sflag:$0x3], $0x80, v3, vm0, $0xb8;
	[tilespmem:$0x18400] =	vst v63  }
0x328: {  	s26 =	simm.s32 $0x16800  }
0x329: {  	[hbm4b:s5+s3] =	stream.indirect_vreg.scatter [tilespmem:s26], [sflag:$0x3], $0x80, v3, vm1, $0xb8;
	[tilespmem:$0x18400] =	vst v63  }
0x32a: {  	v3 =	vld [tilespmem:$0x2F0];
	_ =	sdelay $0x4  }
0x32b: {  	v47 =	vshrl.u32 v3, $0x3  }
0x32c: {  	v4 =	vmul.u32 $0x18, v47  }
0x32d: {  	v3 =	vand.u32 $0x7, v3  }
0x32e: {  	v3 =	vor.u32 v3, v4  }
0x32f: {  	v4 =	vperm.xlane v3, v0;
	_ =	sdelay $0x1  }
0x330: {  	v4 =	vadd.s32 v1, v4;
	_ =	sdelay $0x1  }
0x331: {  	v3 =	vperm.xlane v3, v2;
	_ =	sdelay $0x1  }
0x332: {  	s26 =	simm.s32 $0x16C00;
	v3 =	vadd.s32 v1, v3  }
0x333: {  	[hbm4b:s2+s3] =	stream.indirect_vreg.scatter [tilespmem:s26], [sflag:$0x3], $0x80, v4, vm0, $0xb8;
	[tilespmem:$0x18400] =	vst v63  }
0x334: {  	s26 =	simm.s32 $0x17400  }
0x335: {  	[hbm4b:s5+s3] =	stream.indirect_vreg.scatter [tilespmem:s26], [sflag:$0x3], $0x80, v4, vm1, $0xb8;
	[tilespmem:$0x18400] =	vst v63  }
0x336: {  	s26 =	simm.s32 $0x17800  }
0x337: {  	[hbm4b:s2+s3] =	stream.indirect_vreg.scatter [tilespmem:s26], [sflag:$0x3], $0x80, v3, vm0, $0xb8;
	[tilespmem:$0x18400] =	vst v63  }
0x338: {  	s26 =	simm.s32 $0x18000  }
0x339: {  	[hbm4b:s5+s3] =	stream.indirect_vreg.scatter [tilespmem:s26], [sflag:$0x3], $0x80, v3, vm1, $0xb8;
	[tilespmem:$0x18400] =	vst v63  }
0x33a: {  	_ =	swait.ge [sflag:s24], $0xC000  }
0x33b: {  	[sflag:s24] =	ssyncset.done $0x0  }
0x33c: {  	s26 =	rddreg [dreg:$0x9];
	[sflag:s24] =	ssyncadd.s32 $0xFFFF4000  }
0x33d: {  	[tilespmem:s0], [sflag:$0x1] =	stream.linear.gather [hbm4b:s26+s3], $0xC000, $0x38;
	[tilespmem:$0x18400] =	vst v63  }
0x33e: {  	_ =	swait.ge [sflag:s9], $0xC000  }
0x33f: {  	[sflag:s9] =	ssyncset.done $0x0  }
0x340: {  	[sflag:s9] =	ssyncadd.s32 $0xFFFF4000  }
0x341: {  	v3 =	vld [tilespmem:$0x300];
	_ =	sdelay $0x4  }
0x342: {  	v48 =	vshrl.u32 v3, $0x3  }
0x343: {  	v4 =	vmul.u32 $0x18, v48  }
0x344: {  	v3 =	vand.u32 $0x7, v3  }
0x345: {  	v3 =	vor.u32 v3, v4  }
0x346: {  	v4 =	vperm.xlane v3, v0;
	_ =	sdelay $0x1  }
0x347: {  	v4 =	vadd.s32 v1, v4;
	_ =	sdelay $0x1  }
0x348: {  	v3 =	vperm.xlane v3, v2;
	_ =	sdelay $0x1  }
0x349: {  	v3 =	vadd.s32 v1, v3  }
0x34a: {  	[hbm4b:s2+s3] =	stream.indirect_vreg.scatter [tilespmem:s0], [sflag:$0x2], $0x80, v4, vm0, $0xb8;
	[tilespmem:$0x18400] =	vst v63  }
0x34b: {  	s26 =	simm.s32 $0xC00  }
0x34c: {  	[hbm4b:s5+s3] =	stream.indirect_vreg.scatter [tilespmem:s26], [sflag:$0x2], $0x80, v4, vm1, $0xb8;
	[tilespmem:$0x18400] =	vst v63  }
0x34d: {  	s4 =	simm.s32 $0x1000  }
0x34e: {  	[hbm4b:s2+s3] =	stream.indirect_vreg.scatter [tilespmem:s4], [sflag:$0x2], $0x80, v3, vm0, $0xb8;
	[tilespmem:$0x18400] =	vst v63  }
0x34f: {  	s4 =	simm.s32 $0x1800  }
0x350: {  	[hbm4b:s5+s3] =	stream.indirect_vreg.scatter [tilespmem:s4], [sflag:$0x2], $0x80, v3, vm1, $0xb8;
	[tilespmem:$0x18400] =	vst v63  }
0x351: {  	v3 =	vld [tilespmem:$0x310];
	_ =	sdelay $0x4  }
0x352: {  	v49 =	vshrl.u32 v3, $0x3  }
0x353: {  	v4 =	vmul.u32 $0x18, v49  }
0x354: {  	v3 =	vand.u32 $0x7, v3  }
0x355: {  	v3 =	vor.u32 v3, v4  }
0x356: {  	v4 =	vperm.xlane v3, v0;
	_ =	sdelay $0x1  }
0x357: {  	v4 =	vadd.s32 v1, v4;
	_ =	sdelay $0x1  }
0x358: {  	v3 =	vperm.xlane v3, v2;
	_ =	sdelay $0x1  }
0x359: {  	s7 =	simm.s32 $0x1C00;
	v3 =	vadd.s32 v1, v3  }
0x35a: {  	[hbm4b:s2+s3] =	stream.indirect_vreg.scatter [tilespmem:s7], [sflag:$0x2], $0x80, v4, vm0, $0xb8;
	[tilespmem:$0x18400] =	vst v63  }
0x35b: {  	s8 =	simm.s32 $0x2400  }
0x35c: {  	[hbm4b:s5+s3] =	stream.indirect_vreg.scatter [tilespmem:s8], [sflag:$0x2], $0x80, v4, vm1, $0xb8;
	[tilespmem:$0x18400] =	vst v63  }
0x35d: {  	s10 =	simm.s32 $0x2800  }
0x35e: {  	[hbm4b:s2+s3] =	stream.indirect_vreg.scatter [tilespmem:s10], [sflag:$0x2], $0x80, v3, vm0, $0xb8;
	[tilespmem:$0x18400] =	vst v63  }
0x35f: {  	s10 =	simm.s32 $0x3000  }
0x360: {  	[hbm4b:s5+s3] =	stream.indirect_vreg.scatter [tilespmem:s10], [sflag:$0x2], $0x80, v3, vm1, $0xb8;
	[tilespmem:$0x18400] =	vst v63  }
0x361: {  	v3 =	vld [tilespmem:$0x320];
	_ =	sdelay $0x4  }
0x362: {  	v50 =	vshrl.u32 v3, $0x3  }
0x363: {  	v4 =	vmul.u32 $0x18, v50  }
0x364: {  	v3 =	vand.u32 $0x7, v3  }
0x365: {  	v3 =	vor.u32 v3, v4  }
0x366: {  	v4 =	vperm.xlane v3, v0;
	_ =	sdelay $0x1  }
0x367: {  	v4 =	vadd.s32 v1, v4;
	_ =	sdelay $0x1  }
0x368: {  	v3 =	vperm.xlane v3, v2;
	_ =	sdelay $0x1  }
0x369: {  	s11 =	simm.s32 $0x3400;
	v3 =	vadd.s32 v1, v3  }
0x36a: {  	[hbm4b:s2+s3] =	stream.indirect_vreg.scatter [tilespmem:s11], [sflag:$0x2], $0x80, v4, vm0, $0xb8;
	[tilespmem:$0x18400] =	vst v63  }
0x36b: {  	s12 =	simm.s32 $0x3C00  }
0x36c: {  	[hbm4b:s5+s3] =	stream.indirect_vreg.scatter [tilespmem:s12], [sflag:$0x2], $0x80, v4, vm1, $0xb8;
	[tilespmem:$0x18400] =	vst v63  }
0x36d: {  	s13 =	simm.s32 $0x4000  }
0x36e: {  	[hbm4b:s2+s3] =	stream.indirect_vreg.scatter [tilespmem:s13], [sflag:$0x2], $0x80, v3, vm0, $0xb8;
	[tilespmem:$0x18400] =	vst v63  }
0x36f: {  	s13 =	simm.s32 $0x4800  }
0x370: {  	[hbm4b:s5+s3] =	stream.indirect_vreg.scatter [tilespmem:s13], [sflag:$0x2], $0x80, v3, vm1, $0xb8;
	[tilespmem:$0x18400] =	vst v63  }
0x371: {  	v3 =	vld [tilespmem:$0x330];
	_ =	sdelay $0x4  }
0x372: {  	v51 =	vshrl.u32 v3, $0x3  }
0x373: {  	v4 =	vmul.u32 $0x18, v51  }
0x374: {  	v3 =	vand.u32 $0x7, v3  }
0x375: {  	v3 =	vor.u32 v3, v4  }
0x376: {  	v4 =	vperm.xlane v3, v0;
	_ =	sdelay $0x1  }
0x377: {  	v4 =	vadd.s32 v1, v4;
	_ =	sdelay $0x1  }
0x378: {  	v3 =	vperm.xlane v3, v2;
	_ =	sdelay $0x1  }
0x379: {  	s14 =	simm.s32 $0x4C00;
	v3 =	vadd.s32 v1, v3  }
0x37a: {  	[hbm4b:s2+s3] =	stream.indirect_vreg.scatter [tilespmem:s14], [sflag:$0x2], $0x80, v4, vm0, $0xb8;
	[tilespmem:$0x18400] =	vst v63  }
0x37b: {  	s15 =	simm.s32 $0x5400  }
0x37c: {  	[hbm4b:s5+s3] =	stream.indirect_vreg.scatter [tilespmem:s15], [sflag:$0x2], $0x80, v4, vm1, $0xb8;
	[tilespmem:$0x18400] =	vst v63  }
0x37d: {  	s16 =	simm.s32 $0x5800  }
0x37e: {  	[hbm4b:s2+s3] =	stream.indirect_vreg.scatter [tilespmem:s16], [sflag:$0x2], $0x80, v3, vm0, $0xb8;
	[tilespmem:$0x18400] =	vst v63  }
0x37f: {  	s14 =	simm.s32 $0x6000  }
0x380: {  	[hbm4b:s5+s3] =	stream.indirect_vreg.scatter [tilespmem:s14], [sflag:$0x2], $0x80, v3, vm1, $0xb8;
	[tilespmem:$0x18400] =	vst v63  }
0x381: {  	v3 =	vld [tilespmem:$0x340];
	_ =	sdelay $0x4  }
0x382: {  	v52 =	vshrl.u32 v3, $0x3  }
0x383: {  	v4 =	vmul.u32 $0x18, v52  }
0x384: {  	v3 =	vand.u32 $0x7, v3  }
0x385: {  	v3 =	vor.u32 v3, v4  }
0x386: {  	v4 =	vperm.xlane v3, v0;
	_ =	sdelay $0x1  }
0x387: {  	v4 =	vadd.s32 v1, v4;
	_ =	sdelay $0x1  }
0x388: {  	v3 =	vperm.xlane v3, v2;
	_ =	sdelay $0x1  }
0x389: {  	s17 =	simm.s32 $0x6400;
	v3 =	vadd.s32 v1, v3  }
0x38a: {  	[hbm4b:s2+s3] =	stream.indirect_vreg.scatter [tilespmem:s17], [sflag:$0x2], $0x80, v4, vm0, $0xb8;
	[tilespmem:$0x18400] =	vst v63  }
0x38b: {  	s18 =	simm.s32 $0x6C00  }
0x38c: {  	[hbm4b:s5+s3] =	stream.indirect_vreg.scatter [tilespmem:s18], [sflag:$0x2], $0x80, v4, vm1, $0xb8;
	[tilespmem:$0x18400] =	vst v63  }
0x38d: {  	s19 =	simm.s32 $0x7000  }
0x38e: {  	[hbm4b:s2+s3] =	stream.indirect_vreg.scatter [tilespmem:s19], [sflag:$0x2], $0x80, v3, vm0, $0xb8;
	[tilespmem:$0x18400] =	vst v63  }
0x38f: {  	s15 =	simm.s32 $0x7800  }
0x390: {  	[hbm4b:s5+s3] =	stream.indirect_vreg.scatter [tilespmem:s15], [sflag:$0x2], $0x80, v3, vm1, $0xb8;
	[tilespmem:$0x18400] =	vst v63  }
0x391: {  	v3 =	vld [tilespmem:$0x350];
	_ =	sdelay $0x4  }
0x392: {  	v53 =	vshrl.u32 v3, $0x3  }
0x393: {  	v4 =	vmul.u32 $0x18, v53  }
0x394: {  	v3 =	vand.u32 $0x7, v3  }
0x395: {  	v3 =	vor.u32 v3, v4  }
0x396: {  	v4 =	vperm.xlane v3, v0;
	_ =	sdelay $0x1  }
0x397: {  	v4 =	vadd.s32 v1, v4;
	_ =	sdelay $0x1  }
0x398: {  	v3 =	vperm.xlane v3, v2;
	_ =	sdelay $0x1  }
0x399: {  	s20 =	simm.s32 $0x7C00;
	v3 =	vadd.s32 v1, v3  }
0x39a: {  	[hbm4b:s2+s3] =	stream.indirect_vreg.scatter [tilespmem:s20], [sflag:$0x2], $0x80, v4, vm0, $0xb8;
	[tilespmem:$0x18400] =	vst v63  }
0x39b: {  	s21 =	simm.s32 $0x8400  }
0x39c: {  	[hbm4b:s5+s3] =	stream.indirect_vreg.scatter [tilespmem:s21], [sflag:$0x2], $0x80, v4, vm1, $0xb8;
	[tilespmem:$0x18400] =	vst v63  }
0x39d: {  	s22 =	simm.s32 $0x8800  }
0x39e: {  	[hbm4b:s2+s3] =	stream.indirect_vreg.scatter [tilespmem:s22], [sflag:$0x2], $0x80, v3, vm0, $0xb8;
	[tilespmem:$0x18400] =	vst v63  }
0x39f: {  	s16 =	simm.s32 $0x9000  }
0x3a0: {  	[hbm4b:s5+s3] =	stream.indirect_vreg.scatter [tilespmem:s16], [sflag:$0x2], $0x80, v3, vm1, $0xb8;
	[tilespmem:$0x18400] =	vst v63  }
0x3a1: {  	v3 =	vld [tilespmem:$0x360];
	_ =	sdelay $0x4  }
0x3a2: {  	v54 =	vshrl.u32 v3, $0x3  }
0x3a3: {  	v4 =	vmul.u32 $0x18, v54  }
0x3a4: {  	v3 =	vand.u32 $0x7, v3  }
0x3a5: {  	v3 =	vor.u32 v3, v4  }
0x3a6: {  	v4 =	vperm.xlane v3, v0;
	_ =	sdelay $0x1  }
0x3a7: {  	v4 =	vadd.s32 v1, v4;
	_ =	sdelay $0x1  }
0x3a8: {  	v3 =	vperm.xlane v3, v2;
	_ =	sdelay $0x1  }
0x3a9: {  	s23 =	simm.s32 $0x9400;
	v3 =	vadd.s32 v1, v3  }
0x3aa: {  	[hbm4b:s2+s3] =	stream.indirect_vreg.scatter [tilespmem:s23], [sflag:$0x2], $0x80, v4, vm0, $0xb8;
	[tilespmem:$0x18400] =	vst v63  }
0x3ab: {  	s28 =	simm.s32 $0x9C00  }
0x3ac: {  	[hbm4b:s5+s3] =	stream.indirect_vreg.scatter [tilespmem:s28], [sflag:$0x2], $0x80, v4, vm1, $0xb8;
	[tilespmem:$0x18400] =	vst v63  }
0x3ad: {  	s29 =	simm.s32 $0xA000  }
0x3ae: {  	[hbm4b:s2+s3] =	stream.indirect_vreg.scatter [tilespmem:s29], [sflag:$0x2], $0x80, v3, vm0, $0xb8;
	[tilespmem:$0x18400] =	vst v63  }
0x3af: {  	s17 =	simm.s32 $0xA800  }
0x3b0: {  	[hbm4b:s5+s3] =	stream.indirect_vreg.scatter [tilespmem:s17], [sflag:$0x2], $0x80, v3, vm1, $0xb8;
	[tilespmem:$0x18400] =	vst v63  }
0x3b1: {  	v3 =	vld [tilespmem:$0x370];
	_ =	sdelay $0x4  }
0x3b2: {  	v55 =	vshrl.u32 v3, $0x3  }
0x3b3: {  	v4 =	vmul.u32 $0x18, v55  }
0x3b4: {  	v3 =	vand.u32 $0x7, v3  }
0x3b5: {  	v3 =	vor.u32 v3, v4  }
0x3b6: {  	v4 =	vperm.xlane v3, v0;
	_ =	sdelay $0x1  }
0x3b7: {  	v4 =	vadd.s32 v1, v4;
	_ =	sdelay $0x1  }
0x3b8: {  	v3 =	vperm.xlane v3, v2;
	_ =	sdelay $0x1  }
0x3b9: {  	s30 =	simm.s32 $0xAC00;
	v3 =	vadd.s32 v1, v3  }
0x3ba: {  	[hbm4b:s2+s3] =	stream.indirect_vreg.scatter [tilespmem:s30], [sflag:$0x2], $0x80, v4, vm0, $0xb8;
	[tilespmem:$0x18400] =	vst v63  }
0x3bb: {  	s31 =	simm.s32 $0xB400  }
0x3bc: {  	[hbm4b:s5+s3] =	stream.indirect_vreg.scatter [tilespmem:s31], [sflag:$0x2], $0x80, v4, vm1, $0xb8;
	[tilespmem:$0x18400] =	vst v63  }
0x3bd: {  	s18 =	simm.s32 $0xB800  }
0x3be: {  	[hbm4b:s2+s3] =	stream.indirect_vreg.scatter [tilespmem:s18], [sflag:$0x2], $0x80, v3, vm0, $0xb8;
	[tilespmem:$0x18400] =	vst v63  }
0x3bf: {  	s19 =	simm.s32 $0xC000  }
0x3c0: {  	[hbm4b:s5+s3] =	stream.indirect_vreg.scatter [tilespmem:s19], [sflag:$0x2], $0x80, v3, vm1, $0xb8;
	[tilespmem:$0x18400] =	vst v63  }
0x3c1: {  	_ =	swait.ge [sflag:s25], $0xC000  }
0x3c2: {  	[sflag:s25] =	ssyncset.done $0x0  }
0x3c3: {  	s20 =	rddreg [dreg:$0xa];
	[sflag:s25] =	ssyncadd.s32 $0xFFFF4000  }
0x3c4: {  	[tilespmem:s1], [sflag:$0x1] =	stream.linear.gather [hbm4b:s20+s3], $0xC000, $0x38;
	[tilespmem:$0x18400] =	vst v63  }
0x3c5: {  	_ =	swait.ge [sflag:s9], $0xC000  }
0x3c6: {  	[sflag:s9] =	ssyncset.done $0x0  }
0x3c7: {  	[sflag:s9] =	ssyncadd.s32 $0xFFFF4000  }
0x3c8: {  	v3 =	vld [tilespmem:$0x380];
	_ =	sdelay $0x4  }
0x3c9: {  	v56 =	vshrl.u32 v3, $0x3  }
0x3ca: {  	v4 =	vmul.u32 $0x18, v56  }
0x3cb: {  	v3 =	vand.u32 $0x7, v3  }
0x3cc: {  	v3 =	vor.u32 v3, v4  }
0x3cd: {  	v4 =	vperm.xlane v3, v0;
	_ =	sdelay $0x1  }
0x3ce: {  	v4 =	vadd.s32 v1, v4;
	_ =	sdelay $0x1  }
0x3cf: {  	v3 =	vperm.xlane v3, v2;
	_ =	sdelay $0x1  }
0x3d0: {  	v3 =	vadd.s32 v1, v3  }
0x3d1: {  	[hbm4b:s2+s3] =	stream.indirect_vreg.scatter [tilespmem:s1], [sflag:$0x3], $0x80, v4, vm0, $0xb8;
	[tilespmem:$0x18400] =	vst v63  }
0x3d2: {  	s21 =	simm.s32 $0xCC00  }
0x3d3: {  	[hbm4b:s5+s3] =	stream.indirect_vreg.scatter [tilespmem:s21], [sflag:$0x3], $0x80, v4, vm1, $0xb8;
	[tilespmem:$0x18400] =	vst v63  }
0x3d4: {  	s22 =	simm.s32 $0xD000  }
0x3d5: {  	[hbm4b:s2+s3] =	stream.indirect_vreg.scatter [tilespmem:s22], [sflag:$0x3], $0x80, v3, vm0, $0xb8;
	[tilespmem:$0x18400] =	vst v63  }
0x3d6: {  	s23 =	simm.s32 $0xD800  }
0x3d7: {  	[hbm4b:s5+s3] =	stream.indirect_vreg.scatter [tilespmem:s23], [sflag:$0x3], $0x80, v3, vm1, $0xb8;
	[tilespmem:$0x18400] =	vst v63  }
0x3d8: {  	v3 =	vld [tilespmem:$0x390];
	_ =	sdelay $0x4  }
0x3d9: {  	v57 =	vshrl.u32 v3, $0x3  }
0x3da: {  	v4 =	vmul.u32 $0x18, v57  }
0x3db: {  	v3 =	vand.u32 $0x7, v3  }
0x3dc: {  	v3 =	vor.u32 v3, v4  }
0x3dd: {  	v4 =	vperm.xlane v3, v0;
	_ =	sdelay $0x1  }
0x3de: {  	v4 =	vadd.s32 v1, v4;
	_ =	sdelay $0x1  }
0x3df: {  	v3 =	vperm.xlane v3, v2;
	_ =	sdelay $0x1  }
0x3e0: {  	s26 =	simm.s32 $0xDC00;
	v3 =	vadd.s32 v1, v3  }
0x3e1: {  	[hbm4b:s2+s3] =	stream.indirect_vreg.scatter [tilespmem:s26], [sflag:$0x3], $0x80, v4, vm0, $0xb8;
	[tilespmem:$0x18400] =	vst v63  }
0x3e2: {  	s28 =	simm.s32 $0xE400  }
0x3e3: {  	[hbm4b:s5+s3] =	stream.indirect_vreg.scatter [tilespmem:s28], [sflag:$0x3], $0x80, v4, vm1, $0xb8;
	[tilespmem:$0x18400] =	vst v63  }
0x3e4: {  	s29 =	simm.s32 $0xE800  }
0x3e5: {  	[hbm4b:s2+s3] =	stream.indirect_vreg.scatter [tilespmem:s29], [sflag:$0x3], $0x80, v3, vm0, $0xb8;
	[tilespmem:$0x18400] =	vst v63  }
0x3e6: {  	s30 =	simm.s32 $0xF000  }
0x3e7: {  	[hbm4b:s5+s3] =	stream.indirect_vreg.scatter [tilespmem:s30], [sflag:$0x3], $0x80, v3, vm1, $0xb8;
	[tilespmem:$0x18400] =	vst v63  }
0x3e8: {  	v3 =	vld [tilespmem:$0x3A0];
	_ =	sdelay $0x4  }
0x3e9: {  	v58 =	vshrl.u32 v3, $0x3  }
0x3ea: {  	v4 =	vmul.u32 $0x18, v58  }
0x3eb: {  	v3 =	vand.u32 $0x7, v3  }
0x3ec: {  	v3 =	vor.u32 v3, v4  }
0x3ed: {  	v4 =	vperm.xlane v3, v0;
	_ =	sdelay $0x1  }
0x3ee: {  	v4 =	vadd.s32 v1, v4;
	_ =	sdelay $0x1  }
0x3ef: {  	v3 =	vperm.xlane v3, v2;
	_ =	sdelay $0x1  }
0x3f0: {  	s31 =	simm.s32 $0xF400;
	v3 =	vadd.s32 v1, v3  }
0x3f1: {  	[hbm4b:s2+s3] =	stream.indirect_vreg.scatter [tilespmem:s31], [sflag:$0x3], $0x80, v4, vm0, $0xb8;
	[tilespmem:$0x18400] =	vst v63  }
0x3f2: {  	s1 =	simm.s32 $0xFC00  }
0x3f3: {  	[hbm4b:s5+s3] =	stream.indirect_vreg.scatter [tilespmem:s1], [sflag:$0x3], $0x80, v4, vm1, $0xb8;
	[tilespmem:$0x18400] =	vst v63  }
0x3f4: {  	s4 =	simm.s32 $0x10000  }
0x3f5: {  	[hbm4b:s2+s3] =	stream.indirect_vreg.scatter [tilespmem:s4], [sflag:$0x3], $0x80, v3, vm0, $0xb8;
	[tilespmem:$0x18400] =	vst v63  }
0x3f6: {  	s7 =	simm.s32 $0x10800  }
0x3f7: {  	[hbm4b:s5+s3] =	stream.indirect_vreg.scatter [tilespmem:s7], [sflag:$0x3], $0x80, v3, vm1, $0xb8;
	[tilespmem:$0x18400] =	vst v63  }
0x3f8: {  	v3 =	vld [tilespmem:$0x3B0];
	_ =	sdelay $0x4  }
0x3f9: {  	v59 =	vshrl.u32 v3, $0x3  }
0x3fa: {  	v4 =	vmul.u32 $0x18, v59  }
0x3fb: {  	v3 =	vand.u32 $0x7, v3  }
0x3fc: {  	v3 =	vor.u32 v3, v4  }
0x3fd: {  	v4 =	vperm.xlane v3, v0;
	_ =	sdelay $0x1  }
0x3fe: {  	v4 =	vadd.s32 v1, v4;
	_ =	sdelay $0x1  }
0x3ff: {  	v3 =	vperm.xlane v3, v2;
	_ =	sdelay $0x1  }
0x400: {  	s8 =	simm.s32 $0x10C00;
	v3 =	vadd.s32 v1, v3  }
0x401: {  	[hbm4b:s2+s3] =	stream.indirect_vreg.scatter [tilespmem:s8], [sflag:$0x3], $0x80, v4, vm0, $0xb8;
	[tilespmem:$0x18400] =	vst v63  }
0x402: {  	s10 =	simm.s32 $0x11400  }
0x403: {  	[hbm4b:s5+s3] =	stream.indirect_vreg.scatter [tilespmem:s10], [sflag:$0x3], $0x80, v4, vm1, $0xb8;
	[tilespmem:$0x18400] =	vst v63  }
0x404: {  	s11 =	simm.s32 $0x11800  }
0x405: {  	[hbm4b:s2+s3] =	stream.indirect_vreg.scatter [tilespmem:s11], [sflag:$0x3], $0x80, v3, vm0, $0xb8;
	[tilespmem:$0x18400] =	vst v63  }
0x406: {  	s12 =	simm.s32 $0x12000  }
0x407: {  	[hbm4b:s5+s3] =	stream.indirect_vreg.scatter [tilespmem:s12], [sflag:$0x3], $0x80, v3, vm1, $0xb8;
	[tilespmem:$0x18400] =	vst v63  }
0x408: {  	v3 =	vld [tilespmem:$0x3C0];
	_ =	sdelay $0x4  }
0x409: {  	v60 =	vshrl.u32 v3, $0x3  }
0x40a: {  	v4 =	vmul.u32 $0x18, v60  }
0x40b: {  	v3 =	vand.u32 $0x7, v3  }
0x40c: {  	v3 =	vor.u32 v3, v4  }
0x40d: {  	v4 =	vperm.xlane v3, v0;
	_ =	sdelay $0x1  }
0x40e: {  	v4 =	vadd.s32 v1, v4;
	_ =	sdelay $0x1  }
0x40f: {  	v3 =	vperm.xlane v3, v2;
	_ =	sdelay $0x1  }
0x410: {  	s13 =	simm.s32 $0x12400;
	v3 =	vadd.s32 v1, v3  }
0x411: {  	[hbm4b:s2+s3] =	stream.indirect_vreg.scatter [tilespmem:s13], [sflag:$0x3], $0x80, v4, vm0, $0xb8;
	[tilespmem:$0x18400] =	vst v63  }
0x412: {  	s14 =	simm.s32 $0x12C00  }
0x413: {  	[hbm4b:s5+s3] =	stream.indirect_vreg.scatter [tilespmem:s14], [sflag:$0x3], $0x80, v4, vm1, $0xb8;
	[tilespmem:$0x18400] =	vst v63  }
0x414: {  	s15 =	simm.s32 $0x13000  }
0x415: {  	[hbm4b:s2+s3] =	stream.indirect_vreg.scatter [tilespmem:s15], [sflag:$0x3], $0x80, v3, vm0, $0xb8;
	[tilespmem:$0x18400] =	vst v63  }
0x416: {  	s16 =	simm.s32 $0x13800  }
0x417: {  	[hbm4b:s5+s3] =	stream.indirect_vreg.scatter [tilespmem:s16], [sflag:$0x3], $0x80, v3, vm1, $0xb8;
	[tilespmem:$0x18400] =	vst v63  }
0x418: {  	v3 =	vld [tilespmem:$0x3D0];
	_ =	sdelay $0x4  }
0x419: {  	v61 =	vshrl.u32 v3, $0x3  }
0x41a: {  	v4 =	vmul.u32 $0x18, v61  }
0x41b: {  	v3 =	vand.u32 $0x7, v3  }
0x41c: {  	v3 =	vor.u32 v3, v4  }
0x41d: {  	v4 =	vperm.xlane v3, v0;
	_ =	sdelay $0x1  }
0x41e: {  	v4 =	vadd.s32 v1, v4;
	_ =	sdelay $0x1  }
0x41f: {  	v3 =	vperm.xlane v3, v2;
	_ =	sdelay $0x1  }
0x420: {  	s17 =	simm.s32 $0x13C00;
	v3 =	vadd.s32 v1, v3  }
0x421: {  	[hbm4b:s2+s3] =	stream.indirect_vreg.scatter [tilespmem:s17], [sflag:$0x3], $0x80, v4, vm0, $0xb8;
	[tilespmem:$0x18400] =	vst v63  }
0x422: {  	s18 =	simm.s32 $0x14400  }
0x423: {  	[hbm4b:s5+s3] =	stream.indirect_vreg.scatter [tilespmem:s18], [sflag:$0x3], $0x80, v4, vm1, $0xb8;
	[tilespmem:$0x18400] =	vst v63  }
0x424: {  	s19 =	simm.s32 $0x14800  }
0x425: {  	[hbm4b:s2+s3] =	stream.indirect_vreg.scatter [tilespmem:s19], [sflag:$0x3], $0x80, v3, vm0, $0xb8;
	[tilespmem:$0x18400] =	vst v63  }
0x426: {  	s20 =	simm.s32 $0x15000  }
0x427: {  	[hbm4b:s5+s3] =	stream.indirect_vreg.scatter [tilespmem:s20], [sflag:$0x3], $0x80, v3, vm1, $0xb8;
	[tilespmem:$0x18400] =	vst v63  }
0x428: {  	v3 =	vld [tilespmem:$0x3E0];
	_ =	sdelay $0x4  }
0x429: {  	v62 =	vshrl.u32 v3, $0x3  }
0x42a: {  	v4 =	vmul.u32 $0x18, v62  }
0x42b: {  	v3 =	vand.u32 $0x7, v3  }
0x42c: {  	v3 =	vor.u32 v3, v4  }
0x42d: {  	v4 =	vperm.xlane v3, v0;
	_ =	sdelay $0x1  }
0x42e: {  	v4 =	vadd.s32 v1, v4;
	_ =	sdelay $0x1  }
0x42f: {  	v3 =	vperm.xlane v3, v2;
	_ =	sdelay $0x1  }
0x430: {  	s21 =	simm.s32 $0x15400;
	v3 =	vadd.s32 v1, v3  }
0x431: {  	[hbm4b:s2+s3] =	stream.indirect_vreg.scatter [tilespmem:s21], [sflag:$0x3], $0x80, v4, vm0, $0xb8;
	[tilespmem:$0x18400] =	vst v63  }
0x432: {  	s22 =	simm.s32 $0x15C00  }
0x433: {  	[hbm4b:s5+s3] =	stream.indirect_vreg.scatter [tilespmem:s22], [sflag:$0x3], $0x80, v4, vm1, $0xb8;
	[tilespmem:$0x18400] =	vst v63  }
0x434: {  	s23 =	simm.s32 $0x16000  }
0x435: {  	[hbm4b:s2+s3] =	stream.indirect_vreg.scatter [tilespmem:s23], [sflag:$0x3], $0x80, v3, vm0, $0xb8;
	[tilespmem:$0x18400] =	vst v63  }
0x436: {  	s26 =	simm.s32 $0x16800  }
0x437: {  	[hbm4b:s5+s3] =	stream.indirect_vreg.scatter [tilespmem:s26], [sflag:$0x3], $0x80, v3, vm1, $0xb8;
	[tilespmem:$0x18400] =	vst v63  }
0x438: {  	v3 =	vld [tilespmem:$0x3F0];
	_ =	sdelay $0x4  }
0x439: {  	v63 =	vshrl.u32 v3, $0x3  }
0x43a: {  	v4 =	vmul.u32 $0x18, v63  }
0x43b: {  	v3 =	vand.u32 $0x7, v3  }
0x43c: {  	v3 =	vor.u32 v3, v4  }
0x43d: {  	v4 =	vperm.xlane v3, v0;
	_ =	sdelay $0x1  }
0x43e: {  	v4 =	vadd.s32 v1, v4;
	_ =	sdelay $0x1  }
0x43f: {  	v3 =	vperm.xlane v3, v2;
	_ =	sdelay $0x1  }
0x440: {  	s28 =	simm.s32 $0x16C00;
	v3 =	vadd.s32 v1, v3  }
0x441: {  	[hbm4b:s2+s3] =	stream.indirect_vreg.scatter [tilespmem:s28], [sflag:$0x3], $0x80, v4, vm0, $0xb8;
	[tilespmem:$0x18400] =	vst v63  }
0x442: {  	s29 =	simm.s32 $0x17400  }
0x443: {  	[hbm4b:s5+s3] =	stream.indirect_vreg.scatter [tilespmem:s29], [sflag:$0x3], $0x80, v4, vm1, $0xb8;
	[tilespmem:$0x18400] =	vst v63  }
0x444: {  	s30 =	simm.s32 $0x17800  }
0x445: {  	[hbm4b:s2+s3] =	stream.indirect_vreg.scatter [tilespmem:s30], [sflag:$0x3], $0x80, v3, vm0, $0xb8;
	[tilespmem:$0x18400] =	vst v63  }
0x446: {  	s31 =	simm.s32 $0x18000  }
0x447: {  	[hbm4b:s5+s3] =	stream.indirect_vreg.scatter [tilespmem:s31], [sflag:$0x3], $0x80, v3, vm1, $0xb8;
	[tilespmem:$0x18400] =	vst v63  }
0x448: {  	p0 =	sne.s32 s6, $0x1;
	_ =	swait.ge [sflag:s24], $0xC000  }
.Ltmp0:
0x449: {  	[sflag:s24] =	ssyncset.done $0x0;
	(pc) =	sbr.rel @p0 .LBB2_1-.Ltmp0, $4  }
0x44a: {  	[sflag:s24] =	ssyncadd.s32 $0xFFFF4000  }
0x44b: {  	_ =	swait.ge [sflag:s25], $0xC000  }
0x44c: {  	[sflag:s25] =	ssyncset.done $0x0  }
0x44d: {  	s6 =	sadd.s32 $0xFFFFFFFF, s6;
	[sflag:s25] =	ssyncadd.s32 $0xFFFF4000  }
0x44e: {  	_ =	sfence.sel $0x180000  }
0x44f: {  	[bflag:$0x0] =	sbarrier.arrive $0xFFFF  }
0x450: {  	_ =	strace $0x90000047  }
0x451: {  	s0 =	stileid.u32;
	[bflag:$0x2] =	sbarrier.arrive $0xFFFF  }
0x452: {  	p0 =	sne.s32 s0, $0x0;
	s0 =	rddreg [dreg:$0x2]  }
0x453: {  	s0 =	sadd.s32 @!p0 $0x100000, s0  }
0x454: {  	[sflag:s0] =	ssyncadd.tile.s32 @!p0 $0x1;
	_ =	shalt  }
.Lfunc_end2:
_tile_overlayer_lowered:
.L_overlay_start_2:
0x455: {  	(tag) =	ssettag $0x2  }
0x456: {  	s0 =	rddreg [dreg:$0x0];
	s2 =	stileid.u32  }
0x457: {  	s1 =	rddreg [dreg:$0x1];
	p0 =	sne.s32 s2, $0x0  }
0x458: {  	s3 =	rddreg [dreg:$0x2];
	[bflag:$0x3] =	sbarrier.arrive $0xFFFF;
	s2 =	simm.s32 @!p0 $0x1C04  }
0x459: {  	[timem:s3], [sflag:s2] =	dma.local @!p0 [hbm:s0], s1  }
0x45a: {  	s0 =	simm.s32 @!p0 $0x4  }
0x45b: {  	_ =	swait.ge @!p0 [sflag:s0], s1  }
0x45c: {  	s1 =	ssub.s32 @!p0 $0x0, s1;
	[sflag:s0] =	ssyncset.done @!p0 $0x0  }
0x45d: {  	[sflag:s0] =	ssyncadd.s32 @!p0 s1  }
0x45e: {  	[bflag:$0x3] =	sbarrier.arrive $0xFFFF  }
0x45f: {  	_ =	shalt  }

// kernel: kernel.9.cloned.1.call-start
scs
__scs_entry_jumppad:
0x0: {  	(pc) =	sbr.rel $0x88, $3  }
0x1: {  	(tag) =	ssettag $0x0;
	lr =	simm.s32 $0x1  }
0x2: {  	[smem:$0x3F9D] =	sst lr;
	_ =	strace $0xD0000000  }
0x3: {  	_ = 	snop  }
0x4: {  	_ = 	snop  }
0x5: {  	_ = 	snop  }
0x6: {  	_ = 	snop  }
0x7: {  	_ = 	snop  }
__scs_overlays_trampoline_lowered:
0x8: {  	[smem:$0x3FAC] =	sst s0  }
0x9: {  	[smem:$0x3FAD] =	sst s1  }
0xa: {  	[smem:$0x3FAE] =	sst s2  }
0xb: {  	[smem:$0x3FAF] =	sst s3  }
0xc: {  	[smem:$0x3FB0] =	sst s4  }
0xd: {  	[smem:$0x3FB1] =	sst s5  }
0xe: {  	[smem:$0x3FB2] =	sst s6  }
0xf: {  	[smem:$0x3FB3] =	sst s7  }
0x10: {  	[smem:$0x3FB4] =	sst s8  }
0x11: {  	[smem:$0x3FB5] =	sst s9;
	s0 =	simm.s32 @!p0 $0x0  }
0x12: {  	s1 =	sld [smem:$0x3F9B];
	s0 =	simm.s32 @p0 $0x1  }
0x13: {  	[smem:$0x3FB6] =	sst s0;
	s0 =	simm.s32 @!p1 $0x0  }
0x14: {  	s2 =	sld [smem:$0x3F9A];
	s0 =	simm.s32 @p1 $0x1  }
0x15: {  	[smem:$0x3FB7] =	sst s0;
	s0 =	simm.s32 @!p2 $0x0  }
0x16: {  	s3 =	sld [smem:$0x3FDB];
	s0 =	simm.s32 @p2 $0x1  }
0x17: {  	s4 =	simm.s32 $0x1BF5;
	[smem:$0x3FB9] =	sst s0  }
0x18: {  	s0 =	sld [smem:$0x3F9C];
	_ =	swait.ge [sflag:s4], $0x0  }
0x19: {  	s7 =	sld [smem:$0x3F9D]  }
0x1a: {  	s8 =	sadd.s32 $0xFFFFE003, lr  }
0x1b: {  	s9 =	sadd.s32 $0xFFFFFEF7, lr;
	s5 =	simm.s32 $0xFFFFFFFF;
	p2 =	slt.u32 s8, $0xFFFFF086  }
0x1c: {  	p1 =	slt.u32 s9, $0xF7A;
	s5 =	simm.s32 @!p2 $0x0  }
0x1d: {  	s5 =	simm.s32 @p1 $0x1;
	p0 =	seq.s32 s7, s2  }
0x1e: {  	s7 =	smul.u32 @!p0 $0xF7A, s2;
	p2 =	seq.s32 @!p0 s5, $0x0  }
0x1f: {  	s9 =	smul.u32 $0xF7A, s1;
	s8 =	simm.s32 @!p0 $0x1BF5;
	p2 =	por !p2, p0  }
0x20: {  	[sflag:s8] =	ssyncset.s32 @!p0 $0xFFFFF086;
	s6 =	sadd.s32 @!p0 s3, s7;
	s7 =	simm.s32 @!p0 $0x108  }
0x21: {  	s3 =	sadd.s32 s3, s9;
	s6 =	sadd.s32 @!p0 $0x88, s6;
	s7 =	simm.s32 @p2 $0x1082  }
0x22: {  	[simem:s7], [sflag:s8] =	dma.local @!p0 [hbm:s6], $0xF7A  }
0x23: {  	s9 =	sor.u32 $0xD0000000, s2;
	s6 =	simm.s32 $0x108;
	_ =	swait.ge @!p0 [sflag:s8], $0x0  }
0x24: {  	s3 =	sadd.s32 $0x88, s3;
	s6 =	simm.s32 @!p1 $0x1082;
	[sflag:s4] =	ssyncset.s32 $0xFFFFF086  }
0x25: {  	[simem:s6], [sflag:s4] =	dma.local [hbm:s3], $0xF7A  }
0x26: {  	[smem:$0x3F9D] =	sst s1;
	(tag) =	ssettag s2;
	_ =	strace s9  }
0x27: {  	s1 =	sld [smem:$0x3FAD]  }
0x28: {  	s2 =	sld [smem:$0x3FAE]  }
0x29: {  	s4 =	sld [smem:$0x3FB0]  }
0x2a: {  	p0 =	seq.s32 s5, $0x0;
	s5 =	sld [smem:$0x3FB1]  }
0x2b: {  	s6 =	sld [smem:$0x3FB2]  }
0x2c: {  	s7 =	sld [smem:$0x3FB3]  }
0x2d: {  	s3 =	simm.s32 $0x108;
	s8 =	sld [smem:$0x3FB4]  }
0x2e: {  	s3 =	simm.s32 @!p0 $0x1082;
	s9 =	sld [smem:$0x3FB5]  }
0x2f: {  	lr =	sadd.s32 s0, s3;
	s0 =	sld [smem:$0x3FAC]  }
0x30: {  	s3 =	sld [smem:$0x3FAF]  }
0x31: {  	[smem:$0x3FB8] =	sst s10  }
0x32: {  	s10 =	sld [smem:$0x3FB6];
	_ =	sdelay $0x3  }
0x33: {  	p0 =	seq.s32 s10, $0x1;
	s10 =	sld [smem:$0x3FB8];
	_ =	sdelay $0x3  }
0x34: {  	[smem:$0x3FB8] =	sst s10  }
0x35: {  	s10 =	sld [smem:$0x3FB7];
	_ =	sdelay $0x3  }
0x36: {  	p1 =	seq.s32 s10, $0x1;
	s10 =	sld [smem:$0x3FB8];
	_ =	sdelay $0x3  }
0x37: {  	[smem:$0x3FB8] =	sst s10  }
0x38: {  	s10 =	sld [smem:$0x3FB9]  }
0x39: {  	_ = 	snop;
	(pc) =	sbr.ind lr, $3  }
0x3a: {  	_ = 	snop  }
0x3b: {  	_ = 	snop  }
0x3c: {  	p2 =	seq.s32 s10, $0x1;
	s10 =	sld [smem:$0x3FB8]  }
0x3d: {  	_ =	shalt  }
0x3e: {  	_ =	shalt  }
0x3f: {  	_ =	shalt  }
0x40: {  	_ =	shalt  }
0x41: {  	_ =	shalt  }
0x42: {  	_ =	shalt  }
0x43: {  	_ =	shalt  }
0x44: {  	_ =	shalt  }
0x45: {  	_ =	shalt  }
0x46: {  	_ =	shalt  }
0x47: {  	_ =	shalt  }
0x48: {  	_ =	shalt  }
0x49: {  	_ =	shalt  }
0x4a: {  	_ =	shalt  }
0x4b: {  	_ =	shalt  }
0x4c: {  	_ =	shalt  }
0x4d: {  	_ =	shalt  }
0x4e: {  	_ =	shalt  }
0x4f: {  	_ =	shalt  }
0x50: {  	_ =	shalt  }
0x51: {  	_ =	shalt  }
0x52: {  	_ =	shalt  }
0x53: {  	_ =	shalt  }
0x54: {  	_ =	shalt  }
0x55: {  	_ =	shalt  }
0x56: {  	_ =	shalt  }
0x57: {  	_ =	shalt  }
0x58: {  	_ =	shalt  }
0x59: {  	_ =	shalt  }
0x5a: {  	_ =	shalt  }
0x5b: {  	_ =	shalt  }
0x5c: {  	_ =	shalt  }
0x5d: {  	_ =	shalt  }
0x5e: {  	_ =	shalt  }
0x5f: {  	_ =	shalt  }
0x60: {  	_ =	shalt  }
0x61: {  	_ =	shalt  }
0x62: {  	_ =	shalt  }
0x63: {  	_ =	shalt  }
0x64: {  	_ =	shalt  }
0x65: {  	_ =	shalt  }
0x66: {  	_ =	shalt  }
0x67: {  	_ =	shalt  }
0x68: {  	_ =	shalt  }
0x69: {  	_ =	shalt  }
0x6a: {  	_ =	shalt  }
0x6b: {  	_ =	shalt  }
0x6c: {  	_ =	shalt  }
0x6d: {  	_ =	shalt  }
0x6e: {  	_ =	shalt  }
0x6f: {  	_ =	shalt  }
0x70: {  	_ =	shalt  }
0x71: {  	_ =	shalt  }
0x72: {  	_ =	shalt  }
0x73: {  	_ =	shalt  }
0x74: {  	_ =	shalt  }
0x75: {  	_ =	shalt  }
0x76: {  	_ =	shalt  }
0x77: {  	_ =	shalt  }
0x78: {  	_ =	shalt  }
0x79: {  	_ =	shalt  }
0x7a: {  	_ =	shalt  }
0x7b: {  	_ =	shalt  }
0x7c: {  	_ =	shalt  }
0x7d: {  	_ =	shalt  }
0x7e: {  	_ =	shalt  }
0x7f: {  	_ =	shalt  }
0x80: {  	_ =	shalt  }
0x81: {  	_ =	shalt  }
0x82: {  	_ =	shalt  }
0x83: {  	_ =	shalt  }
0x84: {  	_ =	shalt  }
0x85: {  	_ =	shalt  }
0x86: {  	_ =	shalt  }
0x87: {  	_ =	shalt  }
.Lfunc_end0:
.L_simem_size_0:
called_computation.1_lowered:
.L_overlay_start_0:
0x88: {  	s2 =	sld [smem:$0x3FD9]  }
0x89: {  	s3 =	sld [smem:$0x3FFE];
	_ =	sdelay $0x1  }
0x8a: {  	s1 =	srdreg.scid  }
0x8b: {  	s0 =	sand.u32 $0x1, s1  }
0x8c: {  	s14 =	sshll.u32 s0, $0xA;
	s2 =	sadd.s32 s3, s2  }
0x8d: {  	s2 =	sadd.s32 s2, s14  }
0x8e: {  	[smem:$0x3FC4] =	sst s2  }
0x8f: {  	_ = 	snop  }
0x90: {  	s2 =	sld [smem:$0x3FD0];
	_ =	sdelay $0x2  }
0x91: {  	s15 =	simm.s32 $0xA;
	s4 =	simm.s32 $0x10  }
0x92: {  	[smem:s4], [sflag:s15] =	dma.local [hbm:s2], $0x1  }
0x93: {  	_ =	swait.eq [sflag:s15], $0x1  }
0x94: {  	[sflag:s15] =	ssyncset.done $0x0  }
0x95: {  	[sflag:s15] =	ssyncadd.s32 $0xFFFFFFFF  }
0x96: {  	s16 =	sld [smem:$0x10];
	(tm) =	ssettm $0x1  }
0x97: {  	s17 =	sld [smem:$0x3FFB];
	_ =	sdelay $0x3  }
0x98: {  	_ =	strace s17  }
0x99: {  	s3 =	sld [smem:$0x3FFC];
	_ =	sdelay $0x3  }
0x9a: {  	_ =	strace s3  }
0x9b: {  	s3 =	sld [smem:$0x3FFD];
	_ =	sdelay $0x3  }
0x9c: {  	_ =	strace s3  }
0x9d: {  	_ =	strace $0x8FFFFFFF  }
0x9e: {  	s18 =	sld [smem:$0x3FDB];
	_ =	sdelay $0x1  }
0x9f: {  	s19 =	simm.s32 $_scs_section_size  }
0xa0: {  	s5 =	simm.s32 $_size__tile_overlayer_lowered;
	s6 =	simm.s32 $_tile_overlayer_lowered  }
0xa1: {  	s22 =	simm.s32 $0x1BFF;
	s21 =	sshll.u32 s6, $0x1;
	s3 =	sadd.s32 s19, s18  }
0xa2: {  	s7 =	simm.s32 $0x0;
	s20 =	sshll.u32 s5, $0x1;
	s5 =	sadd.s32 s21, s3  }
0xa3: {  	[timem:s7], [sflag:s22] =	dma.local [hbm:s5], s20  }
0xa4: {  	_ =	swait.ge [sflag:s22], s20  }
0xa5: {  	s4 =	ssub.s32 $0x0, s20;
	[sflag:s22] =	ssyncset.done $0x0  }
0xa6: {  	[sflag:s22] =	ssyncadd.s32 s4;
	_ =	sdelay $0x1  }
0xa7: {  	s23 =	simm.s32 $0x1B8B  }
0xa8: {  	_ =	swait.ge [sflag:s23], $0x1  }
0xa9: {  	[sflag:s23] =	ssyncset.done $0x0  }
0xaa: {  	s25 =	simm.s32 $0x1B8E;
	s24 =	sld [smem:$0x3FFE];
	[sflag:s23] =	ssyncadd.s32 $0xFFFFFFFF  }
0xab: {  	s26 =	simm.s32 $execute0_lowered;
	[smem:$0x3FD2] =	sst s25  }
0xac: {  	s5 =	sshll.u32 s26, $0x1;
	_ =	strace $0x80000049;
	[dreg:$0x1] =	wrdreg $0xFFFFFFFF  }
0xad: {  	s28 =	simm.s32 $_size_execute0_lowered;
	s3 =	sadd.s32 s3, s5;
	[dreg:$0x0] =	wrdreg $0x0  }
0xae: {  	s5 =	sshll.u32 s28, $0x1;
	[dreg:$0x2] =	wrdreg s3  }
0xaf: {  	[dreg:$0x3] =	wrdreg s5  }
0xb0: {  	[dreg:$0x4] =	wrdreg $0xC0  }
0xb1: {  	_ =	task [dreg:s7], $0x5FFFF  }
0xb2: {  	[dreg:$0x1] =	wrdreg $0xFFFFFFFF  }
0xb3: {  	[dreg:$0x0] =	wrdreg $0x60  }
0xb4: {  	[dreg:$0x2] =	wrdreg s24  }
0xb5: {  	[dreg:$0x3] =	wrdreg s16  }
0xb6: {  	[dreg:$0x4] =	wrdreg $0x9  }
0xb7: {  	_ =	task.clear_ibuf [dreg:s7], $0x5FFFF;
	_ =	strace $0x90000049  }
0xb8: {  	s29 =	simm.s32 $0x9;
	_ =	strace $0x8000004B  }
0xb9: {  	_ =	swait.ge [sflag:s29], $0x1  }
0xba: {  	[sflag:s29] =	ssyncadd.s32 $0xFFFFFFFF  }
0xbb: {  	_ =	strace $0x9000004B  }
0xbc: {  	_ =	sfence  }
0xbd: {  	s30 =	sld [smem:$0x0];
	_ =	sdelay $0x2  }
0xbe: {  	s31 =	sshll.u32 s1, $0xD;
	s1 =	sshrl.u32 s1, $0x2  }
0xbf: {  	s3 =	sand.u32 $0x4000, s31;
	s1 =	sadd.s32 s1, s30  }
0xc0: {  	s0 =	sor.u32 s3, s0;
	s1 =	sshll.u32 s1, $0x11  }
0xc1: {  	s0 =	sor.u32 s1, s0  }
0xc2: {  	s0 =	sadd.s32 $0x8F2B, s0  }
0xc3: {  	[sflag:s0] =	ssyncadd.remote.s32 $0x1  }
0xc4: {  	_ =	sfence.sel $0xFFFF  }
0xc5: {  	[dreg:$0x0] =	wrdreg $0xFFFFFFFF;
	(pc) =	sbr.abs _section_cstart, $3  }
0xc6: {  	[dreg:$0x1] =	wrdreg $0xFFFFFFFF  }
0xc7: {  	_ =	task.clear_ibuf [dreg:s7], $0x2FFFF;
	_ =	strace $0x9FFFFFFF  }
0xc8: {  	(tm) =	ssettm $0x7FFFFFFF  }
0xc9: {  	_ =	shalt  }
tec
execute0_lowered:
.L_overlay_start_1:
0x0: {  	(tag) =	ssettag $0x1  }
0x1: {  	s1 =	srdreg.scid;
	s2 =	stileid.u32  }
0x2: {  	s1 =	sand.u32 $0x1, s1;
	s2 =	sshll.u32 s2, $0x1  }
0x3: {  	s0 =	rddreg [dreg:$0x0];
	s4 =	sor.u32 s1, s2  }
0x4: {  	s3 =	rddreg [dreg:$0x1];
	s5 =	sshll.u32 s4, $0x8  }
0x5: {  	s2 =	simm.s32 $0x0;
	s6 =	smul.u32 $0x18000, s4;
	s5 =	sadd.s32 s5, s0  }
0x6: {  	[smem:$0x7FF] =	sst s2;
	s5 =	sadd.s32 $0x181600, s5  }
0x7: {  	_ =	strace $0x8000004A;
	s6 =	sadd.s32 s3, s6;
	[dreg:$0x3] =	wrdreg s5  }
0x8: {  	s17 =	sadd.s32 $0x1800, s6;
	[dreg:$0x13] =	wrdreg s6  }
0x9: {  	s4 =	smul.u32 $0xC0000, s4;
	s18 =	sadd.s32 $0x3000, s6;
	[dreg:$0x4] =	wrdreg s17  }
0xa: {  	s19 =	sadd.s32 $0x4800, s6;
	[dreg:$0x5] =	wrdreg s18  }
0xb: {  	s4 =	sshrl.u32 s4, $0x3;
	s20 =	sadd.s32 $0x6000, s6;
	[dreg:$0x6] =	wrdreg s19  }
0xc: {  	s21 =	sadd.s32 $0x7800, s6;
	s3 =	sadd.s32 s3, s4;
	[dreg:$0x7] =	wrdreg s20  }
0xd: {  	s14 =	simm.s32 $0x800;
	[dreg:$0x8] =	wrdreg s21;
	s4 =	sadd.s32 $0x9000, s3  }
0xe: {  	s8 =	simm.s32 $0xC800;
	s22 =	sadd.s32 $0xA800, s3;
	[dreg:$0x9] =	wrdreg s4  }
0xf: {  	s10 =	simm.s32 $0x2;
	s23 =	sadd.s32 $0xC000, s3;
	[dreg:$0xa] =	wrdreg s22  }
0x10: {  	s11 =	simm.s32 $0x3;
	s24 =	sadd.s32 $0xD800, s3;
	[dreg:$0xb] =	wrdreg s23  }
0x11: {  	s1 =	ssub.s32 $0x2, s1;
	s25 =	sadd.s32 $0xF000, s3;
	[dreg:$0xc] =	wrdreg s24  }
0x12: {  	s28 =	sshrl.u32 s1, $0x1;
	s26 =	sadd.s32 $0x10800, s3;
	[dreg:$0xd] =	wrdreg s25  }
0x13: {  	s1 =	ssub.s32 s1, s28;
	s29 =	sadd.s32 $0x12000, s3;
	[dreg:$0xe] =	wrdreg s26  }
0x14: {  	s5 =	sadd.s32 $0x183700, s0;
	s30 =	sadd.s32 $0x13800, s3;
	[dreg:$0xf] =	wrdreg s29  }
0x15: {  	v2 =	vlaneseq.u32;
	s6 =	sadd.s32 $0x183800, s0;
	s7 =	sadd.s32 $0x15000, s3;
	[dreg:$0x10] =	wrdreg s30  }
0x16: {  	vm0 =	vmmov $0xffff;
	v1 =	vshrl.u32 v2, $0x3;
	s31 =	sadd.s32 $0x16800, s3;
	s3 =	simm.s32 $0x1;
	[dreg:$0x11] =	wrdreg s7  }
0x17: {  	v0 =	vand.u32 $0x7, v2;
	v2 =	vor.u32 $0x8, v2;
	v1 =	vmul.u32 $0x8, v1;
	s4 =	sadd.s32 $0x183600, s0;
	[dreg:$0x12] =	wrdreg s31;
	s0 =	smax.u32 s1, $0x1  }
.LBB2_1:
0x18: {  	[dreg:$0x14] =	wrdreg s0  }
0x19: {  	s12 =	rddreg [dreg:$0x3];
	s18 =	simm.s32 $0x4  }
0x1a: {  	[tilespmem:s2], [sflag:$0x4] =	stream.linear.gather [hbm4b:s12+s2], $0x800, $0x38;
	[tilespmem:$0x18800] =	vst v63  }
0x1b: {  	_ =	swait.ge [sflag:s18], $0x800  }
0x1c: {  	[sflag:s18] =	ssyncset.done $0x0  }
0x1d: {  	[sflag:s18] =	ssyncadd.s32 $0xFFFFF800  }
0x1e: {  	v3 =	vld [tilespmem:$0x0];
	_ =	sdelay $0x4  }
0x1f: {  	v4 =	vshrl.u32 v3, $0x3  }
0x20: {  	v4 =	vmul.u32 $0x30, v4  }
0x21: {  	v3 =	vand.u32 $0x7, v3  }
0x22: {  	v3 =	vor.u32 v3, v4  }
0x23: {  	v4 =	vperm.xlane v3, v0;
	_ =	sdelay $0x1  }
0x24: {  	v4 =	vadd.s32 v1, v4;
	_ =	sdelay $0x3  }
0x25: {  	v3 =	vperm.xlane v3, v2  }
0x26: {  	[tilespmem:s14], [sflag:$0x1] =	stream.indirect_vreg.gather [hbm4b:s4+s2], $0x80, v4, vm0, $0xb8;
	[tilespmem:$0x18800] =	vst v63  }
0x27: {  	s19 =	simm.s32 $0x1000;
	v3 =	vadd.s32 v1, v3  }
0x28: {  	[tilespmem:s19], [sflag:$0x1] =	stream.indirect_vreg.gather [hbm4b:s5+s2], $0x80, v4, vm0, $0xb8;
	[tilespmem:$0x18800] =	vst v63  }
0x29: {  	s20 =	simm.s32 $0x1800  }
0x2a: {  	[tilespmem:s20], [sflag:$0x1] =	stream.indirect_vreg.gather [hbm4b:s6+s2], $0x80, v4, vm0, $0xb8;
	[tilespmem:$0x18800] =	vst v63  }
0x2b: {  	s21 =	simm.s32 $0x2000  }
0x2c: {  	[tilespmem:s21], [sflag:$0x1] =	stream.indirect_vreg.gather [hbm4b:s4+s2], $0x80, v3, vm0, $0xb8;
	[tilespmem:$0x18800] =	vst v63  }
0x2d: {  	s22 =	simm.s32 $0x2800  }
0x2e: {  	[tilespmem:s22], [sflag:$0x1] =	stream.indirect_vreg.gather [hbm4b:s5+s2], $0x80, v3, vm0, $0xb8;
	[tilespmem:$0x18800] =	vst v63  }
0x2f: {  	s23 =	simm.s32 $0x3000  }
0x30: {  	[tilespmem:s23], [sflag:$0x1] =	stream.indirect_vreg.gather [hbm4b:s6+s2], $0x80, v3, vm0, $0xb8;
	[tilespmem:$0x18800] =	vst v63  }
0x31: {  	v3 =	vld [tilespmem:$0x10];
	_ =	sdelay $0x4  }
0x32: {  	v57 =	vshrl.u32 v3, $0x3  }
0x33: {  	v4 =	vmul.u32 $0x30, v57  }
0x34: {  	v3 =	vand.u32 $0x7, v3  }
0x35: {  	v3 =	vor.u32 v3, v4  }
0x36: {  	v4 =	vperm.xlane v3, v0;
	_ =	sdelay $0x1  }
0x37: {  	v4 =	vadd.s32 v1, v4;
	_ =	sdelay $0x3  }
0x38: {  	s24 =	simm.s32 $0x3800;
	v3 =	vperm.xlane v3, v2  }
0x39: {  	[tilespmem:s24], [sflag:$0x1] =	stream.indirect_vreg.gather [hbm4b:s4+s2], $0x80, v4, vm0, $0xb8;
	[tilespmem:$0x18800] =	vst v63  }
0x3a: {  	s25 =	simm.s32 $0x4000;
	v3 =	vadd.s32 v1, v3  }
0x3b: {  	[tilespmem:s25], [sflag:$0x1] =	stream.indirect_vreg.gather [hbm4b:s5+s2], $0x80, v4, vm0, $0xb8;
	[tilespmem:$0x18800] =	vst v63  }
0x3c: {  	s26 =	simm.s32 $0x4800  }
0x3d: {  	[tilespmem:s26], [sflag:$0x1] =	stream.indirect_vreg.gather [hbm4b:s6+s2], $0x80, v4, vm0, $0xb8;
	[tilespmem:$0x18800] =	vst v63  }
0x3e: {  	s28 =	simm.s32 $0x5000  }
0x3f: {  	[tilespmem:s28], [sflag:$0x1] =	stream.indirect_vreg.gather [hbm4b:s4+s2], $0x80, v3, vm0, $0xb8;
	[tilespmem:$0x18800] =	vst v63  }
0x40: {  	s29 =	simm.s32 $0x5800  }
0x41: {  	[tilespmem:s29], [sflag:$0x1] =	stream.indirect_vreg.gather [hbm4b:s5+s2], $0x80, v3, vm0, $0xb8;
	[tilespmem:$0x18800] =	vst v63  }
0x42: {  	s30 =	simm.s32 $0x6000  }
0x43: {  	[tilespmem:s30], [sflag:$0x1] =	stream.indirect_vreg.gather [hbm4b:s6+s2], $0x80, v3, vm0, $0xb8;
	[tilespmem:$0x18800] =	vst v63  }
0x44: {  	v3 =	vld [tilespmem:$0x20];
	_ =	sdelay $0x4  }
0x45: {  	v58 =	vshrl.u32 v3, $0x3  }
0x46: {  	v4 =	vmul.u32 $0x30, v58  }
0x47: {  	v3 =	vand.u32 $0x7, v3  }
0x48: {  	v3 =	vor.u32 v3, v4  }
0x49: {  	v4 =	vperm.xlane v3, v0;
	_ =	sdelay $0x1  }
0x4a: {  	v4 =	vadd.s32 v1, v4;
	_ =	sdelay $0x3  }
0x4b: {  	s31 =	simm.s32 $0x6800;
	v3 =	vperm.xlane v3, v2  }
0x4c: {  	[tilespmem:s31], [sflag:$0x1] =	stream.indirect_vreg.gather [hbm4b:s4+s2], $0x80, v4, vm0, $0xb8;
	[tilespmem:$0x18800] =	vst v63  }
0x4d: {  	s1 =	simm.s32 $0x7000;
	v3 =	vadd.s32 v1, v3  }
0x4e: {  	[tilespmem:s1], [sflag:$0x1] =	stream.indirect_vreg.gather [hbm4b:s5+s2], $0x80, v4, vm0, $0xb8;
	[tilespmem:$0x18800] =	vst v63  }
0x4f: {  	s7 =	simm.s32 $0x7800  }
0x50: {  	[tilespmem:s7], [sflag:$0x1] =	stream.indirect_vreg.gather [hbm4b:s6+s2], $0x80, v4, vm0, $0xb8;
	[tilespmem:$0x18800] =	vst v63  }
0x51: {  	s9 =	simm.s32 $0x8000  }
0x52: {  	[tilespmem:s9], [sflag:$0x1] =	stream.indirect_vreg.gather [hbm4b:s4+s2], $0x80, v3, vm0, $0xb8;
	[tilespmem:$0x18800] =	vst v63  }
0x53: {  	s12 =	simm.s32 $0x8800  }
0x54: {  	[tilespmem:s12], [sflag:$0x1] =	stream.indirect_vreg.gather [hbm4b:s5+s2], $0x80, v3, vm0, $0xb8;
	[tilespmem:$0x18800] =	vst v63  }
0x55: {  	s16 =	simm.s32 $0x9000  }
0x56: {  	[tilespmem:s16], [sflag:$0x1] =	stream.indirect_vreg.gather [hbm4b:s6+s2], $0x80, v3, vm0, $0xb8;
	[tilespmem:$0x18800] =	vst v63  }
0x57: {  	v3 =	vld [tilespmem:$0x30];
	_ =	sdelay $0x4  }
0x58: {  	v59 =	vshrl.u32 v3, $0x3  }
0x59: {  	v4 =	vmul.u32 $0x30, v59  }
0x5a: {  	v3 =	vand.u32 $0x7, v3  }
0x5b: {  	v3 =	vor.u32 v3, v4  }
0x5c: {  	v4 =	vperm.xlane v3, v0;
	_ =	sdelay $0x1  }
0x5d: {  	v4 =	vadd.s32 v1, v4;
	_ =	sdelay $0x3  }
0x5e: {  	s17 =	simm.s32 $0x9800;
	v3 =	vperm.xlane v3, v2  }
0x5f: {  	[tilespmem:s17], [sflag:$0x1] =	stream.indirect_vreg.gather [hbm4b:s4+s2], $0x80, v4, vm0, $0xb8;
	[tilespmem:$0x18800] =	vst v63  }
0x60: {  	s18 =	simm.s32 $0xA000;
	v3 =	vadd.s32 v1, v3  }
0x61: {  	[tilespmem:s18], [sflag:$0x1] =	stream.indirect_vreg.gather [hbm4b:s5+s2], $0x80, v4, vm0, $0xb8;
	[tilespmem:$0x18800] =	vst v63  }
0x62: {  	s21 =	simm.s32 $0xA800  }
0x63: {  	[tilespmem:s21], [sflag:$0x1] =	stream.indirect_vreg.gather [hbm4b:s6+s2], $0x80, v4, vm0, $0xb8;
	[tilespmem:$0x18800] =	vst v63  }
0x64: {  	s22 =	simm.s32 $0xB000  }
0x65: {  	[tilespmem:s22], [sflag:$0x1] =	stream.indirect_vreg.gather [hbm4b:s4+s2], $0x80, v3, vm0, $0xb8;
	[tilespmem:$0x18800] =	vst v63  }
0x66: {  	s25 =	simm.s32 $0xB800  }
0x67: {  	[tilespmem:s25], [sflag:$0x1] =	stream.indirect_vreg.gather [hbm4b:s5+s2], $0x80, v3, vm0, $0xb8;
	[tilespmem:$0x18800] =	vst v63  }
0x68: {  	s26 =	simm.s32 $0xC000  }
0x69: {  	[tilespmem:s26], [sflag:$0x1] =	stream.indirect_vreg.gather [hbm4b:s6+s2], $0x80, v3, vm0, $0xb8;
	[tilespmem:$0x18800] =	vst v63  }
0x6a: {  	_ =	swait.ge [sflag:s3], $0xC000  }
0x6b: {  	[sflag:s3] =	ssyncset.done $0x0  }
0x6c: {  	s28 =	rddreg [dreg:$0x13];
	[sflag:s3] =	ssyncadd.s32 $0xFFFF4000  }
0x6d: {  	[hbm4b:s28+s2] =	stream.linear.scatter [tilespmem:s14], [sflag:$0x2], $0xC000, $0x38;
	[tilespmem:$0x18800] =	vst v63  }
0x6e: {  	v3 =	vld [tilespmem:$0x80];
	_ =	sdelay $0x4  }
0x6f: {  	v60 =	vshrl.u32 v3, $0x3  }
0x70: {  	v4 =	vmul.u32 $0x30, v60  }
0x71: {  	v3 =	vand.u32 $0x7, v3  }
0x72: {  	v3 =	vor.u32 v3, v4  }
0x73: {  	v4 =	vperm.xlane v3, v0;
	_ =	sdelay $0x1  }
0x74: {  	v4 =	vadd.s32 v1, v4;
	_ =	sdelay $0x3  }
0x75: {  	v3 =	vperm.xlane v3, v2  }
0x76: {  	[tilespmem:s8], [sflag:$0x1] =	stream.indirect_vreg.gather [hbm4b:s4+s2], $0x80, v4, vm0, $0xb8;
	[tilespmem:$0x18800] =	vst v63  }
0x77: {  	s29 =	simm.s32 $0xD000;
	v3 =	vadd.s32 v1, v3  }
0x78: {  	[tilespmem:s29], [sflag:$0x1] =	stream.indirect_vreg.gather [hbm4b:s5+s2], $0x80, v4, vm0, $0xb8;
	[tilespmem:$0x18800] =	vst v63  }
0x79: {  	s30 =	simm.s32 $0xD800  }
0x7a: {  	[tilespmem:s30], [sflag:$0x1] =	stream.indirect_vreg.gather [hbm4b:s6+s2], $0x80, v4, vm0, $0xb8;
	[tilespmem:$0x18800] =	vst v63  }
0x7b: {  	s31 =	simm.s32 $0xE000  }
0x7c: {  	[tilespmem:s31], [sflag:$0x1] =	stream.indirect_vreg.gather [hbm4b:s4+s2], $0x80, v3, vm0, $0xb8;
	[tilespmem:$0x18800] =	vst v63  }
0x7d: {  	s0 =	simm.s32 $0xE800  }
0x7e: {  	[tilespmem:s0], [sflag:$0x1] =	stream.indirect_vreg.gather [hbm4b:s5+s2], $0x80, v3, vm0, $0xb8;
	[tilespmem:$0x18800] =	vst v63  }
0x7f: {  	s1 =	simm.s32 $0xF000  }
0x80: {  	[tilespmem:s1], [sflag:$0x1] =	stream.indirect_vreg.gather [hbm4b:s6+s2], $0x80, v3, vm0, $0xb8;
	[tilespmem:$0x18800] =	vst v63  }
0x81: {  	v3 =	vld [tilespmem:$0x90];
	_ =	sdelay $0x4  }
0x82: {  	v61 =	vshrl.u32 v3, $0x3  }
0x83: {  	v4 =	vmul.u32 $0x30, v61  }
0x84: {  	v3 =	vand.u32 $0x7, v3  }
0x85: {  	v3 =	vor.u32 v3, v4  }
0x86: {  	v4 =	vperm.xlane v3, v0;
	_ =	sdelay $0x1  }
0x87: {  	v4 =	vadd.s32 v1, v4;
	_ =	sdelay $0x3  }
0x88: {  	s7 =	simm.s32 $0xF800;
	v3 =	vperm.xlane v3, v2  }
0x89: {  	[tilespmem:s7], [sflag:$0x1] =	stream.indirect_vreg.gather [hbm4b:s4+s2], $0x80, v4, vm0, $0xb8;
	[tilespmem:$0x18800] =	vst v63  }
0x8a: {  	s9 =	simm.s32 $0x10000;
	v3 =	vadd.s32 v1, v3  }
0x8b: {  	[tilespmem:s9], [sflag:$0x1] =	stream.indirect_vreg.gather [hbm4b:s5+s2], $0x80, v4, vm0, $0xb8;
	[tilespmem:$0x18800] =	vst v63  }
0x8c: {  	s16 =	simm.s32 $0x10800  }
0x8d: {  	[tilespmem:s16], [sflag:$0x1] =	stream.indirect_vreg.gather [hbm4b:s6+s2], $0x80, v4, vm0, $0xb8;
	[tilespmem:$0x18800] =	vst v63  }
0x8e: {  	s17 =	simm.s32 $0x11000  }
0x8f: {  	[tilespmem:s17], [sflag:$0x1] =	stream.indirect_vreg.gather [hbm4b:s4+s2], $0x80, v3, vm0, $0xb8;
	[tilespmem:$0x18800] =	vst v63  }
0x90: {  	s18 =	simm.s32 $0x11800  }
0x91: {  	[tilespmem:s18], [sflag:$0x1] =	stream.indirect_vreg.gather [hbm4b:s5+s2], $0x80, v3, vm0, $0xb8;
	[tilespmem:$0x18800] =	vst v63  }
0x92: {  	s21 =	simm.s32 $0x12000  }
0x93: {  	[tilespmem:s21], [sflag:$0x1] =	stream.indirect_vreg.gather [hbm4b:s6+s2], $0x80, v3, vm0, $0xb8;
	[tilespmem:$0x18800] =	vst v63  }
0x94: {  	v3 =	vld [tilespmem:$0xA0];
	_ =	sdelay $0x4  }
0x95: {  	v62 =	vshrl.u32 v3, $0x3  }
0x96: {  	v4 =	vmul.u32 $0x30, v62  }
0x97: {  	v3 =	vand.u32 $0x7, v3  }
0x98: {  	v3 =	vor.u32 v3, v4  }
0x99: {  	v4 =	vperm.xlane v3, v0;
	_ =	sdelay $0x1  }
0x9a: {  	v4 =	vadd.s32 v1, v4;
	_ =	sdelay $0x3  }
0x9b: {  	s22 =	simm.s32 $0x12800;
	v3 =	vperm.xlane v3, v2  }
0x9c: {  	[tilespmem:s22], [sflag:$0x1] =	stream.indirect_vreg.gather [hbm4b:s4+s2], $0x80, v4, vm0, $0xb8;
	[tilespmem:$0x18800] =	vst v63  }
0x9d: {  	s25 =	simm.s32 $0x13000;
	v3 =	vadd.s32 v1, v3  }
0x9e: {  	[tilespmem:s25], [sflag:$0x1] =	stream.indirect_vreg.gather [hbm4b:s5+s2], $0x80, v4, vm0, $0xb8;
	[tilespmem:$0x18800] =	vst v63  }
0x9f: {  	s31 =	simm.s32 $0x13800  }
0xa0: {  	[tilespmem:s31], [sflag:$0x1] =	stream.indirect_vreg.gather [hbm4b:s6+s2], $0x80, v4, vm0, $0xb8;
	[tilespmem:$0x18800] =	vst v63  }
0xa1: {  	s0 =	simm.s32 $0x14000  }
0xa2: {  	[tilespmem:s0], [sflag:$0x1] =	stream.indirect_vreg.gather [hbm4b:s4+s2], $0x80, v3, vm0, $0xb8;
	[tilespmem:$0x18800] =	vst v63  }
0xa3: {  	s1 =	simm.s32 $0x14800  }
0xa4: {  	[tilespmem:s1], [sflag:$0x1] =	stream.indirect_vreg.gather [hbm4b:s5+s2], $0x80, v3, vm0, $0xb8;
	[tilespmem:$0x18800] =	vst v63  }
0xa5: {  	s7 =	simm.s32 $0x15000  }
0xa6: {  	[tilespmem:s7], [sflag:$0x1] =	stream.indirect_vreg.gather [hbm4b:s6+s2], $0x80, v3, vm0, $0xb8;
	[tilespmem:$0x18800] =	vst v63  }
0xa7: {  	v3 =	vld [tilespmem:$0xB0];
	_ =	sdelay $0x4  }
0xa8: {  	v63 =	vshrl.u32 v3, $0x3  }
0xa9: {  	v4 =	vmul.u32 $0x30, v63  }
0xaa: {  	v3 =	vand.u32 $0x7, v3  }
0xab: {  	v3 =	vor.u32 v3, v4  }
0xac: {  	v4 =	vperm.xlane v3, v0;
	_ =	sdelay $0x1  }
0xad: {  	v4 =	vadd.s32 v1, v4;
	_ =	sdelay $0x3  }
0xae: {  	s9 =	simm.s32 $0x15800;
	v3 =	vperm.xlane v3, v2  }
0xaf: {  	[tilespmem:s9], [sflag:$0x1] =	stream.indirect_vreg.gather [hbm4b:s4+s2], $0x80, v4, vm0, $0xb8;
	[tilespmem:$0x18800] =	vst v63  }
0xb0: {  	s16 =	simm.s32 $0x16000;
	v3 =	vadd.s32 v1, v3  }
0xb1: {  	[tilespmem:s16], [sflag:$0x1] =	stream.indirect_vreg.gather [hbm4b:s5+s2], $0x80, v4, vm0, $0xb8;
	[tilespmem:$0x18800] =	vst v63  }
0xb2: {  	s17 =	simm.s32 $0x16800  }
0xb3: {  	[tilespmem:s17], [sflag:$0x1] =	stream.indirect_vreg.gather [hbm4b:s6+s2], $0x80, v4, vm0, $0xb8;
	[tilespmem:$0x18800] =	vst v63  }
0xb4: {  	s18 =	simm.s32 $0x17000  }
0xb5: {  	[tilespmem:s18], [sflag:$0x1] =	stream.indirect_vreg.gather [hbm4b:s4+s2], $0x80, v3, vm0, $0xb8;
	[tilespmem:$0x18800] =	vst v63  }
0xb6: {  	s21 =	simm.s32 $0x17800  }
0xb7: {  	[tilespmem:s21], [sflag:$0x1] =	stream.indirect_vreg.gather [hbm4b:s5+s2], $0x80, v3, vm0, $0xb8;
	[tilespmem:$0x18800] =	vst v63  }
0xb8: {  	s22 =	simm.s32 $0x18000  }
0xb9: {  	[tilespmem:s22], [sflag:$0x1] =	stream.indirect_vreg.gather [hbm4b:s6+s2], $0x80, v3, vm0, $0xb8;
	[tilespmem:$0x18800] =	vst v63  }
0xba: {  	_ =	swait.ge [sflag:s3], $0xC000  }
0xbb: {  	[sflag:s3] =	ssyncset.done $0x0  }
0xbc: {  	s25 =	rddreg [dreg:$0x4];
	[sflag:s3] =	ssyncadd.s32 $0xFFFF4000  }
0xbd: {  	[hbm4b:s25+s2] =	stream.linear.scatter [tilespmem:s8], [sflag:$0x3], $0xC000, $0x38;
	[tilespmem:$0x18800] =	vst v63  }
0xbe: {  	_ =	swait.ge [sflag:s10], $0xC000  }
0xbf: {  	[sflag:s10] =	ssyncset.done $0x0  }
0xc0: {  	[sflag:s10] =	ssyncadd.s32 $0xFFFF4000  }
0xc1: {  	v3 =	vld [tilespmem:$0x100];
	_ =	sdelay $0x4  }
0xc2: {  	v8 =	vshrl.u32 v3, $0x3  }
0xc3: {  	v4 =	vmul.u32 $0x30, v8  }
0xc4: {  	v3 =	vand.u32 $0x7, v3  }
0xc5: {  	v3 =	vor.u32 v3, v4  }
0xc6: {  	v4 =	vperm.xlane v3, v0;
	_ =	sdelay $0x1  }
0xc7: {  	v4 =	vadd.s32 v1, v4;
	_ =	sdelay $0x3  }
0xc8: {  	v3 =	vperm.xlane v3, v2  }
0xc9: {  	[tilespmem:s14], [sflag:$0x1] =	stream.indirect_vreg.gather [hbm4b:s4+s2], $0x80, v4, vm0, $0xb8;
	[tilespmem:$0x18800] =	vst v63  }
0xca: {  	s0 =	simm.s32 $0x1000;
	v3 =	vadd.s32 v1, v3  }
0xcb: {  	[tilespmem:s0], [sflag:$0x1] =	stream.indirect_vreg.gather [hbm4b:s5+s2], $0x80, v4, vm0, $0xb8;
	[tilespmem:$0x18800] =	vst v63  }
0xcc: {  	s1 =	simm.s32 $0x1800  }
0xcd: {  	[tilespmem:s1], [sflag:$0x1] =	stream.indirect_vreg.gather [hbm4b:s6+s2], $0x80, v4, vm0, $0xb8;
	[tilespmem:$0x18800] =	vst v63  }
0xce: {  	s7 =	simm.s32 $0x2000  }
0xcf: {  	[tilespmem:s7], [sflag:$0x1] =	stream.indirect_vreg.gather [hbm4b:s4+s2], $0x80, v3, vm0, $0xb8;
	[tilespmem:$0x18800] =	vst v63  }
0xd0: {  	s9 =	simm.s32 $0x2800  }
0xd1: {  	[tilespmem:s9], [sflag:$0x1] =	stream.indirect_vreg.gather [hbm4b:s5+s2], $0x80, v3, vm0, $0xb8;
	[tilespmem:$0x18800] =	vst v63  }
0xd2: {  	s13 =	simm.s32 $0x3000  }
0xd3: {  	[tilespmem:s13], [sflag:$0x1] =	stream.indirect_vreg.gather [hbm4b:s6+s2], $0x80, v3, vm0, $0xb8;
	[tilespmem:$0x18800] =	vst v63  }
0xd4: {  	v3 =	vld [tilespmem:$0x110];
	_ =	sdelay $0x4  }
0xd5: {  	v9 =	vshrl.u32 v3, $0x3  }
0xd6: {  	v4 =	vmul.u32 $0x30, v9  }
0xd7: {  	v3 =	vand.u32 $0x7, v3  }
0xd8: {  	v3 =	vor.u32 v3, v4  }
0xd9: {  	v4 =	vperm.xlane v3, v0;
	_ =	sdelay $0x1  }
0xda: {  	v4 =	vadd.s32 v1, v4;
	_ =	sdelay $0x3  }
0xdb: {  	s15 =	simm.s32 $0x3800;
	v3 =	vperm.xlane v3, v2  }
0xdc: {  	[tilespmem:s15], [sflag:$0x1] =	stream.indirect_vreg.gather [hbm4b:s4+s2], $0x80, v4, vm0, $0xb8;
	[tilespmem:$0x18800] =	vst v63  }
0xdd: {  	v3 =	vadd.s32 v1, v3;
	s15 =	simm.s32 $0x4000  }
0xde: {  	[tilespmem:s15], [sflag:$0x1] =	stream.indirect_vreg.gather [hbm4b:s5+s2], $0x80, v4, vm0, $0xb8;
	[tilespmem:$0x18800] =	vst v63  }
0xdf: {  	s16 =	simm.s32 $0x4800  }
0xe0: {  	[tilespmem:s16], [sflag:$0x1] =	stream.indirect_vreg.gather [hbm4b:s6+s2], $0x80, v4, vm0, $0xb8;
	[tilespmem:$0x18800] =	vst v63  }
0xe1: {  	s17 =	simm.s32 $0x5000  }
0xe2: {  	[tilespmem:s17], [sflag:$0x1] =	stream.indirect_vreg.gather [hbm4b:s4+s2], $0x80, v3, vm0, $0xb8;
	[tilespmem:$0x18800] =	vst v63  }
0xe3: {  	s18 =	simm.s32 $0x5800  }
0xe4: {  	[tilespmem:s18], [sflag:$0x1] =	stream.indirect_vreg.gather [hbm4b:s5+s2], $0x80, v3, vm0, $0xb8;
	[tilespmem:$0x18800] =	vst v63  }
0xe5: {  	s19 =	simm.s32 $0x6000  }
0xe6: {  	[tilespmem:s19], [sflag:$0x1] =	stream.indirect_vreg.gather [hbm4b:s6+s2], $0x80, v3, vm0, $0xb8;
	[tilespmem:$0x18800] =	vst v63  }
0xe7: {  	v3 =	vld [tilespmem:$0x120];
	_ =	sdelay $0x4  }
0xe8: {  	v10 =	vshrl.u32 v3, $0x3  }
0xe9: {  	v4 =	vmul.u32 $0x30, v10  }
0xea: {  	v3 =	vand.u32 $0x7, v3  }
0xeb: {  	v3 =	vor.u32 v3, v4  }
0xec: {  	v4 =	vperm.xlane v3, v0;
	_ =	sdelay $0x1  }
0xed: {  	v4 =	vadd.s32 v1, v4;
	_ =	sdelay $0x3  }
0xee: {  	s20 =	simm.s32 $0x6800;
	v3 =	vperm.xlane v3, v2  }
0xef: {  	[tilespmem:s20], [sflag:$0x1] =	stream.indirect_vreg.gather [hbm4b:s4+s2], $0x80, v4, vm0, $0xb8;
	[tilespmem:$0x18800] =	vst v63  }
0xf0: {  	s19 =	simm.s32 $0x7000;
	v3 =	vadd.s32 v1, v3  }
0xf1: {  	[tilespmem:s19], [sflag:$0x1] =	stream.indirect_vreg.gather [hbm4b:s5+s2], $0x80, v4, vm0, $0xb8;
	[tilespmem:$0x18800] =	vst v63  }
0xf2: {  	s20 =	simm.s32 $0x7800  }
0xf3: {  	[tilespmem:s20], [sflag:$0x1] =	stream.indirect_vreg.gather [hbm4b:s6+s2], $0x80, v4, vm0, $0xb8;
	[tilespmem:$0x18800] =	vst v63  }
0xf4: {  	s21 =	simm.s32 $0x8000  }
0xf5: {  	[tilespmem:s21], [sflag:$0x1] =	stream.indirect_vreg.gather [hbm4b:s4+s2], $0x80, v3, vm0, $0xb8;
	[tilespmem:$0x18800] =	vst v63  }
0xf6: {  	s22 =	simm.s32 $0x8800  }
0xf7: {  	[tilespmem:s22], [sflag:$0x1] =	stream.indirect_vreg.gather [hbm4b:s5+s2], $0x80, v3, vm0, $0xb8;
	[tilespmem:$0x18800] =	vst v63  }
0xf8: {  	s23 =	simm.s32 $0x9000  }
0xf9: {  	[tilespmem:s23], [sflag:$0x1] =	stream.indirect_vreg.gather [hbm4b:s6+s2], $0x80, v3, vm0, $0xb8;
	[tilespmem:$0x18800] =	vst v63  }
0xfa: {  	v3 =	vld [tilespmem:$0x130];
	_ =	sdelay $0x4  }
0xfb: {  	v11 =	vshrl.u32 v3, $0x3  }
0xfc: {  	v4 =	vmul.u32 $0x30, v11  }
0xfd: {  	v3 =	vand.u32 $0x7, v3  }
0xfe: {  	v3 =	vor.u32 v3, v4  }
0xff: {  	v4 =	vperm.xlane v3, v0;
	_ =	sdelay $0x1  }
0x100: {  	v4 =	vadd.s32 v1, v4;
	_ =	sdelay $0x3  }
0x101: {  	s24 =	simm.s32 $0x9800;
	v3 =	vperm.xlane v3, v2  }
0x102: {  	[tilespmem:s24], [sflag:$0x1] =	stream.indirect_vreg.gather [hbm4b:s4+s2], $0x80, v4, vm0, $0xb8;
	[tilespmem:$0x18800] =	vst v63  }
0x103: {  	s23 =	simm.s32 $0xA000;
	v3 =	vadd.s32 v1, v3  }
0x104: {  	[tilespmem:s23], [sflag:$0x1] =	stream.indirect_vreg.gather [hbm4b:s5+s2], $0x80, v4, vm0, $0xb8;
	[tilespmem:$0x18800] =	vst v63  }
0x105: {  	s24 =	simm.s32 $0xA800  }
0x106: {  	[tilespmem:s24], [sflag:$0x1] =	stream.indirect_vreg.gather [hbm4b:s6+s2], $0x80, v4, vm0, $0xb8;
	[tilespmem:$0x18800] =	vst v63  }
0x107: {  	s25 =	simm.s32 $0xB000  }
0x108: {  	[tilespmem:s25], [sflag:$0x1] =	stream.indirect_vreg.gather [hbm4b:s4+s2], $0x80, v3, vm0, $0xb8;
	[tilespmem:$0x18800] =	vst v63  }
0x109: {  	s13 =	simm.s32 $0xB800  }
0x10a: {  	[tilespmem:s13], [sflag:$0x1] =	stream.indirect_vreg.gather [hbm4b:s5+s2], $0x80, v3, vm0, $0xb8;
	[tilespmem:$0x18800] =	vst v63  }
0x10b: {  	s26 =	simm.s32 $0xC000  }
0x10c: {  	[tilespmem:s26], [sflag:$0x1] =	stream.indirect_vreg.gather [hbm4b:s6+s2], $0x80, v3, vm0, $0xb8;
	[tilespmem:$0x18800] =	vst v63  }
0x10d: {  	_ =	swait.ge [sflag:s3], $0xC000  }
0x10e: {  	[sflag:s3] =	ssyncset.done $0x0  }
0x10f: {  	s26 =	rddreg [dreg:$0x5];
	[sflag:s3] =	ssyncadd.s32 $0xFFFF4000  }
0x110: {  	[hbm4b:s26+s2] =	stream.linear.scatter [tilespmem:s14], [sflag:$0x2], $0xC000, $0x38;
	[tilespmem:$0x18800] =	vst v63  }
0x111: {  	_ =	swait.ge [sflag:s11], $0xC000  }
0x112: {  	[sflag:s11] =	ssyncset.done $0x0  }
0x113: {  	[sflag:s11] =	ssyncadd.s32 $0xFFFF4000  }
0x114: {  	v3 =	vld [tilespmem:$0x180];
	_ =	sdelay $0x4  }
0x115: {  	v12 =	vshrl.u32 v3, $0x3  }
0x116: {  	v4 =	vmul.u32 $0x30, v12  }
0x117: {  	v3 =	vand.u32 $0x7, v3  }
0x118: {  	v3 =	vor.u32 v3, v4  }
0x119: {  	v4 =	vperm.xlane v3, v0;
	_ =	sdelay $0x1  }
0x11a: {  	v4 =	vadd.s32 v1, v4;
	_ =	sdelay $0x3  }
0x11b: {  	v3 =	vperm.xlane v3, v2  }
0x11c: {  	[tilespmem:s8], [sflag:$0x1] =	stream.indirect_vreg.gather [hbm4b:s4+s2], $0x80, v4, vm0, $0xb8;
	[tilespmem:$0x18800] =	vst v63  }
0x11d: {  	s26 =	simm.s32 $0xD000;
	v3 =	vadd.s32 v1, v3  }
0x11e: {  	[tilespmem:s26], [sflag:$0x1] =	stream.indirect_vreg.gather [hbm4b:s5+s2], $0x80, v4, vm0, $0xb8;
	[tilespmem:$0x18800] =	vst v63  }
0x11f: {  	s12 =	simm.s32 $0xD800  }
0x120: {  	[tilespmem:s12], [sflag:$0x1] =	stream.indirect_vreg.gather [hbm4b:s6+s2], $0x80, v4, vm0, $0xb8;
	[tilespmem:$0x18800] =	vst v63  }
0x121: {  	s12 =	simm.s32 $0xE000  }
0x122: {  	[tilespmem:s12], [sflag:$0x1] =	stream.indirect_vreg.gather [hbm4b:s4+s2], $0x80, v3, vm0, $0xb8;
	[tilespmem:$0x18800] =	vst v63  }
0x123: {  	s12 =	simm.s32 $0xE800  }
0x124: {  	[tilespmem:s12], [sflag:$0x1] =	stream.indirect_vreg.gather [hbm4b:s5+s2], $0x80, v3, vm0, $0xb8;
	[tilespmem:$0x18800] =	vst v63  }
0x125: {  	s12 =	simm.s32 $0xF000  }
0x126: {  	[tilespmem:s12], [sflag:$0x1] =	stream.indirect_vreg.gather [hbm4b:s6+s2], $0x80, v3, vm0, $0xb8;
	[tilespmem:$0x18800] =	vst v63  }
0x127: {  	v3 =	vld [tilespmem:$0x190];
	_ =	sdelay $0x4  }
0x128: {  	v13 =	vshrl.u32 v3, $0x3  }
0x129: {  	v4 =	vmul.u32 $0x30, v13  }
0x12a: {  	v3 =	vand.u32 $0x7, v3  }
0x12b: {  	v3 =	vor.u32 v3, v4  }
0x12c: {  	v4 =	vperm.xlane v3, v0;
	_ =	sdelay $0x1  }
0x12d: {  	v4 =	vadd.s32 v1, v4;
	_ =	sdelay $0x3  }
0x12e: {  	s28 =	simm.s32 $0xF800;
	v3 =	vperm.xlane v3, v2  }
0x12f: {  	[tilespmem:s28], [sflag:$0x1] =	stream.indirect_vreg.gather [hbm4b:s4+s2], $0x80, v4, vm0, $0xb8;
	[tilespmem:$0x18800] =	vst v63  }
0x130: {  	v3 =	vadd.s32 v1, v3;
	s28 =	simm.s32 $0x10000  }
0x131: {  	[tilespmem:s28], [sflag:$0x1] =	stream.indirect_vreg.gather [hbm4b:s5+s2], $0x80, v4, vm0, $0xb8;
	[tilespmem:$0x18800] =	vst v63  }
0x132: {  	s12 =	simm.s32 $0x10800  }
0x133: {  	[tilespmem:s12], [sflag:$0x1] =	stream.indirect_vreg.gather [hbm4b:s6+s2], $0x80, v4, vm0, $0xb8;
	[tilespmem:$0x18800] =	vst v63  }
0x134: {  	s12 =	simm.s32 $0x11000  }
0x135: {  	[tilespmem:s12], [sflag:$0x1] =	stream.indirect_vreg.gather [hbm4b:s4+s2], $0x80, v3, vm0, $0xb8;
	[tilespmem:$0x18800] =	vst v63  }
0x136: {  	s12 =	simm.s32 $0x11800  }
0x137: {  	[tilespmem:s12], [sflag:$0x1] =	stream.indirect_vreg.gather [hbm4b:s5+s2], $0x80, v3, vm0, $0xb8;
	[tilespmem:$0x18800] =	vst v63  }
0x138: {  	s29 =	simm.s32 $0x12000  }
0x139: {  	[tilespmem:s29], [sflag:$0x1] =	stream.indirect_vreg.gather [hbm4b:s6+s2], $0x80, v3, vm0, $0xb8;
	[tilespmem:$0x18800] =	vst v63  }
0x13a: {  	v3 =	vld [tilespmem:$0x1A0];
	_ =	sdelay $0x4  }
0x13b: {  	v14 =	vshrl.u32 v3, $0x3  }
0x13c: {  	v4 =	vmul.u32 $0x30, v14  }
0x13d: {  	v3 =	vand.u32 $0x7, v3  }
0x13e: {  	v3 =	vor.u32 v3, v4  }
0x13f: {  	v4 =	vperm.xlane v3, v0;
	_ =	sdelay $0x1  }
0x140: {  	v4 =	vadd.s32 v1, v4;
	_ =	sdelay $0x3  }
0x141: {  	s30 =	simm.s32 $0x12800;
	v3 =	vperm.xlane v3, v2  }
0x142: {  	[tilespmem:s30], [sflag:$0x1] =	stream.indirect_vreg.gather [hbm4b:s4+s2], $0x80, v4, vm0, $0xb8;
	[tilespmem:$0x18800] =	vst v63  }
0x143: {  	s29 =	simm.s32 $0x13000;
	v3 =	vadd.s32 v1, v3  }
0x144: {  	[tilespmem:s29], [sflag:$0x1] =	stream.indirect_vreg.gather [hbm4b:s5+s2], $0x80, v4, vm0, $0xb8;
	[tilespmem:$0x18800] =	vst v63  }
0x145: {  	s30 =	simm.s32 $0x13800  }
0x146: {  	[tilespmem:s30], [sflag:$0x1] =	stream.indirect_vreg.gather [hbm4b:s6+s2], $0x80, v4, vm0, $0xb8;
	[tilespmem:$0x18800] =	vst v63  }
0x147: {  	s12 =	simm.s32 $0x14000  }
0x148: {  	[tilespmem:s12], [sflag:$0x1] =	stream.indirect_vreg.gather [hbm4b:s4+s2], $0x80, v3, vm0, $0xb8;
	[tilespmem:$0x18800] =	vst v63  }
0x149: {  	s12 =	simm.s32 $0x14800  }
0x14a: {  	[tilespmem:s12], [sflag:$0x1] =	stream.indirect_vreg.gather [hbm4b:s5+s2], $0x80, v3, vm0, $0xb8;
	[tilespmem:$0x18800] =	vst v63  }
0x14b: {  	s31 =	simm.s32 $0x15000  }
0x14c: {  	[tilespmem:s31], [sflag:$0x1] =	stream.indirect_vreg.gather [hbm4b:s6+s2], $0x80, v3, vm0, $0xb8;
	[tilespmem:$0x18800] =	vst v63  }
0x14d: {  	v3 =	vld [tilespmem:$0x1B0];
	_ =	sdelay $0x4  }
0x14e: {  	v15 =	vshrl.u32 v3, $0x3  }
0x14f: {  	v4 =	vmul.u32 $0x30, v15  }
0x150: {  	v3 =	vand.u32 $0x7, v3  }
0x151: {  	v3 =	vor.u32 v3, v4  }
0x152: {  	v4 =	vperm.xlane v3, v0;
	_ =	sdelay $0x1  }
0x153: {  	v4 =	vadd.s32 v1, v4;
	_ =	sdelay $0x3  }
0x154: {  	s31 =	simm.s32 $0x15800;
	v3 =	vperm.xlane v3, v2  }
0x155: {  	[tilespmem:s31], [sflag:$0x1] =	stream.indirect_vreg.gather [hbm4b:s4+s2], $0x80, v4, vm0, $0xb8;
	[tilespmem:$0x18800] =	vst v63  }
0x156: {  	v3 =	vadd.s32 v1, v3;
	s31 =	simm.s32 $0x16000  }
0x157: {  	[tilespmem:s31], [sflag:$0x1] =	stream.indirect_vreg.gather [hbm4b:s5+s2], $0x80, v4, vm0, $0xb8;
	[tilespmem:$0x18800] =	vst v63  }
0x158: {  	s12 =	simm.s32 $0x16800  }
0x159: {  	[tilespmem:s12], [sflag:$0x1] =	stream.indirect_vreg.gather [hbm4b:s6+s2], $0x80, v4, vm0, $0xb8;
	[tilespmem:$0x18800] =	vst v63  }
0x15a: {  	s12 =	simm.s32 $0x17000  }
0x15b: {  	[tilespmem:s12], [sflag:$0x1] =	stream.indirect_vreg.gather [hbm4b:s4+s2], $0x80, v3, vm0, $0xb8;
	[tilespmem:$0x18800] =	vst v63  }
0x15c: {  	s12 =	simm.s32 $0x17800  }
0x15d: {  	[tilespmem:s12], [sflag:$0x1] =	stream.indirect_vreg.gather [hbm4b:s5+s2], $0x80, v3, vm0, $0xb8;
	[tilespmem:$0x18800] =	vst v63  }
0x15e: {  	s12 =	simm.s32 $0x18000  }
0x15f: {  	[tilespmem:s12], [sflag:$0x1] =	stream.indirect_vreg.gather [hbm4b:s6+s2], $0x80, v3, vm0, $0xb8;
	[tilespmem:$0x18800] =	vst v63  }
0x160: {  	_ =	swait.ge [sflag:s3], $0xC000  }
0x161: {  	[sflag:s3] =	ssyncset.done $0x0  }
0x162: {  	s12 =	rddreg [dreg:$0x6];
	[sflag:s3] =	ssyncadd.s32 $0xFFFF4000  }
0x163: {  	[hbm4b:s12+s2] =	stream.linear.scatter [tilespmem:s8], [sflag:$0x3], $0xC000, $0x38;
	[tilespmem:$0x18800] =	vst v63  }
0x164: {  	_ =	swait.ge [sflag:s10], $0xC000  }
0x165: {  	[sflag:s10] =	ssyncset.done $0x0  }
0x166: {  	[sflag:s10] =	ssyncadd.s32 $0xFFFF4000  }
0x167: {  	v3 =	vld [tilespmem:$0x200];
	_ =	sdelay $0x4  }
0x168: {  	v16 =	vshrl.u32 v3, $0x3  }
0x169: {  	v4 =	vmul.u32 $0x30, v16  }
0x16a: {  	v3 =	vand.u32 $0x7, v3  }
0x16b: {  	v3 =	vor.u32 v3, v4  }
0x16c: {  	v4 =	vperm.xlane v3, v0;
	_ =	sdelay $0x1  }
0x16d: {  	v4 =	vadd.s32 v1, v4;
	_ =	sdelay $0x3  }
0x16e: {  	v3 =	vperm.xlane v3, v2  }
0x16f: {  	[tilespmem:s14], [sflag:$0x1] =	stream.indirect_vreg.gather [hbm4b:s4+s2], $0x80, v4, vm0, $0xb8;
	[tilespmem:$0x18800] =	vst v63  }
0x170: {  	v3 =	vadd.s32 v1, v3  }
0x171: {  	[tilespmem:s0], [sflag:$0x1] =	stream.indirect_vreg.gather [hbm4b:s5+s2], $0x80, v4, vm0, $0xb8;
	[tilespmem:$0x18800] =	vst v63  }
0x172: {  	_ = 	snop  }
0x173: {  	[tilespmem:s1], [sflag:$0x1] =	stream.indirect_vreg.gather [hbm4b:s6+s2], $0x80, v4, vm0, $0xb8;
	[tilespmem:$0x18800] =	vst v63  }
0x174: {  	_ = 	snop  }
0x175: {  	[tilespmem:s7], [sflag:$0x1] =	stream.indirect_vreg.gather [hbm4b:s4+s2], $0x80, v3, vm0, $0xb8;
	[tilespmem:$0x18800] =	vst v63  }
0x176: {  	_ = 	snop  }
0x177: {  	[tilespmem:s9], [sflag:$0x1] =	stream.indirect_vreg.gather [hbm4b:s5+s2], $0x80, v3, vm0, $0xb8;
	[tilespmem:$0x18800] =	vst v63  }
0x178: {  	s12 =	simm.s32 $0x3000  }
0x179: {  	[tilespmem:s12], [sflag:$0x1] =	stream.indirect_vreg.gather [hbm4b:s6+s2], $0x80, v3, vm0, $0xb8;
	[tilespmem:$0x18800] =	vst v63  }
0x17a: {  	v3 =	vld [tilespmem:$0x210];
	_ =	sdelay $0x4  }
0x17b: {  	v17 =	vshrl.u32 v3, $0x3  }
0x17c: {  	v4 =	vmul.u32 $0x30, v17  }
0x17d: {  	v3 =	vand.u32 $0x7, v3  }
0x17e: {  	v3 =	vor.u32 v3, v4  }
0x17f: {  	v4 =	vperm.xlane v3, v0;
	_ =	sdelay $0x1  }
0x180: {  	v4 =	vadd.s32 v1, v4;
	_ =	sdelay $0x3  }
0x181: {  	s12 =	simm.s32 $0x3800;
	v3 =	vperm.xlane v3, v2  }
0x182: {  	[tilespmem:s12], [sflag:$0x1] =	stream.indirect_vreg.gather [hbm4b:s4+s2], $0x80, v4, vm0, $0xb8;
	[tilespmem:$0x18800] =	vst v63  }
0x183: {  	v3 =	vadd.s32 v1, v3  }
0x184: {  	[tilespmem:s15], [sflag:$0x1] =	stream.indirect_vreg.gather [hbm4b:s5+s2], $0x80, v4, vm0, $0xb8;
	[tilespmem:$0x18800] =	vst v63  }
0x185: {  	_ = 	snop  }
0x186: {  	[tilespmem:s16], [sflag:$0x1] =	stream.indirect_vreg.gather [hbm4b:s6+s2], $0x80, v4, vm0, $0xb8;
	[tilespmem:$0x18800] =	vst v63  }
0x187: {  	_ = 	snop  }
0x188: {  	[tilespmem:s17], [sflag:$0x1] =	stream.indirect_vreg.gather [hbm4b:s4+s2], $0x80, v3, vm0, $0xb8;
	[tilespmem:$0x18800] =	vst v63  }
0x189: {  	_ = 	snop  }
0x18a: {  	[tilespmem:s18], [sflag:$0x1] =	stream.indirect_vreg.gather [hbm4b:s5+s2], $0x80, v3, vm0, $0xb8;
	[tilespmem:$0x18800] =	vst v63  }
0x18b: {  	s18 =	simm.s32 $0x6000  }
0x18c: {  	[tilespmem:s18], [sflag:$0x1] =	stream.indirect_vreg.gather [hbm4b:s6+s2], $0x80, v3, vm0, $0xb8;
	[tilespmem:$0x18800] =	vst v63  }
0x18d: {  	v3 =	vld [tilespmem:$0x220];
	_ =	sdelay $0x4  }
0x18e: {  	v18 =	vshrl.u32 v3, $0x3  }
0x18f: {  	v4 =	vmul.u32 $0x30, v18  }
0x190: {  	v3 =	vand.u32 $0x7, v3  }
0x191: {  	v3 =	vor.u32 v3, v4  }
0x192: {  	v4 =	vperm.xlane v3, v0;
	_ =	sdelay $0x1  }
0x193: {  	v4 =	vadd.s32 v1, v4;
	_ =	sdelay $0x3  }
0x194: {  	s18 =	simm.s32 $0x6800;
	v3 =	vperm.xlane v3, v2  }
0x195: {  	[tilespmem:s18], [sflag:$0x1] =	stream.indirect_vreg.gather [hbm4b:s4+s2], $0x80, v4, vm0, $0xb8;
	[tilespmem:$0x18800] =	vst v63  }
0x196: {  	v3 =	vadd.s32 v1, v3  }
0x197: {  	[tilespmem:s19], [sflag:$0x1] =	stream.indirect_vreg.gather [hbm4b:s5+s2], $0x80, v4, vm0, $0xb8;
	[tilespmem:$0x18800] =	vst v63  }
0x198: {  	_ = 	snop  }
0x199: {  	[tilespmem:s20], [sflag:$0x1] =	stream.indirect_vreg.gather [hbm4b:s6+s2], $0x80, v4, vm0, $0xb8;
	[tilespmem:$0x18800] =	vst v63  }
0x19a: {  	_ = 	snop  }
0x19b: {  	[tilespmem:s21], [sflag:$0x1] =	stream.indirect_vreg.gather [hbm4b:s4+s2], $0x80, v3, vm0, $0xb8;
	[tilespmem:$0x18800] =	vst v63  }
0x19c: {  	_ = 	snop  }
0x19d: {  	[tilespmem:s22], [sflag:$0x1] =	stream.indirect_vreg.gather [hbm4b:s5+s2], $0x80, v3, vm0, $0xb8;
	[tilespmem:$0x18800] =	vst v63  }
0x19e: {  	s22 =	simm.s32 $0x9000  }
0x19f: {  	[tilespmem:s22], [sflag:$0x1] =	stream.indirect_vreg.gather [hbm4b:s6+s2], $0x80, v3, vm0, $0xb8;
	[tilespmem:$0x18800] =	vst v63  }
0x1a0: {  	v3 =	vld [tilespmem:$0x230];
	_ =	sdelay $0x4  }
0x1a1: {  	v19 =	vshrl.u32 v3, $0x3  }
0x1a2: {  	v4 =	vmul.u32 $0x30, v19  }
0x1a3: {  	v3 =	vand.u32 $0x7, v3  }
0x1a4: {  	v3 =	vor.u32 v3, v4  }
0x1a5: {  	v4 =	vperm.xlane v3, v0;
	_ =	sdelay $0x1  }
0x1a6: {  	v4 =	vadd.s32 v1, v4;
	_ =	sdelay $0x3  }
0x1a7: {  	s22 =	simm.s32 $0x9800;
	v3 =	vperm.xlane v3, v2  }
0x1a8: {  	[tilespmem:s22], [sflag:$0x1] =	stream.indirect_vreg.gather [hbm4b:s4+s2], $0x80, v4, vm0, $0xb8;
	[tilespmem:$0x18800] =	vst v63  }
0x1a9: {  	v3 =	vadd.s32 v1, v3  }
0x1aa: {  	[tilespmem:s23], [sflag:$0x1] =	stream.indirect_vreg.gather [hbm4b:s5+s2], $0x80, v4, vm0, $0xb8;
	[tilespmem:$0x18800] =	vst v63  }
0x1ab: {  	_ = 	snop  }
0x1ac: {  	[tilespmem:s24], [sflag:$0x1] =	stream.indirect_vreg.gather [hbm4b:s6+s2], $0x80, v4, vm0, $0xb8;
	[tilespmem:$0x18800] =	vst v63  }
0x1ad: {  	_ = 	snop  }
0x1ae: {  	[tilespmem:s25], [sflag:$0x1] =	stream.indirect_vreg.gather [hbm4b:s4+s2], $0x80, v3, vm0, $0xb8;
	[tilespmem:$0x18800] =	vst v63  }
0x1af: {  	_ = 	snop  }
0x1b0: {  	[tilespmem:s13], [sflag:$0x1] =	stream.indirect_vreg.gather [hbm4b:s5+s2], $0x80, v3, vm0, $0xb8;
	[tilespmem:$0x18800] =	vst v63  }
0x1b1: {  	s25 =	simm.s32 $0xC000  }
0x1b2: {  	[tilespmem:s25], [sflag:$0x1] =	stream.indirect_vreg.gather [hbm4b:s6+s2], $0x80, v3, vm0, $0xb8;
	[tilespmem:$0x18800] =	vst v63  }
0x1b3: {  	_ =	swait.ge [sflag:s3], $0xC000  }
0x1b4: {  	[sflag:s3] =	ssyncset.done $0x0  }
0x1b5: {  	s25 =	rddreg [dreg:$0x7];
	[sflag:s3] =	ssyncadd.s32 $0xFFFF4000  }
0x1b6: {  	[hbm4b:s25+s2] =	stream.linear.scatter [tilespmem:s14], [sflag:$0x2], $0xC000, $0x38;
	[tilespmem:$0x18800] =	vst v63  }
0x1b7: {  	_ =	swait.ge [sflag:s11], $0xC000  }
0x1b8: {  	[sflag:s11] =	ssyncset.done $0x0  }
0x1b9: {  	[sflag:s11] =	ssyncadd.s32 $0xFFFF4000  }
0x1ba: {  	v3 =	vld [tilespmem:$0x280];
	_ =	sdelay $0x4  }
0x1bb: {  	v20 =	vshrl.u32 v3, $0x3  }
0x1bc: {  	v4 =	vmul.u32 $0x30, v20  }
0x1bd: {  	v3 =	vand.u32 $0x7, v3  }
0x1be: {  	v3 =	vor.u32 v3, v4  }
0x1bf: {  	v4 =	vperm.xlane v3, v0;
	_ =	sdelay $0x1  }
0x1c0: {  	v4 =	vadd.s32 v1, v4;
	_ =	sdelay $0x3  }
0x1c1: {  	v3 =	vperm.xlane v3, v2  }
0x1c2: {  	[tilespmem:s8], [sflag:$0x1] =	stream.indirect_vreg.gather [hbm4b:s4+s2], $0x80, v4, vm0, $0xb8;
	[tilespmem:$0x18800] =	vst v63  }
0x1c3: {  	s26 =	simm.s32 $0xD000;
	v3 =	vadd.s32 v1, v3  }
0x1c4: {  	[tilespmem:s26], [sflag:$0x1] =	stream.indirect_vreg.gather [hbm4b:s5+s2], $0x80, v4, vm0, $0xb8;
	[tilespmem:$0x18800] =	vst v63  }
0x1c5: {  	s26 =	simm.s32 $0xD800  }
0x1c6: {  	[tilespmem:s26], [sflag:$0x1] =	stream.indirect_vreg.gather [hbm4b:s6+s2], $0x80, v4, vm0, $0xb8;
	[tilespmem:$0x18800] =	vst v63  }
0x1c7: {  	s12 =	simm.s32 $0xE000  }
0x1c8: {  	[tilespmem:s12], [sflag:$0x1] =	stream.indirect_vreg.gather [hbm4b:s4+s2], $0x80, v3, vm0, $0xb8;
	[tilespmem:$0x18800] =	vst v63  }
0x1c9: {  	s12 =	simm.s32 $0xE800  }
0x1ca: {  	[tilespmem:s12], [sflag:$0x1] =	stream.indirect_vreg.gather [hbm4b:s5+s2], $0x80, v3, vm0, $0xb8;
	[tilespmem:$0x18800] =	vst v63  }
0x1cb: {  	s12 =	simm.s32 $0xF000  }
0x1cc: {  	[tilespmem:s12], [sflag:$0x1] =	stream.indirect_vreg.gather [hbm4b:s6+s2], $0x80, v3, vm0, $0xb8;
	[tilespmem:$0x18800] =	vst v63  }
0x1cd: {  	v3 =	vld [tilespmem:$0x290];
	_ =	sdelay $0x4  }
0x1ce: {  	v21 =	vshrl.u32 v3, $0x3  }
0x1cf: {  	v4 =	vmul.u32 $0x30, v21  }
0x1d0: {  	v3 =	vand.u32 $0x7, v3  }
0x1d1: {  	v3 =	vor.u32 v3, v4  }
0x1d2: {  	v4 =	vperm.xlane v3, v0;
	_ =	sdelay $0x1  }
0x1d3: {  	v4 =	vadd.s32 v1, v4;
	_ =	sdelay $0x3  }
0x1d4: {  	s12 =	simm.s32 $0xF800;
	v3 =	vperm.xlane v3, v2  }
0x1d5: {  	[tilespmem:s12], [sflag:$0x1] =	stream.indirect_vreg.gather [hbm4b:s4+s2], $0x80, v4, vm0, $0xb8;
	[tilespmem:$0x18800] =	vst v63  }
0x1d6: {  	s28 =	simm.s32 $0x10000;
	v3 =	vadd.s32 v1, v3  }
0x1d7: {  	[tilespmem:s28], [sflag:$0x1] =	stream.indirect_vreg.gather [hbm4b:s5+s2], $0x80, v4, vm0, $0xb8;
	[tilespmem:$0x18800] =	vst v63  }
0x1d8: {  	s12 =	simm.s32 $0x10800  }
0x1d9: {  	[tilespmem:s12], [sflag:$0x1] =	stream.indirect_vreg.gather [hbm4b:s6+s2], $0x80, v4, vm0, $0xb8;
	[tilespmem:$0x18800] =	vst v63  }
0x1da: {  	s12 =	simm.s32 $0x11000  }
0x1db: {  	[tilespmem:s12], [sflag:$0x1] =	stream.indirect_vreg.gather [hbm4b:s4+s2], $0x80, v3, vm0, $0xb8;
	[tilespmem:$0x18800] =	vst v63  }
0x1dc: {  	s12 =	simm.s32 $0x11800  }
0x1dd: {  	[tilespmem:s12], [sflag:$0x1] =	stream.indirect_vreg.gather [hbm4b:s5+s2], $0x80, v3, vm0, $0xb8;
	[tilespmem:$0x18800] =	vst v63  }
0x1de: {  	s12 =	simm.s32 $0x12000  }
0x1df: {  	[tilespmem:s12], [sflag:$0x1] =	stream.indirect_vreg.gather [hbm4b:s6+s2], $0x80, v3, vm0, $0xb8;
	[tilespmem:$0x18800] =	vst v63  }
0x1e0: {  	v3 =	vld [tilespmem:$0x2A0];
	_ =	sdelay $0x4  }
0x1e1: {  	v22 =	vshrl.u32 v3, $0x3  }
0x1e2: {  	v4 =	vmul.u32 $0x30, v22  }
0x1e3: {  	v3 =	vand.u32 $0x7, v3  }
0x1e4: {  	v3 =	vor.u32 v3, v4  }
0x1e5: {  	v4 =	vperm.xlane v3, v0;
	_ =	sdelay $0x1  }
0x1e6: {  	v4 =	vadd.s32 v1, v4;
	_ =	sdelay $0x3  }
0x1e7: {  	s12 =	simm.s32 $0x12800;
	v3 =	vperm.xlane v3, v2  }
0x1e8: {  	[tilespmem:s12], [sflag:$0x1] =	stream.indirect_vreg.gather [hbm4b:s4+s2], $0x80, v4, vm0, $0xb8;
	[tilespmem:$0x18800] =	vst v63  }
0x1e9: {  	s29 =	simm.s32 $0x13000;
	v3 =	vadd.s32 v1, v3  }
0x1ea: {  	[tilespmem:s29], [sflag:$0x1] =	stream.indirect_vreg.gather [hbm4b:s5+s2], $0x80, v4, vm0, $0xb8;
	[tilespmem:$0x18800] =	vst v63  }
0x1eb: {  	s30 =	simm.s32 $0x13800  }
0x1ec: {  	[tilespmem:s30], [sflag:$0x1] =	stream.indirect_vreg.gather [hbm4b:s6+s2], $0x80, v4, vm0, $0xb8;
	[tilespmem:$0x18800] =	vst v63  }
0x1ed: {  	s12 =	simm.s32 $0x14000  }
0x1ee: {  	[tilespmem:s12], [sflag:$0x1] =	stream.indirect_vreg.gather [hbm4b:s4+s2], $0x80, v3, vm0, $0xb8;
	[tilespmem:$0x18800] =	vst v63  }
0x1ef: {  	s12 =	simm.s32 $0x14800  }
0x1f0: {  	[tilespmem:s12], [sflag:$0x1] =	stream.indirect_vreg.gather [hbm4b:s5+s2], $0x80, v3, vm0, $0xb8;
	[tilespmem:$0x18800] =	vst v63  }
0x1f1: {  	s12 =	simm.s32 $0x15000  }
0x1f2: {  	[tilespmem:s12], [sflag:$0x1] =	stream.indirect_vreg.gather [hbm4b:s6+s2], $0x80, v3, vm0, $0xb8;
	[tilespmem:$0x18800] =	vst v63  }
0x1f3: {  	v3 =	vld [tilespmem:$0x2B0];
	_ =	sdelay $0x4  }
0x1f4: {  	v23 =	vshrl.u32 v3, $0x3  }
0x1f5: {  	v4 =	vmul.u32 $0x30, v23  }
0x1f6: {  	v3 =	vand.u32 $0x7, v3  }
0x1f7: {  	v3 =	vor.u32 v3, v4  }
0x1f8: {  	v4 =	vperm.xlane v3, v0;
	_ =	sdelay $0x1  }
0x1f9: {  	v4 =	vadd.s32 v1, v4;
	_ =	sdelay $0x3  }
0x1fa: {  	s12 =	simm.s32 $0x15800;
	v3 =	vperm.xlane v3, v2  }
0x1fb: {  	[tilespmem:s12], [sflag:$0x1] =	stream.indirect_vreg.gather [hbm4b:s4+s2], $0x80, v4, vm0, $0xb8;
	[tilespmem:$0x18800] =	vst v63  }
0x1fc: {  	s31 =	simm.s32 $0x16000;
	v3 =	vadd.s32 v1, v3  }
0x1fd: {  	[tilespmem:s31], [sflag:$0x1] =	stream.indirect_vreg.gather [hbm4b:s5+s2], $0x80, v4, vm0, $0xb8;
	[tilespmem:$0x18800] =	vst v63  }
0x1fe: {  	s12 =	simm.s32 $0x16800  }
0x1ff: {  	[tilespmem:s12], [sflag:$0x1] =	stream.indirect_vreg.gather [hbm4b:s6+s2], $0x80, v4, vm0, $0xb8;
	[tilespmem:$0x18800] =	vst v63  }
0x200: {  	s12 =	simm.s32 $0x17000  }
0x201: {  	[tilespmem:s12], [sflag:$0x1] =	stream.indirect_vreg.gather [hbm4b:s4+s2], $0x80, v3, vm0, $0xb8;
	[tilespmem:$0x18800] =	vst v63  }
0x202: {  	s12 =	simm.s32 $0x17800  }
0x203: {  	[tilespmem:s12], [sflag:$0x1] =	stream.indirect_vreg.gather [hbm4b:s5+s2], $0x80, v3, vm0, $0xb8;
	[tilespmem:$0x18800] =	vst v63  }
0x204: {  	s12 =	simm.s32 $0x18000  }
0x205: {  	[tilespmem:s12], [sflag:$0x1] =	stream.indirect_vreg.gather [hbm4b:s6+s2], $0x80, v3, vm0, $0xb8;
	[tilespmem:$0x18800] =	vst v63  }
0x206: {  	_ =	swait.ge [sflag:s3], $0xC000  }
0x207: {  	[sflag:s3] =	ssyncset.done $0x0  }
0x208: {  	s12 =	rddreg [dreg:$0x8];
	[sflag:s3] =	ssyncadd.s32 $0xFFFF4000  }
0x209: {  	[hbm4b:s12+s2] =	stream.linear.scatter [tilespmem:s8], [sflag:$0x3], $0xC000, $0x38;
	[tilespmem:$0x18800] =	vst v63  }
0x20a: {  	_ =	swait.ge [sflag:s10], $0xC000  }
0x20b: {  	[sflag:s10] =	ssyncset.done $0x0  }
0x20c: {  	[sflag:s10] =	ssyncadd.s32 $0xFFFF4000  }
0x20d: {  	v3 =	vld [tilespmem:$0x300];
	_ =	sdelay $0x4  }
0x20e: {  	v24 =	vshrl.u32 v3, $0x3  }
0x20f: {  	v4 =	vmul.u32 $0x30, v24  }
0x210: {  	v3 =	vand.u32 $0x7, v3  }
0x211: {  	v3 =	vor.u32 v3, v4  }
0x212: {  	v4 =	vperm.xlane v3, v0;
	_ =	sdelay $0x1  }
0x213: {  	v4 =	vadd.s32 v1, v4;
	_ =	sdelay $0x3  }
0x214: {  	v3 =	vperm.xlane v3, v2  }
0x215: {  	[tilespmem:s14], [sflag:$0x1] =	stream.indirect_vreg.gather [hbm4b:s4+s2], $0x80, v4, vm0, $0xb8;
	[tilespmem:$0x18800] =	vst v63  }
0x216: {  	s12 =	simm.s32 $0x1000;
	v3 =	vadd.s32 v1, v3  }
0x217: {  	[tilespmem:s12], [sflag:$0x1] =	stream.indirect_vreg.gather [hbm4b:s5+s2], $0x80, v4, vm0, $0xb8;
	[tilespmem:$0x18800] =	vst v63  }
0x218: {  	s1 =	simm.s32 $0x1800  }
0x219: {  	[tilespmem:s1], [sflag:$0x1] =	stream.indirect_vreg.gather [hbm4b:s6+s2], $0x80, v4, vm0, $0xb8;
	[tilespmem:$0x18800] =	vst v63  }
0x21a: {  	s7 =	simm.s32 $0x2000  }
0x21b: {  	[tilespmem:s7], [sflag:$0x1] =	stream.indirect_vreg.gather [hbm4b:s4+s2], $0x80, v3, vm0, $0xb8;
	[tilespmem:$0x18800] =	vst v63  }
0x21c: {  	s0 =	simm.s32 $0x2800  }
0x21d: {  	[tilespmem:s0], [sflag:$0x1] =	stream.indirect_vreg.gather [hbm4b:s5+s2], $0x80, v3, vm0, $0xb8;
	[tilespmem:$0x18800] =	vst v63  }
0x21e: {  	s12 =	simm.s32 $0x3000  }
0x21f: {  	[tilespmem:s12], [sflag:$0x1] =	stream.indirect_vreg.gather [hbm4b:s6+s2], $0x80, v3, vm0, $0xb8;
	[tilespmem:$0x18800] =	vst v63  }
0x220: {  	v3 =	vld [tilespmem:$0x310];
	_ =	sdelay $0x4  }
0x221: {  	v25 =	vshrl.u32 v3, $0x3  }
0x222: {  	v4 =	vmul.u32 $0x30, v25  }
0x223: {  	v3 =	vand.u32 $0x7, v3  }
0x224: {  	v3 =	vor.u32 v3, v4  }
0x225: {  	v4 =	vperm.xlane v3, v0;
	_ =	sdelay $0x1  }
0x226: {  	v4 =	vadd.s32 v1, v4;
	_ =	sdelay $0x3  }
0x227: {  	s12 =	simm.s32 $0x3800;
	v3 =	vperm.xlane v3, v2  }
0x228: {  	[tilespmem:s12], [sflag:$0x1] =	stream.indirect_vreg.gather [hbm4b:s4+s2], $0x80, v4, vm0, $0xb8;
	[tilespmem:$0x18800] =	vst v63  }
0x229: {  	s9 =	simm.s32 $0x4000;
	v3 =	vadd.s32 v1, v3  }
0x22a: {  	[tilespmem:s9], [sflag:$0x1] =	stream.indirect_vreg.gather [hbm4b:s5+s2], $0x80, v4, vm0, $0xb8;
	[tilespmem:$0x18800] =	vst v63  }
0x22b: {  	s15 =	simm.s32 $0x4800  }
0x22c: {  	[tilespmem:s15], [sflag:$0x1] =	stream.indirect_vreg.gather [hbm4b:s6+s2], $0x80, v4, vm0, $0xb8;
	[tilespmem:$0x18800] =	vst v63  }
0x22d: {  	s16 =	simm.s32 $0x5000  }
0x22e: {  	[tilespmem:s16], [sflag:$0x1] =	stream.indirect_vreg.gather [hbm4b:s4+s2], $0x80, v3, vm0, $0xb8;
	[tilespmem:$0x18800] =	vst v63  }
0x22f: {  	s17 =	simm.s32 $0x5800  }
0x230: {  	[tilespmem:s17], [sflag:$0x1] =	stream.indirect_vreg.gather [hbm4b:s5+s2], $0x80, v3, vm0, $0xb8;
	[tilespmem:$0x18800] =	vst v63  }
0x231: {  	s17 =	simm.s32 $0x6000  }
0x232: {  	[tilespmem:s17], [sflag:$0x1] =	stream.indirect_vreg.gather [hbm4b:s6+s2], $0x80, v3, vm0, $0xb8;
	[tilespmem:$0x18800] =	vst v63  }
0x233: {  	v3 =	vld [tilespmem:$0x320];
	_ =	sdelay $0x4  }
0x234: {  	v26 =	vshrl.u32 v3, $0x3  }
0x235: {  	v4 =	vmul.u32 $0x30, v26  }
0x236: {  	v3 =	vand.u32 $0x7, v3  }
0x237: {  	v3 =	vor.u32 v3, v4  }
0x238: {  	v4 =	vperm.xlane v3, v0;
	_ =	sdelay $0x1  }
0x239: {  	v4 =	vadd.s32 v1, v4;
	_ =	sdelay $0x3  }
0x23a: {  	s17 =	simm.s32 $0x6800;
	v3 =	vperm.xlane v3, v2  }
0x23b: {  	[tilespmem:s17], [sflag:$0x1] =	stream.indirect_vreg.gather [hbm4b:s4+s2], $0x80, v4, vm0, $0xb8;
	[tilespmem:$0x18800] =	vst v63  }
0x23c: {  	s18 =	simm.s32 $0x7000;
	v3 =	vadd.s32 v1, v3  }
0x23d: {  	[tilespmem:s18], [sflag:$0x1] =	stream.indirect_vreg.gather [hbm4b:s5+s2], $0x80, v4, vm0, $0xb8;
	[tilespmem:$0x18800] =	vst v63  }
0x23e: {  	s19 =	simm.s32 $0x7800  }
0x23f: {  	[tilespmem:s19], [sflag:$0x1] =	stream.indirect_vreg.gather [hbm4b:s6+s2], $0x80, v4, vm0, $0xb8;
	[tilespmem:$0x18800] =	vst v63  }
0x240: {  	s20 =	simm.s32 $0x8000  }
0x241: {  	[tilespmem:s20], [sflag:$0x1] =	stream.indirect_vreg.gather [hbm4b:s4+s2], $0x80, v3, vm0, $0xb8;
	[tilespmem:$0x18800] =	vst v63  }
0x242: {  	s21 =	simm.s32 $0x8800  }
0x243: {  	[tilespmem:s21], [sflag:$0x1] =	stream.indirect_vreg.gather [hbm4b:s5+s2], $0x80, v3, vm0, $0xb8;
	[tilespmem:$0x18800] =	vst v63  }
0x244: {  	s21 =	simm.s32 $0x9000  }
0x245: {  	[tilespmem:s21], [sflag:$0x1] =	stream.indirect_vreg.gather [hbm4b:s6+s2], $0x80, v3, vm0, $0xb8;
	[tilespmem:$0x18800] =	vst v63  }
0x246: {  	v3 =	vld [tilespmem:$0x330];
	_ =	sdelay $0x4  }
0x247: {  	v27 =	vshrl.u32 v3, $0x3  }
0x248: {  	v4 =	vmul.u32 $0x30, v27  }
0x249: {  	v3 =	vand.u32 $0x7, v3  }
0x24a: {  	v3 =	vor.u32 v3, v4  }
0x24b: {  	v4 =	vperm.xlane v3, v0;
	_ =	sdelay $0x1  }
0x24c: {  	v4 =	vadd.s32 v1, v4;
	_ =	sdelay $0x3  }
0x24d: {  	s21 =	simm.s32 $0x9800;
	v3 =	vperm.xlane v3, v2  }
0x24e: {  	[tilespmem:s21], [sflag:$0x1] =	stream.indirect_vreg.gather [hbm4b:s4+s2], $0x80, v4, vm0, $0xb8;
	[tilespmem:$0x18800] =	vst v63  }
0x24f: {  	s22 =	simm.s32 $0xA000;
	v3 =	vadd.s32 v1, v3  }
0x250: {  	[tilespmem:s22], [sflag:$0x1] =	stream.indirect_vreg.gather [hbm4b:s5+s2], $0x80, v4, vm0, $0xb8;
	[tilespmem:$0x18800] =	vst v63  }
0x251: {  	s23 =	simm.s32 $0xA800  }
0x252: {  	[tilespmem:s23], [sflag:$0x1] =	stream.indirect_vreg.gather [hbm4b:s6+s2], $0x80, v4, vm0, $0xb8;
	[tilespmem:$0x18800] =	vst v63  }
0x253: {  	s24 =	simm.s32 $0xB000  }
0x254: {  	[tilespmem:s24], [sflag:$0x1] =	stream.indirect_vreg.gather [hbm4b:s4+s2], $0x80, v3, vm0, $0xb8;
	[tilespmem:$0x18800] =	vst v63  }
0x255: {  	s13 =	simm.s32 $0xB800  }
0x256: {  	[tilespmem:s13], [sflag:$0x1] =	stream.indirect_vreg.gather [hbm4b:s5+s2], $0x80, v3, vm0, $0xb8;
	[tilespmem:$0x18800] =	vst v63  }
0x257: {  	s24 =	simm.s32 $0xC000  }
0x258: {  	[tilespmem:s24], [sflag:$0x1] =	stream.indirect_vreg.gather [hbm4b:s6+s2], $0x80, v3, vm0, $0xb8;
	[tilespmem:$0x18800] =	vst v63  }
0x259: {  	_ =	swait.ge [sflag:s3], $0xC000  }
0x25a: {  	[sflag:s3] =	ssyncset.done $0x0  }
0x25b: {  	s24 =	rddreg [dreg:$0x9];
	[sflag:s3] =	ssyncadd.s32 $0xFFFF4000  }
0x25c: {  	[hbm4b:s24+s2] =	stream.linear.scatter [tilespmem:s14], [sflag:$0x2], $0xC000, $0x38;
	[tilespmem:$0x18800] =	vst v63  }
0x25d: {  	_ =	swait.ge [sflag:s11], $0xC000  }
0x25e: {  	[sflag:s11] =	ssyncset.done $0x0  }
0x25f: {  	[sflag:s11] =	ssyncadd.s32 $0xFFFF4000  }
0x260: {  	v3 =	vld [tilespmem:$0x380];
	_ =	sdelay $0x4  }
0x261: {  	v28 =	vshrl.u32 v3, $0x3  }
0x262: {  	v4 =	vmul.u32 $0x30, v28  }
0x263: {  	v3 =	vand.u32 $0x7, v3  }
0x264: {  	v3 =	vor.u32 v3, v4  }
0x265: {  	v4 =	vperm.xlane v3, v0;
	_ =	sdelay $0x1  }
0x266: {  	v4 =	vadd.s32 v1, v4;
	_ =	sdelay $0x3  }
0x267: {  	v3 =	vperm.xlane v3, v2  }
0x268: {  	[tilespmem:s8], [sflag:$0x1] =	stream.indirect_vreg.gather [hbm4b:s4+s2], $0x80, v4, vm0, $0xb8;
	[tilespmem:$0x18800] =	vst v63  }
0x269: {  	s25 =	simm.s32 $0xD000;
	v3 =	vadd.s32 v1, v3  }
0x26a: {  	[tilespmem:s25], [sflag:$0x1] =	stream.indirect_vreg.gather [hbm4b:s5+s2], $0x80, v4, vm0, $0xb8;
	[tilespmem:$0x18800] =	vst v63  }
0x26b: {  	s26 =	simm.s32 $0xD800  }
0x26c: {  	[tilespmem:s26], [sflag:$0x1] =	stream.indirect_vreg.gather [hbm4b:s6+s2], $0x80, v4, vm0, $0xb8;
	[tilespmem:$0x18800] =	vst v63  }
0x26d: {  	s26 =	simm.s32 $0xE000  }
0x26e: {  	[tilespmem:s26], [sflag:$0x1] =	stream.indirect_vreg.gather [hbm4b:s4+s2], $0x80, v3, vm0, $0xb8;
	[tilespmem:$0x18800] =	vst v63  }
0x26f: {  	s12 =	simm.s32 $0xE800  }
0x270: {  	[tilespmem:s12], [sflag:$0x1] =	stream.indirect_vreg.gather [hbm4b:s5+s2], $0x80, v3, vm0, $0xb8;
	[tilespmem:$0x18800] =	vst v63  }
0x271: {  	s12 =	simm.s32 $0xF000  }
0x272: {  	[tilespmem:s12], [sflag:$0x1] =	stream.indirect_vreg.gather [hbm4b:s6+s2], $0x80, v3, vm0, $0xb8;
	[tilespmem:$0x18800] =	vst v63  }
0x273: {  	v3 =	vld [tilespmem:$0x390];
	_ =	sdelay $0x4  }
0x274: {  	v29 =	vshrl.u32 v3, $0x3  }
0x275: {  	v4 =	vmul.u32 $0x30, v29  }
0x276: {  	v3 =	vand.u32 $0x7, v3  }
0x277: {  	v3 =	vor.u32 v3, v4  }
0x278: {  	v4 =	vperm.xlane v3, v0;
	_ =	sdelay $0x1  }
0x279: {  	v4 =	vadd.s32 v1, v4;
	_ =	sdelay $0x3  }
0x27a: {  	s12 =	simm.s32 $0xF800;
	v3 =	vperm.xlane v3, v2  }
0x27b: {  	[tilespmem:s12], [sflag:$0x1] =	stream.indirect_vreg.gather [hbm4b:s4+s2], $0x80, v4, vm0, $0xb8;
	[tilespmem:$0x18800] =	vst v63  }
0x27c: {  	s28 =	simm.s32 $0x10000;
	v3 =	vadd.s32 v1, v3  }
0x27d: {  	[tilespmem:s28], [sflag:$0x1] =	stream.indirect_vreg.gather [hbm4b:s5+s2], $0x80, v4, vm0, $0xb8;
	[tilespmem:$0x18800] =	vst v63  }
0x27e: {  	s12 =	simm.s32 $0x10800  }
0x27f: {  	[tilespmem:s12], [sflag:$0x1] =	stream.indirect_vreg.gather [hbm4b:s6+s2], $0x80, v4, vm0, $0xb8;
	[tilespmem:$0x18800] =	vst v63  }
0x280: {  	s12 =	simm.s32 $0x11000  }
0x281: {  	[tilespmem:s12], [sflag:$0x1] =	stream.indirect_vreg.gather [hbm4b:s4+s2], $0x80, v3, vm0, $0xb8;
	[tilespmem:$0x18800] =	vst v63  }
0x282: {  	s12 =	simm.s32 $0x11800  }
0x283: {  	[tilespmem:s12], [sflag:$0x1] =	stream.indirect_vreg.gather [hbm4b:s5+s2], $0x80, v3, vm0, $0xb8;
	[tilespmem:$0x18800] =	vst v63  }
0x284: {  	s12 =	simm.s32 $0x12000  }
0x285: {  	[tilespmem:s12], [sflag:$0x1] =	stream.indirect_vreg.gather [hbm4b:s6+s2], $0x80, v3, vm0, $0xb8;
	[tilespmem:$0x18800] =	vst v63  }
0x286: {  	v3 =	vld [tilespmem:$0x3A0];
	_ =	sdelay $0x4  }
0x287: {  	v30 =	vshrl.u32 v3, $0x3  }
0x288: {  	v4 =	vmul.u32 $0x30, v30  }
0x289: {  	v3 =	vand.u32 $0x7, v3  }
0x28a: {  	v3 =	vor.u32 v3, v4  }
0x28b: {  	v4 =	vperm.xlane v3, v0;
	_ =	sdelay $0x1  }
0x28c: {  	v4 =	vadd.s32 v1, v4;
	_ =	sdelay $0x3  }
0x28d: {  	s12 =	simm.s32 $0x12800;
	v3 =	vperm.xlane v3, v2  }
0x28e: {  	[tilespmem:s12], [sflag:$0x1] =	stream.indirect_vreg.gather [hbm4b:s4+s2], $0x80, v4, vm0, $0xb8;
	[tilespmem:$0x18800] =	vst v63  }
0x28f: {  	s29 =	simm.s32 $0x13000;
	v3 =	vadd.s32 v1, v3  }
0x290: {  	[tilespmem:s29], [sflag:$0x1] =	stream.indirect_vreg.gather [hbm4b:s5+s2], $0x80, v4, vm0, $0xb8;
	[tilespmem:$0x18800] =	vst v63  }
0x291: {  	s30 =	simm.s32 $0x13800  }
0x292: {  	[tilespmem:s30], [sflag:$0x1] =	stream.indirect_vreg.gather [hbm4b:s6+s2], $0x80, v4, vm0, $0xb8;
	[tilespmem:$0x18800] =	vst v63  }
0x293: {  	s12 =	simm.s32 $0x14000  }
0x294: {  	[tilespmem:s12], [sflag:$0x1] =	stream.indirect_vreg.gather [hbm4b:s4+s2], $0x80, v3, vm0, $0xb8;
	[tilespmem:$0x18800] =	vst v63  }
0x295: {  	s12 =	simm.s32 $0x14800  }
0x296: {  	[tilespmem:s12], [sflag:$0x1] =	stream.indirect_vreg.gather [hbm4b:s5+s2], $0x80, v3, vm0, $0xb8;
	[tilespmem:$0x18800] =	vst v63  }
0x297: {  	s12 =	simm.s32 $0x15000  }
0x298: {  	[tilespmem:s12], [sflag:$0x1] =	stream.indirect_vreg.gather [hbm4b:s6+s2], $0x80, v3, vm0, $0xb8;
	[tilespmem:$0x18800] =	vst v63  }
0x299: {  	v3 =	vld [tilespmem:$0x3B0];
	_ =	sdelay $0x4  }
0x29a: {  	v31 =	vshrl.u32 v3, $0x3  }
0x29b: {  	v4 =	vmul.u32 $0x30, v31  }
0x29c: {  	v3 =	vand.u32 $0x7, v3  }
0x29d: {  	v3 =	vor.u32 v3, v4  }
0x29e: {  	v4 =	vperm.xlane v3, v0;
	_ =	sdelay $0x1  }
0x29f: {  	v4 =	vadd.s32 v1, v4;
	_ =	sdelay $0x3  }
0x2a0: {  	s12 =	simm.s32 $0x15800;
	v3 =	vperm.xlane v3, v2  }
0x2a1: {  	[tilespmem:s12], [sflag:$0x1] =	stream.indirect_vreg.gather [hbm4b:s4+s2], $0x80, v4, vm0, $0xb8;
	[tilespmem:$0x18800] =	vst v63  }
0x2a2: {  	s31 =	simm.s32 $0x16000;
	v3 =	vadd.s32 v1, v3  }
0x2a3: {  	[tilespmem:s31], [sflag:$0x1] =	stream.indirect_vreg.gather [hbm4b:s5+s2], $0x80, v4, vm0, $0xb8;
	[tilespmem:$0x18800] =	vst v63  }
0x2a4: {  	s12 =	simm.s32 $0x16800  }
0x2a5: {  	[tilespmem:s12], [sflag:$0x1] =	stream.indirect_vreg.gather [hbm4b:s6+s2], $0x80, v4, vm0, $0xb8;
	[tilespmem:$0x18800] =	vst v63  }
0x2a6: {  	s12 =	simm.s32 $0x17000  }
0x2a7: {  	[tilespmem:s12], [sflag:$0x1] =	stream.indirect_vreg.gather [hbm4b:s4+s2], $0x80, v3, vm0, $0xb8;
	[tilespmem:$0x18800] =	vst v63  }
0x2a8: {  	s12 =	simm.s32 $0x17800  }
0x2a9: {  	[tilespmem:s12], [sflag:$0x1] =	stream.indirect_vreg.gather [hbm4b:s5+s2], $0x80, v3, vm0, $0xb8;
	[tilespmem:$0x18800] =	vst v63  }
0x2aa: {  	s12 =	simm.s32 $0x18000  }
0x2ab: {  	[tilespmem:s12], [sflag:$0x1] =	stream.indirect_vreg.gather [hbm4b:s6+s2], $0x80, v3, vm0, $0xb8;
	[tilespmem:$0x18800] =	vst v63  }
0x2ac: {  	_ =	swait.ge [sflag:s3], $0xC000  }
0x2ad: {  	[sflag:s3] =	ssyncset.done $0x0  }
0x2ae: {  	s12 =	rddreg [dreg:$0xa];
	[sflag:s3] =	ssyncadd.s32 $0xFFFF4000  }
0x2af: {  	[hbm4b:s12+s2] =	stream.linear.scatter [tilespmem:s8], [sflag:$0x3], $0xC000, $0x38;
	[tilespmem:$0x18800] =	vst v63  }
0x2b0: {  	_ =	swait.ge [sflag:s10], $0xC000  }
0x2b1: {  	[sflag:s10] =	ssyncset.done $0x0  }
0x2b2: {  	[sflag:s10] =	ssyncadd.s32 $0xFFFF4000  }
0x2b3: {  	v3 =	vld [tilespmem:$0x400];
	_ =	sdelay $0x4  }
0x2b4: {  	v32 =	vshrl.u32 v3, $0x3  }
0x2b5: {  	v4 =	vmul.u32 $0x30, v32  }
0x2b6: {  	v3 =	vand.u32 $0x7, v3  }
0x2b7: {  	v3 =	vor.u32 v3, v4  }
0x2b8: {  	v4 =	vperm.xlane v3, v0;
	_ =	sdelay $0x1  }
0x2b9: {  	v4 =	vadd.s32 v1, v4;
	_ =	sdelay $0x3  }
0x2ba: {  	v3 =	vperm.xlane v3, v2  }
0x2bb: {  	[tilespmem:s14], [sflag:$0x1] =	stream.indirect_vreg.gather [hbm4b:s4+s2], $0x80, v4, vm0, $0xb8;
	[tilespmem:$0x18800] =	vst v63  }
0x2bc: {  	s12 =	simm.s32 $0x1000;
	v3 =	vadd.s32 v1, v3  }
0x2bd: {  	[tilespmem:s12], [sflag:$0x1] =	stream.indirect_vreg.gather [hbm4b:s5+s2], $0x80, v4, vm0, $0xb8;
	[tilespmem:$0x18800] =	vst v63  }
0x2be: {  	s12 =	simm.s32 $0x1800  }
0x2bf: {  	[tilespmem:s12], [sflag:$0x1] =	stream.indirect_vreg.gather [hbm4b:s6+s2], $0x80, v4, vm0, $0xb8;
	[tilespmem:$0x18800] =	vst v63  }
0x2c0: {  	s7 =	simm.s32 $0x2000  }
0x2c1: {  	[tilespmem:s7], [sflag:$0x1] =	stream.indirect_vreg.gather [hbm4b:s4+s2], $0x80, v3, vm0, $0xb8;
	[tilespmem:$0x18800] =	vst v63  }
0x2c2: {  	s1 =	simm.s32 $0x2800  }
0x2c3: {  	[tilespmem:s1], [sflag:$0x1] =	stream.indirect_vreg.gather [hbm4b:s5+s2], $0x80, v3, vm0, $0xb8;
	[tilespmem:$0x18800] =	vst v63  }
0x2c4: {  	s12 =	simm.s32 $0x3000  }
0x2c5: {  	[tilespmem:s12], [sflag:$0x1] =	stream.indirect_vreg.gather [hbm4b:s6+s2], $0x80, v3, vm0, $0xb8;
	[tilespmem:$0x18800] =	vst v63  }
0x2c6: {  	v3 =	vld [tilespmem:$0x410];
	_ =	sdelay $0x4  }
0x2c7: {  	v33 =	vshrl.u32 v3, $0x3  }
0x2c8: {  	v4 =	vmul.u32 $0x30, v33  }
0x2c9: {  	v3 =	vand.u32 $0x7, v3  }
0x2ca: {  	v3 =	vor.u32 v3, v4  }
0x2cb: {  	v4 =	vperm.xlane v3, v0;
	_ =	sdelay $0x1  }
0x2cc: {  	v4 =	vadd.s32 v1, v4;
	_ =	sdelay $0x3  }
0x2cd: {  	s12 =	simm.s32 $0x3800;
	v3 =	vperm.xlane v3, v2  }
0x2ce: {  	[tilespmem:s12], [sflag:$0x1] =	stream.indirect_vreg.gather [hbm4b:s4+s2], $0x80, v4, vm0, $0xb8;
	[tilespmem:$0x18800] =	vst v63  }
0x2cf: {  	s0 =	simm.s32 $0x4000;
	v3 =	vadd.s32 v1, v3  }
0x2d0: {  	[tilespmem:s0], [sflag:$0x1] =	stream.indirect_vreg.gather [hbm4b:s5+s2], $0x80, v4, vm0, $0xb8;
	[tilespmem:$0x18800] =	vst v63  }
0x2d1: {  	s9 =	simm.s32 $0x4800  }
0x2d2: {  	[tilespmem:s9], [sflag:$0x1] =	stream.indirect_vreg.gather [hbm4b:s6+s2], $0x80, v4, vm0, $0xb8;
	[tilespmem:$0x18800] =	vst v63  }
0x2d3: {  	s15 =	simm.s32 $0x5000  }
0x2d4: {  	[tilespmem:s15], [sflag:$0x1] =	stream.indirect_vreg.gather [hbm4b:s4+s2], $0x80, v3, vm0, $0xb8;
	[tilespmem:$0x18800] =	vst v63  }
0x2d5: {  	s16 =	simm.s32 $0x5800  }
0x2d6: {  	[tilespmem:s16], [sflag:$0x1] =	stream.indirect_vreg.gather [hbm4b:s5+s2], $0x80, v3, vm0, $0xb8;
	[tilespmem:$0x18800] =	vst v63  }
0x2d7: {  	s16 =	simm.s32 $0x6000  }
0x2d8: {  	[tilespmem:s16], [sflag:$0x1] =	stream.indirect_vreg.gather [hbm4b:s6+s2], $0x80, v3, vm0, $0xb8;
	[tilespmem:$0x18800] =	vst v63  }
0x2d9: {  	v3 =	vld [tilespmem:$0x420];
	_ =	sdelay $0x4  }
0x2da: {  	v34 =	vshrl.u32 v3, $0x3  }
0x2db: {  	v4 =	vmul.u32 $0x30, v34  }
0x2dc: {  	v3 =	vand.u32 $0x7, v3  }
0x2dd: {  	v3 =	vor.u32 v3, v4  }
0x2de: {  	v4 =	vperm.xlane v3, v0;
	_ =	sdelay $0x1  }
0x2df: {  	v4 =	vadd.s32 v1, v4;
	_ =	sdelay $0x3  }
0x2e0: {  	s16 =	simm.s32 $0x6800;
	v3 =	vperm.xlane v3, v2  }
0x2e1: {  	[tilespmem:s16], [sflag:$0x1] =	stream.indirect_vreg.gather [hbm4b:s4+s2], $0x80, v4, vm0, $0xb8;
	[tilespmem:$0x18800] =	vst v63  }
0x2e2: {  	s17 =	simm.s32 $0x7000;
	v3 =	vadd.s32 v1, v3  }
0x2e3: {  	[tilespmem:s17], [sflag:$0x1] =	stream.indirect_vreg.gather [hbm4b:s5+s2], $0x80, v4, vm0, $0xb8;
	[tilespmem:$0x18800] =	vst v63  }
0x2e4: {  	s18 =	simm.s32 $0x7800  }
0x2e5: {  	[tilespmem:s18], [sflag:$0x1] =	stream.indirect_vreg.gather [hbm4b:s6+s2], $0x80, v4, vm0, $0xb8;
	[tilespmem:$0x18800] =	vst v63  }
0x2e6: {  	s19 =	simm.s32 $0x8000  }
0x2e7: {  	[tilespmem:s19], [sflag:$0x1] =	stream.indirect_vreg.gather [hbm4b:s4+s2], $0x80, v3, vm0, $0xb8;
	[tilespmem:$0x18800] =	vst v63  }
0x2e8: {  	s20 =	simm.s32 $0x8800  }
0x2e9: {  	[tilespmem:s20], [sflag:$0x1] =	stream.indirect_vreg.gather [hbm4b:s5+s2], $0x80, v3, vm0, $0xb8;
	[tilespmem:$0x18800] =	vst v63  }
0x2ea: {  	s20 =	simm.s32 $0x9000  }
0x2eb: {  	[tilespmem:s20], [sflag:$0x1] =	stream.indirect_vreg.gather [hbm4b:s6+s2], $0x80, v3, vm0, $0xb8;
	[tilespmem:$0x18800] =	vst v63  }
0x2ec: {  	v3 =	vld [tilespmem:$0x430];
	_ =	sdelay $0x4  }
0x2ed: {  	v35 =	vshrl.u32 v3, $0x3  }
0x2ee: {  	v4 =	vmul.u32 $0x30, v35  }
0x2ef: {  	v3 =	vand.u32 $0x7, v3  }
0x2f0: {  	v3 =	vor.u32 v3, v4  }
0x2f1: {  	v4 =	vperm.xlane v3, v0;
	_ =	sdelay $0x1  }
0x2f2: {  	v4 =	vadd.s32 v1, v4;
	_ =	sdelay $0x3  }
0x2f3: {  	s20 =	simm.s32 $0x9800;
	v3 =	vperm.xlane v3, v2  }
0x2f4: {  	[tilespmem:s20], [sflag:$0x1] =	stream.indirect_vreg.gather [hbm4b:s4+s2], $0x80, v4, vm0, $0xb8;
	[tilespmem:$0x18800] =	vst v63  }
0x2f5: {  	s21 =	simm.s32 $0xA000;
	v3 =	vadd.s32 v1, v3  }
0x2f6: {  	[tilespmem:s21], [sflag:$0x1] =	stream.indirect_vreg.gather [hbm4b:s5+s2], $0x80, v4, vm0, $0xb8;
	[tilespmem:$0x18800] =	vst v63  }
0x2f7: {  	s22 =	simm.s32 $0xA800  }
0x2f8: {  	[tilespmem:s22], [sflag:$0x1] =	stream.indirect_vreg.gather [hbm4b:s6+s2], $0x80, v4, vm0, $0xb8;
	[tilespmem:$0x18800] =	vst v63  }
0x2f9: {  	s23 =	simm.s32 $0xB000  }
0x2fa: {  	[tilespmem:s23], [sflag:$0x1] =	stream.indirect_vreg.gather [hbm4b:s4+s2], $0x80, v3, vm0, $0xb8;
	[tilespmem:$0x18800] =	vst v63  }
0x2fb: {  	s13 =	simm.s32 $0xB800  }
0x2fc: {  	[tilespmem:s13], [sflag:$0x1] =	stream.indirect_vreg.gather [hbm4b:s5+s2], $0x80, v3, vm0, $0xb8;
	[tilespmem:$0x18800] =	vst v63  }
0x2fd: {  	s23 =	simm.s32 $0xC000  }
0x2fe: {  	[tilespmem:s23], [sflag:$0x1] =	stream.indirect_vreg.gather [hbm4b:s6+s2], $0x80, v3, vm0, $0xb8;
	[tilespmem:$0x18800] =	vst v63  }
0x2ff: {  	_ =	swait.ge [sflag:s3], $0xC000  }
0x300: {  	[sflag:s3] =	ssyncset.done $0x0  }
0x301: {  	s23 =	rddreg [dreg:$0xb];
	[sflag:s3] =	ssyncadd.s32 $0xFFFF4000  }
0x302: {  	[hbm4b:s23+s2] =	stream.linear.scatter [tilespmem:s14], [sflag:$0x2], $0xC000, $0x38;
	[tilespmem:$0x18800] =	vst v63  }
0x303: {  	_ =	swait.ge [sflag:s11], $0xC000  }
0x304: {  	[sflag:s11] =	ssyncset.done $0x0  }
0x305: {  	[sflag:s11] =	ssyncadd.s32 $0xFFFF4000  }
0x306: {  	v3 =	vld [tilespmem:$0x480];
	_ =	sdelay $0x4  }
0x307: {  	v36 =	vshrl.u32 v3, $0x3  }
0x308: {  	v4 =	vmul.u32 $0x30, v36  }
0x309: {  	v3 =	vand.u32 $0x7, v3  }
0x30a: {  	v3 =	vor.u32 v3, v4  }
0x30b: {  	v4 =	vperm.xlane v3, v0;
	_ =	sdelay $0x1  }
0x30c: {  	v4 =	vadd.s32 v1, v4;
	_ =	sdelay $0x3  }
0x30d: {  	v3 =	vperm.xlane v3, v2  }
0x30e: {  	[tilespmem:s8], [sflag:$0x1] =	stream.indirect_vreg.gather [hbm4b:s4+s2], $0x80, v4, vm0, $0xb8;
	[tilespmem:$0x18800] =	vst v63  }
0x30f: {  	s24 =	simm.s32 $0xD000;
	v3 =	vadd.s32 v1, v3  }
0x310: {  	[tilespmem:s24], [sflag:$0x1] =	stream.indirect_vreg.gather [hbm4b:s5+s2], $0x80, v4, vm0, $0xb8;
	[tilespmem:$0x18800] =	vst v63  }
0x311: {  	s25 =	simm.s32 $0xD800  }
0x312: {  	[tilespmem:s25], [sflag:$0x1] =	stream.indirect_vreg.gather [hbm4b:s6+s2], $0x80, v4, vm0, $0xb8;
	[tilespmem:$0x18800] =	vst v63  }
0x313: {  	s26 =	simm.s32 $0xE000  }
0x314: {  	[tilespmem:s26], [sflag:$0x1] =	stream.indirect_vreg.gather [hbm4b:s4+s2], $0x80, v3, vm0, $0xb8;
	[tilespmem:$0x18800] =	vst v63  }
0x315: {  	s26 =	simm.s32 $0xE800  }
0x316: {  	[tilespmem:s26], [sflag:$0x1] =	stream.indirect_vreg.gather [hbm4b:s5+s2], $0x80, v3, vm0, $0xb8;
	[tilespmem:$0x18800] =	vst v63  }
0x317: {  	s12 =	simm.s32 $0xF000  }
0x318: {  	[tilespmem:s12], [sflag:$0x1] =	stream.indirect_vreg.gather [hbm4b:s6+s2], $0x80, v3, vm0, $0xb8;
	[tilespmem:$0x18800] =	vst v63  }
0x319: {  	v3 =	vld [tilespmem:$0x490];
	_ =	sdelay $0x4  }
0x31a: {  	v37 =	vshrl.u32 v3, $0x3  }
0x31b: {  	v4 =	vmul.u32 $0x30, v37  }
0x31c: {  	v3 =	vand.u32 $0x7, v3  }
0x31d: {  	v3 =	vor.u32 v3, v4  }
0x31e: {  	v4 =	vperm.xlane v3, v0;
	_ =	sdelay $0x1  }
0x31f: {  	v4 =	vadd.s32 v1, v4;
	_ =	sdelay $0x3  }
0x320: {  	s12 =	simm.s32 $0xF800;
	v3 =	vperm.xlane v3, v2  }
0x321: {  	[tilespmem:s12], [sflag:$0x1] =	stream.indirect_vreg.gather [hbm4b:s4+s2], $0x80, v4, vm0, $0xb8;
	[tilespmem:$0x18800] =	vst v63  }
0x322: {  	s28 =	simm.s32 $0x10000;
	v3 =	vadd.s32 v1, v3  }
0x323: {  	[tilespmem:s28], [sflag:$0x1] =	stream.indirect_vreg.gather [hbm4b:s5+s2], $0x80, v4, vm0, $0xb8;
	[tilespmem:$0x18800] =	vst v63  }
0x324: {  	s12 =	simm.s32 $0x10800  }
0x325: {  	[tilespmem:s12], [sflag:$0x1] =	stream.indirect_vreg.gather [hbm4b:s6+s2], $0x80, v4, vm0, $0xb8;
	[tilespmem:$0x18800] =	vst v63  }
0x326: {  	s12 =	simm.s32 $0x11000  }
0x327: {  	[tilespmem:s12], [sflag:$0x1] =	stream.indirect_vreg.gather [hbm4b:s4+s2], $0x80, v3, vm0, $0xb8;
	[tilespmem:$0x18800] =	vst v63  }
0x328: {  	s12 =	simm.s32 $0x11800  }
0x329: {  	[tilespmem:s12], [sflag:$0x1] =	stream.indirect_vreg.gather [hbm4b:s5+s2], $0x80, v3, vm0, $0xb8;
	[tilespmem:$0x18800] =	vst v63  }
0x32a: {  	s12 =	simm.s32 $0x12000  }
0x32b: {  	[tilespmem:s12], [sflag:$0x1] =	stream.indirect_vreg.gather [hbm4b:s6+s2], $0x80, v3, vm0, $0xb8;
	[tilespmem:$0x18800] =	vst v63  }
0x32c: {  	v3 =	vld [tilespmem:$0x4A0];
	_ =	sdelay $0x4  }
0x32d: {  	v38 =	vshrl.u32 v3, $0x3  }
0x32e: {  	v4 =	vmul.u32 $0x30, v38  }
0x32f: {  	v3 =	vand.u32 $0x7, v3  }
0x330: {  	v3 =	vor.u32 v3, v4  }
0x331: {  	v4 =	vperm.xlane v3, v0;
	_ =	sdelay $0x1  }
0x332: {  	v4 =	vadd.s32 v1, v4;
	_ =	sdelay $0x3  }
0x333: {  	s12 =	simm.s32 $0x12800;
	v3 =	vperm.xlane v3, v2  }
0x334: {  	[tilespmem:s12], [sflag:$0x1] =	stream.indirect_vreg.gather [hbm4b:s4+s2], $0x80, v4, vm0, $0xb8;
	[tilespmem:$0x18800] =	vst v63  }
0x335: {  	s29 =	simm.s32 $0x13000;
	v3 =	vadd.s32 v1, v3  }
0x336: {  	[tilespmem:s29], [sflag:$0x1] =	stream.indirect_vreg.gather [hbm4b:s5+s2], $0x80, v4, vm0, $0xb8;
	[tilespmem:$0x18800] =	vst v63  }
0x337: {  	s30 =	simm.s32 $0x13800  }
0x338: {  	[tilespmem:s30], [sflag:$0x1] =	stream.indirect_vreg.gather [hbm4b:s6+s2], $0x80, v4, vm0, $0xb8;
	[tilespmem:$0x18800] =	vst v63  }
0x339: {  	s12 =	simm.s32 $0x14000  }
0x33a: {  	[tilespmem:s12], [sflag:$0x1] =	stream.indirect_vreg.gather [hbm4b:s4+s2], $0x80, v3, vm0, $0xb8;
	[tilespmem:$0x18800] =	vst v63  }
0x33b: {  	s12 =	simm.s32 $0x14800  }
0x33c: {  	[tilespmem:s12], [sflag:$0x1] =	stream.indirect_vreg.gather [hbm4b:s5+s2], $0x80, v3, vm0, $0xb8;
	[tilespmem:$0x18800] =	vst v63  }
0x33d: {  	s12 =	simm.s32 $0x15000  }
0x33e: {  	[tilespmem:s12], [sflag:$0x1] =	stream.indirect_vreg.gather [hbm4b:s6+s2], $0x80, v3, vm0, $0xb8;
	[tilespmem:$0x18800] =	vst v63  }
0x33f: {  	v3 =	vld [tilespmem:$0x4B0];
	_ =	sdelay $0x4  }
0x340: {  	v39 =	vshrl.u32 v3, $0x3  }
0x341: {  	v4 =	vmul.u32 $0x30, v39  }
0x342: {  	v3 =	vand.u32 $0x7, v3  }
0x343: {  	v3 =	vor.u32 v3, v4  }
0x344: {  	v4 =	vperm.xlane v3, v0;
	_ =	sdelay $0x1  }
0x345: {  	v4 =	vadd.s32 v1, v4;
	_ =	sdelay $0x3  }
0x346: {  	s12 =	simm.s32 $0x15800;
	v3 =	vperm.xlane v3, v2  }
0x347: {  	[tilespmem:s12], [sflag:$0x1] =	stream.indirect_vreg.gather [hbm4b:s4+s2], $0x80, v4, vm0, $0xb8;
	[tilespmem:$0x18800] =	vst v63  }
0x348: {  	s31 =	simm.s32 $0x16000;
	v3 =	vadd.s32 v1, v3  }
0x349: {  	[tilespmem:s31], [sflag:$0x1] =	stream.indirect_vreg.gather [hbm4b:s5+s2], $0x80, v4, vm0, $0xb8;
	[tilespmem:$0x18800] =	vst v63  }
0x34a: {  	s12 =	simm.s32 $0x16800  }
0x34b: {  	[tilespmem:s12], [sflag:$0x1] =	stream.indirect_vreg.gather [hbm4b:s6+s2], $0x80, v4, vm0, $0xb8;
	[tilespmem:$0x18800] =	vst v63  }
0x34c: {  	s12 =	simm.s32 $0x17000  }
0x34d: {  	[tilespmem:s12], [sflag:$0x1] =	stream.indirect_vreg.gather [hbm4b:s4+s2], $0x80, v3, vm0, $0xb8;
	[tilespmem:$0x18800] =	vst v63  }
0x34e: {  	s12 =	simm.s32 $0x17800  }
0x34f: {  	[tilespmem:s12], [sflag:$0x1] =	stream.indirect_vreg.gather [hbm4b:s5+s2], $0x80, v3, vm0, $0xb8;
	[tilespmem:$0x18800] =	vst v63  }
0x350: {  	s12 =	simm.s32 $0x18000  }
0x351: {  	[tilespmem:s12], [sflag:$0x1] =	stream.indirect_vreg.gather [hbm4b:s6+s2], $0x80, v3, vm0, $0xb8;
	[tilespmem:$0x18800] =	vst v63  }
0x352: {  	_ =	swait.ge [sflag:s3], $0xC000  }
0x353: {  	[sflag:s3] =	ssyncset.done $0x0  }
0x354: {  	s12 =	rddreg [dreg:$0xc];
	[sflag:s3] =	ssyncadd.s32 $0xFFFF4000  }
0x355: {  	[hbm4b:s12+s2] =	stream.linear.scatter [tilespmem:s8], [sflag:$0x3], $0xC000, $0x38;
	[tilespmem:$0x18800] =	vst v63  }
0x356: {  	_ =	swait.ge [sflag:s10], $0xC000  }
0x357: {  	[sflag:s10] =	ssyncset.done $0x0  }
0x358: {  	[sflag:s10] =	ssyncadd.s32 $0xFFFF4000  }
0x359: {  	v3 =	vld [tilespmem:$0x500];
	_ =	sdelay $0x4  }
0x35a: {  	v40 =	vshrl.u32 v3, $0x3  }
0x35b: {  	v4 =	vmul.u32 $0x30, v40  }
0x35c: {  	v3 =	vand.u32 $0x7, v3  }
0x35d: {  	v3 =	vor.u32 v3, v4  }
0x35e: {  	v4 =	vperm.xlane v3, v0;
	_ =	sdelay $0x1  }
0x35f: {  	v4 =	vadd.s32 v1, v4;
	_ =	sdelay $0x3  }
0x360: {  	v3 =	vperm.xlane v3, v2  }
0x361: {  	[tilespmem:s14], [sflag:$0x1] =	stream.indirect_vreg.gather [hbm4b:s4+s2], $0x80, v4, vm0, $0xb8;
	[tilespmem:$0x18800] =	vst v63  }
0x362: {  	s12 =	simm.s32 $0x1000;
	v3 =	vadd.s32 v1, v3  }
0x363: {  	[tilespmem:s12], [sflag:$0x1] =	stream.indirect_vreg.gather [hbm4b:s5+s2], $0x80, v4, vm0, $0xb8;
	[tilespmem:$0x18800] =	vst v63  }
0x364: {  	s12 =	simm.s32 $0x1800  }
0x365: {  	[tilespmem:s12], [sflag:$0x1] =	stream.indirect_vreg.gather [hbm4b:s6+s2], $0x80, v4, vm0, $0xb8;
	[tilespmem:$0x18800] =	vst v63  }
0x366: {  	s12 =	simm.s32 $0x2000  }
0x367: {  	[tilespmem:s12], [sflag:$0x1] =	stream.indirect_vreg.gather [hbm4b:s4+s2], $0x80, v3, vm0, $0xb8;
	[tilespmem:$0x18800] =	vst v63  }
0x368: {  	s7 =	simm.s32 $0x2800  }
0x369: {  	[tilespmem:s7], [sflag:$0x1] =	stream.indirect_vreg.gather [hbm4b:s5+s2], $0x80, v3, vm0, $0xb8;
	[tilespmem:$0x18800] =	vst v63  }
0x36a: {  	s12 =	simm.s32 $0x3000  }
0x36b: {  	[tilespmem:s12], [sflag:$0x1] =	stream.indirect_vreg.gather [hbm4b:s6+s2], $0x80, v3, vm0, $0xb8;
	[tilespmem:$0x18800] =	vst v63  }
0x36c: {  	v3 =	vld [tilespmem:$0x510];
	_ =	sdelay $0x4  }
0x36d: {  	v41 =	vshrl.u32 v3, $0x3  }
0x36e: {  	v4 =	vmul.u32 $0x30, v41  }
0x36f: {  	v3 =	vand.u32 $0x7, v3  }
0x370: {  	v3 =	vor.u32 v3, v4  }
0x371: {  	v4 =	vperm.xlane v3, v0;
	_ =	sdelay $0x1  }
0x372: {  	v4 =	vadd.s32 v1, v4;
	_ =	sdelay $0x3  }
0x373: {  	s12 =	simm.s32 $0x3800;
	v3 =	vperm.xlane v3, v2  }
0x374: {  	[tilespmem:s12], [sflag:$0x1] =	stream.indirect_vreg.gather [hbm4b:s4+s2], $0x80, v4, vm0, $0xb8;
	[tilespmem:$0x18800] =	vst v63  }
0x375: {  	s0 =	simm.s32 $0x4000;
	v3 =	vadd.s32 v1, v3  }
0x376: {  	[tilespmem:s0], [sflag:$0x1] =	stream.indirect_vreg.gather [hbm4b:s5+s2], $0x80, v4, vm0, $0xb8;
	[tilespmem:$0x18800] =	vst v63  }
0x377: {  	s1 =	simm.s32 $0x4800  }
0x378: {  	[tilespmem:s1], [sflag:$0x1] =	stream.indirect_vreg.gather [hbm4b:s6+s2], $0x80, v4, vm0, $0xb8;
	[tilespmem:$0x18800] =	vst v63  }
0x379: {  	s9 =	simm.s32 $0x5000  }
0x37a: {  	[tilespmem:s9], [sflag:$0x1] =	stream.indirect_vreg.gather [hbm4b:s4+s2], $0x80, v3, vm0, $0xb8;
	[tilespmem:$0x18800] =	vst v63  }
0x37b: {  	s15 =	simm.s32 $0x5800  }
0x37c: {  	[tilespmem:s15], [sflag:$0x1] =	stream.indirect_vreg.gather [hbm4b:s5+s2], $0x80, v3, vm0, $0xb8;
	[tilespmem:$0x18800] =	vst v63  }
0x37d: {  	s12 =	simm.s32 $0x6000  }
0x37e: {  	[tilespmem:s12], [sflag:$0x1] =	stream.indirect_vreg.gather [hbm4b:s6+s2], $0x80, v3, vm0, $0xb8;
	[tilespmem:$0x18800] =	vst v63  }
0x37f: {  	v3 =	vld [tilespmem:$0x520];
	_ =	sdelay $0x4  }
0x380: {  	v42 =	vshrl.u32 v3, $0x3  }
0x381: {  	v4 =	vmul.u32 $0x30, v42  }
0x382: {  	v3 =	vand.u32 $0x7, v3  }
0x383: {  	v3 =	vor.u32 v3, v4  }
0x384: {  	v4 =	vperm.xlane v3, v0;
	_ =	sdelay $0x1  }
0x385: {  	v4 =	vadd.s32 v1, v4;
	_ =	sdelay $0x3  }
0x386: {  	s15 =	simm.s32 $0x6800;
	v3 =	vperm.xlane v3, v2  }
0x387: {  	[tilespmem:s15], [sflag:$0x1] =	stream.indirect_vreg.gather [hbm4b:s4+s2], $0x80, v4, vm0, $0xb8;
	[tilespmem:$0x18800] =	vst v63  }
0x388: {  	s16 =	simm.s32 $0x7000;
	v3 =	vadd.s32 v1, v3  }
0x389: {  	[tilespmem:s16], [sflag:$0x1] =	stream.indirect_vreg.gather [hbm4b:s5+s2], $0x80, v4, vm0, $0xb8;
	[tilespmem:$0x18800] =	vst v63  }
0x38a: {  	s17 =	simm.s32 $0x7800  }
0x38b: {  	[tilespmem:s17], [sflag:$0x1] =	stream.indirect_vreg.gather [hbm4b:s6+s2], $0x80, v4, vm0, $0xb8;
	[tilespmem:$0x18800] =	vst v63  }
0x38c: {  	s18 =	simm.s32 $0x8000  }
0x38d: {  	[tilespmem:s18], [sflag:$0x1] =	stream.indirect_vreg.gather [hbm4b:s4+s2], $0x80, v3, vm0, $0xb8;
	[tilespmem:$0x18800] =	vst v63  }
0x38e: {  	s19 =	simm.s32 $0x8800  }
0x38f: {  	[tilespmem:s19], [sflag:$0x1] =	stream.indirect_vreg.gather [hbm4b:s5+s2], $0x80, v3, vm0, $0xb8;
	[tilespmem:$0x18800] =	vst v63  }
0x390: {  	s18 =	simm.s32 $0x9000  }
0x391: {  	[tilespmem:s18], [sflag:$0x1] =	stream.indirect_vreg.gather [hbm4b:s6+s2], $0x80, v3, vm0, $0xb8;
	[tilespmem:$0x18800] =	vst v63  }
0x392: {  	v3 =	vld [tilespmem:$0x530];
	_ =	sdelay $0x4  }
0x393: {  	v43 =	vshrl.u32 v3, $0x3  }
0x394: {  	v4 =	vmul.u32 $0x30, v43  }
0x395: {  	v3 =	vand.u32 $0x7, v3  }
0x396: {  	v3 =	vor.u32 v3, v4  }
0x397: {  	v4 =	vperm.xlane v3, v0;
	_ =	sdelay $0x1  }
0x398: {  	v4 =	vadd.s32 v1, v4;
	_ =	sdelay $0x3  }
0x399: {  	s19 =	simm.s32 $0x9800;
	v3 =	vperm.xlane v3, v2  }
0x39a: {  	[tilespmem:s19], [sflag:$0x1] =	stream.indirect_vreg.gather [hbm4b:s4+s2], $0x80, v4, vm0, $0xb8;
	[tilespmem:$0x18800] =	vst v63  }
0x39b: {  	s20 =	simm.s32 $0xA000;
	v3 =	vadd.s32 v1, v3  }
0x39c: {  	[tilespmem:s20], [sflag:$0x1] =	stream.indirect_vreg.gather [hbm4b:s5+s2], $0x80, v4, vm0, $0xb8;
	[tilespmem:$0x18800] =	vst v63  }
0x39d: {  	s21 =	simm.s32 $0xA800  }
0x39e: {  	[tilespmem:s21], [sflag:$0x1] =	stream.indirect_vreg.gather [hbm4b:s6+s2], $0x80, v4, vm0, $0xb8;
	[tilespmem:$0x18800] =	vst v63  }
0x39f: {  	s22 =	simm.s32 $0xB000  }
0x3a0: {  	[tilespmem:s22], [sflag:$0x1] =	stream.indirect_vreg.gather [hbm4b:s4+s2], $0x80, v3, vm0, $0xb8;
	[tilespmem:$0x18800] =	vst v63  }
0x3a1: {  	s13 =	simm.s32 $0xB800  }
0x3a2: {  	[tilespmem:s13], [sflag:$0x1] =	stream.indirect_vreg.gather [hbm4b:s5+s2], $0x80, v3, vm0, $0xb8;
	[tilespmem:$0x18800] =	vst v63  }
0x3a3: {  	s20 =	simm.s32 $0xC000  }
0x3a4: {  	[tilespmem:s20], [sflag:$0x1] =	stream.indirect_vreg.gather [hbm4b:s6+s2], $0x80, v3, vm0, $0xb8;
	[tilespmem:$0x18800] =	vst v63  }
0x3a5: {  	_ =	swait.ge [sflag:s3], $0xC000  }
0x3a6: {  	[sflag:s3] =	ssyncset.done $0x0  }
0x3a7: {  	s21 =	rddreg [dreg:$0xd];
	[sflag:s3] =	ssyncadd.s32 $0xFFFF4000  }
0x3a8: {  	[hbm4b:s21+s2] =	stream.linear.scatter [tilespmem:s14], [sflag:$0x2], $0xC000, $0x38;
	[tilespmem:$0x18800] =	vst v63  }
0x3a9: {  	_ =	swait.ge [sflag:s11], $0xC000  }
0x3aa: {  	[sflag:s11] =	ssyncset.done $0x0  }
0x3ab: {  	[sflag:s11] =	ssyncadd.s32 $0xFFFF4000  }
0x3ac: {  	v3 =	vld [tilespmem:$0x580];
	_ =	sdelay $0x4  }
0x3ad: {  	v44 =	vshrl.u32 v3, $0x3  }
0x3ae: {  	v4 =	vmul.u32 $0x30, v44  }
0x3af: {  	v3 =	vand.u32 $0x7, v3  }
0x3b0: {  	v3 =	vor.u32 v3, v4  }
0x3b1: {  	v4 =	vperm.xlane v3, v0;
	_ =	sdelay $0x1  }
0x3b2: {  	v4 =	vadd.s32 v1, v4;
	_ =	sdelay $0x3  }
0x3b3: {  	v3 =	vperm.xlane v3, v2  }
0x3b4: {  	[tilespmem:s8], [sflag:$0x1] =	stream.indirect_vreg.gather [hbm4b:s4+s2], $0x80, v4, vm0, $0xb8;
	[tilespmem:$0x18800] =	vst v63  }
0x3b5: {  	s23 =	simm.s32 $0xD000;
	v3 =	vadd.s32 v1, v3  }
0x3b6: {  	[tilespmem:s23], [sflag:$0x1] =	stream.indirect_vreg.gather [hbm4b:s5+s2], $0x80, v4, vm0, $0xb8;
	[tilespmem:$0x18800] =	vst v63  }
0x3b7: {  	s24 =	simm.s32 $0xD800  }
0x3b8: {  	[tilespmem:s24], [sflag:$0x1] =	stream.indirect_vreg.gather [hbm4b:s6+s2], $0x80, v4, vm0, $0xb8;
	[tilespmem:$0x18800] =	vst v63  }
0x3b9: {  	s25 =	simm.s32 $0xE000  }
0x3ba: {  	[tilespmem:s25], [sflag:$0x1] =	stream.indirect_vreg.gather [hbm4b:s4+s2], $0x80, v3, vm0, $0xb8;
	[tilespmem:$0x18800] =	vst v63  }
0x3bb: {  	s26 =	simm.s32 $0xE800  }
0x3bc: {  	[tilespmem:s26], [sflag:$0x1] =	stream.indirect_vreg.gather [hbm4b:s5+s2], $0x80, v3, vm0, $0xb8;
	[tilespmem:$0x18800] =	vst v63  }
0x3bd: {  	s22 =	simm.s32 $0xF000  }
0x3be: {  	[tilespmem:s22], [sflag:$0x1] =	stream.indirect_vreg.gather [hbm4b:s6+s2], $0x80, v3, vm0, $0xb8;
	[tilespmem:$0x18800] =	vst v63  }
0x3bf: {  	v3 =	vld [tilespmem:$0x590];
	_ =	sdelay $0x4  }
0x3c0: {  	v45 =	vshrl.u32 v3, $0x3  }
0x3c1: {  	v4 =	vmul.u32 $0x30, v45  }
0x3c2: {  	v3 =	vand.u32 $0x7, v3  }
0x3c3: {  	v3 =	vor.u32 v3, v4  }
0x3c4: {  	v4 =	vperm.xlane v3, v0;
	_ =	sdelay $0x1  }
0x3c5: {  	v4 =	vadd.s32 v1, v4;
	_ =	sdelay $0x3  }
0x3c6: {  	s23 =	simm.s32 $0xF800;
	v3 =	vperm.xlane v3, v2  }
0x3c7: {  	[tilespmem:s23], [sflag:$0x1] =	stream.indirect_vreg.gather [hbm4b:s4+s2], $0x80, v4, vm0, $0xb8;
	[tilespmem:$0x18800] =	vst v63  }
0x3c8: {  	s28 =	simm.s32 $0x10000;
	v3 =	vadd.s32 v1, v3  }
0x3c9: {  	[tilespmem:s28], [sflag:$0x1] =	stream.indirect_vreg.gather [hbm4b:s5+s2], $0x80, v4, vm0, $0xb8;
	[tilespmem:$0x18800] =	vst v63  }
0x3ca: {  	s24 =	simm.s32 $0x10800  }
0x3cb: {  	[tilespmem:s24], [sflag:$0x1] =	stream.indirect_vreg.gather [hbm4b:s6+s2], $0x80, v4, vm0, $0xb8;
	[tilespmem:$0x18800] =	vst v63  }
0x3cc: {  	s25 =	simm.s32 $0x11000  }
0x3cd: {  	[tilespmem:s25], [sflag:$0x1] =	stream.indirect_vreg.gather [hbm4b:s4+s2], $0x80, v3, vm0, $0xb8;
	[tilespmem:$0x18800] =	vst v63  }
0x3ce: {  	s26 =	simm.s32 $0x11800  }
0x3cf: {  	[tilespmem:s26], [sflag:$0x1] =	stream.indirect_vreg.gather [hbm4b:s5+s2], $0x80, v3, vm0, $0xb8;
	[tilespmem:$0x18800] =	vst v63  }
0x3d0: {  	s28 =	simm.s32 $0x12000  }
0x3d1: {  	[tilespmem:s28], [sflag:$0x1] =	stream.indirect_vreg.gather [hbm4b:s6+s2], $0x80, v3, vm0, $0xb8;
	[tilespmem:$0x18800] =	vst v63  }
0x3d2: {  	v3 =	vld [tilespmem:$0x5A0];
	_ =	sdelay $0x4  }
0x3d3: {  	v46 =	vshrl.u32 v3, $0x3  }
0x3d4: {  	v4 =	vmul.u32 $0x30, v46  }
0x3d5: {  	v3 =	vand.u32 $0x7, v3  }
0x3d6: {  	v3 =	vor.u32 v3, v4  }
0x3d7: {  	v4 =	vperm.xlane v3, v0;
	_ =	sdelay $0x1  }
0x3d8: {  	v4 =	vadd.s32 v1, v4;
	_ =	sdelay $0x3  }
0x3d9: {  	s1 =	simm.s32 $0x12800;
	v3 =	vperm.xlane v3, v2  }
0x3da: {  	[tilespmem:s1], [sflag:$0x1] =	stream.indirect_vreg.gather [hbm4b:s4+s2], $0x80, v4, vm0, $0xb8;
	[tilespmem:$0x18800] =	vst v63  }
0x3db: {  	s29 =	simm.s32 $0x13000;
	v3 =	vadd.s32 v1, v3  }
0x3dc: {  	[tilespmem:s29], [sflag:$0x1] =	stream.indirect_vreg.gather [hbm4b:s5+s2], $0x80, v4, vm0, $0xb8;
	[tilespmem:$0x18800] =	vst v63  }
0x3dd: {  	s30 =	simm.s32 $0x13800  }
0x3de: {  	[tilespmem:s30], [sflag:$0x1] =	stream.indirect_vreg.gather [hbm4b:s6+s2], $0x80, v4, vm0, $0xb8;
	[tilespmem:$0x18800] =	vst v63  }
0x3df: {  	s7 =	simm.s32 $0x14000  }
0x3e0: {  	[tilespmem:s7], [sflag:$0x1] =	stream.indirect_vreg.gather [hbm4b:s4+s2], $0x80, v3, vm0, $0xb8;
	[tilespmem:$0x18800] =	vst v63  }
0x3e1: {  	s9 =	simm.s32 $0x14800  }
0x3e2: {  	[tilespmem:s9], [sflag:$0x1] =	stream.indirect_vreg.gather [hbm4b:s5+s2], $0x80, v3, vm0, $0xb8;
	[tilespmem:$0x18800] =	vst v63  }
0x3e3: {  	s12 =	simm.s32 $0x15000  }
0x3e4: {  	[tilespmem:s12], [sflag:$0x1] =	stream.indirect_vreg.gather [hbm4b:s6+s2], $0x80, v3, vm0, $0xb8;
	[tilespmem:$0x18800] =	vst v63  }
0x3e5: {  	v3 =	vld [tilespmem:$0x5B0];
	_ =	sdelay $0x4  }
0x3e6: {  	v47 =	vshrl.u32 v3, $0x3  }
0x3e7: {  	v4 =	vmul.u32 $0x30, v47  }
0x3e8: {  	v3 =	vand.u32 $0x7, v3  }
0x3e9: {  	v3 =	vor.u32 v3, v4  }
0x3ea: {  	v4 =	vperm.xlane v3, v0;
	_ =	sdelay $0x1  }
0x3eb: {  	v4 =	vadd.s32 v1, v4;
	_ =	sdelay $0x3  }
0x3ec: {  	s13 =	simm.s32 $0x15800;
	v3 =	vperm.xlane v3, v2  }
0x3ed: {  	[tilespmem:s13], [sflag:$0x1] =	stream.indirect_vreg.gather [hbm4b:s4+s2], $0x80, v4, vm0, $0xb8;
	[tilespmem:$0x18800] =	vst v63  }
0x3ee: {  	s31 =	simm.s32 $0x16000;
	v3 =	vadd.s32 v1, v3  }
0x3ef: {  	[tilespmem:s31], [sflag:$0x1] =	stream.indirect_vreg.gather [hbm4b:s5+s2], $0x80, v4, vm0, $0xb8;
	[tilespmem:$0x18800] =	vst v63  }
0x3f0: {  	s15 =	simm.s32 $0x16800  }
0x3f1: {  	[tilespmem:s15], [sflag:$0x1] =	stream.indirect_vreg.gather [hbm4b:s6+s2], $0x80, v4, vm0, $0xb8;
	[tilespmem:$0x18800] =	vst v63  }
0x3f2: {  	s16 =	simm.s32 $0x17000  }
0x3f3: {  	[tilespmem:s16], [sflag:$0x1] =	stream.indirect_vreg.gather [hbm4b:s4+s2], $0x80, v3, vm0, $0xb8;
	[tilespmem:$0x18800] =	vst v63  }
0x3f4: {  	s17 =	simm.s32 $0x17800  }
0x3f5: {  	[tilespmem:s17], [sflag:$0x1] =	stream.indirect_vreg.gather [hbm4b:s5+s2], $0x80, v3, vm0, $0xb8;
	[tilespmem:$0x18800] =	vst v63  }
0x3f6: {  	s18 =	simm.s32 $0x18000  }
0x3f7: {  	[tilespmem:s18], [sflag:$0x1] =	stream.indirect_vreg.gather [hbm4b:s6+s2], $0x80, v3, vm0, $0xb8;
	[tilespmem:$0x18800] =	vst v63  }
0x3f8: {  	_ =	swait.ge [sflag:s3], $0xC000  }
0x3f9: {  	[sflag:s3] =	ssyncset.done $0x0  }
0x3fa: {  	s19 =	rddreg [dreg:$0xe];
	[sflag:s3] =	ssyncadd.s32 $0xFFFF4000  }
0x3fb: {  	[hbm4b:s19+s2] =	stream.linear.scatter [tilespmem:s8], [sflag:$0x3], $0xC000, $0x38;
	[tilespmem:$0x18800] =	vst v63  }
0x3fc: {  	_ =	swait.ge [sflag:s10], $0xC000  }
0x3fd: {  	[sflag:s10] =	ssyncset.done $0x0  }
0x3fe: {  	[sflag:s10] =	ssyncadd.s32 $0xFFFF4000  }
0x3ff: {  	v3 =	vld [tilespmem:$0x600];
	_ =	sdelay $0x4  }
0x400: {  	v48 =	vshrl.u32 v3, $0x3  }
0x401: {  	v4 =	vmul.u32 $0x30, v48  }
0x402: {  	v3 =	vand.u32 $0x7, v3  }
0x403: {  	v3 =	vor.u32 v3, v4  }
0x404: {  	v4 =	vperm.xlane v3, v0;
	_ =	sdelay $0x1  }
0x405: {  	v4 =	vadd.s32 v1, v4;
	_ =	sdelay $0x3  }
0x406: {  	v3 =	vperm.xlane v3, v2  }
0x407: {  	[tilespmem:s14], [sflag:$0x1] =	stream.indirect_vreg.gather [hbm4b:s4+s2], $0x80, v4, vm0, $0xb8;
	[tilespmem:$0x18800] =	vst v63  }
0x408: {  	s20 =	simm.s32 $0x1000;
	v3 =	vadd.s32 v1, v3  }
0x409: {  	[tilespmem:s20], [sflag:$0x1] =	stream.indirect_vreg.gather [hbm4b:s5+s2], $0x80, v4, vm0, $0xb8;
	[tilespmem:$0x18800] =	vst v63  }
0x40a: {  	s21 =	simm.s32 $0x1800  }
0x40b: {  	[tilespmem:s21], [sflag:$0x1] =	stream.indirect_vreg.gather [hbm4b:s6+s2], $0x80, v4, vm0, $0xb8;
	[tilespmem:$0x18800] =	vst v63  }
0x40c: {  	s22 =	simm.s32 $0x2000  }
0x40d: {  	[tilespmem:s22], [sflag:$0x1] =	stream.indirect_vreg.gather [hbm4b:s4+s2], $0x80, v3, vm0, $0xb8;
	[tilespmem:$0x18800] =	vst v63  }
0x40e: {  	s23 =	simm.s32 $0x2800  }
0x40f: {  	[tilespmem:s23], [sflag:$0x1] =	stream.indirect_vreg.gather [hbm4b:s5+s2], $0x80, v3, vm0, $0xb8;
	[tilespmem:$0x18800] =	vst v63  }
0x410: {  	s24 =	simm.s32 $0x3000  }
0x411: {  	[tilespmem:s24], [sflag:$0x1] =	stream.indirect_vreg.gather [hbm4b:s6+s2], $0x80, v3, vm0, $0xb8;
	[tilespmem:$0x18800] =	vst v63  }
0x412: {  	v3 =	vld [tilespmem:$0x610];
	_ =	sdelay $0x4  }
0x413: {  	v49 =	vshrl.u32 v3, $0x3  }
0x414: {  	v4 =	vmul.u32 $0x30, v49  }
0x415: {  	v3 =	vand.u32 $0x7, v3  }
0x416: {  	v3 =	vor.u32 v3, v4  }
0x417: {  	v4 =	vperm.xlane v3, v0;
	_ =	sdelay $0x1  }
0x418: {  	v4 =	vadd.s32 v1, v4;
	_ =	sdelay $0x3  }
0x419: {  	s25 =	simm.s32 $0x3800;
	v3 =	vperm.xlane v3, v2  }
0x41a: {  	[tilespmem:s25], [sflag:$0x1] =	stream.indirect_vreg.gather [hbm4b:s4+s2], $0x80, v4, vm0, $0xb8;
	[tilespmem:$0x18800] =	vst v63  }
0x41b: {  	s26 =	simm.s32 $0x4000;
	v3 =	vadd.s32 v1, v3  }
0x41c: {  	[tilespmem:s26], [sflag:$0x1] =	stream.indirect_vreg.gather [hbm4b:s5+s2], $0x80, v4, vm0, $0xb8;
	[tilespmem:$0x18800] =	vst v63  }
0x41d: {  	s28 =	simm.s32 $0x4800  }
0x41e: {  	[tilespmem:s28], [sflag:$0x1] =	stream.indirect_vreg.gather [hbm4b:s6+s2], $0x80, v4, vm0, $0xb8;
	[tilespmem:$0x18800] =	vst v63  }
0x41f: {  	s29 =	simm.s32 $0x5000  }
0x420: {  	[tilespmem:s29], [sflag:$0x1] =	stream.indirect_vreg.gather [hbm4b:s4+s2], $0x80, v3, vm0, $0xb8;
	[tilespmem:$0x18800] =	vst v63  }
0x421: {  	s30 =	simm.s32 $0x5800  }
0x422: {  	[tilespmem:s30], [sflag:$0x1] =	stream.indirect_vreg.gather [hbm4b:s5+s2], $0x80, v3, vm0, $0xb8;
	[tilespmem:$0x18800] =	vst v63  }
0x423: {  	s31 =	simm.s32 $0x6000  }
0x424: {  	[tilespmem:s31], [sflag:$0x1] =	stream.indirect_vreg.gather [hbm4b:s6+s2], $0x80, v3, vm0, $0xb8;
	[tilespmem:$0x18800] =	vst v63  }
0x425: {  	v3 =	vld [tilespmem:$0x620];
	_ =	sdelay $0x4  }
0x426: {  	v50 =	vshrl.u32 v3, $0x3  }
0x427: {  	v4 =	vmul.u32 $0x30, v50  }
0x428: {  	v3 =	vand.u32 $0x7, v3  }
0x429: {  	v3 =	vor.u32 v3, v4  }
0x42a: {  	v4 =	vperm.xlane v3, v0;
	_ =	sdelay $0x1  }
0x42b: {  	v4 =	vadd.s32 v1, v4;
	_ =	sdelay $0x3  }
0x42c: {  	s18 =	simm.s32 $0x6800;
	v3 =	vperm.xlane v3, v2  }
0x42d: {  	[tilespmem:s18], [sflag:$0x1] =	stream.indirect_vreg.gather [hbm4b:s4+s2], $0x80, v4, vm0, $0xb8;
	[tilespmem:$0x18800] =	vst v63  }
0x42e: {  	s19 =	simm.s32 $0x7000;
	v3 =	vadd.s32 v1, v3  }
0x42f: {  	[tilespmem:s19], [sflag:$0x1] =	stream.indirect_vreg.gather [hbm4b:s5+s2], $0x80, v4, vm0, $0xb8;
	[tilespmem:$0x18800] =	vst v63  }
0x430: {  	s20 =	simm.s32 $0x7800  }
0x431: {  	[tilespmem:s20], [sflag:$0x1] =	stream.indirect_vreg.gather [hbm4b:s6+s2], $0x80, v4, vm0, $0xb8;
	[tilespmem:$0x18800] =	vst v63  }
0x432: {  	s21 =	simm.s32 $0x8000  }
0x433: {  	[tilespmem:s21], [sflag:$0x1] =	stream.indirect_vreg.gather [hbm4b:s4+s2], $0x80, v3, vm0, $0xb8;
	[tilespmem:$0x18800] =	vst v63  }
0x434: {  	s22 =	simm.s32 $0x8800  }
0x435: {  	[tilespmem:s22], [sflag:$0x1] =	stream.indirect_vreg.gather [hbm4b:s5+s2], $0x80, v3, vm0, $0xb8;
	[tilespmem:$0x18800] =	vst v63  }
0x436: {  	s23 =	simm.s32 $0x9000  }
0x437: {  	[tilespmem:s23], [sflag:$0x1] =	stream.indirect_vreg.gather [hbm4b:s6+s2], $0x80, v3, vm0, $0xb8;
	[tilespmem:$0x18800] =	vst v63  }
0x438: {  	v3 =	vld [tilespmem:$0x630];
	_ =	sdelay $0x4  }
0x439: {  	v51 =	vshrl.u32 v3, $0x3  }
0x43a: {  	v4 =	vmul.u32 $0x30, v51  }
0x43b: {  	v3 =	vand.u32 $0x7, v3  }
0x43c: {  	v3 =	vor.u32 v3, v4  }
0x43d: {  	v4 =	vperm.xlane v3, v0;
	_ =	sdelay $0x1  }
0x43e: {  	v4 =	vadd.s32 v1, v4;
	_ =	sdelay $0x3  }
0x43f: {  	s24 =	simm.s32 $0x9800;
	v3 =	vperm.xlane v3, v2  }
0x440: {  	[tilespmem:s24], [sflag:$0x1] =	stream.indirect_vreg.gather [hbm4b:s4+s2], $0x80, v4, vm0, $0xb8;
	[tilespmem:$0x18800] =	vst v63  }
0x441: {  	s25 =	simm.s32 $0xA000;
	v3 =	vadd.s32 v1, v3  }
0x442: {  	[tilespmem:s25], [sflag:$0x1] =	stream.indirect_vreg.gather [hbm4b:s5+s2], $0x80, v4, vm0, $0xb8;
	[tilespmem:$0x18800] =	vst v63  }
0x443: {  	s26 =	simm.s32 $0xA800  }
0x444: {  	[tilespmem:s26], [sflag:$0x1] =	stream.indirect_vreg.gather [hbm4b:s6+s2], $0x80, v4, vm0, $0xb8;
	[tilespmem:$0x18800] =	vst v63  }
0x445: {  	s28 =	simm.s32 $0xB000  }
0x446: {  	[tilespmem:s28], [sflag:$0x1] =	stream.indirect_vreg.gather [hbm4b:s4+s2], $0x80, v3, vm0, $0xb8;
	[tilespmem:$0x18800] =	vst v63  }
0x447: {  	s29 =	simm.s32 $0xB800  }
0x448: {  	[tilespmem:s29], [sflag:$0x1] =	stream.indirect_vreg.gather [hbm4b:s5+s2], $0x80, v3, vm0, $0xb8;
	[tilespmem:$0x18800] =	vst v63  }
0x449: {  	s30 =	simm.s32 $0xC000  }
0x44a: {  	[tilespmem:s30], [sflag:$0x1] =	stream.indirect_vreg.gather [hbm4b:s6+s2], $0x80, v3, vm0, $0xb8;
	[tilespmem:$0x18800] =	vst v63  }
0x44b: {  	_ =	swait.ge [sflag:s3], $0xC000  }
0x44c: {  	[sflag:s3] =	ssyncset.done $0x0  }
0x44d: {  	s31 =	rddreg [dreg:$0xf];
	[sflag:s3] =	ssyncadd.s32 $0xFFFF4000  }
0x44e: {  	[hbm4b:s31+s2] =	stream.linear.scatter [tilespmem:s14], [sflag:$0x2], $0xC000, $0x38;
	[tilespmem:$0x18800] =	vst v63  }
0x44f: {  	_ =	swait.ge [sflag:s11], $0xC000  }
0x450: {  	[sflag:s11] =	ssyncset.done $0x0  }
0x451: {  	[sflag:s11] =	ssyncadd.s32 $0xFFFF4000  }
0x452: {  	v3 =	vld [tilespmem:$0x680];
	_ =	sdelay $0x4  }
0x453: {  	v52 =	vshrl.u32 v3, $0x3  }
0x454: {  	v4 =	vmul.u32 $0x30, v52  }
0x455: {  	v3 =	vand.u32 $0x7, v3  }
0x456: {  	v3 =	vor.u32 v3, v4  }
0x457: {  	v4 =	vperm.xlane v3, v0;
	_ =	sdelay $0x1  }
0x458: {  	v4 =	vadd.s32 v1, v4;
	_ =	sdelay $0x3  }
0x459: {  	v3 =	vperm.xlane v3, v2  }
0x45a: {  	[tilespmem:s8], [sflag:$0x1] =	stream.indirect_vreg.gather [hbm4b:s4+s2], $0x80, v4, vm0, $0xb8;
	[tilespmem:$0x18800] =	vst v63  }
0x45b: {  	s26 =	simm.s32 $0xD000;
	v3 =	vadd.s32 v1, v3  }
0x45c: {  	[tilespmem:s26], [sflag:$0x1] =	stream.indirect_vreg.gather [hbm4b:s5+s2], $0x80, v4, vm0, $0xb8;
	[tilespmem:$0x18800] =	vst v63  }
0x45d: {  	s28 =	simm.s32 $0xD800  }
0x45e: {  	[tilespmem:s28], [sflag:$0x1] =	stream.indirect_vreg.gather [hbm4b:s6+s2], $0x80, v4, vm0, $0xb8;
	[tilespmem:$0x18800] =	vst v63  }
0x45f: {  	s29 =	simm.s32 $0xE000  }
0x460: {  	[tilespmem:s29], [sflag:$0x1] =	stream.indirect_vreg.gather [hbm4b:s4+s2], $0x80, v3, vm0, $0xb8;
	[tilespmem:$0x18800] =	vst v63  }
0x461: {  	s30 =	simm.s32 $0xE800  }
0x462: {  	[tilespmem:s30], [sflag:$0x1] =	stream.indirect_vreg.gather [hbm4b:s5+s2], $0x80, v3, vm0, $0xb8;
	[tilespmem:$0x18800] =	vst v63  }
0x463: {  	s31 =	simm.s32 $0xF000  }
0x464: {  	[tilespmem:s31], [sflag:$0x1] =	stream.indirect_vreg.gather [hbm4b:s6+s2], $0x80, v3, vm0, $0xb8;
	[tilespmem:$0x18800] =	vst v63  }
0x465: {  	v3 =	vld [tilespmem:$0x690];
	_ =	sdelay $0x4  }
0x466: {  	v53 =	vshrl.u32 v3, $0x3  }
0x467: {  	v4 =	vmul.u32 $0x30, v53  }
0x468: {  	v3 =	vand.u32 $0x7, v3  }
0x469: {  	v3 =	vor.u32 v3, v4  }
0x46a: {  	v4 =	vperm.xlane v3, v0;
	_ =	sdelay $0x1  }
0x46b: {  	v4 =	vadd.s32 v1, v4;
	_ =	sdelay $0x3  }
0x46c: {  	s31 =	simm.s32 $0xF800;
	v3 =	vperm.xlane v3, v2  }
0x46d: {  	[tilespmem:s31], [sflag:$0x1] =	stream.indirect_vreg.gather [hbm4b:s4+s2], $0x80, v4, vm0, $0xb8;
	[tilespmem:$0x18800] =	vst v63  }
0x46e: {  	v3 =	vadd.s32 v1, v3;
	s31 =	simm.s32 $0x10000  }
0x46f: {  	[tilespmem:s31], [sflag:$0x1] =	stream.indirect_vreg.gather [hbm4b:s5+s2], $0x80, v4, vm0, $0xb8;
	[tilespmem:$0x18800] =	vst v63  }
0x470: {  	s12 =	simm.s32 $0x10800  }
0x471: {  	[tilespmem:s12], [sflag:$0x1] =	stream.indirect_vreg.gather [hbm4b:s6+s2], $0x80, v4, vm0, $0xb8;
	[tilespmem:$0x18800] =	vst v63  }
0x472: {  	s12 =	simm.s32 $0x11000  }
0x473: {  	[tilespmem:s12], [sflag:$0x1] =	stream.indirect_vreg.gather [hbm4b:s4+s2], $0x80, v3, vm0, $0xb8;
	[tilespmem:$0x18800] =	vst v63  }
0x474: {  	s12 =	simm.s32 $0x11800  }
0x475: {  	[tilespmem:s12], [sflag:$0x1] =	stream.indirect_vreg.gather [hbm4b:s5+s2], $0x80, v3, vm0, $0xb8;
	[tilespmem:$0x18800] =	vst v63  }
0x476: {  	s12 =	simm.s32 $0x12000  }
0x477: {  	[tilespmem:s12], [sflag:$0x1] =	stream.indirect_vreg.gather [hbm4b:s6+s2], $0x80, v3, vm0, $0xb8;
	[tilespmem:$0x18800] =	vst v63  }
0x478: {  	v3 =	vld [tilespmem:$0x6A0];
	_ =	sdelay $0x4  }
0x479: {  	v54 =	vshrl.u32 v3, $0x3  }
0x47a: {  	v4 =	vmul.u32 $0x30, v54  }
0x47b: {  	v3 =	vand.u32 $0x7, v3  }
0x47c: {  	v3 =	vor.u32 v3, v4  }
0x47d: {  	v4 =	vperm.xlane v3, v0;
	_ =	sdelay $0x1  }
0x47e: {  	v4 =	vadd.s32 v1, v4;
	_ =	sdelay $0x3  }
0x47f: {  	s12 =	simm.s32 $0x12800;
	v3 =	vperm.xlane v3, v2  }
0x480: {  	[tilespmem:s12], [sflag:$0x1] =	stream.indirect_vreg.gather [hbm4b:s4+s2], $0x80, v4, vm0, $0xb8;
	[tilespmem:$0x18800] =	vst v63  }
0x481: {  	v3 =	vadd.s32 v1, v3;
	s12 =	simm.s32 $0x13000  }
0x482: {  	[tilespmem:s12], [sflag:$0x1] =	stream.indirect_vreg.gather [hbm4b:s5+s2], $0x80, v4, vm0, $0xb8;
	[tilespmem:$0x18800] =	vst v63  }
0x483: {  	s12 =	simm.s32 $0x13800  }
0x484: {  	[tilespmem:s12], [sflag:$0x1] =	stream.indirect_vreg.gather [hbm4b:s6+s2], $0x80, v4, vm0, $0xb8;
	[tilespmem:$0x18800] =	vst v63  }
0x485: {  	s12 =	simm.s32 $0x14000  }
0x486: {  	[tilespmem:s12], [sflag:$0x1] =	stream.indirect_vreg.gather [hbm4b:s4+s2], $0x80, v3, vm0, $0xb8;
	[tilespmem:$0x18800] =	vst v63  }
0x487: {  	s12 =	simm.s32 $0x14800  }
0x488: {  	[tilespmem:s12], [sflag:$0x1] =	stream.indirect_vreg.gather [hbm4b:s5+s2], $0x80, v3, vm0, $0xb8;
	[tilespmem:$0x18800] =	vst v63  }
0x489: {  	s12 =	simm.s32 $0x15000  }
0x48a: {  	[tilespmem:s12], [sflag:$0x1] =	stream.indirect_vreg.gather [hbm4b:s6+s2], $0x80, v3, vm0, $0xb8;
	[tilespmem:$0x18800] =	vst v63  }
0x48b: {  	v3 =	vld [tilespmem:$0x6B0];
	_ =	sdelay $0x4  }
0x48c: {  	v55 =	vshrl.u32 v3, $0x3  }
0x48d: {  	v4 =	vmul.u32 $0x30, v55  }
0x48e: {  	v3 =	vand.u32 $0x7, v3  }
0x48f: {  	v3 =	vor.u32 v3, v4  }
0x490: {  	v4 =	vperm.xlane v3, v0;
	_ =	sdelay $0x1  }
0x491: {  	v4 =	vadd.s32 v1, v4;
	_ =	sdelay $0x3  }
0x492: {  	s12 =	simm.s32 $0x15800;
	v3 =	vperm.xlane v3, v2  }
0x493: {  	[tilespmem:s12], [sflag:$0x1] =	stream.indirect_vreg.gather [hbm4b:s4+s2], $0x80, v4, vm0, $0xb8;
	[tilespmem:$0x18800] =	vst v63  }
0x494: {  	v3 =	vadd.s32 v1, v3;
	s12 =	simm.s32 $0x16000  }
0x495: {  	[tilespmem:s12], [sflag:$0x1] =	stream.indirect_vreg.gather [hbm4b:s5+s2], $0x80, v4, vm0, $0xb8;
	[tilespmem:$0x18800] =	vst v63  }
0x496: {  	s12 =	simm.s32 $0x16800  }
0x497: {  	[tilespmem:s12], [sflag:$0x1] =	stream.indirect_vreg.gather [hbm4b:s6+s2], $0x80, v4, vm0, $0xb8;
	[tilespmem:$0x18800] =	vst v63  }
0x498: {  	s12 =	simm.s32 $0x17000  }
0x499: {  	[tilespmem:s12], [sflag:$0x1] =	stream.indirect_vreg.gather [hbm4b:s4+s2], $0x80, v3, vm0, $0xb8;
	[tilespmem:$0x18800] =	vst v63  }
0x49a: {  	s12 =	simm.s32 $0x17800  }
0x49b: {  	[tilespmem:s12], [sflag:$0x1] =	stream.indirect_vreg.gather [hbm4b:s5+s2], $0x80, v3, vm0, $0xb8;
	[tilespmem:$0x18800] =	vst v63  }
0x49c: {  	s12 =	simm.s32 $0x18000  }
0x49d: {  	[tilespmem:s12], [sflag:$0x1] =	stream.indirect_vreg.gather [hbm4b:s6+s2], $0x80, v3, vm0, $0xb8;
	[tilespmem:$0x18800] =	vst v63  }
0x49e: {  	_ =	swait.ge [sflag:s3], $0xC000  }
0x49f: {  	[sflag:s3] =	ssyncset.done $0x0  }
0x4a0: {  	s12 =	rddreg [dreg:$0x10];
	[sflag:s3] =	ssyncadd.s32 $0xFFFF4000  }
0x4a1: {  	[hbm4b:s12+s2] =	stream.linear.scatter [tilespmem:s8], [sflag:$0x3], $0xC000, $0x38;
	[tilespmem:$0x18800] =	vst v63  }
0x4a2: {  	_ =	swait.ge [sflag:s10], $0xC000  }
0x4a3: {  	[sflag:s10] =	ssyncset.done $0x0  }
0x4a4: {  	[sflag:s10] =	ssyncadd.s32 $0xFFFF4000  }
0x4a5: {  	v3 =	vld [tilespmem:$0x700];
	_ =	sdelay $0x4  }
0x4a6: {  	v56 =	vshrl.u32 v3, $0x3  }
0x4a7: {  	v4 =	vmul.u32 $0x30, v56  }
0x4a8: {  	v3 =	vand.u32 $0x7, v3  }
0x4a9: {  	v3 =	vor.u32 v3, v4  }
0x4aa: {  	v4 =	vperm.xlane v3, v0;
	_ =	sdelay $0x1  }
0x4ab: {  	v4 =	vadd.s32 v1, v4;
	_ =	sdelay $0x3  }
0x4ac: {  	v3 =	vperm.xlane v3, v2  }
0x4ad: {  	[tilespmem:s14], [sflag:$0x1] =	stream.indirect_vreg.gather [hbm4b:s4+s2], $0x80, v4, vm0, $0xb8;
	[tilespmem:$0x18800] =	vst v63  }
0x4ae: {  	s0 =	simm.s32 $0x1000;
	v3 =	vadd.s32 v1, v3  }
0x4af: {  	[tilespmem:s0], [sflag:$0x1] =	stream.indirect_vreg.gather [hbm4b:s5+s2], $0x80, v4, vm0, $0xb8;
	[tilespmem:$0x18800] =	vst v63  }
0x4b0: {  	s1 =	simm.s32 $0x1800  }
0x4b1: {  	[tilespmem:s1], [sflag:$0x1] =	stream.indirect_vreg.gather [hbm4b:s6+s2], $0x80, v4, vm0, $0xb8;
	[tilespmem:$0x18800] =	vst v63  }
0x4b2: {  	s7 =	simm.s32 $0x2000  }
0x4b3: {  	[tilespmem:s7], [sflag:$0x1] =	stream.indirect_vreg.gather [hbm4b:s4+s2], $0x80, v3, vm0, $0xb8;
	[tilespmem:$0x18800] =	vst v63  }
0x4b4: {  	s9 =	simm.s32 $0x2800  }
0x4b5: {  	[tilespmem:s9], [sflag:$0x1] =	stream.indirect_vreg.gather [hbm4b:s5+s2], $0x80, v3, vm0, $0xb8;
	[tilespmem:$0x18800] =	vst v63  }
0x4b6: {  	s9 =	simm.s32 $0x3000  }
0x4b7: {  	[tilespmem:s9], [sflag:$0x1] =	stream.indirect_vreg.gather [hbm4b:s6+s2], $0x80, v3, vm0, $0xb8;
	[tilespmem:$0x18800] =	vst v63  }
0x4b8: {  	v3 =	vld [tilespmem:$0x710];
	_ =	sdelay $0x4  }
0x4b9: {  	v57 =	vshrl.u32 v3, $0x3  }
0x4ba: {  	v4 =	vmul.u32 $0x30, v57  }
0x4bb: {  	v3 =	vand.u32 $0x7, v3  }
0x4bc: {  	v3 =	vor.u32 v3, v4  }
0x4bd: {  	v4 =	vperm.xlane v3, v0;
	_ =	sdelay $0x1  }
0x4be: {  	v4 =	vadd.s32 v1, v4;
	_ =	sdelay $0x3  }
0x4bf: {  	s12 =	simm.s32 $0x3800;
	v3 =	vperm.xlane v3, v2  }
0x4c0: {  	[tilespmem:s12], [sflag:$0x1] =	stream.indirect_vreg.gather [hbm4b:s4+s2], $0x80, v4, vm0, $0xb8;
	[tilespmem:$0x18800] =	vst v63  }
0x4c1: {  	s13 =	simm.s32 $0x4000;
	v3 =	vadd.s32 v1, v3  }
0x4c2: {  	[tilespmem:s13], [sflag:$0x1] =	stream.indirect_vreg.gather [hbm4b:s5+s2], $0x80, v4, vm0, $0xb8;
	[tilespmem:$0x18800] =	vst v63  }
0x4c3: {  	s15 =	simm.s32 $0x4800  }
0x4c4: {  	[tilespmem:s15], [sflag:$0x1] =	stream.indirect_vreg.gather [hbm4b:s6+s2], $0x80, v4, vm0, $0xb8;
	[tilespmem:$0x18800] =	vst v63  }
0x4c5: {  	s16 =	simm.s32 $0x5000  }
0x4c6: {  	[tilespmem:s16], [sflag:$0x1] =	stream.indirect_vreg.gather [hbm4b:s4+s2], $0x80, v3, vm0, $0xb8;
	[tilespmem:$0x18800] =	vst v63  }
0x4c7: {  	s17 =	simm.s32 $0x5800  }
0x4c8: {  	[tilespmem:s17], [sflag:$0x1] =	stream.indirect_vreg.gather [hbm4b:s5+s2], $0x80, v3, vm0, $0xb8;
	[tilespmem:$0x18800] =	vst v63  }
0x4c9: {  	s16 =	simm.s32 $0x6000  }
0x4ca: {  	[tilespmem:s16], [sflag:$0x1] =	stream.indirect_vreg.gather [hbm4b:s6+s2], $0x80, v3, vm0, $0xb8;
	[tilespmem:$0x18800] =	vst v63  }
0x4cb: {  	v3 =	vld [tilespmem:$0x720];
	_ =	sdelay $0x4  }
0x4cc: {  	v58 =	vshrl.u32 v3, $0x3  }
0x4cd: {  	v4 =	vmul.u32 $0x30, v58  }
0x4ce: {  	v3 =	vand.u32 $0x7, v3  }
0x4cf: {  	v3 =	vor.u32 v3, v4  }
0x4d0: {  	v4 =	vperm.xlane v3, v0;
	_ =	sdelay $0x1  }
0x4d1: {  	v4 =	vadd.s32 v1, v4;
	_ =	sdelay $0x3  }
0x4d2: {  	s17 =	simm.s32 $0x6800;
	v3 =	vperm.xlane v3, v2  }
0x4d3: {  	[tilespmem:s17], [sflag:$0x1] =	stream.indirect_vreg.gather [hbm4b:s4+s2], $0x80, v4, vm0, $0xb8;
	[tilespmem:$0x18800] =	vst v63  }
0x4d4: {  	s18 =	simm.s32 $0x7000;
	v3 =	vadd.s32 v1, v3  }
0x4d5: {  	[tilespmem:s18], [sflag:$0x1] =	stream.indirect_vreg.gather [hbm4b:s5+s2], $0x80, v4, vm0, $0xb8;
	[tilespmem:$0x18800] =	vst v63  }
0x4d6: {  	s19 =	simm.s32 $0x7800  }
0x4d7: {  	[tilespmem:s19], [sflag:$0x1] =	stream.indirect_vreg.gather [hbm4b:s6+s2], $0x80, v4, vm0, $0xb8;
	[tilespmem:$0x18800] =	vst v63  }
0x4d8: {  	s20 =	simm.s32 $0x8000  }
0x4d9: {  	[tilespmem:s20], [sflag:$0x1] =	stream.indirect_vreg.gather [hbm4b:s4+s2], $0x80, v3, vm0, $0xb8;
	[tilespmem:$0x18800] =	vst v63  }
0x4da: {  	s21 =	simm.s32 $0x8800  }
0x4db: {  	[tilespmem:s21], [sflag:$0x1] =	stream.indirect_vreg.gather [hbm4b:s5+s2], $0x80, v3, vm0, $0xb8;
	[tilespmem:$0x18800] =	vst v63  }
0x4dc: {  	s20 =	simm.s32 $0x9000  }
0x4dd: {  	[tilespmem:s20], [sflag:$0x1] =	stream.indirect_vreg.gather [hbm4b:s6+s2], $0x80, v3, vm0, $0xb8;
	[tilespmem:$0x18800] =	vst v63  }
0x4de: {  	v3 =	vld [tilespmem:$0x730];
	_ =	sdelay $0x4  }
0x4df: {  	v59 =	vshrl.u32 v3, $0x3  }
0x4e0: {  	v4 =	vmul.u32 $0x30, v59  }
0x4e1: {  	v3 =	vand.u32 $0x7, v3  }
0x4e2: {  	v3 =	vor.u32 v3, v4  }
0x4e3: {  	v4 =	vperm.xlane v3, v0;
	_ =	sdelay $0x1  }
0x4e4: {  	v4 =	vadd.s32 v1, v4;
	_ =	sdelay $0x3  }
0x4e5: {  	s21 =	simm.s32 $0x9800;
	v3 =	vperm.xlane v3, v2  }
0x4e6: {  	[tilespmem:s21], [sflag:$0x1] =	stream.indirect_vreg.gather [hbm4b:s4+s2], $0x80, v4, vm0, $0xb8;
	[tilespmem:$0x18800] =	vst v63  }
0x4e7: {  	s22 =	simm.s32 $0xA000;
	v3 =	vadd.s32 v1, v3  }
0x4e8: {  	[tilespmem:s22], [sflag:$0x1] =	stream.indirect_vreg.gather [hbm4b:s5+s2], $0x80, v4, vm0, $0xb8;
	[tilespmem:$0x18800] =	vst v63  }
0x4e9: {  	s23 =	simm.s32 $0xA800  }
0x4ea: {  	[tilespmem:s23], [sflag:$0x1] =	stream.indirect_vreg.gather [hbm4b:s6+s2], $0x80, v4, vm0, $0xb8;
	[tilespmem:$0x18800] =	vst v63  }
0x4eb: {  	s24 =	simm.s32 $0xB000  }
0x4ec: {  	[tilespmem:s24], [sflag:$0x1] =	stream.indirect_vreg.gather [hbm4b:s4+s2], $0x80, v3, vm0, $0xb8;
	[tilespmem:$0x18800] =	vst v63  }
0x4ed: {  	s25 =	simm.s32 $0xB800  }
0x4ee: {  	[tilespmem:s25], [sflag:$0x1] =	stream.indirect_vreg.gather [hbm4b:s5+s2], $0x80, v3, vm0, $0xb8;
	[tilespmem:$0x18800] =	vst v63  }
0x4ef: {  	s25 =	simm.s32 $0xC000  }
0x4f0: {  	[tilespmem:s25], [sflag:$0x1] =	stream.indirect_vreg.gather [hbm4b:s6+s2], $0x80, v3, vm0, $0xb8;
	[tilespmem:$0x18800] =	vst v63  }
0x4f1: {  	_ =	swait.ge [sflag:s3], $0xC000  }
0x4f2: {  	[sflag:s3] =	ssyncset.done $0x0  }
0x4f3: {  	s1 =	rddreg [dreg:$0x11];
	[sflag:s3] =	ssyncadd.s32 $0xFFFF4000  }
0x4f4: {  	[hbm4b:s1+s2] =	stream.linear.scatter [tilespmem:s14], [sflag:$0x2], $0xC000, $0x38;
	[tilespmem:$0x18800] =	vst v63  }
0x4f5: {  	_ =	swait.ge [sflag:s11], $0xC000  }
0x4f6: {  	[sflag:s11] =	ssyncset.done $0x0  }
0x4f7: {  	[sflag:s11] =	ssyncadd.s32 $0xFFFF4000  }
0x4f8: {  	v3 =	vld [tilespmem:$0x780];
	_ =	sdelay $0x4  }
0x4f9: {  	v60 =	vshrl.u32 v3, $0x3  }
0x4fa: {  	v4 =	vmul.u32 $0x30, v60  }
0x4fb: {  	v3 =	vand.u32 $0x7, v3  }
0x4fc: {  	v3 =	vor.u32 v3, v4  }
0x4fd: {  	v4 =	vperm.xlane v3, v0;
	_ =	sdelay $0x1  }
0x4fe: {  	v4 =	vadd.s32 v1, v4;
	_ =	sdelay $0x3  }
0x4ff: {  	v3 =	vperm.xlane v3, v2  }
0x500: {  	[tilespmem:s8], [sflag:$0x1] =	stream.indirect_vreg.gather [hbm4b:s4+s2], $0x80, v4, vm0, $0xb8;
	[tilespmem:$0x18800] =	vst v63  }
0x501: {  	s26 =	simm.s32 $0xD000;
	v3 =	vadd.s32 v1, v3  }
0x502: {  	[tilespmem:s26], [sflag:$0x1] =	stream.indirect_vreg.gather [hbm4b:s5+s2], $0x80, v4, vm0, $0xb8;
	[tilespmem:$0x18800] =	vst v63  }
0x503: {  	s28 =	simm.s32 $0xD800  }
0x504: {  	[tilespmem:s28], [sflag:$0x1] =	stream.indirect_vreg.gather [hbm4b:s6+s2], $0x80, v4, vm0, $0xb8;
	[tilespmem:$0x18800] =	vst v63  }
0x505: {  	s29 =	simm.s32 $0xE000  }
0x506: {  	[tilespmem:s29], [sflag:$0x1] =	stream.indirect_vreg.gather [hbm4b:s4+s2], $0x80, v3, vm0, $0xb8;
	[tilespmem:$0x18800] =	vst v63  }
0x507: {  	s30 =	simm.s32 $0xE800  }
0x508: {  	[tilespmem:s30], [sflag:$0x1] =	stream.indirect_vreg.gather [hbm4b:s5+s2], $0x80, v3, vm0, $0xb8;
	[tilespmem:$0x18800] =	vst v63  }
0x509: {  	s9 =	simm.s32 $0xF000  }
0x50a: {  	[tilespmem:s9], [sflag:$0x1] =	stream.indirect_vreg.gather [hbm4b:s6+s2], $0x80, v3, vm0, $0xb8;
	[tilespmem:$0x18800] =	vst v63  }
0x50b: {  	v3 =	vld [tilespmem:$0x790];
	_ =	sdelay $0x4  }
0x50c: {  	v61 =	vshrl.u32 v3, $0x3  }
0x50d: {  	v4 =	vmul.u32 $0x30, v61  }
0x50e: {  	v3 =	vand.u32 $0x7, v3  }
0x50f: {  	v3 =	vor.u32 v3, v4  }
0x510: {  	v4 =	vperm.xlane v3, v0;
	_ =	sdelay $0x1  }
0x511: {  	v4 =	vadd.s32 v1, v4;
	_ =	sdelay $0x3  }
0x512: {  	s12 =	simm.s32 $0xF800;
	v3 =	vperm.xlane v3, v2  }
0x513: {  	[tilespmem:s12], [sflag:$0x1] =	stream.indirect_vreg.gather [hbm4b:s4+s2], $0x80, v4, vm0, $0xb8;
	[tilespmem:$0x18800] =	vst v63  }
0x514: {  	s31 =	simm.s32 $0x10000;
	v3 =	vadd.s32 v1, v3  }
0x515: {  	[tilespmem:s31], [sflag:$0x1] =	stream.indirect_vreg.gather [hbm4b:s5+s2], $0x80, v4, vm0, $0xb8;
	[tilespmem:$0x18800] =	vst v63  }
0x516: {  	s13 =	simm.s32 $0x10800  }
0x517: {  	[tilespmem:s13], [sflag:$0x1] =	stream.indirect_vreg.gather [hbm4b:s6+s2], $0x80, v4, vm0, $0xb8;
	[tilespmem:$0x18800] =	vst v63  }
0x518: {  	s15 =	simm.s32 $0x11000  }
0x519: {  	[tilespmem:s15], [sflag:$0x1] =	stream.indirect_vreg.gather [hbm4b:s4+s2], $0x80, v3, vm0, $0xb8;
	[tilespmem:$0x18800] =	vst v63  }
0x51a: {  	s16 =	simm.s32 $0x11800  }
0x51b: {  	[tilespmem:s16], [sflag:$0x1] =	stream.indirect_vreg.gather [hbm4b:s5+s2], $0x80, v3, vm0, $0xb8;
	[tilespmem:$0x18800] =	vst v63  }
0x51c: {  	s17 =	simm.s32 $0x12000  }
0x51d: {  	[tilespmem:s17], [sflag:$0x1] =	stream.indirect_vreg.gather [hbm4b:s6+s2], $0x80, v3, vm0, $0xb8;
	[tilespmem:$0x18800] =	vst v63  }
0x51e: {  	v3 =	vld [tilespmem:$0x7A0];
	_ =	sdelay $0x4  }
0x51f: {  	v62 =	vshrl.u32 v3, $0x3  }
0x520: {  	v4 =	vmul.u32 $0x30, v62  }
0x521: {  	v3 =	vand.u32 $0x7, v3  }
0x522: {  	v3 =	vor.u32 v3, v4  }
0x523: {  	v4 =	vperm.xlane v3, v0;
	_ =	sdelay $0x1  }
0x524: {  	v4 =	vadd.s32 v1, v4;
	_ =	sdelay $0x3  }
0x525: {  	s18 =	simm.s32 $0x12800;
	v3 =	vperm.xlane v3, v2  }
0x526: {  	[tilespmem:s18], [sflag:$0x1] =	stream.indirect_vreg.gather [hbm4b:s4+s2], $0x80, v4, vm0, $0xb8;
	[tilespmem:$0x18800] =	vst v63  }
0x527: {  	s19 =	simm.s32 $0x13000;
	v3 =	vadd.s32 v1, v3  }
0x528: {  	[tilespmem:s19], [sflag:$0x1] =	stream.indirect_vreg.gather [hbm4b:s5+s2], $0x80, v4, vm0, $0xb8;
	[tilespmem:$0x18800] =	vst v63  }
0x529: {  	s20 =	simm.s32 $0x13800  }
0x52a: {  	[tilespmem:s20], [sflag:$0x1] =	stream.indirect_vreg.gather [hbm4b:s6+s2], $0x80, v4, vm0, $0xb8;
	[tilespmem:$0x18800] =	vst v63  }
0x52b: {  	s21 =	simm.s32 $0x14000  }
0x52c: {  	[tilespmem:s21], [sflag:$0x1] =	stream.indirect_vreg.gather [hbm4b:s4+s2], $0x80, v3, vm0, $0xb8;
	[tilespmem:$0x18800] =	vst v63  }
0x52d: {  	s22 =	simm.s32 $0x14800  }
0x52e: {  	[tilespmem:s22], [sflag:$0x1] =	stream.indirect_vreg.gather [hbm4b:s5+s2], $0x80, v3, vm0, $0xb8;
	[tilespmem:$0x18800] =	vst v63  }
0x52f: {  	s23 =	simm.s32 $0x15000  }
0x530: {  	[tilespmem:s23], [sflag:$0x1] =	stream.indirect_vreg.gather [hbm4b:s6+s2], $0x80, v3, vm0, $0xb8;
	[tilespmem:$0x18800] =	vst v63  }
0x531: {  	v3 =	vld [tilespmem:$0x7B0];
	_ =	sdelay $0x4  }
0x532: {  	v63 =	vshrl.u32 v3, $0x3  }
0x533: {  	v4 =	vmul.u32 $0x30, v63  }
0x534: {  	v3 =	vand.u32 $0x7, v3  }
0x535: {  	v3 =	vor.u32 v3, v4  }
0x536: {  	v4 =	vperm.xlane v3, v0;
	_ =	sdelay $0x1  }
0x537: {  	v4 =	vadd.s32 v1, v4;
	_ =	sdelay $0x3  }
0x538: {  	s24 =	simm.s32 $0x15800;
	v3 =	vperm.xlane v3, v2  }
0x539: {  	[tilespmem:s24], [sflag:$0x1] =	stream.indirect_vreg.gather [hbm4b:s4+s2], $0x80, v4, vm0, $0xb8;
	[tilespmem:$0x18800] =	vst v63  }
0x53a: {  	s25 =	simm.s32 $0x16000;
	v3 =	vadd.s32 v1, v3  }
0x53b: {  	[tilespmem:s25], [sflag:$0x1] =	stream.indirect_vreg.gather [hbm4b:s5+s2], $0x80, v4, vm0, $0xb8;
	[tilespmem:$0x18800] =	vst v63  }
0x53c: {  	s26 =	simm.s32 $0x16800  }
0x53d: {  	[tilespmem:s26], [sflag:$0x1] =	stream.indirect_vreg.gather [hbm4b:s6+s2], $0x80, v4, vm0, $0xb8;
	[tilespmem:$0x18800] =	vst v63  }
0x53e: {  	s28 =	simm.s32 $0x17000  }
0x53f: {  	[tilespmem:s28], [sflag:$0x1] =	stream.indirect_vreg.gather [hbm4b:s4+s2], $0x80, v3, vm0, $0xb8;
	[tilespmem:$0x18800] =	vst v63  }
0x540: {  	s29 =	simm.s32 $0x17800  }
0x541: {  	[tilespmem:s29], [sflag:$0x1] =	stream.indirect_vreg.gather [hbm4b:s5+s2], $0x80, v3, vm0, $0xb8;
	[tilespmem:$0x18800] =	vst v63  }
0x542: {  	s30 =	simm.s32 $0x18000  }
0x543: {  	[tilespmem:s30], [sflag:$0x1] =	stream.indirect_vreg.gather [hbm4b:s6+s2], $0x80, v3, vm0, $0xb8;
	[tilespmem:$0x18800] =	vst v63  }
0x544: {  	s7 =	rddreg [dreg:$0x14];
	_ =	swait.ge [sflag:s3], $0xC000  }
0x545: {  	[sflag:s3] =	ssyncset.done $0x0  }
0x546: {  	s31 =	rddreg [dreg:$0x12];
	[sflag:s3] =	ssyncadd.s32 $0xFFFF4000  }
0x547: {  	[hbm4b:s31+s2] =	stream.linear.scatter [tilespmem:s8], [sflag:$0x3], $0xC000, $0x38;
	[tilespmem:$0x18800] =	vst v63  }
0x548: {  	p0 =	sne.s32 s7, $0x1;
	_ =	swait.ge [sflag:s10], $0xC000  }
.Ltmp0:
0x549: {  	[sflag:s10] =	ssyncset.done $0x0;
	(pc) =	sbr.rel @p0 .LBB2_1-.Ltmp0, $4  }
0x54a: {  	[sflag:s10] =	ssyncadd.s32 $0xFFFF4000  }
0x54b: {  	_ =	swait.ge [sflag:s11], $0xC000  }
0x54c: {  	[sflag:s11] =	ssyncset.done $0x0  }
0x54d: {  	s0 =	sadd.s32 $0xFFFFFFFF, s7;
	[sflag:s11] =	ssyncadd.s32 $0xFFFF4000  }
0x54e: {  	_ =	sfence.sel $0x180000  }
0x54f: {  	[bflag:$0x0] =	sbarrier.arrive $0xFFFF  }
0x550: {  	_ =	strace $0x9000004A  }
0x551: {  	s0 =	stileid.u32;
	[bflag:$0x2] =	sbarrier.arrive $0xFFFF  }
0x552: {  	p0 =	sne.s32 s0, $0x0;
	s0 =	rddreg [dreg:$0x2]  }
0x553: {  	s0 =	sadd.s32 @!p0 $0x100000, s0  }
0x554: {  	[sflag:s0] =	ssyncadd.tile.s32 @!p0 $0x1;
	_ =	shalt  }
.Lfunc_end2:
_tile_overlayer_lowered:
.L_overlay_start_2:
0x555: {  	(tag) =	ssettag $0x2  }
0x556: {  	s0 =	rddreg [dreg:$0x0];
	s2 =	stileid.u32  }
0x557: {  	s1 =	rddreg [dreg:$0x1];
	p0 =	sne.s32 s2, $0x0  }
0x558: {  	s3 =	rddreg [dreg:$0x2];
	[bflag:$0x3] =	sbarrier.arrive $0xFFFF;
	s2 =	simm.s32 @!p0 $0x1C04  }
0x559: {  	[timem:s3], [sflag:s2] =	dma.local @!p0 [hbm:s0], s1  }
0x55a: {  	s0 =	simm.s32 @!p0 $0x4  }
0x55b: {  	_ =	swait.ge @!p0 [sflag:s0], s1  }
0x55c: {  	s1 =	ssub.s32 @!p0 $0x0, s1;
	[sflag:s0] =	ssyncset.done @!p0 $0x0  }
0x55d: {  	[sflag:s0] =	ssyncadd.s32 @!p0 s1  }
0x55e: {  	[bflag:$0x3] =	sbarrier.arrive $0xFFFF  }
0x55f: {  	_ =	shalt  }

</sc_bundles>
